<compile_context>
chip_gen: v7x
topology: tpu7x:2x2x1
jax: 0.10.2.dev20260603
libtpu: 0.0.44.dev20260713+nightly
codegen_flags: <defaults>
</compile_context>

<pallas_src>
import functools

import jax
import jax.numpy as jnp
from jax import lax
from jax.experimental import pallas as pl
from jax.experimental.pallas import tpu as pltpu
from jax.experimental.pallas import tpu_sc as plsc

N_NODES = 10000
D = 128
H_MID = 64
D_AUG = 144
N_PAD = 10112
NEG = 0.2
DT = 0.1
ITERS = 2
NC = 2
NS = 16
CHUNK = 128
E_TILE = 10368
E_PAD = NC * NS * E_TILE
ROWS_PER_SUB = N_PAD // NS



def _stage_pre_body(coef, z_ref, f_ref, W_ref, att_ref, y_ref, h_ref, a_ref):
    y = z_ref[...] + coef * f_ref[...]
    y_ref[...] = y
    h = jnp.dot(y, W_ref[...], preferred_element_type=jnp.float32)
    lanes = lax.broadcasted_iota(jnp.int32, (N_NODES, D_AUG - D), 1)
    ones_col = jnp.where(lanes == 0, 1.0, 0.0).astype(jnp.float32)
    h_ref[:N_NODES, :] = jnp.concatenate([h, ones_col], axis=1)
    h_ref[N_NODES:, :] = jnp.zeros((N_PAD - N_NODES, D_AUG), jnp.float32)
    a = jnp.dot(h, att_ref[...], preferred_element_type=jnp.float32)
    a_ref[:N_NODES, :] = a
    a_ref[N_NODES:, :] = jnp.full((N_PAD - N_NODES, 2), -1e30, jnp.float32)


def _stage_pre(z, f_prev, coef, W, att2):
    return pl.pallas_call(
        functools.partial(_stage_pre_body, coef),
        out_shape=[
            jax.ShapeDtypeStruct((N_NODES, D), jnp.float32),
            jax.ShapeDtypeStruct((N_PAD, D_AUG), jnp.float32),
            jax.ShapeDtypeStruct((N_PAD, 2), jnp.float32),
        ],
    )(z, f_prev, W, att2)


def _stage_post_body(acc_ref, y_ref, bias_ref, alpha_ref, f_ref):
    s = acc_ref[0] + acc_ref[1]
    sel = lax.broadcasted_iota(jnp.int32, (D_AUG, 1), 0)
    sel = jnp.where(sel == D, 1.0, 0.0).astype(jnp.float32)
    den = jnp.dot(s[:N_NODES, :], sel, preferred_element_type=jnp.float32)
    top = s[:N_NODES, :D]
    gat = top / (den + 1e-16) + bias_ref[...]
    f_ref[...] = alpha_ref[...] * (gat - y_ref[...])


def _stage_post(acc, y, bias, alpha):
    return pl.pallas_call(
        _stage_post_body,
        out_shape=jax.ShapeDtypeStruct((N_NODES, D), jnp.float32),
    )(acc, y, bias, alpha)


def _combine_body(z_ref, k1_ref, k2_ref, k3_ref, k4_ref, o_ref):
    o_ref[...] = z_ref[...] + (DT / 6.0) * (
        k1_ref[...] + 2.0 * k2_ref[...] + 2.0 * k3_ref[...] + k4_ref[...])


def _combine(z, k1, k2, k3, k4):
    return pl.pallas_call(
        _combine_body,
        out_shape=jax.ShapeDtypeStruct((N_NODES, D), jnp.float32),
    )(z, k1, k2, k3, k4)


def _readout_body(z_ref, W1_ref, b1_ref, W2_ref, b2_ref, o_ref):
    r = jnp.tanh(z_ref[...])
    h1 = jnp.dot(r, W1_ref[...], preferred_element_type=jnp.float32) + b1_ref[...]
    h1 = jnp.where(h1 >= 0, h1, 0.01 * h1)
    o = jnp.dot(h1, W2_ref[...], preferred_element_type=jnp.float32) + b2_ref[...]
    o_ref[...] = jnp.where(o >= 0, o, 0.01 * o)


def _readout(z, W1, b1, W2, b2):
    return pl.pallas_call(
        _readout_body,
        out_shape=jax.ShapeDtypeStruct((N_NODES, D), jnp.float32),
    )(z, W1, b1, W2, b2)



def _sc_edge_body(h_hbm, as_hbm, ad_hbm, src_hbm, dst_hbm, zeros_hbm, out_hbm,
                  as_v, ad_v, src_v, dst_v, w_v, rows_v, acc_sh, sem):
    c = lax.axis_index("c")
    s = lax.axis_index("s")
    tile = c * NS + s

    pltpu.sync_copy(zeros_hbm, acc_sh.at[pl.ds(s * ROWS_PER_SUB, ROWS_PER_SUB)])
    pltpu.sync_copy(as_hbm, as_v)
    pltpu.sync_copy(ad_hbm, ad_v)
    plsc.subcore_barrier()

    base0 = tile * E_TILE
    zi = jnp.zeros((16,), jnp.int32)

    def chunk_body(i, carry):
        base = pl.multiple_of(base0 + i * CHUNK, 8)
        pltpu.sync_copy(src_hbm.at[pl.ds(base, CHUNK)], src_v)
        pltpu.sync_copy(dst_hbm.at[pl.ds(base, CHUNK)], dst_v)
        gather = pltpu.async_copy(h_hbm.at[src_v], rows_v, sem)
        for j in range(CHUNK // 16):
            si = src_v[pl.ds(j * 16, 16)]
            di = dst_v[pl.ds(j * 16, 16)]
            e = plsc.load_gather(as_v, [si]) + plsc.load_gather(ad_v, [di])
            e = jnp.where(e >= 0, e, NEG * e)
            w_v[pl.ds(j * 16, 16)] = jnp.exp(e)
        gather.wait()

        def row_body(r, carry2):
            wb = plsc.load_gather(w_v, [zi + r])
            for k in range(D_AUG // 16):
                rows_v[r, pl.ds(k * 16, 16)] = rows_v[r, pl.ds(k * 16, 16)] * wb
            return carry2

        lax.fori_loop(0, CHUNK, row_body, 0)
        pltpu.sync_copy(rows_v, acc_sh.at[dst_v], add=True)
        return carry

    lax.fori_loop(0, E_TILE // CHUNK, chunk_body, 0)
    plsc.subcore_barrier()
    pltpu.sync_copy(acc_sh.at[pl.ds(s * ROWS_PER_SUB, ROWS_PER_SUB)],
                    out_hbm.at[c, pl.ds(s * ROWS_PER_SUB, ROWS_PER_SUB)])


_sc_edge = functools.partial(
    pl.kernel,
    mesh=plsc.VectorSubcoreMesh(core_axis_name="c", subcore_axis_name="s"),
    out_type=jax.ShapeDtypeStruct((NC, N_PAD, D_AUG), jnp.float32),
    compiler_params=pltpu.CompilerParams(needs_layout_passes=False,
                                         use_tc_tiling_on_sc=False),
    scratch_types=[
        pltpu.VMEM((N_PAD,), jnp.float32),
        pltpu.VMEM((N_PAD,), jnp.float32),
        pltpu.VMEM((CHUNK,), jnp.int32),
        pltpu.VMEM((CHUNK,), jnp.int32),
        pltpu.VMEM((CHUNK,), jnp.float32),
        pltpu.VMEM((CHUNK, D_AUG), jnp.float32),
        pltpu.VMEM_SHARED((N_PAD, D_AUG), jnp.float32),
        pltpu.SemaphoreType.DMA,
    ],
)(_sc_edge_body)



def kernel(x, edge_index, batch, W, att_src, att_dst, bias, alpha_train,
           W1, b1, W2, b2):
    loops = jnp.arange(N_NODES, dtype=jnp.int32)
    n_real = edge_index.shape[1] + N_NODES
    pad = E_PAD - n_real
    src = jnp.concatenate([edge_index[0], loops,
                           jnp.full((pad,), N_NODES, jnp.int32)])
    dst = jnp.concatenate([edge_index[1], loops,
                           jnp.full((pad,), N_NODES, jnp.int32)])

    att2 = jnp.stack([att_src, att_dst], axis=1)
    bias2 = bias[None, :]
    alpha = jnp.broadcast_to(jax.nn.sigmoid(alpha_train), (1, D))
    b1r = b1[None, :]
    b2r = b2[None, :]
    zeros_blk = jnp.zeros((ROWS_PER_SUB, D_AUG), jnp.float32)

    def f_eval(z, f_prev, coef):
        y, h_aug, a2 = _stage_pre(z, f_prev, coef, W, att2)
        acc = _sc_edge(h_aug, a2[:, 0], a2[:, 1], src, dst, zeros_blk)
        return _stage_post(acc, y, bias2, alpha)

    z = x
    for _ in range(ITERS):
        k1 = f_eval(z, z, 0.0)
        k2 = f_eval(z, k1, 0.5 * DT)
        k3 = f_eval(z, k2, 0.5 * DT)
        k4 = f_eval(z, k3, DT)
        z = _combine(z, k1, k2, k3, k4)

    return _readout(z, W1, b1r, W2, b2r)

# --- scband reference (transcript-rebuilt; emitter-appended) ---
"""Pipeline reference for scband-grand-graph-prop-4475355922589 (READ-ONLY COPY).

The authoritative reference and input builder live on the scoring server;
editing this copy changes nothing except your own understanding.
"""

import jax, jax.numpy as jnp
import numpy as np

N = 10000
E = 320000
D = 128
H = D // 2
EPS = 0.1
ITERS = 2
NEG_SLOPE = 0.2


def setup_inputs(seed: int = 0) -> dict:
    key = jax.random.key(seed)
    ks = jax.random.split(key, 12)
    x = jax.random.normal(ks[0], (N, D), dtype=jnp.float32)
    edge_index = jax.random.randint(ks[1], (2, E), 0, N, dtype=jnp.int32)
    batch = jnp.zeros((N,), dtype=jnp.int32)
    s = 1.0 / np.sqrt(D)
    W = jax.random.normal(ks[2], (D, D), dtype=jnp.float32) * s
    att_src = jax.random.normal(ks[3], (D,), dtype=jnp.float32) * s
    att_dst = jax.random.normal(ks[4], (D,), dtype=jnp.float32) * s
    bias = jnp.zeros((D,), dtype=jnp.float32)
    alpha_train = jnp.array(0.0, dtype=jnp.float32)
    W1 = jax.random.normal(ks[5], (D, H), dtype=jnp.float32) * s
    b1 = jnp.zeros((H,), dtype=jnp.float32)
    W2 = jax.random.normal(ks[6], (H, D), dtype=jnp.float32) * (1.0 / np.sqrt(H))
    b2 = jnp.zeros((D,), dtype=jnp.float32)
    return {"x": x, "edge_index": edge_index, "batch": batch, "W": W,
            "att_src": att_src, "att_dst": att_dst, "bias": bias,
            "alpha_train": alpha_train, "W1": W1, "b1": b1, "W2": W2, "b2": b2}


def _gat(x, W, att_src, att_dst, bias, src, dst, n):
    h = x @ W  # [N, D], heads=1
    a_src = (h * att_src).sum(-1)  # [N]
    a_dst = (h * att_dst).sum(-1)  # [N]
    e = a_src[src] + a_dst[dst]    # [E']
    e = jax.nn.leaky_relu(e, NEG_SLOPE)
    e_max = jax.ops.segment_max(e, dst, num_segments=n)
    e_exp = jnp.exp(e - e_max[dst])
    denom = jax.ops.segment_sum(e_exp, dst, num_segments=n)
    alpha = e_exp / (denom[dst] + 1e-16)
    out = jax.ops.segment_sum(alpha[:, None] * h[src], dst, num_segments=n)
    return out + bias


def reference(x, edge_index, batch, W, att_src, att_dst, bias, alpha_train, W1, b1, W2, b2):
    # GATConv default adds self loops
    loops = jnp.arange(N, dtype=edge_index.dtype)
    src = jnp.concatenate([edge_index[0], loops])
    dst = jnp.concatenate([edge_index[1], loops])

    alpha = jax.nn.sigmoid(alpha_train)

    def f(z):
        ax = _gat(z, W, att_src, att_dst, bias, src, dst, N)
        return alpha * (ax - z)

    # rk4 fixed-step integration over t_span [0, eps, 2*eps, ...]
    z = x
    dt = EPS
    for _ in range(ITERS):
        k1 = f(z)
        k2 = f(z + 0.5 * dt * k1)
        k3 = f(z + 0.5 * dt * k2)
        k4 = f(z + dt * k3)
        z = z + (dt / 6.0) * (k1 + 2.0 * k2 + 2.0 * k3 + k4)

    z = jnp.tanh(z)
    # node-level readout: Linear -> LeakyReLU(0.01) -> Linear -> LeakyReLU(0.01)
    h = jax.nn.leaky_relu(z @ W1 + b1, 0.01)
    out = jax.nn.leaky_relu(h @ W2 + b2, 0.01)
    return out

if __name__ == "__main__":
    import jax
    _d = setup_inputs()
    print(jax.jit(kernel)(*tuple(_d.values())))

</pallas_src>

<mosaic_0001>
#map = affine_map<(d0, d1) -> (0, 0)>
#map1 = affine_map<(d0, d1) -> (0)>
#map2 = affine_map<(d0, d1) -> (0, 0, 0)>
module attributes {stable_mosaic.version = 14 : i64} {
  func.func @_sc_edge_body(%arg0: i32, %arg1: i32, %arg2: memref<10112x144xf32, #tpu.memory_space<hbm>>, %arg3: memref<10112xf32, #tpu.memory_space<hbm>>, %arg4: memref<10112xf32, #tpu.memory_space<hbm>>, %arg5: memref<331776xi32, #tpu.memory_space<hbm>>, %arg6: memref<331776xi32, #tpu.memory_space<hbm>>, %arg7: memref<632x144xf32, #tpu.memory_space<hbm>>, %arg8: memref<2x10112x144xf32, #tpu.memory_space<hbm>>, %arg9: memref<10112xf32, #tpu.memory_space<vmem>>, %arg10: memref<10112xf32, #tpu.memory_space<vmem>>, %arg11: memref<128xi32, #tpu.memory_space<vmem>>, %arg12: memref<128xi32, #tpu.memory_space<vmem>>, %arg13: memref<128xf32, #tpu.memory_space<vmem>>, %arg14: memref<128x144xf32, #tpu.memory_space<vmem>>, %arg15: memref<10112x144xf32, #tpu.memory_space<vmem_shared>>, %arg16: memref<!tpu.dma_semaphore, #tpu.memory_space<semaphore_mem>>) attributes {dimension_semantics = [#tpu.dimension_semantics<core_parallel>, #tpu.dimension_semantics<subcore_parallel>], iteration_bounds = array<i64: 2, 16>, scalar_prefetch = 0 : i64, scratch_operands = 8 : i64, tpu.core_type = #tpu.core_type<sc_vector_subcore>, window_params = [{transform_indices = #map}, {transform_indices = #map1}, {transform_indices = #map1}, {transform_indices = #map1}, {transform_indices = #map1}, {transform_indices = #map}, {transform_indices = #map2}]} {
    %mul3A = arith.constant 16 : i32
    %mul3A_0 = arith.muli %arg0, %mul3A : i32
    %add3A = arith.addi %mul3A_0, %arg1 : i32
    %mul3A_1 = arith.constant 632 : i32
    %mul3A_2 = arith.muli %arg1, %mul3A_1 : i32
    "tpu.region"() ({
      %run_scoped3A = tpu.sem_alloc : memref<!tpu.dma_semaphore, #tpu.memory_space<semaphore_mem>>
      %dma_start3A = arith.constant 0 : i32
      %dma_start3A_16 = tpu.memref_slice %arg15[%mul3A_2, %dma_start3A] : memref<10112x144xf32, #tpu.memory_space<vmem_shared>> -> memref<632x144xf32, #tpu.memory_space<vmem_shared>>
      tpu.enqueue_dma source(%arg7 : memref<632x144xf32, #tpu.memory_space<hbm>>) target(%dma_start3A_16 : memref<632x144xf32, #tpu.memory_space<vmem_shared>>) target_semaphore(%run_scoped3A : memref<!tpu.dma_semaphore, #tpu.memory_space<semaphore_mem>>)
      %dma_wait3A = arith.constant 0 : i32
      %dma_wait3A_17 = tpu.memref_slice %arg15[%mul3A_2, %dma_wait3A] : memref<10112x144xf32, #tpu.memory_space<vmem_shared>> -> memref<632x144xf32, #tpu.memory_space<vmem_shared>>
      tpu.wait_dma2 semaphore(%run_scoped3A : memref<!tpu.dma_semaphore, #tpu.memory_space<semaphore_mem>>) src(%arg7 : memref<632x144xf32, #tpu.memory_space<hbm>>) dst(%dma_wait3A_17 : memref<632x144xf32, #tpu.memory_space<vmem_shared>>)
      tpu.yield
    }) : () -> ()
    "tpu.region"() ({
      %run_scoped3A = tpu.sem_alloc : memref<!tpu.dma_semaphore, #tpu.memory_space<semaphore_mem>>
      tpu.enqueue_dma source(%arg3 : memref<10112xf32, #tpu.memory_space<hbm>>) target(%arg9 : memref<10112xf32, #tpu.memory_space<vmem>>) target_semaphore(%run_scoped3A : memref<!tpu.dma_semaphore, #tpu.memory_space<semaphore_mem>>)
      tpu.wait_dma2 semaphore(%run_scoped3A : memref<!tpu.dma_semaphore, #tpu.memory_space<semaphore_mem>>) src(%arg3 : memref<10112xf32, #tpu.memory_space<hbm>>) dst(%arg9 : memref<10112xf32, #tpu.memory_space<vmem>>)
      tpu.yield
    }) : () -> ()
    "tpu.region"() ({
      %run_scoped3A = tpu.sem_alloc : memref<!tpu.dma_semaphore, #tpu.memory_space<semaphore_mem>>
      tpu.enqueue_dma source(%arg4 : memref<10112xf32, #tpu.memory_space<hbm>>) target(%arg10 : memref<10112xf32, #tpu.memory_space<vmem>>) target_semaphore(%run_scoped3A : memref<!tpu.dma_semaphore, #tpu.memory_space<semaphore_mem>>)
      tpu.wait_dma2 semaphore(%run_scoped3A : memref<!tpu.dma_semaphore, #tpu.memory_space<semaphore_mem>>) src(%arg4 : memref<10112xf32, #tpu.memory_space<hbm>>) dst(%arg10 : memref<10112xf32, #tpu.memory_space<vmem>>)
      tpu.yield
    }) : () -> ()
    %barrier3A = arith.constant 0 : index
    tpu.barrier barrier_id(%barrier3A)
    %mul3A_3 = arith.constant 10368 : i32
    %mul3A_4 = arith.muli %add3A, %mul3A_3 : i32
    %broadcast_in_dim3A = arith.constant 0 : i32
    %broadcast_in_dim3A_5 = vector.broadcast %broadcast_in_dim3A : i32 to vector<16xi32>
    %scan3A = arith.constant 0 : i32
    %scan3A_6 = arith.constant 0 : i32
    %scan3A_7 = arith.constant 81 : i32
    %scan3A_8 = arith.addi %scan3A_6, %scan3A_7 : i32
    %scan3A_9 = arith.constant 1 : i32
    scf.for %scan3A_16 = %scan3A_6 to %scan3A_8 step %scan3A_9  : i32 {
      %mul3A_17 = arith.constant 128 : i32
      %mul3A_18 = arith.muli %scan3A_16, %mul3A_17 : i32
      %add3A_19 = arith.addi %mul3A_4, %mul3A_18 : i32
      %multiple_of3A = tpu.assume_multiple %add3A_19, 8 : i32
      "tpu.region"() ({
        %run_scoped3A = tpu.sem_alloc : memref<!tpu.dma_semaphore, #tpu.memory_space<semaphore_mem>>
        %dma_start3A_160 = tpu.memref_slice %arg5[%multiple_of3A] : memref<331776xi32, #tpu.memory_space<hbm>> -> memref<128xi32, #tpu.memory_space<hbm>>
        %dma_start3A_161 = tpu.memref_slice %arg5[%multiple_of3A] : memref<331776xi32, #tpu.memory_space<hbm>> -> memref<128xi32, #tpu.memory_space<hbm>>
        tpu.enqueue_dma source(%dma_start3A_161 : memref<128xi32, #tpu.memory_space<hbm>>) target(%arg11 : memref<128xi32, #tpu.memory_space<vmem>>) target_semaphore(%run_scoped3A : memref<!tpu.dma_semaphore, #tpu.memory_space<semaphore_mem>>)
        %dma_wait3A_162 = tpu.memref_slice %arg5[%multiple_of3A] : memref<331776xi32, #tpu.memory_space<hbm>> -> memref<128xi32, #tpu.memory_space<hbm>>
        %dma_wait3A_163 = tpu.memref_slice %arg5[%multiple_of3A] : memref<331776xi32, #tpu.memory_space<hbm>> -> memref<128xi32, #tpu.memory_space<hbm>>
        tpu.wait_dma2 semaphore(%run_scoped3A : memref<!tpu.dma_semaphore, #tpu.memory_space<semaphore_mem>>) src(%dma_wait3A_163 : memref<128xi32, #tpu.memory_space<hbm>>) dst(%arg11 : memref<128xi32, #tpu.memory_space<vmem>>)
        tpu.yield
      }) : () -> ()
      "tpu.region"() ({
        %run_scoped3A = tpu.sem_alloc : memref<!tpu.dma_semaphore, #tpu.memory_space<semaphore_mem>>
        %dma_start3A_160 = tpu.memref_slice %arg6[%multiple_of3A] : memref<331776xi32, #tpu.memory_space<hbm>> -> memref<128xi32, #tpu.memory_space<hbm>>
        %dma_start3A_161 = tpu.memref_slice %arg6[%multiple_of3A] : memref<331776xi32, #tpu.memory_space<hbm>> -> memref<128xi32, #tpu.memory_space<hbm>>
        tpu.enqueue_dma source(%dma_start3A_161 : memref<128xi32, #tpu.memory_space<hbm>>) target(%arg12 : memref<128xi32, #tpu.memory_space<vmem>>) target_semaphore(%run_scoped3A : memref<!tpu.dma_semaphore, #tpu.memory_space<semaphore_mem>>)
        %dma_wait3A_162 = tpu.memref_slice %arg6[%multiple_of3A] : memref<331776xi32, #tpu.memory_space<hbm>> -> memref<128xi32, #tpu.memory_space<hbm>>
        %dma_wait3A_163 = tpu.memref_slice %arg6[%multiple_of3A] : memref<331776xi32, #tpu.memory_space<hbm>> -> memref<128xi32, #tpu.memory_space<hbm>>
        tpu.wait_dma2 semaphore(%run_scoped3A : memref<!tpu.dma_semaphore, #tpu.memory_space<semaphore_mem>>) src(%dma_wait3A_163 : memref<128xi32, #tpu.memory_space<hbm>>) dst(%arg12 : memref<128xi32, #tpu.memory_space<vmem>>)
        tpu.yield
      }) : () -> ()
      %dma_start3A = arith.constant 0 : i32
      %dma_start3A_20 = arith.constant 0 : i32
      %dma_start3A_21 = tpu.memref_slice %arg2[%dma_start3A, %dma_start3A_20] : memref<10112x144xf32, #tpu.memory_space<hbm>> -> memref<10112x144xf32, #tpu.memory_space<hbm>>
      tpu.enqueue_indirect_dma source(%dma_start3A_21 : memref<10112x144xf32, #tpu.memory_space<hbm>>) target(%arg14 : memref<128x144xf32, #tpu.memory_space<vmem>>) offsets(%arg11 : memref<128xi32, #tpu.memory_space<vmem>>) semaphore(%arg16 : memref<!tpu.dma_semaphore, #tpu.memory_space<semaphore_mem>>)
      %get3A = arith.constant 0 : index
      %get3A_22 = tpu.vector_load %arg11[%get3A] {strides = array<i32>} : memref<128xi32, #tpu.memory_space<vmem>>, vector<16xi32>,
      %get3A_23 = arith.constant 0 : index
      %get3A_24 = tpu.vector_load %arg12[%get3A_23] {strides = array<i32>} : memref<128xi32, #tpu.memory_space<vmem>>, vector<16xi32>,
      %gather3A = tpu.vector_load_idx %arg9[%get3A_22] : memref<10112xf32, #tpu.memory_space<vmem>>[vector<16xi32>], vector<16xf32>,
      %gather3A_25 = tpu.vector_load_idx %arg10[%get3A_24] : memref<10112xf32, #tpu.memory_space<vmem>>[vector<16xi32>], vector<16xf32>,
      %add3A_26 = arith.addf %gather3A, %gather3A_25 : vector<16xf32>
      %ge3A = arith.constant 0.000000e+00 : f32
      %ge3A_27 = vector.broadcast %ge3A : f32 to vector<16xf32>
      %ge3A_28 = arith.cmpf oge, %add3A_26, %ge3A_27 : vector<16xf32>
      %mul3A_29 = arith.constant 2.000000e-01 : f32
      %mul3A_30 = vector.broadcast %mul3A_29 : f32 to vector<16xf32>
      %mul3A_31 = arith.mulf %mul3A_30, %add3A_26 : vector<16xf32>
      %select_n3A = arith.select %ge3A_28, %add3A_26, %mul3A_31 : vector<16xi1>, vector<16xf32>
      %exp3A = math.exp %select_n3A : vector<16xf32>
      %swap3A = arith.constant 0 : index
      %swap3A_32 = tpu.vector_load %arg13[%swap3A] {strides = array<i32>} : memref<128xf32, #tpu.memory_space<vmem>>, vector<16xf32>,
      tpu.vector_store %arg13[%swap3A], %exp3A {strides = array<i32>} : memref<128xf32, #tpu.memory_space<vmem>>, vector<16xf32>,
      %get3A_33 = arith.constant 16 : index
      %get3A_34 = tpu.vector_load %arg11[%get3A_33] {strides = array<i32>} : memref<128xi32, #tpu.memory_space<vmem>>, vector<16xi32>,
      %get3A_35 = arith.constant 16 : index
      %get3A_36 = tpu.vector_load %arg12[%get3A_35] {strides = array<i32>} : memref<128xi32, #tpu.memory_space<vmem>>, vector<16xi32>,
      %gather3A_37 = tpu.vector_load_idx %arg9[%get3A_34] : memref<10112xf32, #tpu.memory_space<vmem>>[vector<16xi32>], vector<16xf32>,
      %gather3A_38 = tpu.vector_load_idx %arg10[%get3A_36] : memref<10112xf32, #tpu.memory_space<vmem>>[vector<16xi32>], vector<16xf32>,
      %add3A_39 = arith.addf %gather3A_37, %gather3A_38 : vector<16xf32>
      %ge3A_40 = arith.constant 0.000000e+00 : f32
      %ge3A_41 = vector.broadcast %ge3A_40 : f32 to vector<16xf32>
      %ge3A_42 = arith.cmpf oge, %add3A_39, %ge3A_41 : vector<16xf32>
      %mul3A_43 = arith.constant 2.000000e-01 : f32
      %mul3A_44 = vector.broadcast %mul3A_43 : f32 to vector<16xf32>
      %mul3A_45 = arith.mulf %mul3A_44, %add3A_39 : vector<16xf32>
      %select_n3A_46 = arith.select %ge3A_42, %add3A_39, %mul3A_45 : vector<16xi1>, vector<16xf32>
      %exp3A_47 = math.exp %select_n3A_46 : vector<16xf32>
      %swap3A_48 = arith.constant 16 : index
      %swap3A_49 = tpu.vector_load %arg13[%swap3A_48] {strides = array<i32>} : memref<128xf32, #tpu.memory_space<vmem>>, vector<16xf32>,
      tpu.vector_store %arg13[%swap3A_48], %exp3A_47 {strides = array<i32>} : memref<128xf32, #tpu.memory_space<vmem>>, vector<16xf32>,
      %get3A_50 = arith.constant 32 : index
      %get3A_51 = tpu.vector_load %arg11[%get3A_50] {strides = array<i32>} : memref<128xi32, #tpu.memory_space<vmem>>, vector<16xi32>,
      %get3A_52 = arith.constant 32 : index
      %get3A_53 = tpu.vector_load %arg12[%get3A_52] {strides = array<i32>} : memref<128xi32, #tpu.memory_space<vmem>>, vector<16xi32>,
      %gather3A_54 = tpu.vector_load_idx %arg9[%get3A_51] : memref<10112xf32, #tpu.memory_space<vmem>>[vector<16xi32>], vector<16xf32>,
      %gather3A_55 = tpu.vector_load_idx %arg10[%get3A_53] : memref<10112xf32, #tpu.memory_space<vmem>>[vector<16xi32>], vector<16xf32>,
      %add3A_56 = arith.addf %gather3A_54, %gather3A_55 : vector<16xf32>
      %ge3A_57 = arith.constant 0.000000e+00 : f32
      %ge3A_58 = vector.broadcast %ge3A_57 : f32 to vector<16xf32>
      %ge3A_59 = arith.cmpf oge, %add3A_56, %ge3A_58 : vector<16xf32>
      %mul3A_60 = arith.constant 2.000000e-01 : f32
      %mul3A_61 = vector.broadcast %mul3A_60 : f32 to vector<16xf32>
      %mul3A_62 = arith.mulf %mul3A_61, %add3A_56 : vector<16xf32>
      %select_n3A_63 = arith.select %ge3A_59, %add3A_56, %mul3A_62 : vector<16xi1>, vector<16xf32>
      %exp3A_64 = math.exp %select_n3A_63 : vector<16xf32>
      %swap3A_65 = arith.constant 32 : index
      %swap3A_66 = tpu.vector_load %arg13[%swap3A_65] {strides = array<i32>} : memref<128xf32, #tpu.memory_space<vmem>>, vector<16xf32>,
      tpu.vector_store %arg13[%swap3A_65], %exp3A_64 {strides = array<i32>} : memref<128xf32, #tpu.memory_space<vmem>>, vector<16xf32>,
      %get3A_67 = arith.constant 48 : index
      %get3A_68 = tpu.vector_load %arg11[%get3A_67] {strides = array<i32>} : memref<128xi32, #tpu.memory_space<vmem>>, vector<16xi32>,
      %get3A_69 = arith.constant 48 : index
      %get3A_70 = tpu.vector_load %arg12[%get3A_69] {strides = array<i32>} : memref<128xi32, #tpu.memory_space<vmem>>, vector<16xi32>,
      %gather3A_71 = tpu.vector_load_idx %arg9[%get3A_68] : memref<10112xf32, #tpu.memory_space<vmem>>[vector<16xi32>], vector<16xf32>,
      %gather3A_72 = tpu.vector_load_idx %arg10[%get3A_70] : memref<10112xf32, #tpu.memory_space<vmem>>[vector<16xi32>], vector<16xf32>,
      %add3A_73 = arith.addf %gather3A_71, %gather3A_72 : vector<16xf32>
      %ge3A_74 = arith.constant 0.000000e+00 : f32
      %ge3A_75 = vector.broadcast %ge3A_74 : f32 to vector<16xf32>
      %ge3A_76 = arith.cmpf oge, %add3A_73, %ge3A_75 : vector<16xf32>
      %mul3A_77 = arith.constant 2.000000e-01 : f32
      %mul3A_78 = vector.broadcast %mul3A_77 : f32 to vector<16xf32>
      %mul3A_79 = arith.mulf %mul3A_78, %add3A_73 : vector<16xf32>
      %select_n3A_80 = arith.select %ge3A_76, %add3A_73, %mul3A_79 : vector<16xi1>, vector<16xf32>
      %exp3A_81 = math.exp %select_n3A_80 : vector<16xf32>
      %swap3A_82 = arith.constant 48 : index
      %swap3A_83 = tpu.vector_load %arg13[%swap3A_82] {strides = array<i32>} : memref<128xf32, #tpu.memory_space<vmem>>, vector<16xf32>,
      tpu.vector_store %arg13[%swap3A_82], %exp3A_81 {strides = array<i32>} : memref<128xf32, #tpu.memory_space<vmem>>, vector<16xf32>,
      %get3A_84 = arith.constant 64 : index
      %get3A_85 = tpu.vector_load %arg11[%get3A_84] {strides = array<i32>} : memref<128xi32, #tpu.memory_space<vmem>>, vector<16xi32>,
      %get3A_86 = arith.constant 64 : index
      %get3A_87 = tpu.vector_load %arg12[%get3A_86] {strides = array<i32>} : memref<128xi32, #tpu.memory_space<vmem>>, vector<16xi32>,
      %gather3A_88 = tpu.vector_load_idx %arg9[%get3A_85] : memref<10112xf32, #tpu.memory_space<vmem>>[vector<16xi32>], vector<16xf32>,
      %gather3A_89 = tpu.vector_load_idx %arg10[%get3A_87] : memref<10112xf32, #tpu.memory_space<vmem>>[vector<16xi32>], vector<16xf32>,
      %add3A_90 = arith.addf %gather3A_88, %gather3A_89 : vector<16xf32>
      %ge3A_91 = arith.constant 0.000000e+00 : f32
      %ge3A_92 = vector.broadcast %ge3A_91 : f32 to vector<16xf32>
      %ge3A_93 = arith.cmpf oge, %add3A_90, %ge3A_92 : vector<16xf32>
      %mul3A_94 = arith.constant 2.000000e-01 : f32
      %mul3A_95 = vector.broadcast %mul3A_94 : f32 to vector<16xf32>
      %mul3A_96 = arith.mulf %mul3A_95, %add3A_90 : vector<16xf32>
      %select_n3A_97 = arith.select %ge3A_93, %add3A_90, %mul3A_96 : vector<16xi1>, vector<16xf32>
      %exp3A_98 = math.exp %select_n3A_97 : vector<16xf32>
      %swap3A_99 = arith.constant 64 : index
      %swap3A_100 = tpu.vector_load %arg13[%swap3A_99] {strides = array<i32>} : memref<128xf32, #tpu.memory_space<vmem>>, vector<16xf32>,
      tpu.vector_store %arg13[%swap3A_99], %exp3A_98 {strides = array<i32>} : memref<128xf32, #tpu.memory_space<vmem>>, vector<16xf32>,
      %get3A_101 = arith.constant 80 : index
      %get3A_102 = tpu.vector_load %arg11[%get3A_101] {strides = array<i32>} : memref<128xi32, #tpu.memory_space<vmem>>, vector<16xi32>,
      %get3A_103 = arith.constant 80 : index
      %get3A_104 = tpu.vector_load %arg12[%get3A_103] {strides = array<i32>} : memref<128xi32, #tpu.memory_space<vmem>>, vector<16xi32>,
      %gather3A_105 = tpu.vector_load_idx %arg9[%get3A_102] : memref<10112xf32, #tpu.memory_space<vmem>>[vector<16xi32>], vector<16xf32>,
      %gather3A_106 = tpu.vector_load_idx %arg10[%get3A_104] : memref<10112xf32, #tpu.memory_space<vmem>>[vector<16xi32>], vector<16xf32>,
      %add3A_107 = arith.addf %gather3A_105, %gather3A_106 : vector<16xf32>
      %ge3A_108 = arith.constant 0.000000e+00 : f32
      %ge3A_109 = vector.broadcast %ge3A_108 : f32 to vector<16xf32>
      %ge3A_110 = arith.cmpf oge, %add3A_107, %ge3A_109 : vector<16xf32>
      %mul3A_111 = arith.constant 2.000000e-01 : f32
      %mul3A_112 = vector.broadcast %mul3A_111 : f32 to vector<16xf32>
      %mul3A_113 = arith.mulf %mul3A_112, %add3A_107 : vector<16xf32>
      %select_n3A_114 = arith.select %ge3A_110, %add3A_107, %mul3A_113 : vector<16xi1>, vector<16xf32>
      %exp3A_115 = math.exp %select_n3A_114 : vector<16xf32>
      %swap3A_116 = arith.constant 80 : index
      %swap3A_117 = tpu.vector_load %arg13[%swap3A_116] {strides = array<i32>} : memref<128xf32, #tpu.memory_space<vmem>>, vector<16xf32>,
      tpu.vector_store %arg13[%swap3A_116], %exp3A_115 {strides = array<i32>} : memref<128xf32, #tpu.memory_space<vmem>>, vector<16xf32>,
      %get3A_118 = arith.constant 96 : index
      %get3A_119 = tpu.vector_load %arg11[%get3A_118] {strides = array<i32>} : memref<128xi32, #tpu.memory_space<vmem>>, vector<16xi32>,
      %get3A_120 = arith.constant 96 : index
      %get3A_121 = tpu.vector_load %arg12[%get3A_120] {strides = array<i32>} : memref<128xi32, #tpu.memory_space<vmem>>, vector<16xi32>,
      %gather3A_122 = tpu.vector_load_idx %arg9[%get3A_119] : memref<10112xf32, #tpu.memory_space<vmem>>[vector<16xi32>], vector<16xf32>,
      %gather3A_123 = tpu.vector_load_idx %arg10[%get3A_121] : memref<10112xf32, #tpu.memory_space<vmem>>[vector<16xi32>], vector<16xf32>,
      %add3A_124 = arith.addf %gather3A_122, %gather3A_123 : vector<16xf32>
      %ge3A_125 = arith.constant 0.000000e+00 : f32
      %ge3A_126 = vector.broadcast %ge3A_125 : f32 to vector<16xf32>
      %ge3A_127 = arith.cmpf oge, %add3A_124, %ge3A_126 : vector<16xf32>
      %mul3A_128 = arith.constant 2.000000e-01 : f32
      %mul3A_129 = vector.broadcast %mul3A_128 : f32 to vector<16xf32>
      %mul3A_130 = arith.mulf %mul3A_129, %add3A_124 : vector<16xf32>
      %select_n3A_131 = arith.select %ge3A_127, %add3A_124, %mul3A_130 : vector<16xi1>, vector<16xf32>
      %exp3A_132 = math.exp %select_n3A_131 : vector<16xf32>
      %swap3A_133 = arith.constant 96 : index
      %swap3A_134 = tpu.vector_load %arg13[%swap3A_133] {strides = array<i32>} : memref<128xf32, #tpu.memory_space<vmem>>, vector<16xf32>,
      tpu.vector_store %arg13[%swap3A_133], %exp3A_132 {strides = array<i32>} : memref<128xf32, #tpu.memory_space<vmem>>, vector<16xf32>,
      %get3A_135 = arith.constant 112 : index
      %get3A_136 = tpu.vector_load %arg11[%get3A_135] {strides = array<i32>} : memref<128xi32, #tpu.memory_space<vmem>>, vector<16xi32>,
      %get3A_137 = arith.constant 112 : index
      %get3A_138 = tpu.vector_load %arg12[%get3A_137] {strides = array<i32>} : memref<128xi32, #tpu.memory_space<vmem>>, vector<16xi32>,
      %gather3A_139 = tpu.vector_load_idx %arg9[%get3A_136] : memref<10112xf32, #tpu.memory_space<vmem>>[vector<16xi32>], vector<16xf32>,
      %gather3A_140 = tpu.vector_load_idx %arg10[%get3A_138] : memref<10112xf32, #tpu.memory_space<vmem>>[vector<16xi32>], vector<16xf32>,
      %add3A_141 = arith.addf %gather3A_139, %gather3A_140 : vector<16xf32>
      %ge3A_142 = arith.constant 0.000000e+00 : f32
      %ge3A_143 = vector.broadcast %ge3A_142 : f32 to vector<16xf32>
      %ge3A_144 = arith.cmpf oge, %add3A_141, %ge3A_143 : vector<16xf32>
      %mul3A_145 = arith.constant 2.000000e-01 : f32
      %mul3A_146 = vector.broadcast %mul3A_145 : f32 to vector<16xf32>
      %mul3A_147 = arith.mulf %mul3A_146, %add3A_141 : vector<16xf32>
      %select_n3A_148 = arith.select %ge3A_144, %add3A_141, %mul3A_147 : vector<16xi1>, vector<16xf32>
      %exp3A_149 = math.exp %select_n3A_148 : vector<16xf32>
      %swap3A_150 = arith.constant 112 : index
      %swap3A_151 = tpu.vector_load %arg13[%swap3A_150] {strides = array<i32>} : memref<128xf32, #tpu.memory_space<vmem>>, vector<16xf32>,
      tpu.vector_store %arg13[%swap3A_150], %exp3A_149 {strides = array<i32>} : memref<128xf32, #tpu.memory_space<vmem>>, vector<16xf32>,
      %dma_wait3A = arith.constant 0 : i32
      %dma_wait3A_152 = arith.constant 0 : i32
      %dma_wait3A_153 = tpu.memref_slice %arg2[%dma_wait3A, %dma_wait3A_152] : memref<10112x144xf32, #tpu.memory_space<hbm>> -> memref<10112x144xf32, #tpu.memory_space<hbm>>
      tpu.wait_indirect_dma semaphore(%arg16 : memref<!tpu.dma_semaphore, #tpu.memory_space<semaphore_mem>>) src(%dma_wait3A_153 : memref<10112x144xf32, #tpu.memory_space<hbm>>) dst(%arg14 : memref<128x144xf32, #tpu.memory_space<vmem>>)
      %scan3A_154 = arith.constant 0 : i32
      %scan3A_155 = arith.constant 0 : i32
      %scan3A_156 = arith.constant 128 : i32
      %scan3A_157 = arith.addi %scan3A_155, %scan3A_156 : i32
      %scan3A_158 = arith.constant 1 : i32
      scf.for %scan3A_160 = %scan3A_155 to %scan3A_157 step %scan3A_158  : i32 {
        %add3A_161 = vector.broadcast %scan3A_160 : i32 to vector<16xi32>
        %add3A_162 = arith.addi %broadcast_in_dim3A_5, %add3A_161 : vector<16xi32>
        %gather3A_163 = tpu.vector_load_idx %arg13[%add3A_162] : memref<128xf32, #tpu.memory_space<vmem>>[vector<16xi32>], vector<16xf32>,
        %get3A_164 = arith.index_cast %scan3A_160 : i32 to index
        %get3A_165 = arith.constant 0 : index
        %get3A_166 = tpu.vector_load %arg14[%get3A_164, %get3A_165] {strides = array<i32>} : memref<128x144xf32, #tpu.memory_space<vmem>>, vector<16xf32>,
        %mul3A_167 = arith.mulf %get3A_166, %gather3A_163 : vector<16xf32>
        %swap3A_168 = arith.index_cast %scan3A_160 : i32 to index
        %swap3A_169 = arith.constant 0 : index
        %swap3A_170 = tpu.vector_load %arg14[%swap3A_168, %swap3A_169] {strides = array<i32>} : memref<128x144xf32, #tpu.memory_space<vmem>>, vector<16xf32>,
        tpu.vector_store %arg14[%swap3A_168, %swap3A_169], %mul3A_167 {strides = array<i32>} : memref<128x144xf32, #tpu.memory_space<vmem>>, vector<16xf32>,
        %get3A_171 = arith.index_cast %scan3A_160 : i32 to index
        %get3A_172 = arith.constant 16 : index
        %get3A_173 = tpu.vector_load %arg14[%get3A_171, %get3A_172] {strides = array<i32>} : memref<128x144xf32, #tpu.memory_space<vmem>>, vector<16xf32>,
        %mul3A_174 = arith.mulf %get3A_173, %gather3A_163 : vector<16xf32>
        %swap3A_175 = arith.index_cast %scan3A_160 : i32 to index
        %swap3A_176 = arith.constant 16 : index
        %swap3A_177 = tpu.vector_load %arg14[%swap3A_175, %swap3A_176] {strides = array<i32>} : memref<128x144xf32, #tpu.memory_space<vmem>>, vector<16xf32>,
        tpu.vector_store %arg14[%swap3A_175, %swap3A_176], %mul3A_174 {strides = array<i32>} : memref<128x144xf32, #tpu.memory_space<vmem>>, vector<16xf32>,
        %get3A_178 = arith.index_cast %scan3A_160 : i32 to index
        %get3A_179 = arith.constant 32 : index
        %get3A_180 = tpu.vector_load %arg14[%get3A_178, %get3A_179] {strides = array<i32>} : memref<128x144xf32, #tpu.memory_space<vmem>>, vector<16xf32>,
        %mul3A_181 = arith.mulf %get3A_180, %gather3A_163 : vector<16xf32>
        %swap3A_182 = arith.index_cast %scan3A_160 : i32 to index
        %swap3A_183 = arith.constant 32 : index
        %swap3A_184 = tpu.vector_load %arg14[%swap3A_182, %swap3A_183] {strides = array<i32>} : memref<128x144xf32, #tpu.memory_space<vmem>>, vector<16xf32>,
        tpu.vector_store %arg14[%swap3A_182, %swap3A_183], %mul3A_181 {strides = array<i32>} : memref<128x144xf32, #tpu.memory_space<vmem>>, vector<16xf32>,
        %get3A_185 = arith.index_cast %scan3A_160 : i32 to index
        %get3A_186 = arith.constant 48 : index
        %get3A_187 = tpu.vector_load %arg14[%get3A_185, %get3A_186] {strides = array<i32>} : memref<128x144xf32, #tpu.memory_space<vmem>>, vector<16xf32>,
        %mul3A_188 = arith.mulf %get3A_187, %gather3A_163 : vector<16xf32>
        %swap3A_189 = arith.index_cast %scan3A_160 : i32 to index
        %swap3A_190 = arith.constant 48 : index
        %swap3A_191 = tpu.vector_load %arg14[%swap3A_189, %swap3A_190] {strides = array<i32>} : memref<128x144xf32, #tpu.memory_space<vmem>>, vector<16xf32>,
        tpu.vector_store %arg14[%swap3A_189, %swap3A_190], %mul3A_188 {strides = array<i32>} : memref<128x144xf32, #tpu.memory_space<vmem>>, vector<16xf32>,
        %get3A_192 = arith.index_cast %scan3A_160 : i32 to index
        %get3A_193 = arith.constant 64 : index
        %get3A_194 = tpu.vector_load %arg14[%get3A_192, %get3A_193] {strides = array<i32>} : memref<128x144xf32, #tpu.memory_space<vmem>>, vector<16xf32>,
        %mul3A_195 = arith.mulf %get3A_194, %gather3A_163 : vector<16xf32>
        %swap3A_196 = arith.index_cast %scan3A_160 : i32 to index
        %swap3A_197 = arith.constant 64 : index
        %swap3A_198 = tpu.vector_load %arg14[%swap3A_196, %swap3A_197] {strides = array<i32>} : memref<128x144xf32, #tpu.memory_space<vmem>>, vector<16xf32>,
        tpu.vector_store %arg14[%swap3A_196, %swap3A_197], %mul3A_195 {strides = array<i32>} : memref<128x144xf32, #tpu.memory_space<vmem>>, vector<16xf32>,
        %get3A_199 = arith.index_cast %scan3A_160 : i32 to index
        %get3A_200 = arith.constant 80 : index
        %get3A_201 = tpu.vector_load %arg14[%get3A_199, %get3A_200] {strides = array<i32>} : memref<128x144xf32, #tpu.memory_space<vmem>>, vector<16xf32>,
        %mul3A_202 = arith.mulf %get3A_201, %gather3A_163 : vector<16xf32>
        %swap3A_203 = arith.index_cast %scan3A_160 : i32 to index
        %swap3A_204 = arith.constant 80 : index
        %swap3A_205 = tpu.vector_load %arg14[%swap3A_203, %swap3A_204] {strides = array<i32>} : memref<128x144xf32, #tpu.memory_space<vmem>>, vector<16xf32>,
        tpu.vector_store %arg14[%swap3A_203, %swap3A_204], %mul3A_202 {strides = array<i32>} : memref<128x144xf32, #tpu.memory_space<vmem>>, vector<16xf32>,
        %get3A_206 = arith.index_cast %scan3A_160 : i32 to index
        %get3A_207 = arith.constant 96 : index
        %get3A_208 = tpu.vector_load %arg14[%get3A_206, %get3A_207] {strides = array<i32>} : memref<128x144xf32, #tpu.memory_space<vmem>>, vector<16xf32>,
        %mul3A_209 = arith.mulf %get3A_208, %gather3A_163 : vector<16xf32>
        %swap3A_210 = arith.index_cast %scan3A_160 : i32 to index
        %swap3A_211 = arith.constant 96 : index
        %swap3A_212 = tpu.vector_load %arg14[%swap3A_210, %swap3A_211] {strides = array<i32>} : memref<128x144xf32, #tpu.memory_space<vmem>>, vector<16xf32>,
        tpu.vector_store %arg14[%swap3A_210, %swap3A_211], %mul3A_209 {strides = array<i32>} : memref<128x144xf32, #tpu.memory_space<vmem>>, vector<16xf32>,
        %get3A_213 = arith.index_cast %scan3A_160 : i32 to index
        %get3A_214 = arith.constant 112 : index
        %get3A_215 = tpu.vector_load %arg14[%get3A_213, %get3A_214] {strides = array<i32>} : memref<128x144xf32, #tpu.memory_space<vmem>>, vector<16xf32>,
        %mul3A_216 = arith.mulf %get3A_215, %gather3A_163 : vector<16xf32>
        %swap3A_217 = arith.index_cast %scan3A_160 : i32 to index
        %swap3A_218 = arith.constant 112 : index
        %swap3A_219 = tpu.vector_load %arg14[%swap3A_217, %swap3A_218] {strides = array<i32>} : memref<128x144xf32, #tpu.memory_space<vmem>>, vector<16xf32>,
        tpu.vector_store %arg14[%swap3A_217, %swap3A_218], %mul3A_216 {strides = array<i32>} : memref<128x144xf32, #tpu.memory_space<vmem>>, vector<16xf32>,
        %get3A_220 = arith.index_cast %scan3A_160 : i32 to index
        %get3A_221 = arith.constant 128 : index
        %get3A_222 = tpu.vector_load %arg14[%get3A_220, %get3A_221] {strides = array<i32>} : memref<128x144xf32, #tpu.memory_space<vmem>>, vector<16xf32>,
        %mul3A_223 = arith.mulf %get3A_222, %gather3A_163 : vector<16xf32>
        %swap3A_224 = arith.index_cast %scan3A_160 : i32 to index
        %swap3A_225 = arith.constant 128 : index
        %swap3A_226 = tpu.vector_load %arg14[%swap3A_224, %swap3A_225] {strides = array<i32>} : memref<128x144xf32, #tpu.memory_space<vmem>>, vector<16xf32>,
        tpu.vector_store %arg14[%swap3A_224, %swap3A_225], %mul3A_223 {strides = array<i32>} : memref<128x144xf32, #tpu.memory_space<vmem>>, vector<16xf32>,
      }
      %scan3A_159 = arith.constant 128 : i32
      "tpu.region"() ({
        %run_scoped3A = tpu.sem_alloc : memref<!tpu.dma_semaphore, #tpu.memory_space<semaphore_mem>>
        %dma_start3A_160 = arith.constant 0 : i32
        %dma_start3A_161 = arith.constant 0 : i32
        %dma_start3A_162 = tpu.memref_slice %arg15[%dma_start3A_160, %dma_start3A_161] : memref<10112x144xf32, #tpu.memory_space<vmem_shared>> -> memref<10112x144xf32, #tpu.memory_space<vmem_shared>>
        tpu.enqueue_indirect_dma source(%arg14 : memref<128x144xf32, #tpu.memory_space<vmem>>) target(%dma_start3A_162 : memref<10112x144xf32, #tpu.memory_space<vmem_shared>>) offsets(%arg12 : memref<128xi32, #tpu.memory_space<vmem>>) semaphore(%run_scoped3A : memref<!tpu.dma_semaphore, #tpu.memory_space<semaphore_mem>>) {add = true}
        %dma_wait3A_163 = arith.constant 0 : i32
        %dma_wait3A_164 = arith.constant 0 : i32
        %dma_wait3A_165 = tpu.memref_slice %arg15[%dma_wait3A_163, %dma_wait3A_164] : memref<10112x144xf32, #tpu.memory_space<vmem_shared>> -> memref<10112x144xf32, #tpu.memory_space<vmem_shared>>
        tpu.wait_indirect_dma semaphore(%run_scoped3A : memref<!tpu.dma_semaphore, #tpu.memory_space<semaphore_mem>>) src(%arg14 : memref<128x144xf32, #tpu.memory_space<vmem>>) dst(%dma_wait3A_165 : memref<10112x144xf32, #tpu.memory_space<vmem_shared>>)
        tpu.yield
      }) : () -> ()
    }
    %scan3A_10 = arith.constant 81 : i32
    %barrier3A_11 = arith.constant 0 : index
    tpu.barrier barrier_id(%barrier3A_11)
    %mul3A_12 = arith.constant 632 : i32
    %mul3A_13 = arith.muli %arg1, %mul3A_12 : i32
    %mul3A_14 = arith.constant 632 : i32
    %mul3A_15 = arith.muli %arg1, %mul3A_14 : i32
    "tpu.region"() ({
      %run_scoped3A = tpu.sem_alloc : memref<!tpu.dma_semaphore, #tpu.memory_space<semaphore_mem>>
      %dma_start3A = arith.constant 0 : i32
      %dma_start3A_16 = tpu.memref_slice %arg8[%arg0, %mul3A_15, %dma_start3A] : memref<2x10112x144xf32, #tpu.memory_space<hbm>> -> memref<1x632x144xf32, #tpu.memory_space<hbm>>
      %dma_start3A_17 = tpu.memref_squeeze %dma_start3A_16 : memref<1x632x144xf32, #tpu.memory_space<hbm>> -> memref<632x144xf32, #tpu.memory_space<hbm>>
      %dma_start3A_18 = arith.constant 0 : i32
      %dma_start3A_19 = tpu.memref_slice %arg15[%mul3A_13, %dma_start3A_18] : memref<10112x144xf32, #tpu.memory_space<vmem_shared>> -> memref<632x144xf32, #tpu.memory_space<vmem_shared>>
      tpu.enqueue_dma source(%dma_start3A_19 : memref<632x144xf32, #tpu.memory_space<vmem_shared>>) target(%dma_start3A_17 : memref<632x144xf32, #tpu.memory_space<hbm>>) target_semaphore(%run_scoped3A : memref<!tpu.dma_semaphore, #tpu.memory_space<semaphore_mem>>)
      %dma_wait3A = arith.constant 0 : i32
      %dma_wait3A_20 = tpu.memref_slice %arg8[%arg0, %mul3A_15, %dma_wait3A] : memref<2x10112x144xf32, #tpu.memory_space<hbm>> -> memref<1x632x144xf32, #tpu.memory_space<hbm>>
      %dma_wait3A_21 = tpu.memref_squeeze %dma_wait3A_20 : memref<1x632x144xf32, #tpu.memory_space<hbm>> -> memref<632x144xf32, #tpu.memory_space<hbm>>
      %dma_wait3A_22 = arith.constant 0 : i32
      %dma_wait3A_23 = tpu.memref_slice %arg15[%mul3A_13, %dma_wait3A_22] : memref<10112x144xf32, #tpu.memory_space<vmem_shared>> -> memref<632x144xf32, #tpu.memory_space<vmem_shared>>
      tpu.wait_dma2 semaphore(%run_scoped3A : memref<!tpu.dma_semaphore, #tpu.memory_space<semaphore_mem>>) src(%dma_wait3A_23 : memref<632x144xf32, #tpu.memory_space<vmem_shared>>) dst(%dma_wait3A_21 : memref<632x144xf32, #tpu.memory_space<hbm>>)
      tpu.yield
    }) : () -> ()
    return
  }
}

#map = affine_map<(d0, d1) -> (0, 0)>
#map1 = affine_map<(d0, d1) -> (0)>
#map2 = affine_map<(d0, d1) -> (0, 0, 0)>
module attributes {stable_mosaic.version = 14 : i64} {
  func.func @_sc_edge_body(%arg0: i32, %arg1: i32, %arg2: memref<10112x144xf32, #tpu.memory_space<hbm>>, %arg3: memref<10112xf32, #tpu.memory_space<hbm>>, %arg4: memref<10112xf32, #tpu.memory_space<hbm>>, %arg5: memref<331776xi32, #tpu.memory_space<hbm>>, %arg6: memref<331776xi32, #tpu.memory_space<hbm>>, %arg7: memref<632x144xf32, #tpu.memory_space<hbm>>, %arg8: memref<2x10112x144xf32, #tpu.memory_space<hbm>>, %arg9: memref<10112xf32, #tpu.memory_space<vmem>>, %arg10: memref<10112xf32, #tpu.memory_space<vmem>>, %arg11: memref<128xi32, #tpu.memory_space<vmem>>, %arg12: memref<128xi32, #tpu.memory_space<vmem>>, %arg13: memref<128xf32, #tpu.memory_space<vmem>>, %arg14: memref<128x144xf32, #tpu.memory_space<vmem>>, %arg15: memref<10112x144xf32, #tpu.memory_space<vmem_shared>>, %arg16: memref<!tpu.dma_semaphore, #tpu.memory_space<semaphore_mem>>) attributes {dimension_semantics = [#tpu.dimension_semantics<core_parallel>, #tpu.dimension_semantics<subcore_parallel>], iteration_bounds = array<i64: 2, 16>, scalar_prefetch = 0 : i64, scratch_operands = 8 : i64, tpu.core_type = #tpu.core_type<sc_vector_subcore>, window_params = [{transform_indices = #map}, {transform_indices = #map1}, {transform_indices = #map1}, {transform_indices = #map1}, {transform_indices = #map1}, {transform_indices = #map}, {transform_indices = #map2}]} {
    %mul3A = arith.constant 16 : i32
    %mul3A_0 = arith.muli %arg0, %mul3A : i32
    %add3A = arith.addi %mul3A_0, %arg1 : i32
    %mul3A_1 = arith.constant 632 : i32
    %mul3A_2 = arith.muli %arg1, %mul3A_1 : i32
    "tpu.region"() ({
      %run_scoped3A = tpu.sem_alloc : memref<!tpu.dma_semaphore, #tpu.memory_space<semaphore_mem>>
      %dma_start3A = arith.constant 0 : i32
      %dma_start3A_16 = tpu.memref_slice %arg15[%mul3A_2, %dma_start3A] : memref<10112x144xf32, #tpu.memory_space<vmem_shared>> -> memref<632x144xf32, #tpu.memory_space<vmem_shared>>
      tpu.enqueue_dma source(%arg7 : memref<632x144xf32, #tpu.memory_space<hbm>>) target(%dma_start3A_16 : memref<632x144xf32, #tpu.memory_space<vmem_shared>>) target_semaphore(%run_scoped3A : memref<!tpu.dma_semaphore, #tpu.memory_space<semaphore_mem>>)
      %dma_wait3A = arith.constant 0 : i32
      %dma_wait3A_17 = tpu.memref_slice %arg15[%mul3A_2, %dma_wait3A] : memref<10112x144xf32, #tpu.memory_space<vmem_shared>> -> memref<632x144xf32, #tpu.memory_space<vmem_shared>>
      tpu.wait_dma2 semaphore(%run_scoped3A : memref<!tpu.dma_semaphore, #tpu.memory_space<semaphore_mem>>) src(%arg7 : memref<632x144xf32, #tpu.memory_space<hbm>>) dst(%dma_wait3A_17 : memref<632x144xf32, #tpu.memory_space<vmem_shared>>)
      tpu.yield
    }) : () -> ()
    "tpu.region"() ({
      %run_scoped3A = tpu.sem_alloc : memref<!tpu.dma_semaphore, #tpu.memory_space<semaphore_mem>>
      tpu.enqueue_dma source(%arg3 : memref<10112xf32, #tpu.memory_space<hbm>>) target(%arg9 : memref<10112xf32, #tpu.memory_space<vmem>>) target_semaphore(%run_scoped3A : memref<!tpu.dma_semaphore, #tpu.memory_space<semaphore_mem>>)
      tpu.wait_dma2 semaphore(%run_scoped3A : memref<!tpu.dma_semaphore, #tpu.memory_space<semaphore_mem>>) src(%arg3 : memref<10112xf32, #tpu.memory_space<hbm>>) dst(%arg9 : memref<10112xf32, #tpu.memory_space<vmem>>)
      tpu.yield
    }) : () -> ()
    "tpu.region"() ({
      %run_scoped3A = tpu.sem_alloc : memref<!tpu.dma_semaphore, #tpu.memory_space<semaphore_mem>>
      tpu.enqueue_dma source(%arg4 : memref<10112xf32, #tpu.memory_space<hbm>>) target(%arg10 : memref<10112xf32, #tpu.memory_space<vmem>>) target_semaphore(%run_scoped3A : memref<!tpu.dma_semaphore, #tpu.memory_space<semaphore_mem>>)
      tpu.wait_dma2 semaphore(%run_scoped3A : memref<!tpu.dma_semaphore, #tpu.memory_space<semaphore_mem>>) src(%arg4 : memref<10112xf32, #tpu.memory_space<hbm>>) dst(%arg10 : memref<10112xf32, #tpu.memory_space<vmem>>)
      tpu.yield
    }) : () -> ()
    %barrier3A = arith.constant 0 : index
    tpu.barrier barrier_id(%barrier3A)
    %mul3A_3 = arith.constant 10368 : i32
    %mul3A_4 = arith.muli %add3A, %mul3A_3 : i32
    %broadcast_in_dim3A = arith.constant 0 : i32
    %broadcast_in_dim3A_5 = vector.broadcast %broadcast_in_dim3A : i32 to vector<16xi32>
    %scan3A = arith.constant 0 : i32
    %scan3A_6 = arith.constant 0 : i32
    %scan3A_7 = arith.constant 81 : i32
    %scan3A_8 = arith.addi %scan3A_6, %scan3A_7 : i32
    %scan3A_9 = arith.constant 1 : i32
    scf.for %scan3A_16 = %scan3A_6 to %scan3A_8 step %scan3A_9  : i32 {
      %mul3A_17 = arith.constant 128 : i32
      %mul3A_18 = arith.muli %scan3A_16, %mul3A_17 : i32
      %add3A_19 = arith.addi %mul3A_4, %mul3A_18 : i32
      %multiple_of3A = tpu.assume_multiple %add3A_19, 8 : i32
      "tpu.region"() ({
        %run_scoped3A = tpu.sem_alloc : memref<!tpu.dma_semaphore, #tpu.memory_space<semaphore_mem>>
        %dma_start3A_160 = tpu.memref_slice %arg5[%multiple_of3A] : memref<331776xi32, #tpu.memory_space<hbm>> -> memref<128xi32, #tpu.memory_space<hbm>>
        %dma_start3A_161 = tpu.memref_slice %arg5[%multiple_of3A] : memref<331776xi32, #tpu.memory_space<hbm>> -> memref<128xi32, #tpu.memory_space<hbm>>
        tpu.enqueue_dma source(%dma_start3A_161 : memref<128xi32, #tpu.memory_space<hbm>>) target(%arg11 : memref<128xi32, #tpu.memory_space<vmem>>) target_semaphore(%run_scoped3A : memref<!tpu.dma_semaphore, #tpu.memory_space<semaphore_mem>>)
        %dma_wait3A_162 = tpu.memref_slice %arg5[%multiple_of3A] : memref<331776xi32, #tpu.memory_space<hbm>> -> memref<128xi32, #tpu.memory_space<hbm>>
        %dma_wait3A_163 = tpu.memref_slice %arg5[%multiple_of3A] : memref<331776xi32, #tpu.memory_space<hbm>> -> memref<128xi32, #tpu.memory_space<hbm>>
        tpu.wait_dma2 semaphore(%run_scoped3A : memref<!tpu.dma_semaphore, #tpu.memory_space<semaphore_mem>>) src(%dma_wait3A_163 : memref<128xi32, #tpu.memory_space<hbm>>) dst(%arg11 : memref<128xi32, #tpu.memory_space<vmem>>)
        tpu.yield
      }) : () -> ()
      "tpu.region"() ({
        %run_scoped3A = tpu.sem_alloc : memref<!tpu.dma_semaphore, #tpu.memory_space<semaphore_mem>>
        %dma_start3A_160 = tpu.memref_slice %arg6[%multiple_of3A] : memref<331776xi32, #tpu.memory_space<hbm>> -> memref<128xi32, #tpu.memory_space<hbm>>
        %dma_start3A_161 = tpu.memref_slice %arg6[%multiple_of3A] : memref<331776xi32, #tpu.memory_space<hbm>> -> memref<128xi32, #tpu.memory_space<hbm>>
        tpu.enqueue_dma source(%dma_start3A_161 : memref<128xi32, #tpu.memory_space<hbm>>) target(%arg12 : memref<128xi32, #tpu.memory_space<vmem>>) target_semaphore(%run_scoped3A : memref<!tpu.dma_semaphore, #tpu.memory_space<semaphore_mem>>)
        %dma_wait3A_162 = tpu.memref_slice %arg6[%multiple_of3A] : memref<331776xi32, #tpu.memory_space<hbm>> -> memref<128xi32, #tpu.memory_space<hbm>>
        %dma_wait3A_163 = tpu.memref_slice %arg6[%multiple_of3A] : memref<331776xi32, #tpu.memory_space<hbm>> -> memref<128xi32, #tpu.memory_space<hbm>>
        tpu.wait_dma2 semaphore(%run_scoped3A : memref<!tpu.dma_semaphore, #tpu.memory_space<semaphore_mem>>) src(%dma_wait3A_163 : memref<128xi32, #tpu.memory_space<hbm>>) dst(%arg12 : memref<128xi32, #tpu.memory_space<vmem>>)
        tpu.yield
      }) : () -> ()
      %dma_start3A = arith.constant 0 : i32
      %dma_start3A_20 = arith.constant 0 : i32
      %dma_start3A_21 = tpu.memref_slice %arg2[%dma_start3A, %dma_start3A_20] : memref<10112x144xf32, #tpu.memory_space<hbm>> -> memref<10112x144xf32, #tpu.memory_space<hbm>>
      tpu.enqueue_indirect_dma source(%dma_start3A_21 : memref<10112x144xf32, #tpu.memory_space<hbm>>) target(%arg14 : memref<128x144xf32, #tpu.memory_space<vmem>>) offsets(%arg11 : memref<128xi32, #tpu.memory_space<vmem>>) semaphore(%arg16 : memref<!tpu.dma_semaphore, #tpu.memory_space<semaphore_mem>>)
      %get3A = arith.constant 0 : index
      %get3A_22 = tpu.vector_load %arg11[%get3A] {strides = array<i32>} : memref<128xi32, #tpu.memory_space<vmem>>, vector<16xi32>,
      %get3A_23 = arith.constant 0 : index
      %get3A_24 = tpu.vector_load %arg12[%get3A_23] {strides = array<i32>} : memref<128xi32, #tpu.memory_space<vmem>>, vector<16xi32>,
      %gather3A = tpu.vector_load_idx %arg9[%get3A_22] : memref<10112xf32, #tpu.memory_space<vmem>>[vector<16xi32>], vector<16xf32>,
      %gather3A_25 = tpu.vector_load_idx %arg10[%get3A_24] : memref<10112xf32, #tpu.memory_space<vmem>>[vector<16xi32>], vector<16xf32>,
      %add3A_26 = arith.addf %gather3A, %gather3A_25 : vector<16xf32>
      %ge3A = arith.constant 0.000000e+00 : f32
      %ge3A_27 = vector.broadcast %ge3A : f32 to vector<16xf32>
      %ge3A_28 = arith.cmpf oge, %add3A_26, %ge3A_27 : vector<16xf32>
      %mul3A_29 = arith.constant 2.000000e-01 : f32
      %mul3A_30 = vector.broadcast %mul3A_29 : f32 to vector<16xf32>
      %mul3A_31 = arith.mulf %mul3A_30, %add3A_26 : vector<16xf32>
      %select_n3A = arith.select %ge3A_28, %add3A_26, %mul3A_31 : vector<16xi1>, vector<16xf32>
      %exp3A = math.exp %select_n3A : vector<16xf32>
      %swap3A = arith.constant 0 : index
      %swap3A_32 = tpu.vector_load %arg13[%swap3A] {strides = array<i32>} : memref<128xf32, #tpu.memory_space<vmem>>, vector<16xf32>,
      tpu.vector_store %arg13[%swap3A], %exp3A {strides = array<i32>} : memref<128xf32, #tpu.memory_space<vmem>>, vector<16xf32>,
      %get3A_33 = arith.constant 16 : index
      %get3A_34 = tpu.vector_load %arg11[%get3A_33] {strides = array<i32>} : memref<128xi32, #tpu.memory_space<vmem>>, vector<16xi32>,
      %get3A_35 = arith.constant 16 : index
      %get3A_36 = tpu.vector_load %arg12[%get3A_35] {strides = array<i32>} : memref<128xi32, #tpu.memory_space<vmem>>, vector<16xi32>,
      %gather3A_37 = tpu.vector_load_idx %arg9[%get3A_34] : memref<10112xf32, #tpu.memory_space<vmem>>[vector<16xi32>], vector<16xf32>,
      %gather3A_38 = tpu.vector_load_idx %arg10[%get3A_36] : memref<10112xf32, #tpu.memory_space<vmem>>[vector<16xi32>], vector<16xf32>,
      %add3A_39 = arith.addf %gather3A_37, %gather3A_38 : vector<16xf32>
      %ge3A_40 = arith.constant 0.000000e+00 : f32
      %ge3A_41 = vector.broadcast %ge3A_40 : f32 to vector<16xf32>
      %ge3A_42 = arith.cmpf oge, %add3A_39, %ge3A_41 : vector<16xf32>
      %mul3A_43 = arith.constant 2.000000e-01 : f32
      %mul3A_44 = vector.broadcast %mul3A_43 : f32 to vector<16xf32>
      %mul3A_45 = arith.mulf %mul3A_44, %add3A_39 : vector<16xf32>
      %select_n3A_46 = arith.select %ge3A_42, %add3A_39, %mul3A_45 : vector<16xi1>, vector<16xf32>
      %exp3A_47 = math.exp %select_n3A_46 : vector<16xf32>
      %swap3A_48 = arith.constant 16 : index
      %swap3A_49 = tpu.vector_load %arg13[%swap3A_48] {strides = array<i32>} : memref<128xf32, #tpu.memory_space<vmem>>, vector<16xf32>,
      tpu.vector_store %arg13[%swap3A_48], %exp3A_47 {strides = array<i32>} : memref<128xf32, #tpu.memory_space<vmem>>, vector<16xf32>,
      %get3A_50 = arith.constant 32 : index
      %get3A_51 = tpu.vector_load %arg11[%get3A_50] {strides = array<i32>} : memref<128xi32, #tpu.memory_space<vmem>>, vector<16xi32>,
      %get3A_52 = arith.constant 32 : index
      %get3A_53 = tpu.vector_load %arg12[%get3A_52] {strides = array<i32>} : memref<128xi32, #tpu.memory_space<vmem>>, vector<16xi32>,
      %gather3A_54 = tpu.vector_load_idx %arg9[%get3A_51] : memref<10112xf32, #tpu.memory_space<vmem>>[vector<16xi32>], vector<16xf32>,
      %gather3A_55 = tpu.vector_load_idx %arg10[%get3A_53] : memref<10112xf32, #tpu.memory_space<vmem>>[vector<16xi32>], vector<16xf32>,
      %add3A_56 = arith.addf %gather3A_54, %gather3A_55 : vector<16xf32>
      %ge3A_57 = arith.constant 0.000000e+00 : f32
      %ge3A_58 = vector.broadcast %ge3A_57 : f32 to vector<16xf32>
      %ge3A_59 = arith.cmpf oge, %add3A_56, %ge3A_58 : vector<16xf32>
      %mul3A_60 = arith.constant 2.000000e-01 : f32
      %mul3A_61 = vector.broadcast %mul3A_60 : f32 to vector<16xf32>
      %mul3A_62 = arith.mulf %mul3A_61, %add3A_56 : vector<16xf32>
      %select_n3A_63 = arith.select %ge3A_59, %add3A_56, %mul3A_62 : vector<16xi1>, vector<16xf32>
      %exp3A_64 = math.exp %select_n3A_63 : vector<16xf32>
      %swap3A_65 = arith.constant 32 : index
      %swap3A_66 = tpu.vector_load %arg13[%swap3A_65] {strides = array<i32>} : memref<128xf32, #tpu.memory_space<vmem>>, vector<16xf32>,
      tpu.vector_store %arg13[%swap3A_65], %exp3A_64 {strides = array<i32>} : memref<128xf32, #tpu.memory_space<vmem>>, vector<16xf32>,
      %get3A_67 = arith.constant 48 : index
      %get3A_68 = tpu.vector_load %arg11[%get3A_67] {strides = array<i32>} : memref<128xi32, #tpu.memory_space<vmem>>, vector<16xi32>,
      %get3A_69 = arith.constant 48 : index
      %get3A_70 = tpu.vector_load %arg12[%get3A_69] {strides = array<i32>} : memref<128xi32, #tpu.memory_space<vmem>>, vector<16xi32>,
      %gather3A_71 = tpu.vector_load_idx %arg9[%get3A_68] : memref<10112xf32, #tpu.memory_space<vmem>>[vector<16xi32>], vector<16xf32>,
      %gather3A_72 = tpu.vector_load_idx %arg10[%get3A_70] : memref<10112xf32, #tpu.memory_space<vmem>>[vector<16xi32>], vector<16xf32>,
      %add3A_73 = arith.addf %gather3A_71, %gather3A_72 : vector<16xf32>
      %ge3A_74 = arith.constant 0.000000e+00 : f32
      %ge3A_75 = vector.broadcast %ge3A_74 : f32 to vector<16xf32>
      %ge3A_76 = arith.cmpf oge, %add3A_73, %ge3A_75 : vector<16xf32>
      %mul3A_77 = arith.constant 2.000000e-01 : f32
      %mul3A_78 = vector.broadcast %mul3A_77 : f32 to vector<16xf32>
      %mul3A_79 = arith.mulf %mul3A_78, %add3A_73 : vector<16xf32>
      %select_n3A_80 = arith.select %ge3A_76, %add3A_73, %mul3A_79 : vector<16xi1>, vector<16xf32>
      %exp3A_81 = math.exp %select_n3A_80 : vector<16xf32>
      %swap3A_82 = arith.constant 48 : index
      %swap3A_83 = tpu.vector_load %arg13[%swap3A_82] {strides = array<i32>} : memref<128xf32, #tpu.memory_space<vmem>>, vector<16xf32>,
      tpu.vector_store %arg13[%swap3A_82], %exp3A_81 {strides = array<i32>} : memref<128xf32, #tpu.memory_space<vmem>>, vector<16xf32>,
      %get3A_84 = arith.constant 64 : index
      %get3A_85 = tpu.vector_load %arg11[%get3A_84] {strides = array<i32>} : memref<128xi32, #tpu.memory_space<vmem>>, vector<16xi32>,
      %get3A_86 = arith.constant 64 : index
      %get3A_87 = tpu.vector_load %arg12[%get3A_86] {strides = array<i32>} : memref<128xi32, #tpu.memory_space<vmem>>, vector<16xi32>,
      %gather3A_88 = tpu.vector_load_idx %arg9[%get3A_85] : memref<10112xf32, #tpu.memory_space<vmem>>[vector<16xi32>], vector<16xf32>,
      %gather3A_89 = tpu.vector_load_idx %arg10[%get3A_87] : memref<10112xf32, #tpu.memory_space<vmem>>[vector<16xi32>], vector<16xf32>,
      %add3A_90 = arith.addf %gather3A_88, %gather3A_89 : vector<16xf32>
      %ge3A_91 = arith.constant 0.000000e+00 : f32
      %ge3A_92 = vector.broadcast %ge3A_91 : f32 to vector<16xf32>
      %ge3A_93 = arith.cmpf oge, %add3A_90, %ge3A_92 : vector<16xf32>
      %mul3A_94 = arith.constant 2.000000e-01 : f32
      %mul3A_95 = vector.broadcast %mul3A_94 : f32 to vector<16xf32>
      %mul3A_96 = arith.mulf %mul3A_95, %add3A_90 : vector<16xf32>
      %select_n3A_97 = arith.select %ge3A_93, %add3A_90, %mul3A_96 : vector<16xi1>, vector<16xf32>
      %exp3A_98 = math.exp %select_n3A_97 : vector<16xf32>
      %swap3A_99 = arith.constant 64 : index
      %swap3A_100 = tpu.vector_load %arg13[%swap3A_99] {strides = array<i32>} : memref<128xf32, #tpu.memory_space<vmem>>, vector<16xf32>,
      tpu.vector_store %arg13[%swap3A_99], %exp3A_98 {strides = array<i32>} : memref<128xf32, #tpu.memory_space<vmem>>, vector<16xf32>,
      %get3A_101 = arith.constant 80 : index
      %get3A_102 = tpu.vector_load %arg11[%get3A_101] {strides = array<i32>} : memref<128xi32, #tpu.memory_space<vmem>>, vector<16xi32>,
      %get3A_103 = arith.constant 80 : index
      %get3A_104 = tpu.vector_load %arg12[%get3A_103] {strides = array<i32>} : memref<128xi32, #tpu.memory_space<vmem>>, vector<16xi32>,
      %gather3A_105 = tpu.vector_load_idx %arg9[%get3A_102] : memref<10112xf32, #tpu.memory_space<vmem>>[vector<16xi32>], vector<16xf32>,
      %gather3A_106 = tpu.vector_load_idx %arg10[%get3A_104] : memref<10112xf32, #tpu.memory_space<vmem>>[vector<16xi32>], vector<16xf32>,
      %add3A_107 = arith.addf %gather3A_105, %gather3A_106 : vector<16xf32>
      %ge3A_108 = arith.constant 0.000000e+00 : f32
      %ge3A_109 = vector.broadcast %ge3A_108 : f32 to vector<16xf32>
      %ge3A_110 = arith.cmpf oge, %add3A_107, %ge3A_109 : vector<16xf32>
      %mul3A_111 = arith.constant 2.000000e-01 : f32
      %mul3A_112 = vector.broadcast %mul3A_111 : f32 to vector<16xf32>
      %mul3A_113 = arith.mulf %mul3A_112, %add3A_107 : vector<16xf32>
      %select_n3A_114 = arith.select %ge3A_110, %add3A_107, %mul3A_113 : vector<16xi1>, vector<16xf32>
      %exp3A_115 = math.exp %select_n3A_114 : vector<16xf32>
      %swap3A_116 = arith.constant 80 : index
      %swap3A_117 = tpu.vector_load %arg13[%swap3A_116] {strides = array<i32>} : memref<128xf32, #tpu.memory_space<vmem>>, vector<16xf32>,
      tpu.vector_store %arg13[%swap3A_116], %exp3A_115 {strides = array<i32>} : memref<128xf32, #tpu.memory_space<vmem>>, vector<16xf32>,
      %get3A_118 = arith.constant 96 : index
      %get3A_119 = tpu.vector_load %arg11[%get3A_118] {strides = array<i32>} : memref<128xi32, #tpu.memory_space<vmem>>, vector<16xi32>,
      %get3A_120 = arith.constant 96 : index
      %get3A_121 = tpu.vector_load %arg12[%get3A_120] {strides = array<i32>} : memref<128xi32, #tpu.memory_space<vmem>>, vector<16xi32>,
      %gather3A_122 = tpu.vector_load_idx %arg9[%get3A_119] : memref<10112xf32, #tpu.memory_space<vmem>>[vector<16xi32>], vector<16xf32>,
      %gather3A_123 = tpu.vector_load_idx %arg10[%get3A_121] : memref<10112xf32, #tpu.memory_space<vmem>>[vector<16xi32>], vector<16xf32>,
      %add3A_124 = arith.addf %gather3A_122, %gather3A_123 : vector<16xf32>
      %ge3A_125 = arith.constant 0.000000e+00 : f32
      %ge3A_126 = vector.broadcast %ge3A_125 : f32 to vector<16xf32>
      %ge3A_127 = arith.cmpf oge, %add3A_124, %ge3A_126 : vector<16xf32>
      %mul3A_128 = arith.constant 2.000000e-01 : f32
      %mul3A_129 = vector.broadcast %mul3A_128 : f32 to vector<16xf32>
      %mul3A_130 = arith.mulf %mul3A_129, %add3A_124 : vector<16xf32>
      %select_n3A_131 = arith.select %ge3A_127, %add3A_124, %mul3A_130 : vector<16xi1>, vector<16xf32>
      %exp3A_132 = math.exp %select_n3A_131 : vector<16xf32>
      %swap3A_133 = arith.constant 96 : index
      %swap3A_134 = tpu.vector_load %arg13[%swap3A_133] {strides = array<i32>} : memref<128xf32, #tpu.memory_space<vmem>>, vector<16xf32>,
      tpu.vector_store %arg13[%swap3A_133], %exp3A_132 {strides = array<i32>} : memref<128xf32, #tpu.memory_space<vmem>>, vector<16xf32>,
      %get3A_135 = arith.constant 112 : index
      %get3A_136 = tpu.vector_load %arg11[%get3A_135] {strides = array<i32>} : memref<128xi32, #tpu.memory_space<vmem>>, vector<16xi32>,
      %get3A_137 = arith.constant 112 : index
      %get3A_138 = tpu.vector_load %arg12[%get3A_137] {strides = array<i32>} : memref<128xi32, #tpu.memory_space<vmem>>, vector<16xi32>,
      %gather3A_139 = tpu.vector_load_idx %arg9[%get3A_136] : memref<10112xf32, #tpu.memory_space<vmem>>[vector<16xi32>], vector<16xf32>,
      %gather3A_140 = tpu.vector_load_idx %arg10[%get3A_138] : memref<10112xf32, #tpu.memory_space<vmem>>[vector<16xi32>], vector<16xf32>,
      %add3A_141 = arith.addf %gather3A_139, %gather3A_140 : vector<16xf32>
      %ge3A_142 = arith.constant 0.000000e+00 : f32
      %ge3A_143 = vector.broadcast %ge3A_142 : f32 to vector<16xf32>
      %ge3A_144 = arith.cmpf oge, %add3A_141, %ge3A_143 : vector<16xf32>
      %mul3A_145 = arith.constant 2.000000e-01 : f32
      %mul3A_146 = vector.broadcast %mul3A_145 : f32 to vector<16xf32>
      %mul3A_147 = arith.mulf %mul3A_146, %add3A_141 : vector<16xf32>
      %select_n3A_148 = arith.select %ge3A_144, %add3A_141, %mul3A_147 : vector<16xi1>, vector<16xf32>
      %exp3A_149 = math.exp %select_n3A_148 : vector<16xf32>
      %swap3A_150 = arith.constant 112 : index
      %swap3A_151 = tpu.vector_load %arg13[%swap3A_150] {strides = array<i32>} : memref<128xf32, #tpu.memory_space<vmem>>, vector<16xf32>,
      tpu.vector_store %arg13[%swap3A_150], %exp3A_149 {strides = array<i32>} : memref<128xf32, #tpu.memory_space<vmem>>, vector<16xf32>,
      %dma_wait3A = arith.constant 0 : i32
      %dma_wait3A_152 = arith.constant 0 : i32
      %dma_wait3A_153 = tpu.memref_slice %arg2[%dma_wait3A, %dma_wait3A_152] : memref<10112x144xf32, #tpu.memory_space<hbm>> -> memref<10112x144xf32, #tpu.memory_space<hbm>>
      tpu.wait_indirect_dma semaphore(%arg16 : memref<!tpu.dma_semaphore, #tpu.memory_space<semaphore_mem>>) src(%dma_wait3A_153 : memref<10112x144xf32, #tpu.memory_space<hbm>>) dst(%arg14 : memref<128x144xf32, #tpu.memory_space<vmem>>)
      %scan3A_154 = arith.constant 0 : i32
      %scan3A_155 = arith.constant 0 : i32
      %scan3A_156 = arith.constant 128 : i32
      %scan3A_157 = arith.addi %scan3A_155, %scan3A_156 : i32
      %scan3A_158 = arith.constant 1 : i32
      scf.for %scan3A_160 = %scan3A_155 to %scan3A_157 step %scan3A_158  : i32 {
        %add3A_161 = vector.broadcast %scan3A_160 : i32 to vector<16xi32>
        %add3A_162 = arith.addi %broadcast_in_dim3A_5, %add3A_161 : vector<16xi32>
        %gather3A_163 = tpu.vector_load_idx %arg13[%add3A_162] : memref<128xf32, #tpu.memory_space<vmem>>[vector<16xi32>], vector<16xf32>,
        %get3A_164 = arith.index_cast %scan3A_160 : i32 to index
        %get3A_165 = arith.constant 0 : index
        %get3A_166 = tpu.vector_load %arg14[%get3A_164, %get3A_165] {strides = array<i32>} : memref<128x144xf32, #tpu.memory_space<vmem>>, vector<16xf32>,
        %mul3A_167 = arith.mulf %get3A_166, %gather3A_163 : vector<16xf32>
        %swap3A_168 = arith.index_cast %scan3A_160 : i32 to index
        %swap3A_169 = arith.constant 0 : index
        %swap3A_170 = tpu.vector_load %arg14[%swap3A_168, %swap3A_169] {strides = array<i32>} : memref<128x144xf32, #tpu.memory_space<vmem>>, vector<16xf32>,
        tpu.vector_store %arg14[%swap3A_168, %swap3A_169], %mul3A_167 {strides = array<i32>} : memref<128x144xf32, #tpu.memory_space<vmem>>, vector<16xf32>,
        %get3A_171 = arith.index_cast %scan3A_160 : i32 to index
        %get3A_172 = arith.constant 16 : index
        %get3A_173 = tpu.vector_load %arg14[%get3A_171, %get3A_172] {strides = array<i32>} : memref<128x144xf32, #tpu.memory_space<vmem>>, vector<16xf32>,
        %mul3A_174 = arith.mulf %get3A_173, %gather3A_163 : vector<16xf32>
        %swap3A_175 = arith.index_cast %scan3A_160 : i32 to index
        %swap3A_176 = arith.constant 16 : index
        %swap3A_177 = tpu.vector_load %arg14[%swap3A_175, %swap3A_176] {strides = array<i32>} : memref<128x144xf32, #tpu.memory_space<vmem>>, vector<16xf32>,
        tpu.vector_store %arg14[%swap3A_175, %swap3A_176], %mul3A_174 {strides = array<i32>} : memref<128x144xf32, #tpu.memory_space<vmem>>, vector<16xf32>,
        %get3A_178 = arith.index_cast %scan3A_160 : i32 to index
        %get3A_179 = arith.constant 32 : index
        %get3A_180 = tpu.vector_load %arg14[%get3A_178, %get3A_179] {strides = array<i32>} : memref<128x144xf32, #tpu.memory_space<vmem>>, vector<16xf32>,
        %mul3A_181 = arith.mulf %get3A_180, %gather3A_163 : vector<16xf32>
        %swap3A_182 = arith.index_cast %scan3A_160 : i32 to index
        %swap3A_183 = arith.constant 32 : index
        %swap3A_184 = tpu.vector_load %arg14[%swap3A_182, %swap3A_183] {strides = array<i32>} : memref<128x144xf32, #tpu.memory_space<vmem>>, vector<16xf32>,
        tpu.vector_store %arg14[%swap3A_182, %swap3A_183], %mul3A_181 {strides = array<i32>} : memref<128x144xf32, #tpu.memory_space<vmem>>, vector<16xf32>,
        %get3A_185 = arith.index_cast %scan3A_160 : i32 to index
        %get3A_186 = arith.constant 48 : index
        %get3A_187 = tpu.vector_load %arg14[%get3A_185, %get3A_186] {strides = array<i32>} : memref<128x144xf32, #tpu.memory_space<vmem>>, vector<16xf32>,
        %mul3A_188 = arith.mulf %get3A_187, %gather3A_163 : vector<16xf32>
        %swap3A_189 = arith.index_cast %scan3A_160 : i32 to index
        %swap3A_190 = arith.constant 48 : index
        %swap3A_191 = tpu.vector_load %arg14[%swap3A_189, %swap3A_190] {strides = array<i32>} : memref<128x144xf32, #tpu.memory_space<vmem>>, vector<16xf32>,
        tpu.vector_store %arg14[%swap3A_189, %swap3A_190], %mul3A_188 {strides = array<i32>} : memref<128x144xf32, #tpu.memory_space<vmem>>, vector<16xf32>,
        %get3A_192 = arith.index_cast %scan3A_160 : i32 to index
        %get3A_193 = arith.constant 64 : index
        %get3A_194 = tpu.vector_load %arg14[%get3A_192, %get3A_193] {strides = array<i32>} : memref<128x144xf32, #tpu.memory_space<vmem>>, vector<16xf32>,
        %mul3A_195 = arith.mulf %get3A_194, %gather3A_163 : vector<16xf32>
        %swap3A_196 = arith.index_cast %scan3A_160 : i32 to index
        %swap3A_197 = arith.constant 64 : index
        %swap3A_198 = tpu.vector_load %arg14[%swap3A_196, %swap3A_197] {strides = array<i32>} : memref<128x144xf32, #tpu.memory_space<vmem>>, vector<16xf32>,
        tpu.vector_store %arg14[%swap3A_196, %swap3A_197], %mul3A_195 {strides = array<i32>} : memref<128x144xf32, #tpu.memory_space<vmem>>, vector<16xf32>,
        %get3A_199 = arith.index_cast %scan3A_160 : i32 to index
        %get3A_200 = arith.constant 80 : index
        %get3A_201 = tpu.vector_load %arg14[%get3A_199, %get3A_200] {strides = array<i32>} : memref<128x144xf32, #tpu.memory_space<vmem>>, vector<16xf32>,
        %mul3A_202 = arith.mulf %get3A_201, %gather3A_163 : vector<16xf32>
        %swap3A_203 = arith.index_cast %scan3A_160 : i32 to index
        %swap3A_204 = arith.constant 80 : index
        %swap3A_205 = tpu.vector_load %arg14[%swap3A_203, %swap3A_204] {strides = array<i32>} : memref<128x144xf32, #tpu.memory_space<vmem>>, vector<16xf32>,
        tpu.vector_store %arg14[%swap3A_203, %swap3A_204], %mul3A_202 {strides = array<i32>} : memref<128x144xf32, #tpu.memory_space<vmem>>, vector<16xf32>,
        %get3A_206 = arith.index_cast %scan3A_160 : i32 to index
        %get3A_207 = arith.constant 96 : index
        %get3A_208 = tpu.vector_load %arg14[%get3A_206, %get3A_207] {strides = array<i32>} : memref<128x144xf32, #tpu.memory_space<vmem>>, vector<16xf32>,
        %mul3A_209 = arith.mulf %get3A_208, %gather3A_163 : vector<16xf32>
        %swap3A_210 = arith.index_cast %scan3A_160 : i32 to index
        %swap3A_211 = arith.constant 96 : index
        %swap3A_212 = tpu.vector_load %arg14[%swap3A_210, %swap3A_211] {strides = array<i32>} : memref<128x144xf32, #tpu.memory_space<vmem>>, vector<16xf32>,
        tpu.vector_store %arg14[%swap3A_210, %swap3A_211], %mul3A_209 {strides = array<i32>} : memref<128x144xf32, #tpu.memory_space<vmem>>, vector<16xf32>,
        %get3A_213 = arith.index_cast %scan3A_160 : i32 to index
        %get3A_214 = arith.constant 112 : index
        %get3A_215 = tpu.vector_load %arg14[%get3A_213, %get3A_214] {strides = array<i32>} : memref<128x144xf32, #tpu.memory_space<vmem>>, vector<16xf32>,
        %mul3A_216 = arith.mulf %get3A_215, %gather3A_163 : vector<16xf32>
        %swap3A_217 = arith.index_cast %scan3A_160 : i32 to index
        %swap3A_218 = arith.constant 112 : index
        %swap3A_219 = tpu.vector_load %arg14[%swap3A_217, %swap3A_218] {strides = array<i32>} : memref<128x144xf32, #tpu.memory_space<vmem>>, vector<16xf32>,
        tpu.vector_store %arg14[%swap3A_217, %swap3A_218], %mul3A_216 {strides = array<i32>} : memref<128x144xf32, #tpu.memory_space<vmem>>, vector<16xf32>,
        %get3A_220 = arith.index_cast %scan3A_160 : i32 to index
        %get3A_221 = arith.constant 128 : index
        %get3A_222 = tpu.vector_load %arg14[%get3A_220, %get3A_221] {strides = array<i32>} : memref<128x144xf32, #tpu.memory_space<vmem>>, vector<16xf32>,
        %mul3A_223 = arith.mulf %get3A_222, %gather3A_163 : vector<16xf32>
        %swap3A_224 = arith.index_cast %scan3A_160 : i32 to index
        %swap3A_225 = arith.constant 128 : index
        %swap3A_226 = tpu.vector_load %arg14[%swap3A_224, %swap3A_225] {strides = array<i32>} : memref<128x144xf32, #tpu.memory_space<vmem>>, vector<16xf32>,
        tpu.vector_store %arg14[%swap3A_224, %swap3A_225], %mul3A_223 {strides = array<i32>} : memref<128x144xf32, #tpu.memory_space<vmem>>, vector<16xf32>,
      }
      %scan3A_159 = arith.constant 128 : i32
      "tpu.region"() ({
        %run_scoped3A = tpu.sem_alloc : memref<!tpu.dma_semaphore, #tpu.memory_space<semaphore_mem>>
        %dma_start3A_160 = arith.constant 0 : i32
        %dma_start3A_161 = arith.constant 0 : i32
        %dma_start3A_162 = tpu.memref_slice %arg15[%dma_start3A_160, %dma_start3A_161] : memref<10112x144xf32, #tpu.memory_space<vmem_shared>> -> memref<10112x144xf32, #tpu.memory_space<vmem_shared>>
        tpu.enqueue_indirect_dma source(%arg14 : memref<128x144xf32, #tpu.memory_space<vmem>>) target(%dma_start3A_162 : memref<10112x144xf32, #tpu.memory_space<vmem_shared>>) offsets(%arg12 : memref<128xi32, #tpu.memory_space<vmem>>) semaphore(%run_scoped3A : memref<!tpu.dma_semaphore, #tpu.memory_space<semaphore_mem>>) {add = true}
        %dma_wait3A_163 = arith.constant 0 : i32
        %dma_wait3A_164 = arith.constant 0 : i32
        %dma_wait3A_165 = tpu.memref_slice %arg15[%dma_wait3A_163, %dma_wait3A_164] : memref<10112x144xf32, #tpu.memory_space<vmem_shared>> -> memref<10112x144xf32, #tpu.memory_space<vmem_shared>>
        tpu.wait_indirect_dma semaphore(%run_scoped3A : memref<!tpu.dma_semaphore, #tpu.memory_space<semaphore_mem>>) src(%arg14 : memref<128x144xf32, #tpu.memory_space<vmem>>) dst(%dma_wait3A_165 : memref<10112x144xf32, #tpu.memory_space<vmem_shared>>)
        tpu.yield
      }) : () -> ()
    }
    %scan3A_10 = arith.constant 81 : i32
    %barrier3A_11 = arith.constant 0 : index
    tpu.barrier barrier_id(%barrier3A_11)
    %mul3A_12 = arith.constant 632 : i32
    %mul3A_13 = arith.muli %arg1, %mul3A_12 : i32
    %mul3A_14 = arith.constant 632 : i32
    %mul3A_15 = arith.muli %arg1, %mul3A_14 : i32
    "tpu.region"() ({
      %run_scoped3A = tpu.sem_alloc : memref<!tpu.dma_semaphore, #tpu.memory_space<semaphore_mem>>
      %dma_start3A = arith.constant 0 : i32
      %dma_start3A_16 = tpu.memref_slice %arg8[%arg0, %mul3A_15, %dma_start3A] : memref<2x10112x144xf32, #tpu.memory_space<hbm>> -> memref<1x632x144xf32, #tpu.memory_space<hbm>>
      %dma_start3A_17 = tpu.memref_squeeze %dma_start3A_16 : memref<1x632x144xf32, #tpu.memory_space<hbm>> -> memref<632x144xf32, #tpu.memory_space<hbm>>
      %dma_start3A_18 = arith.constant 0 : i32
      %dma_start3A_19 = tpu.memref_slice %arg15[%mul3A_13, %dma_start3A_18] : memref<10112x144xf32, #tpu.memory_space<vmem_shared>> -> memref<632x144xf32, #tpu.memory_space<vmem_shared>>
      tpu.enqueue_dma source(%dma_start3A_19 : memref<632x144xf32, #tpu.memory_space<vmem_shared>>) target(%dma_start3A_17 : memref<632x144xf32, #tpu.memory_space<hbm>>) target_semaphore(%run_scoped3A : memref<!tpu.dma_semaphore, #tpu.memory_space<semaphore_mem>>)
      %dma_wait3A = arith.constant 0 : i32
      %dma_wait3A_20 = tpu.memref_slice %arg8[%arg0, %mul3A_15, %dma_wait3A] : memref<2x10112x144xf32, #tpu.memory_space<hbm>> -> memref<1x632x144xf32, #tpu.memory_space<hbm>>
      %dma_wait3A_21 = tpu.memref_squeeze %dma_wait3A_20 : memref<1x632x144xf32, #tpu.memory_space<hbm>> -> memref<632x144xf32, #tpu.memory_space<hbm>>
      %dma_wait3A_22 = arith.constant 0 : i32
      %dma_wait3A_23 = tpu.memref_slice %arg15[%mul3A_13, %dma_wait3A_22] : memref<10112x144xf32, #tpu.memory_space<vmem_shared>> -> memref<632x144xf32, #tpu.memory_space<vmem_shared>>
      tpu.wait_dma2 semaphore(%run_scoped3A : memref<!tpu.dma_semaphore, #tpu.memory_space<semaphore_mem>>) src(%dma_wait3A_23 : memref<632x144xf32, #tpu.memory_space<vmem_shared>>) dst(%dma_wait3A_21 : memref<632x144xf32, #tpu.memory_space<hbm>>)
      tpu.yield
    }) : () -> ()
    return
  }
}

#map = affine_map<(d0, d1) -> (0, 0)>
#map1 = affine_map<(d0, d1) -> (0)>
#map2 = affine_map<(d0, d1) -> (0, 0, 0)>
module attributes {stable_mosaic.version = 14 : i64} {
  func.func @_sc_edge_body(%arg0: i32, %arg1: i32, %arg2: memref<10112x144xf32, #tpu.memory_space<hbm>>, %arg3: memref<10112xf32, #tpu.memory_space<hbm>>, %arg4: memref<10112xf32, #tpu.memory_space<hbm>>, %arg5: memref<331776xi32, #tpu.memory_space<hbm>>, %arg6: memref<331776xi32, #tpu.memory_space<hbm>>, %arg7: memref<632x144xf32, #tpu.memory_space<hbm>>, %arg8: memref<2x10112x144xf32, #tpu.memory_space<hbm>>, %arg9: memref<10112xf32, #tpu.memory_space<vmem>>, %arg10: memref<10112xf32, #tpu.memory_space<vmem>>, %arg11: memref<128xi32, #tpu.memory_space<vmem>>, %arg12: memref<128xi32, #tpu.memory_space<vmem>>, %arg13: memref<128xf32, #tpu.memory_space<vmem>>, %arg14: memref<128x144xf32, #tpu.memory_space<vmem>>, %arg15: memref<10112x144xf32, #tpu.memory_space<vmem_shared>>, %arg16: memref<!tpu.dma_semaphore, #tpu.memory_space<semaphore_mem>>) attributes {dimension_semantics = [#tpu.dimension_semantics<core_parallel>, #tpu.dimension_semantics<subcore_parallel>], iteration_bounds = array<i64: 2, 16>, scalar_prefetch = 0 : i64, scratch_operands = 8 : i64, tpu.core_type = #tpu.core_type<sc_vector_subcore>, window_params = [{transform_indices = #map}, {transform_indices = #map1}, {transform_indices = #map1}, {transform_indices = #map1}, {transform_indices = #map1}, {transform_indices = #map}, {transform_indices = #map2}]} {
    %mul3A = arith.constant 16 : i32
    %mul3A_0 = arith.muli %arg0, %mul3A : i32
    %add3A = arith.addi %mul3A_0, %arg1 : i32
    %mul3A_1 = arith.constant 632 : i32
    %mul3A_2 = arith.muli %arg1, %mul3A_1 : i32
    "tpu.region"() ({
      %run_scoped3A = tpu.sem_alloc : memref<!tpu.dma_semaphore, #tpu.memory_space<semaphore_mem>>
      %dma_start3A = arith.constant 0 : i32
      %dma_start3A_16 = tpu.memref_slice %arg15[%mul3A_2, %dma_start3A] : memref<10112x144xf32, #tpu.memory_space<vmem_shared>> -> memref<632x144xf32, #tpu.memory_space<vmem_shared>>
      tpu.enqueue_dma source(%arg7 : memref<632x144xf32, #tpu.memory_space<hbm>>) target(%dma_start3A_16 : memref<632x144xf32, #tpu.memory_space<vmem_shared>>) target_semaphore(%run_scoped3A : memref<!tpu.dma_semaphore, #tpu.memory_space<semaphore_mem>>)
      %dma_wait3A = arith.constant 0 : i32
      %dma_wait3A_17 = tpu.memref_slice %arg15[%mul3A_2, %dma_wait3A] : memref<10112x144xf32, #tpu.memory_space<vmem_shared>> -> memref<632x144xf32, #tpu.memory_space<vmem_shared>>
      tpu.wait_dma2 semaphore(%run_scoped3A : memref<!tpu.dma_semaphore, #tpu.memory_space<semaphore_mem>>) src(%arg7 : memref<632x144xf32, #tpu.memory_space<hbm>>) dst(%dma_wait3A_17 : memref<632x144xf32, #tpu.memory_space<vmem_shared>>)
      tpu.yield
    }) : () -> ()
    "tpu.region"() ({
      %run_scoped3A = tpu.sem_alloc : memref<!tpu.dma_semaphore, #tpu.memory_space<semaphore_mem>>
      tpu.enqueue_dma source(%arg3 : memref<10112xf32, #tpu.memory_space<hbm>>) target(%arg9 : memref<10112xf32, #tpu.memory_space<vmem>>) target_semaphore(%run_scoped3A : memref<!tpu.dma_semaphore, #tpu.memory_space<semaphore_mem>>)
      tpu.wait_dma2 semaphore(%run_scoped3A : memref<!tpu.dma_semaphore, #tpu.memory_space<semaphore_mem>>) src(%arg3 : memref<10112xf32, #tpu.memory_space<hbm>>) dst(%arg9 : memref<10112xf32, #tpu.memory_space<vmem>>)
      tpu.yield
    }) : () -> ()
    "tpu.region"() ({
      %run_scoped3A = tpu.sem_alloc : memref<!tpu.dma_semaphore, #tpu.memory_space<semaphore_mem>>
      tpu.enqueue_dma source(%arg4 : memref<10112xf32, #tpu.memory_space<hbm>>) target(%arg10 : memref<10112xf32, #tpu.memory_space<vmem>>) target_semaphore(%run_scoped3A : memref<!tpu.dma_semaphore, #tpu.memory_space<semaphore_mem>>)
      tpu.wait_dma2 semaphore(%run_scoped3A : memref<!tpu.dma_semaphore, #tpu.memory_space<semaphore_mem>>) src(%arg4 : memref<10112xf32, #tpu.memory_space<hbm>>) dst(%arg10 : memref<10112xf32, #tpu.memory_space<vmem>>)
      tpu.yield
    }) : () -> ()
    %barrier3A = arith.constant 0 : index
    tpu.barrier barrier_id(%barrier3A)
    %mul3A_3 = arith.constant 10368 : i32
    %mul3A_4 = arith.muli %add3A, %mul3A_3 : i32
    %broadcast_in_dim3A = arith.constant 0 : i32
    %broadcast_in_dim3A_5 = vector.broadcast %broadcast_in_dim3A : i32 to vector<16xi32>
    %scan3A = arith.constant 0 : i32
    %scan3A_6 = arith.constant 0 : i32
    %scan3A_7 = arith.constant 81 : i32
    %scan3A_8 = arith.addi %scan3A_6, %scan3A_7 : i32
    %scan3A_9 = arith.constant 1 : i32
    scf.for %scan3A_16 = %scan3A_6 to %scan3A_8 step %scan3A_9  : i32 {
      %mul3A_17 = arith.constant 128 : i32
      %mul3A_18 = arith.muli %scan3A_16, %mul3A_17 : i32
      %add3A_19 = arith.addi %mul3A_4, %mul3A_18 : i32
      %multiple_of3A = tpu.assume_multiple %add3A_19, 8 : i32
      "tpu.region"() ({
        %run_scoped3A = tpu.sem_alloc : memref<!tpu.dma_semaphore, #tpu.memory_space<semaphore_mem>>
        %dma_start3A_160 = tpu.memref_slice %arg5[%multiple_of3A] : memref<331776xi32, #tpu.memory_space<hbm>> -> memref<128xi32, #tpu.memory_space<hbm>>
        %dma_start3A_161 = tpu.memref_slice %arg5[%multiple_of3A] : memref<331776xi32, #tpu.memory_space<hbm>> -> memref<128xi32, #tpu.memory_space<hbm>>
        tpu.enqueue_dma source(%dma_start3A_161 : memref<128xi32, #tpu.memory_space<hbm>>) target(%arg11 : memref<128xi32, #tpu.memory_space<vmem>>) target_semaphore(%run_scoped3A : memref<!tpu.dma_semaphore, #tpu.memory_space<semaphore_mem>>)
        %dma_wait3A_162 = tpu.memref_slice %arg5[%multiple_of3A] : memref<331776xi32, #tpu.memory_space<hbm>> -> memref<128xi32, #tpu.memory_space<hbm>>
        %dma_wait3A_163 = tpu.memref_slice %arg5[%multiple_of3A] : memref<331776xi32, #tpu.memory_space<hbm>> -> memref<128xi32, #tpu.memory_space<hbm>>
        tpu.wait_dma2 semaphore(%run_scoped3A : memref<!tpu.dma_semaphore, #tpu.memory_space<semaphore_mem>>) src(%dma_wait3A_163 : memref<128xi32, #tpu.memory_space<hbm>>) dst(%arg11 : memref<128xi32, #tpu.memory_space<vmem>>)
        tpu.yield
      }) : () -> ()
      "tpu.region"() ({
        %run_scoped3A = tpu.sem_alloc : memref<!tpu.dma_semaphore, #tpu.memory_space<semaphore_mem>>
        %dma_start3A_160 = tpu.memref_slice %arg6[%multiple_of3A] : memref<331776xi32, #tpu.memory_space<hbm>> -> memref<128xi32, #tpu.memory_space<hbm>>
        %dma_start3A_161 = tpu.memref_slice %arg6[%multiple_of3A] : memref<331776xi32, #tpu.memory_space<hbm>> -> memref<128xi32, #tpu.memory_space<hbm>>
        tpu.enqueue_dma source(%dma_start3A_161 : memref<128xi32, #tpu.memory_space<hbm>>) target(%arg12 : memref<128xi32, #tpu.memory_space<vmem>>) target_semaphore(%run_scoped3A : memref<!tpu.dma_semaphore, #tpu.memory_space<semaphore_mem>>)
        %dma_wait3A_162 = tpu.memref_slice %arg6[%multiple_of3A] : memref<331776xi32, #tpu.memory_space<hbm>> -> memref<128xi32, #tpu.memory_space<hbm>>
        %dma_wait3A_163 = tpu.memref_slice %arg6[%multiple_of3A] : memref<331776xi32, #tpu.memory_space<hbm>> -> memref<128xi32, #tpu.memory_space<hbm>>
        tpu.wait_dma2 semaphore(%run_scoped3A : memref<!tpu.dma_semaphore, #tpu.memory_space<semaphore_mem>>) src(%dma_wait3A_163 : memref<128xi32, #tpu.memory_space<hbm>>) dst(%arg12 : memref<128xi32, #tpu.memory_space<vmem>>)
        tpu.yield
      }) : () -> ()
      %dma_start3A = arith.constant 0 : i32
      %dma_start3A_20 = arith.constant 0 : i32
      %dma_start3A_21 = tpu.memref_slice %arg2[%dma_start3A, %dma_start3A_20] : memref<10112x144xf32, #tpu.memory_space<hbm>> -> memref<10112x144xf32, #tpu.memory_space<hbm>>
      tpu.enqueue_indirect_dma source(%dma_start3A_21 : memref<10112x144xf32, #tpu.memory_space<hbm>>) target(%arg14 : memref<128x144xf32, #tpu.memory_space<vmem>>) offsets(%arg11 : memref<128xi32, #tpu.memory_space<vmem>>) semaphore(%arg16 : memref<!tpu.dma_semaphore, #tpu.memory_space<semaphore_mem>>)
      %get3A = arith.constant 0 : index
      %get3A_22 = tpu.vector_load %arg11[%get3A] {strides = array<i32>} : memref<128xi32, #tpu.memory_space<vmem>>, vector<16xi32>,
      %get3A_23 = arith.constant 0 : index
      %get3A_24 = tpu.vector_load %arg12[%get3A_23] {strides = array<i32>} : memref<128xi32, #tpu.memory_space<vmem>>, vector<16xi32>,
      %gather3A = tpu.vector_load_idx %arg9[%get3A_22] : memref<10112xf32, #tpu.memory_space<vmem>>[vector<16xi32>], vector<16xf32>,
      %gather3A_25 = tpu.vector_load_idx %arg10[%get3A_24] : memref<10112xf32, #tpu.memory_space<vmem>>[vector<16xi32>], vector<16xf32>,
      %add3A_26 = arith.addf %gather3A, %gather3A_25 : vector<16xf32>
      %ge3A = arith.constant 0.000000e+00 : f32
      %ge3A_27 = vector.broadcast %ge3A : f32 to vector<16xf32>
      %ge3A_28 = arith.cmpf oge, %add3A_26, %ge3A_27 : vector<16xf32>
      %mul3A_29 = arith.constant 2.000000e-01 : f32
      %mul3A_30 = vector.broadcast %mul3A_29 : f32 to vector<16xf32>
      %mul3A_31 = arith.mulf %mul3A_30, %add3A_26 : vector<16xf32>
      %select_n3A = arith.select %ge3A_28, %add3A_26, %mul3A_31 : vector<16xi1>, vector<16xf32>
      %exp3A = math.exp %select_n3A : vector<16xf32>
      %swap3A = arith.constant 0 : index
      %swap3A_32 = tpu.vector_load %arg13[%swap3A] {strides = array<i32>} : memref<128xf32, #tpu.memory_space<vmem>>, vector<16xf32>,
      tpu.vector_store %arg13[%swap3A], %exp3A {strides = array<i32>} : memref<128xf32, #tpu.memory_space<vmem>>, vector<16xf32>,
      %get3A_33 = arith.constant 16 : index
      %get3A_34 = tpu.vector_load %arg11[%get3A_33] {strides = array<i32>} : memref<128xi32, #tpu.memory_space<vmem>>, vector<16xi32>,
      %get3A_35 = arith.constant 16 : index
      %get3A_36 = tpu.vector_load %arg12[%get3A_35] {strides = array<i32>} : memref<128xi32, #tpu.memory_space<vmem>>, vector<16xi32>,
      %gather3A_37 = tpu.vector_load_idx %arg9[%get3A_34] : memref<10112xf32, #tpu.memory_space<vmem>>[vector<16xi32>], vector<16xf32>,
      %gather3A_38 = tpu.vector_load_idx %arg10[%get3A_36] : memref<10112xf32, #tpu.memory_space<vmem>>[vector<16xi32>], vector<16xf32>,
      %add3A_39 = arith.addf %gather3A_37, %gather3A_38 : vector<16xf32>
      %ge3A_40 = arith.constant 0.000000e+00 : f32
      %ge3A_41 = vector.broadcast %ge3A_40 : f32 to vector<16xf32>
      %ge3A_42 = arith.cmpf oge, %add3A_39, %ge3A_41 : vector<16xf32>
      %mul3A_43 = arith.constant 2.000000e-01 : f32
      %mul3A_44 = vector.broadcast %mul3A_43 : f32 to vector<16xf32>
      %mul3A_45 = arith.mulf %mul3A_44, %add3A_39 : vector<16xf32>
      %select_n3A_46 = arith.select %ge3A_42, %add3A_39, %mul3A_45 : vector<16xi1>, vector<16xf32>
      %exp3A_47 = math.exp %select_n3A_46 : vector<16xf32>
      %swap3A_48 = arith.constant 16 : index
      %swap3A_49 = tpu.vector_load %arg13[%swap3A_48] {strides = array<i32>} : memref<128xf32, #tpu.memory_space<vmem>>, vector<16xf32>,
      tpu.vector_store %arg13[%swap3A_48], %exp3A_47 {strides = array<i32>} : memref<128xf32, #tpu.memory_space<vmem>>, vector<16xf32>,
      %get3A_50 = arith.constant 32 : index
      %get3A_51 = tpu.vector_load %arg11[%get3A_50] {strides = array<i32>} : memref<128xi32, #tpu.memory_space<vmem>>, vector<16xi32>,
      %get3A_52 = arith.constant 32 : index
      %get3A_53 = tpu.vector_load %arg12[%get3A_52] {strides = array<i32>} : memref<128xi32, #tpu.memory_space<vmem>>, vector<16xi32>,
      %gather3A_54 = tpu.vector_load_idx %arg9[%get3A_51] : memref<10112xf32, #tpu.memory_space<vmem>>[vector<16xi32>], vector<16xf32>,
      %gather3A_55 = tpu.vector_load_idx %arg10[%get3A_53] : memref<10112xf32, #tpu.memory_space<vmem>>[vector<16xi32>], vector<16xf32>,
      %add3A_56 = arith.addf %gather3A_54, %gather3A_55 : vector<16xf32>
      %ge3A_57 = arith.constant 0.000000e+00 : f32
      %ge3A_58 = vector.broadcast %ge3A_57 : f32 to vector<16xf32>
      %ge3A_59 = arith.cmpf oge, %add3A_56, %ge3A_58 : vector<16xf32>
      %mul3A_60 = arith.constant 2.000000e-01 : f32
      %mul3A_61 = vector.broadcast %mul3A_60 : f32 to vector<16xf32>
      %mul3A_62 = arith.mulf %mul3A_61, %add3A_56 : vector<16xf32>
      %select_n3A_63 = arith.select %ge3A_59, %add3A_56, %mul3A_62 : vector<16xi1>, vector<16xf32>
      %exp3A_64 = math.exp %select_n3A_63 : vector<16xf32>
      %swap3A_65 = arith.constant 32 : index
      %swap3A_66 = tpu.vector_load %arg13[%swap3A_65] {strides = array<i32>} : memref<128xf32, #tpu.memory_space<vmem>>, vector<16xf32>,
      tpu.vector_store %arg13[%swap3A_65], %exp3A_64 {strides = array<i32>} : memref<128xf32, #tpu.memory_space<vmem>>, vector<16xf32>,
      %get3A_67 = arith.constant 48 : index
      %get3A_68 = tpu.vector_load %arg11[%get3A_67] {strides = array<i32>} : memref<128xi32, #tpu.memory_space<vmem>>, vector<16xi32>,
      %get3A_69 = arith.constant 48 : index
      %get3A_70 = tpu.vector_load %arg12[%get3A_69] {strides = array<i32>} : memref<128xi32, #tpu.memory_space<vmem>>, vector<16xi32>,
      %gather3A_71 = tpu.vector_load_idx %arg9[%get3A_68] : memref<10112xf32, #tpu.memory_space<vmem>>[vector<16xi32>], vector<16xf32>,
      %gather3A_72 = tpu.vector_load_idx %arg10[%get3A_70] : memref<10112xf32, #tpu.memory_space<vmem>>[vector<16xi32>], vector<16xf32>,
      %add3A_73 = arith.addf %gather3A_71, %gather3A_72 : vector<16xf32>
      %ge3A_74 = arith.constant 0.000000e+00 : f32
      %ge3A_75 = vector.broadcast %ge3A_74 : f32 to vector<16xf32>
      %ge3A_76 = arith.cmpf oge, %add3A_73, %ge3A_75 : vector<16xf32>
      %mul3A_77 = arith.constant 2.000000e-01 : f32
      %mul3A_78 = vector.broadcast %mul3A_77 : f32 to vector<16xf32>
      %mul3A_79 = arith.mulf %mul3A_78, %add3A_73 : vector<16xf32>
      %select_n3A_80 = arith.select %ge3A_76, %add3A_73, %mul3A_79 : vector<16xi1>, vector<16xf32>
      %exp3A_81 = math.exp %select_n3A_80 : vector<16xf32>
      %swap3A_82 = arith.constant 48 : index
      %swap3A_83 = tpu.vector_load %arg13[%swap3A_82] {strides = array<i32>} : memref<128xf32, #tpu.memory_space<vmem>>, vector<16xf32>,
      tpu.vector_store %arg13[%swap3A_82], %exp3A_81 {strides = array<i32>} : memref<128xf32, #tpu.memory_space<vmem>>, vector<16xf32>,
      %get3A_84 = arith.constant 64 : index
      %get3A_85 = tpu.vector_load %arg11[%get3A_84] {strides = array<i32>} : memref<128xi32, #tpu.memory_space<vmem>>, vector<16xi32>,
      %get3A_86 = arith.constant 64 : index
      %get3A_87 = tpu.vector_load %arg12[%get3A_86] {strides = array<i32>} : memref<128xi32, #tpu.memory_space<vmem>>, vector<16xi32>,
      %gather3A_88 = tpu.vector_load_idx %arg9[%get3A_85] : memref<10112xf32, #tpu.memory_space<vmem>>[vector<16xi32>], vector<16xf32>,
      %gather3A_89 = tpu.vector_load_idx %arg10[%get3A_87] : memref<10112xf32, #tpu.memory_space<vmem>>[vector<16xi32>], vector<16xf32>,
      %add3A_90 = arith.addf %gather3A_88, %gather3A_89 : vector<16xf32>
      %ge3A_91 = arith.constant 0.000000e+00 : f32
      %ge3A_92 = vector.broadcast %ge3A_91 : f32 to vector<16xf32>
      %ge3A_93 = arith.cmpf oge, %add3A_90, %ge3A_92 : vector<16xf32>
      %mul3A_94 = arith.constant 2.000000e-01 : f32
      %mul3A_95 = vector.broadcast %mul3A_94 : f32 to vector<16xf32>
      %mul3A_96 = arith.mulf %mul3A_95, %add3A_90 : vector<16xf32>
      %select_n3A_97 = arith.select %ge3A_93, %add3A_90, %mul3A_96 : vector<16xi1>, vector<16xf32>
      %exp3A_98 = math.exp %select_n3A_97 : vector<16xf32>
      %swap3A_99 = arith.constant 64 : index
      %swap3A_100 = tpu.vector_load %arg13[%swap3A_99] {strides = array<i32>} : memref<128xf32, #tpu.memory_space<vmem>>, vector<16xf32>,
      tpu.vector_store %arg13[%swap3A_99], %exp3A_98 {strides = array<i32>} : memref<128xf32, #tpu.memory_space<vmem>>, vector<16xf32>,
      %get3A_101 = arith.constant 80 : index
      %get3A_102 = tpu.vector_load %arg11[%get3A_101] {strides = array<i32>} : memref<128xi32, #tpu.memory_space<vmem>>, vector<16xi32>,
      %get3A_103 = arith.constant 80 : index
      %get3A_104 = tpu.vector_load %arg12[%get3A_103] {strides = array<i32>} : memref<128xi32, #tpu.memory_space<vmem>>, vector<16xi32>,
      %gather3A_105 = tpu.vector_load_idx %arg9[%get3A_102] : memref<10112xf32, #tpu.memory_space<vmem>>[vector<16xi32>], vector<16xf32>,
      %gather3A_106 = tpu.vector_load_idx %arg10[%get3A_104] : memref<10112xf32, #tpu.memory_space<vmem>>[vector<16xi32>], vector<16xf32>,
      %add3A_107 = arith.addf %gather3A_105, %gather3A_106 : vector<16xf32>
      %ge3A_108 = arith.constant 0.000000e+00 : f32
      %ge3A_109 = vector.broadcast %ge3A_108 : f32 to vector<16xf32>
      %ge3A_110 = arith.cmpf oge, %add3A_107, %ge3A_109 : vector<16xf32>
      %mul3A_111 = arith.constant 2.000000e-01 : f32
      %mul3A_112 = vector.broadcast %mul3A_111 : f32 to vector<16xf32>
      %mul3A_113 = arith.mulf %mul3A_112, %add3A_107 : vector<16xf32>
      %select_n3A_114 = arith.select %ge3A_110, %add3A_107, %mul3A_113 : vector<16xi1>, vector<16xf32>
      %exp3A_115 = math.exp %select_n3A_114 : vector<16xf32>
      %swap3A_116 = arith.constant 80 : index
      %swap3A_117 = tpu.vector_load %arg13[%swap3A_116] {strides = array<i32>} : memref<128xf32, #tpu.memory_space<vmem>>, vector<16xf32>,
      tpu.vector_store %arg13[%swap3A_116], %exp3A_115 {strides = array<i32>} : memref<128xf32, #tpu.memory_space<vmem>>, vector<16xf32>,
      %get3A_118 = arith.constant 96 : index
      %get3A_119 = tpu.vector_load %arg11[%get3A_118] {strides = array<i32>} : memref<128xi32, #tpu.memory_space<vmem>>, vector<16xi32>,
      %get3A_120 = arith.constant 96 : index
      %get3A_121 = tpu.vector_load %arg12[%get3A_120] {strides = array<i32>} : memref<128xi32, #tpu.memory_space<vmem>>, vector<16xi32>,
      %gather3A_122 = tpu.vector_load_idx %arg9[%get3A_119] : memref<10112xf32, #tpu.memory_space<vmem>>[vector<16xi32>], vector<16xf32>,
      %gather3A_123 = tpu.vector_load_idx %arg10[%get3A_121] : memref<10112xf32, #tpu.memory_space<vmem>>[vector<16xi32>], vector<16xf32>,
      %add3A_124 = arith.addf %gather3A_122, %gather3A_123 : vector<16xf32>
      %ge3A_125 = arith.constant 0.000000e+00 : f32
      %ge3A_126 = vector.broadcast %ge3A_125 : f32 to vector<16xf32>
      %ge3A_127 = arith.cmpf oge, %add3A_124, %ge3A_126 : vector<16xf32>
      %mul3A_128 = arith.constant 2.000000e-01 : f32
      %mul3A_129 = vector.broadcast %mul3A_128 : f32 to vector<16xf32>
      %mul3A_130 = arith.mulf %mul3A_129, %add3A_124 : vector<16xf32>
      %select_n3A_131 = arith.select %ge3A_127, %add3A_124, %mul3A_130 : vector<16xi1>, vector<16xf32>
      %exp3A_132 = math.exp %select_n3A_131 : vector<16xf32>
      %swap3A_133 = arith.constant 96 : index
      %swap3A_134 = tpu.vector_load %arg13[%swap3A_133] {strides = array<i32>} : memref<128xf32, #tpu.memory_space<vmem>>, vector<16xf32>,
      tpu.vector_store %arg13[%swap3A_133], %exp3A_132 {strides = array<i32>} : memref<128xf32, #tpu.memory_space<vmem>>, vector<16xf32>,
      %get3A_135 = arith.constant 112 : index
      %get3A_136 = tpu.vector_load %arg11[%get3A_135] {strides = array<i32>} : memref<128xi32, #tpu.memory_space<vmem>>, vector<16xi32>,
      %get3A_137 = arith.constant 112 : index
      %get3A_138 = tpu.vector_load %arg12[%get3A_137] {strides = array<i32>} : memref<128xi32, #tpu.memory_space<vmem>>, vector<16xi32>,
      %gather3A_139 = tpu.vector_load_idx %arg9[%get3A_136] : memref<10112xf32, #tpu.memory_space<vmem>>[vector<16xi32>], vector<16xf32>,
      %gather3A_140 = tpu.vector_load_idx %arg10[%get3A_138] : memref<10112xf32, #tpu.memory_space<vmem>>[vector<16xi32>], vector<16xf32>,
      %add3A_141 = arith.addf %gather3A_139, %gather3A_140 : vector<16xf32>
      %ge3A_142 = arith.constant 0.000000e+00 : f32
      %ge3A_143 = vector.broadcast %ge3A_142 : f32 to vector<16xf32>
      %ge3A_144 = arith.cmpf oge, %add3A_141, %ge3A_143 : vector<16xf32>
      %mul3A_145 = arith.constant 2.000000e-01 : f32
      %mul3A_146 = vector.broadcast %mul3A_145 : f32 to vector<16xf32>
      %mul3A_147 = arith.mulf %mul3A_146, %add3A_141 : vector<16xf32>
      %select_n3A_148 = arith.select %ge3A_144, %add3A_141, %mul3A_147 : vector<16xi1>, vector<16xf32>
      %exp3A_149 = math.exp %select_n3A_148 : vector<16xf32>
      %swap3A_150 = arith.constant 112 : index
      %swap3A_151 = tpu.vector_load %arg13[%swap3A_150] {strides = array<i32>} : memref<128xf32, #tpu.memory_space<vmem>>, vector<16xf32>,
      tpu.vector_store %arg13[%swap3A_150], %exp3A_149 {strides = array<i32>} : memref<128xf32, #tpu.memory_space<vmem>>, vector<16xf32>,
      %dma_wait3A = arith.constant 0 : i32
      %dma_wait3A_152 = arith.constant 0 : i32
      %dma_wait3A_153 = tpu.memref_slice %arg2[%dma_wait3A, %dma_wait3A_152] : memref<10112x144xf32, #tpu.memory_space<hbm>> -> memref<10112x144xf32, #tpu.memory_space<hbm>>
      tpu.wait_indirect_dma semaphore(%arg16 : memref<!tpu.dma_semaphore, #tpu.memory_space<semaphore_mem>>) src(%dma_wait3A_153 : memref<10112x144xf32, #tpu.memory_space<hbm>>) dst(%arg14 : memref<128x144xf32, #tpu.memory_space<vmem>>)
      %scan3A_154 = arith.constant 0 : i32
      %scan3A_155 = arith.constant 0 : i32
      %scan3A_156 = arith.constant 128 : i32
      %scan3A_157 = arith.addi %scan3A_155, %scan3A_156 : i32
      %scan3A_158 = arith.constant 1 : i32
      scf.for %scan3A_160 = %scan3A_155 to %scan3A_157 step %scan3A_158  : i32 {
        %add3A_161 = vector.broadcast %scan3A_160 : i32 to vector<16xi32>
        %add3A_162 = arith.addi %broadcast_in_dim3A_5, %add3A_161 : vector<16xi32>
        %gather3A_163 = tpu.vector_load_idx %arg13[%add3A_162] : memref<128xf32, #tpu.memory_space<vmem>>[vector<16xi32>], vector<16xf32>,
        %get3A_164 = arith.index_cast %scan3A_160 : i32 to index
        %get3A_165 = arith.constant 0 : index
        %get3A_166 = tpu.vector_load %arg14[%get3A_164, %get3A_165] {strides = array<i32>} : memref<128x144xf32, #tpu.memory_space<vmem>>, vector<16xf32>,
        %mul3A_167 = arith.mulf %get3A_166, %gather3A_163 : vector<16xf32>
        %swap3A_168 = arith.index_cast %scan3A_160 : i32 to index
        %swap3A_169 = arith.constant 0 : index
        %swap3A_170 = tpu.vector_load %arg14[%swap3A_168, %swap3A_169] {strides = array<i32>} : memref<128x144xf32, #tpu.memory_space<vmem>>, vector<16xf32>,
        tpu.vector_store %arg14[%swap3A_168, %swap3A_169], %mul3A_167 {strides = array<i32>} : memref<128x144xf32, #tpu.memory_space<vmem>>, vector<16xf32>,
        %get3A_171 = arith.index_cast %scan3A_160 : i32 to index
        %get3A_172 = arith.constant 16 : index
        %get3A_173 = tpu.vector_load %arg14[%get3A_171, %get3A_172] {strides = array<i32>} : memref<128x144xf32, #tpu.memory_space<vmem>>, vector<16xf32>,
        %mul3A_174 = arith.mulf %get3A_173, %gather3A_163 : vector<16xf32>
        %swap3A_175 = arith.index_cast %scan3A_160 : i32 to index
        %swap3A_176 = arith.constant 16 : index
        %swap3A_177 = tpu.vector_load %arg14[%swap3A_175, %swap3A_176] {strides = array<i32>} : memref<128x144xf32, #tpu.memory_space<vmem>>, vector<16xf32>,
        tpu.vector_store %arg14[%swap3A_175, %swap3A_176], %mul3A_174 {strides = array<i32>} : memref<128x144xf32, #tpu.memory_space<vmem>>, vector<16xf32>,
        %get3A_178 = arith.index_cast %scan3A_160 : i32 to index
        %get3A_179 = arith.constant 32 : index
        %get3A_180 = tpu.vector_load %arg14[%get3A_178, %get3A_179] {strides = array<i32>} : memref<128x144xf32, #tpu.memory_space<vmem>>, vector<16xf32>,
        %mul3A_181 = arith.mulf %get3A_180, %gather3A_163 : vector<16xf32>
        %swap3A_182 = arith.index_cast %scan3A_160 : i32 to index
        %swap3A_183 = arith.constant 32 : index
        %swap3A_184 = tpu.vector_load %arg14[%swap3A_182, %swap3A_183] {strides = array<i32>} : memref<128x144xf32, #tpu.memory_space<vmem>>, vector<16xf32>,
        tpu.vector_store %arg14[%swap3A_182, %swap3A_183], %mul3A_181 {strides = array<i32>} : memref<128x144xf32, #tpu.memory_space<vmem>>, vector<16xf32>,
        %get3A_185 = arith.index_cast %scan3A_160 : i32 to index
        %get3A_186 = arith.constant 48 : index
        %get3A_187 = tpu.vector_load %arg14[%get3A_185, %get3A_186] {strides = array<i32>} : memref<128x144xf32, #tpu.memory_space<vmem>>, vector<16xf32>,
        %mul3A_188 = arith.mulf %get3A_187, %gather3A_163 : vector<16xf32>
        %swap3A_189 = arith.index_cast %scan3A_160 : i32 to index
        %swap3A_190 = arith.constant 48 : index
        %swap3A_191 = tpu.vector_load %arg14[%swap3A_189, %swap3A_190] {strides = array<i32>} : memref<128x144xf32, #tpu.memory_space<vmem>>, vector<16xf32>,
        tpu.vector_store %arg14[%swap3A_189, %swap3A_190], %mul3A_188 {strides = array<i32>} : memref<128x144xf32, #tpu.memory_space<vmem>>, vector<16xf32>,
        %get3A_192 = arith.index_cast %scan3A_160 : i32 to index
        %get3A_193 = arith.constant 64 : index
        %get3A_194 = tpu.vector_load %arg14[%get3A_192, %get3A_193] {strides = array<i32>} : memref<128x144xf32, #tpu.memory_space<vmem>>, vector<16xf32>,
        %mul3A_195 = arith.mulf %get3A_194, %gather3A_163 : vector<16xf32>
        %swap3A_196 = arith.index_cast %scan3A_160 : i32 to index
        %swap3A_197 = arith.constant 64 : index
        %swap3A_198 = tpu.vector_load %arg14[%swap3A_196, %swap3A_197] {strides = array<i32>} : memref<128x144xf32, #tpu.memory_space<vmem>>, vector<16xf32>,
        tpu.vector_store %arg14[%swap3A_196, %swap3A_197], %mul3A_195 {strides = array<i32>} : memref<128x144xf32, #tpu.memory_space<vmem>>, vector<16xf32>,
        %get3A_199 = arith.index_cast %scan3A_160 : i32 to index
        %get3A_200 = arith.constant 80 : index
        %get3A_201 = tpu.vector_load %arg14[%get3A_199, %get3A_200] {strides = array<i32>} : memref<128x144xf32, #tpu.memory_space<vmem>>, vector<16xf32>,
        %mul3A_202 = arith.mulf %get3A_201, %gather3A_163 : vector<16xf32>
        %swap3A_203 = arith.index_cast %scan3A_160 : i32 to index
        %swap3A_204 = arith.constant 80 : index
        %swap3A_205 = tpu.vector_load %arg14[%swap3A_203, %swap3A_204] {strides = array<i32>} : memref<128x144xf32, #tpu.memory_space<vmem>>, vector<16xf32>,
        tpu.vector_store %arg14[%swap3A_203, %swap3A_204], %mul3A_202 {strides = array<i32>} : memref<128x144xf32, #tpu.memory_space<vmem>>, vector<16xf32>,
        %get3A_206 = arith.index_cast %scan3A_160 : i32 to index
        %get3A_207 = arith.constant 96 : index
        %get3A_208 = tpu.vector_load %arg14[%get3A_206, %get3A_207] {strides = array<i32>} : memref<128x144xf32, #tpu.memory_space<vmem>>, vector<16xf32>,
        %mul3A_209 = arith.mulf %get3A_208, %gather3A_163 : vector<16xf32>
        %swap3A_210 = arith.index_cast %scan3A_160 : i32 to index
        %swap3A_211 = arith.constant 96 : index
        %swap3A_212 = tpu.vector_load %arg14[%swap3A_210, %swap3A_211] {strides = array<i32>} : memref<128x144xf32, #tpu.memory_space<vmem>>, vector<16xf32>,
        tpu.vector_store %arg14[%swap3A_210, %swap3A_211], %mul3A_209 {strides = array<i32>} : memref<128x144xf32, #tpu.memory_space<vmem>>, vector<16xf32>,
        %get3A_213 = arith.index_cast %scan3A_160 : i32 to index
        %get3A_214 = arith.constant 112 : index
        %get3A_215 = tpu.vector_load %arg14[%get3A_213, %get3A_214] {strides = array<i32>} : memref<128x144xf32, #tpu.memory_space<vmem>>, vector<16xf32>,
        %mul3A_216 = arith.mulf %get3A_215, %gather3A_163 : vector<16xf32>
        %swap3A_217 = arith.index_cast %scan3A_160 : i32 to index
        %swap3A_218 = arith.constant 112 : index
        %swap3A_219 = tpu.vector_load %arg14[%swap3A_217, %swap3A_218] {strides = array<i32>} : memref<128x144xf32, #tpu.memory_space<vmem>>, vector<16xf32>,
        tpu.vector_store %arg14[%swap3A_217, %swap3A_218], %mul3A_216 {strides = array<i32>} : memref<128x144xf32, #tpu.memory_space<vmem>>, vector<16xf32>,
        %get3A_220 = arith.index_cast %scan3A_160 : i32 to index
        %get3A_221 = arith.constant 128 : index
        %get3A_222 = tpu.vector_load %arg14[%get3A_220, %get3A_221] {strides = array<i32>} : memref<128x144xf32, #tpu.memory_space<vmem>>, vector<16xf32>,
        %mul3A_223 = arith.mulf %get3A_222, %gather3A_163 : vector<16xf32>
        %swap3A_224 = arith.index_cast %scan3A_160 : i32 to index
        %swap3A_225 = arith.constant 128 : index
        %swap3A_226 = tpu.vector_load %arg14[%swap3A_224, %swap3A_225] {strides = array<i32>} : memref<128x144xf32, #tpu.memory_space<vmem>>, vector<16xf32>,
        tpu.vector_store %arg14[%swap3A_224, %swap3A_225], %mul3A_223 {strides = array<i32>} : memref<128x144xf32, #tpu.memory_space<vmem>>, vector<16xf32>,
      }
      %scan3A_159 = arith.constant 128 : i32
      "tpu.region"() ({
        %run_scoped3A = tpu.sem_alloc : memref<!tpu.dma_semaphore, #tpu.memory_space<semaphore_mem>>
        %dma_start3A_160 = arith.constant 0 : i32
        %dma_start3A_161 = arith.constant 0 : i32
        %dma_start3A_162 = tpu.memref_slice %arg15[%dma_start3A_160, %dma_start3A_161] : memref<10112x144xf32, #tpu.memory_space<vmem_shared>> -> memref<10112x144xf32, #tpu.memory_space<vmem_shared>>
        tpu.enqueue_indirect_dma source(%arg14 : memref<128x144xf32, #tpu.memory_space<vmem>>) target(%dma_start3A_162 : memref<10112x144xf32, #tpu.memory_space<vmem_shared>>) offsets(%arg12 : memref<128xi32, #tpu.memory_space<vmem>>) semaphore(%run_scoped3A : memref<!tpu.dma_semaphore, #tpu.memory_space<semaphore_mem>>) {add = true}
        %dma_wait3A_163 = arith.constant 0 : i32
        %dma_wait3A_164 = arith.constant 0 : i32
        %dma_wait3A_165 = tpu.memref_slice %arg15[%dma_wait3A_163, %dma_wait3A_164] : memref<10112x144xf32, #tpu.memory_space<vmem_shared>> -> memref<10112x144xf32, #tpu.memory_space<vmem_shared>>
        tpu.wait_indirect_dma semaphore(%run_scoped3A : memref<!tpu.dma_semaphore, #tpu.memory_space<semaphore_mem>>) src(%arg14 : memref<128x144xf32, #tpu.memory_space<vmem>>) dst(%dma_wait3A_165 : memref<10112x144xf32, #tpu.memory_space<vmem_shared>>)
        tpu.yield
      }) : () -> ()
    }
    %scan3A_10 = arith.constant 81 : i32
    %barrier3A_11 = arith.constant 0 : index
    tpu.barrier barrier_id(%barrier3A_11)
    %mul3A_12 = arith.constant 632 : i32
    %mul3A_13 = arith.muli %arg1, %mul3A_12 : i32
    %mul3A_14 = arith.constant 632 : i32
    %mul3A_15 = arith.muli %arg1, %mul3A_14 : i32
    "tpu.region"() ({
      %run_scoped3A = tpu.sem_alloc : memref<!tpu.dma_semaphore, #tpu.memory_space<semaphore_mem>>
      %dma_start3A = arith.constant 0 : i32
      %dma_start3A_16 = tpu.memref_slice %arg8[%arg0, %mul3A_15, %dma_start3A] : memref<2x10112x144xf32, #tpu.memory_space<hbm>> -> memref<1x632x144xf32, #tpu.memory_space<hbm>>
      %dma_start3A_17 = tpu.memref_squeeze %dma_start3A_16 : memref<1x632x144xf32, #tpu.memory_space<hbm>> -> memref<632x144xf32, #tpu.memory_space<hbm>>
      %dma_start3A_18 = arith.constant 0 : i32
      %dma_start3A_19 = tpu.memref_slice %arg15[%mul3A_13, %dma_start3A_18] : memref<10112x144xf32, #tpu.memory_space<vmem_shared>> -> memref<632x144xf32, #tpu.memory_space<vmem_shared>>
      tpu.enqueue_dma source(%dma_start3A_19 : memref<632x144xf32, #tpu.memory_space<vmem_shared>>) target(%dma_start3A_17 : memref<632x144xf32, #tpu.memory_space<hbm>>) target_semaphore(%run_scoped3A : memref<!tpu.dma_semaphore, #tpu.memory_space<semaphore_mem>>)
      %dma_wait3A = arith.constant 0 : i32
      %dma_wait3A_20 = tpu.memref_slice %arg8[%arg0, %mul3A_15, %dma_wait3A] : memref<2x10112x144xf32, #tpu.memory_space<hbm>> -> memref<1x632x144xf32, #tpu.memory_space<hbm>>
      %dma_wait3A_21 = tpu.memref_squeeze %dma_wait3A_20 : memref<1x632x144xf32, #tpu.memory_space<hbm>> -> memref<632x144xf32, #tpu.memory_space<hbm>>
      %dma_wait3A_22 = arith.constant 0 : i32
      %dma_wait3A_23 = tpu.memref_slice %arg15[%mul3A_13, %dma_wait3A_22] : memref<10112x144xf32, #tpu.memory_space<vmem_shared>> -> memref<632x144xf32, #tpu.memory_space<vmem_shared>>
      tpu.wait_dma2 semaphore(%run_scoped3A : memref<!tpu.dma_semaphore, #tpu.memory_space<semaphore_mem>>) src(%dma_wait3A_23 : memref<632x144xf32, #tpu.memory_space<vmem_shared>>) dst(%dma_wait3A_21 : memref<632x144xf32, #tpu.memory_space<hbm>>)
      tpu.yield
    }) : () -> ()
    return
  }
}

#map = affine_map<(d0, d1) -> (0, 0)>
#map1 = affine_map<(d0, d1) -> (0)>
#map2 = affine_map<(d0, d1) -> (0, 0, 0)>
module attributes {stable_mosaic.version = 14 : i64} {
  func.func @_sc_edge_body(%arg0: i32, %arg1: i32, %arg2: memref<10112x144xf32, #tpu.memory_space<hbm>>, %arg3: memref<10112xf32, #tpu.memory_space<hbm>>, %arg4: memref<10112xf32, #tpu.memory_space<hbm>>, %arg5: memref<331776xi32, #tpu.memory_space<hbm>>, %arg6: memref<331776xi32, #tpu.memory_space<hbm>>, %arg7: memref<632x144xf32, #tpu.memory_space<hbm>>, %arg8: memref<2x10112x144xf32, #tpu.memory_space<hbm>>, %arg9: memref<10112xf32, #tpu.memory_space<vmem>>, %arg10: memref<10112xf32, #tpu.memory_space<vmem>>, %arg11: memref<128xi32, #tpu.memory_space<vmem>>, %arg12: memref<128xi32, #tpu.memory_space<vmem>>, %arg13: memref<128xf32, #tpu.memory_space<vmem>>, %arg14: memref<128x144xf32, #tpu.memory_space<vmem>>, %arg15: memref<10112x144xf32, #tpu.memory_space<vmem_shared>>, %arg16: memref<!tpu.dma_semaphore, #tpu.memory_space<semaphore_mem>>) attributes {dimension_semantics = [#tpu.dimension_semantics<core_parallel>, #tpu.dimension_semantics<subcore_parallel>], iteration_bounds = array<i64: 2, 16>, scalar_prefetch = 0 : i64, scratch_operands = 8 : i64, tpu.core_type = #tpu.core_type<sc_vector_subcore>, window_params = [{transform_indices = #map}, {transform_indices = #map1}, {transform_indices = #map1}, {transform_indices = #map1}, {transform_indices = #map1}, {transform_indices = #map}, {transform_indices = #map2}]} {
    %mul3A = arith.constant 16 : i32
    %mul3A_0 = arith.muli %arg0, %mul3A : i32
    %add3A = arith.addi %mul3A_0, %arg1 : i32
    %mul3A_1 = arith.constant 632 : i32
    %mul3A_2 = arith.muli %arg1, %mul3A_1 : i32
    "tpu.region"() ({
      %run_scoped3A = tpu.sem_alloc : memref<!tpu.dma_semaphore, #tpu.memory_space<semaphore_mem>>
      %dma_start3A = arith.constant 0 : i32
      %dma_start3A_16 = tpu.memref_slice %arg15[%mul3A_2, %dma_start3A] : memref<10112x144xf32, #tpu.memory_space<vmem_shared>> -> memref<632x144xf32, #tpu.memory_space<vmem_shared>>
      tpu.enqueue_dma source(%arg7 : memref<632x144xf32, #tpu.memory_space<hbm>>) target(%dma_start3A_16 : memref<632x144xf32, #tpu.memory_space<vmem_shared>>) target_semaphore(%run_scoped3A : memref<!tpu.dma_semaphore, #tpu.memory_space<semaphore_mem>>)
      %dma_wait3A = arith.constant 0 : i32
      %dma_wait3A_17 = tpu.memref_slice %arg15[%mul3A_2, %dma_wait3A] : memref<10112x144xf32, #tpu.memory_space<vmem_shared>> -> memref<632x144xf32, #tpu.memory_space<vmem_shared>>
      tpu.wait_dma2 semaphore(%run_scoped3A : memref<!tpu.dma_semaphore, #tpu.memory_space<semaphore_mem>>) src(%arg7 : memref<632x144xf32, #tpu.memory_space<hbm>>) dst(%dma_wait3A_17 : memref<632x144xf32, #tpu.memory_space<vmem_shared>>)
      tpu.yield
    }) : () -> ()
    "tpu.region"() ({
      %run_scoped3A = tpu.sem_alloc : memref<!tpu.dma_semaphore, #tpu.memory_space<semaphore_mem>>
      tpu.enqueue_dma source(%arg3 : memref<10112xf32, #tpu.memory_space<hbm>>) target(%arg9 : memref<10112xf32, #tpu.memory_space<vmem>>) target_semaphore(%run_scoped3A : memref<!tpu.dma_semaphore, #tpu.memory_space<semaphore_mem>>)
      tpu.wait_dma2 semaphore(%run_scoped3A : memref<!tpu.dma_semaphore, #tpu.memory_space<semaphore_mem>>) src(%arg3 : memref<10112xf32, #tpu.memory_space<hbm>>) dst(%arg9 : memref<10112xf32, #tpu.memory_space<vmem>>)
      tpu.yield
    }) : () -> ()
    "tpu.region"() ({
      %run_scoped3A = tpu.sem_alloc : memref<!tpu.dma_semaphore, #tpu.memory_space<semaphore_mem>>
      tpu.enqueue_dma source(%arg4 : memref<10112xf32, #tpu.memory_space<hbm>>) target(%arg10 : memref<10112xf32, #tpu.memory_space<vmem>>) target_semaphore(%run_scoped3A : memref<!tpu.dma_semaphore, #tpu.memory_space<semaphore_mem>>)
      tpu.wait_dma2 semaphore(%run_scoped3A : memref<!tpu.dma_semaphore, #tpu.memory_space<semaphore_mem>>) src(%arg4 : memref<10112xf32, #tpu.memory_space<hbm>>) dst(%arg10 : memref<10112xf32, #tpu.memory_space<vmem>>)
      tpu.yield
    }) : () -> ()
    %barrier3A = arith.constant 0 : index
    tpu.barrier barrier_id(%barrier3A)
    %mul3A_3 = arith.constant 10368 : i32
    %mul3A_4 = arith.muli %add3A, %mul3A_3 : i32
    %broadcast_in_dim3A = arith.constant 0 : i32
    %broadcast_in_dim3A_5 = vector.broadcast %broadcast_in_dim3A : i32 to vector<16xi32>
    %scan3A = arith.constant 0 : i32
    %scan3A_6 = arith.constant 0 : i32
    %scan3A_7 = arith.constant 81 : i32
    %scan3A_8 = arith.addi %scan3A_6, %scan3A_7 : i32
    %scan3A_9 = arith.constant 1 : i32
    scf.for %scan3A_16 = %scan3A_6 to %scan3A_8 step %scan3A_9  : i32 {
      %mul3A_17 = arith.constant 128 : i32
      %mul3A_18 = arith.muli %scan3A_16, %mul3A_17 : i32
      %add3A_19 = arith.addi %mul3A_4, %mul3A_18 : i32
      %multiple_of3A = tpu.assume_multiple %add3A_19, 8 : i32
      "tpu.region"() ({
        %run_scoped3A = tpu.sem_alloc : memref<!tpu.dma_semaphore, #tpu.memory_space<semaphore_mem>>
        %dma_start3A_160 = tpu.memref_slice %arg5[%multiple_of3A] : memref<331776xi32, #tpu.memory_space<hbm>> -> memref<128xi32, #tpu.memory_space<hbm>>
        %dma_start3A_161 = tpu.memref_slice %arg5[%multiple_of3A] : memref<331776xi32, #tpu.memory_space<hbm>> -> memref<128xi32, #tpu.memory_space<hbm>>
        tpu.enqueue_dma source(%dma_start3A_161 : memref<128xi32, #tpu.memory_space<hbm>>) target(%arg11 : memref<128xi32, #tpu.memory_space<vmem>>) target_semaphore(%run_scoped3A : memref<!tpu.dma_semaphore, #tpu.memory_space<semaphore_mem>>)
        %dma_wait3A_162 = tpu.memref_slice %arg5[%multiple_of3A] : memref<331776xi32, #tpu.memory_space<hbm>> -> memref<128xi32, #tpu.memory_space<hbm>>
        %dma_wait3A_163 = tpu.memref_slice %arg5[%multiple_of3A] : memref<331776xi32, #tpu.memory_space<hbm>> -> memref<128xi32, #tpu.memory_space<hbm>>
        tpu.wait_dma2 semaphore(%run_scoped3A : memref<!tpu.dma_semaphore, #tpu.memory_space<semaphore_mem>>) src(%dma_wait3A_163 : memref<128xi32, #tpu.memory_space<hbm>>) dst(%arg11 : memref<128xi32, #tpu.memory_space<vmem>>)
        tpu.yield
      }) : () -> ()
      "tpu.region"() ({
        %run_scoped3A = tpu.sem_alloc : memref<!tpu.dma_semaphore, #tpu.memory_space<semaphore_mem>>
        %dma_start3A_160 = tpu.memref_slice %arg6[%multiple_of3A] : memref<331776xi32, #tpu.memory_space<hbm>> -> memref<128xi32, #tpu.memory_space<hbm>>
        %dma_start3A_161 = tpu.memref_slice %arg6[%multiple_of3A] : memref<331776xi32, #tpu.memory_space<hbm>> -> memref<128xi32, #tpu.memory_space<hbm>>
        tpu.enqueue_dma source(%dma_start3A_161 : memref<128xi32, #tpu.memory_space<hbm>>) target(%arg12 : memref<128xi32, #tpu.memory_space<vmem>>) target_semaphore(%run_scoped3A : memref<!tpu.dma_semaphore, #tpu.memory_space<semaphore_mem>>)
        %dma_wait3A_162 = tpu.memref_slice %arg6[%multiple_of3A] : memref<331776xi32, #tpu.memory_space<hbm>> -> memref<128xi32, #tpu.memory_space<hbm>>
        %dma_wait3A_163 = tpu.memref_slice %arg6[%multiple_of3A] : memref<331776xi32, #tpu.memory_space<hbm>> -> memref<128xi32, #tpu.memory_space<hbm>>
        tpu.wait_dma2 semaphore(%run_scoped3A : memref<!tpu.dma_semaphore, #tpu.memory_space<semaphore_mem>>) src(%dma_wait3A_163 : memref<128xi32, #tpu.memory_space<hbm>>) dst(%arg12 : memref<128xi32, #tpu.memory_space<vmem>>)
        tpu.yield
      }) : () -> ()
      %dma_start3A = arith.constant 0 : i32
      %dma_start3A_20 = arith.constant 0 : i32
      %dma_start3A_21 = tpu.memref_slice %arg2[%dma_start3A, %dma_start3A_20] : memref<10112x144xf32, #tpu.memory_space<hbm>> -> memref<10112x144xf32, #tpu.memory_space<hbm>>
      tpu.enqueue_indirect_dma source(%dma_start3A_21 : memref<10112x144xf32, #tpu.memory_space<hbm>>) target(%arg14 : memref<128x144xf32, #tpu.memory_space<vmem>>) offsets(%arg11 : memref<128xi32, #tpu.memory_space<vmem>>) semaphore(%arg16 : memref<!tpu.dma_semaphore, #tpu.memory_space<semaphore_mem>>)
      %get3A = arith.constant 0 : index
      %get3A_22 = tpu.vector_load %arg11[%get3A] {strides = array<i32>} : memref<128xi32, #tpu.memory_space<vmem>>, vector<16xi32>,
      %get3A_23 = arith.constant 0 : index
      %get3A_24 = tpu.vector_load %arg12[%get3A_23] {strides = array<i32>} : memref<128xi32, #tpu.memory_space<vmem>>, vector<16xi32>,
      %gather3A = tpu.vector_load_idx %arg9[%get3A_22] : memref<10112xf32, #tpu.memory_space<vmem>>[vector<16xi32>], vector<16xf32>,
      %gather3A_25 = tpu.vector_load_idx %arg10[%get3A_24] : memref<10112xf32, #tpu.memory_space<vmem>>[vector<16xi32>], vector<16xf32>,
      %add3A_26 = arith.addf %gather3A, %gather3A_25 : vector<16xf32>
      %ge3A = arith.constant 0.000000e+00 : f32
      %ge3A_27 = vector.broadcast %ge3A : f32 to vector<16xf32>
      %ge3A_28 = arith.cmpf oge, %add3A_26, %ge3A_27 : vector<16xf32>
      %mul3A_29 = arith.constant 2.000000e-01 : f32
      %mul3A_30 = vector.broadcast %mul3A_29 : f32 to vector<16xf32>
      %mul3A_31 = arith.mulf %mul3A_30, %add3A_26 : vector<16xf32>
      %select_n3A = arith.select %ge3A_28, %add3A_26, %mul3A_31 : vector<16xi1>, vector<16xf32>
      %exp3A = math.exp %select_n3A : vector<16xf32>
      %swap3A = arith.constant 0 : index
      %swap3A_32 = tpu.vector_load %arg13[%swap3A] {strides = array<i32>} : memref<128xf32, #tpu.memory_space<vmem>>, vector<16xf32>,
      tpu.vector_store %arg13[%swap3A], %exp3A {strides = array<i32>} : memref<128xf32, #tpu.memory_space<vmem>>, vector<16xf32>,
      %get3A_33 = arith.constant 16 : index
      %get3A_34 = tpu.vector_load %arg11[%get3A_33] {strides = array<i32>} : memref<128xi32, #tpu.memory_space<vmem>>, vector<16xi32>,
      %get3A_35 = arith.constant 16 : index
      %get3A_36 = tpu.vector_load %arg12[%get3A_35] {strides = array<i32>} : memref<128xi32, #tpu.memory_space<vmem>>, vector<16xi32>,
      %gather3A_37 = tpu.vector_load_idx %arg9[%get3A_34] : memref<10112xf32, #tpu.memory_space<vmem>>[vector<16xi32>], vector<16xf32>,
      %gather3A_38 = tpu.vector_load_idx %arg10[%get3A_36] : memref<10112xf32, #tpu.memory_space<vmem>>[vector<16xi32>], vector<16xf32>,
      %add3A_39 = arith.addf %gather3A_37, %gather3A_38 : vector<16xf32>
      %ge3A_40 = arith.constant 0.000000e+00 : f32
      %ge3A_41 = vector.broadcast %ge3A_40 : f32 to vector<16xf32>
      %ge3A_42 = arith.cmpf oge, %add3A_39, %ge3A_41 : vector<16xf32>
      %mul3A_43 = arith.constant 2.000000e-01 : f32
      %mul3A_44 = vector.broadcast %mul3A_43 : f32 to vector<16xf32>
      %mul3A_45 = arith.mulf %mul3A_44, %add3A_39 : vector<16xf32>
      %select_n3A_46 = arith.select %ge3A_42, %add3A_39, %mul3A_45 : vector<16xi1>, vector<16xf32>
      %exp3A_47 = math.exp %select_n3A_46 : vector<16xf32>
      %swap3A_48 = arith.constant 16 : index
      %swap3A_49 = tpu.vector_load %arg13[%swap3A_48] {strides = array<i32>} : memref<128xf32, #tpu.memory_space<vmem>>, vector<16xf32>,
      tpu.vector_store %arg13[%swap3A_48], %exp3A_47 {strides = array<i32>} : memref<128xf32, #tpu.memory_space<vmem>>, vector<16xf32>,
      %get3A_50 = arith.constant 32 : index
      %get3A_51 = tpu.vector_load %arg11[%get3A_50] {strides = array<i32>} : memref<128xi32, #tpu.memory_space<vmem>>, vector<16xi32>,
      %get3A_52 = arith.constant 32 : index
      %get3A_53 = tpu.vector_load %arg12[%get3A_52] {strides = array<i32>} : memref<128xi32, #tpu.memory_space<vmem>>, vector<16xi32>,
      %gather3A_54 = tpu.vector_load_idx %arg9[%get3A_51] : memref<10112xf32, #tpu.memory_space<vmem>>[vector<16xi32>], vector<16xf32>,
      %gather3A_55 = tpu.vector_load_idx %arg10[%get3A_53] : memref<10112xf32, #tpu.memory_space<vmem>>[vector<16xi32>], vector<16xf32>,
      %add3A_56 = arith.addf %gather3A_54, %gather3A_55 : vector<16xf32>
      %ge3A_57 = arith.constant 0.000000e+00 : f32
      %ge3A_58 = vector.broadcast %ge3A_57 : f32 to vector<16xf32>
      %ge3A_59 = arith.cmpf oge, %add3A_56, %ge3A_58 : vector<16xf32>
      %mul3A_60 = arith.constant 2.000000e-01 : f32
      %mul3A_61 = vector.broadcast %mul3A_60 : f32 to vector<16xf32>
      %mul3A_62 = arith.mulf %mul3A_61, %add3A_56 : vector<16xf32>
      %select_n3A_63 = arith.select %ge3A_59, %add3A_56, %mul3A_62 : vector<16xi1>, vector<16xf32>
      %exp3A_64 = math.exp %select_n3A_63 : vector<16xf32>
      %swap3A_65 = arith.constant 32 : index
      %swap3A_66 = tpu.vector_load %arg13[%swap3A_65] {strides = array<i32>} : memref<128xf32, #tpu.memory_space<vmem>>, vector<16xf32>,
      tpu.vector_store %arg13[%swap3A_65], %exp3A_64 {strides = array<i32>} : memref<128xf32, #tpu.memory_space<vmem>>, vector<16xf32>,
      %get3A_67 = arith.constant 48 : index
      %get3A_68 = tpu.vector_load %arg11[%get3A_67] {strides = array<i32>} : memref<128xi32, #tpu.memory_space<vmem>>, vector<16xi32>,
      %get3A_69 = arith.constant 48 : index
      %get3A_70 = tpu.vector_load %arg12[%get3A_69] {strides = array<i32>} : memref<128xi32, #tpu.memory_space<vmem>>, vector<16xi32>,
      %gather3A_71 = tpu.vector_load_idx %arg9[%get3A_68] : memref<10112xf32, #tpu.memory_space<vmem>>[vector<16xi32>], vector<16xf32>,
      %gather3A_72 = tpu.vector_load_idx %arg10[%get3A_70] : memref<10112xf32, #tpu.memory_space<vmem>>[vector<16xi32>], vector<16xf32>,
      %add3A_73 = arith.addf %gather3A_71, %gather3A_72 : vector<16xf32>
      %ge3A_74 = arith.constant 0.000000e+00 : f32
      %ge3A_75 = vector.broadcast %ge3A_74 : f32 to vector<16xf32>
      %ge3A_76 = arith.cmpf oge, %add3A_73, %ge3A_75 : vector<16xf32>
      %mul3A_77 = arith.constant 2.000000e-01 : f32
      %mul3A_78 = vector.broadcast %mul3A_77 : f32 to vector<16xf32>
      %mul3A_79 = arith.mulf %mul3A_78, %add3A_73 : vector<16xf32>
      %select_n3A_80 = arith.select %ge3A_76, %add3A_73, %mul3A_79 : vector<16xi1>, vector<16xf32>
      %exp3A_81 = math.exp %select_n3A_80 : vector<16xf32>
      %swap3A_82 = arith.constant 48 : index
      %swap3A_83 = tpu.vector_load %arg13[%swap3A_82] {strides = array<i32>} : memref<128xf32, #tpu.memory_space<vmem>>, vector<16xf32>,
      tpu.vector_store %arg13[%swap3A_82], %exp3A_81 {strides = array<i32>} : memref<128xf32, #tpu.memory_space<vmem>>, vector<16xf32>,
      %get3A_84 = arith.constant 64 : index
      %get3A_85 = tpu.vector_load %arg11[%get3A_84] {strides = array<i32>} : memref<128xi32, #tpu.memory_space<vmem>>, vector<16xi32>,
      %get3A_86 = arith.constant 64 : index
      %get3A_87 = tpu.vector_load %arg12[%get3A_86] {strides = array<i32>} : memref<128xi32, #tpu.memory_space<vmem>>, vector<16xi32>,
      %gather3A_88 = tpu.vector_load_idx %arg9[%get3A_85] : memref<10112xf32, #tpu.memory_space<vmem>>[vector<16xi32>], vector<16xf32>,
      %gather3A_89 = tpu.vector_load_idx %arg10[%get3A_87] : memref<10112xf32, #tpu.memory_space<vmem>>[vector<16xi32>], vector<16xf32>,
      %add3A_90 = arith.addf %gather3A_88, %gather3A_89 : vector<16xf32>
      %ge3A_91 = arith.constant 0.000000e+00 : f32
      %ge3A_92 = vector.broadcast %ge3A_91 : f32 to vector<16xf32>
      %ge3A_93 = arith.cmpf oge, %add3A_90, %ge3A_92 : vector<16xf32>
      %mul3A_94 = arith.constant 2.000000e-01 : f32
      %mul3A_95 = vector.broadcast %mul3A_94 : f32 to vector<16xf32>
      %mul3A_96 = arith.mulf %mul3A_95, %add3A_90 : vector<16xf32>
      %select_n3A_97 = arith.select %ge3A_93, %add3A_90, %mul3A_96 : vector<16xi1>, vector<16xf32>
      %exp3A_98 = math.exp %select_n3A_97 : vector<16xf32>
      %swap3A_99 = arith.constant 64 : index
      %swap3A_100 = tpu.vector_load %arg13[%swap3A_99] {strides = array<i32>} : memref<128xf32, #tpu.memory_space<vmem>>, vector<16xf32>,
      tpu.vector_store %arg13[%swap3A_99], %exp3A_98 {strides = array<i32>} : memref<128xf32, #tpu.memory_space<vmem>>, vector<16xf32>,
      %get3A_101 = arith.constant 80 : index
      %get3A_102 = tpu.vector_load %arg11[%get3A_101] {strides = array<i32>} : memref<128xi32, #tpu.memory_space<vmem>>, vector<16xi32>,
      %get3A_103 = arith.constant 80 : index
      %get3A_104 = tpu.vector_load %arg12[%get3A_103] {strides = array<i32>} : memref<128xi32, #tpu.memory_space<vmem>>, vector<16xi32>,
      %gather3A_105 = tpu.vector_load_idx %arg9[%get3A_102] : memref<10112xf32, #tpu.memory_space<vmem>>[vector<16xi32>], vector<16xf32>,
      %gather3A_106 = tpu.vector_load_idx %arg10[%get3A_104] : memref<10112xf32, #tpu.memory_space<vmem>>[vector<16xi32>], vector<16xf32>,
      %add3A_107 = arith.addf %gather3A_105, %gather3A_106 : vector<16xf32>
      %ge3A_108 = arith.constant 0.000000e+00 : f32
      %ge3A_109 = vector.broadcast %ge3A_108 : f32 to vector<16xf32>
      %ge3A_110 = arith.cmpf oge, %add3A_107, %ge3A_109 : vector<16xf32>
      %mul3A_111 = arith.constant 2.000000e-01 : f32
      %mul3A_112 = vector.broadcast %mul3A_111 : f32 to vector<16xf32>
      %mul3A_113 = arith.mulf %mul3A_112, %add3A_107 : vector<16xf32>
      %select_n3A_114 = arith.select %ge3A_110, %add3A_107, %mul3A_113 : vector<16xi1>, vector<16xf32>
      %exp3A_115 = math.exp %select_n3A_114 : vector<16xf32>
      %swap3A_116 = arith.constant 80 : index
      %swap3A_117 = tpu.vector_load %arg13[%swap3A_116] {strides = array<i32>} : memref<128xf32, #tpu.memory_space<vmem>>, vector<16xf32>,
      tpu.vector_store %arg13[%swap3A_116], %exp3A_115 {strides = array<i32>} : memref<128xf32, #tpu.memory_space<vmem>>, vector<16xf32>,
      %get3A_118 = arith.constant 96 : index
      %get3A_119 = tpu.vector_load %arg11[%get3A_118] {strides = array<i32>} : memref<128xi32, #tpu.memory_space<vmem>>, vector<16xi32>,
      %get3A_120 = arith.constant 96 : index
      %get3A_121 = tpu.vector_load %arg12[%get3A_120] {strides = array<i32>} : memref<128xi32, #tpu.memory_space<vmem>>, vector<16xi32>,
      %gather3A_122 = tpu.vector_load_idx %arg9[%get3A_119] : memref<10112xf32, #tpu.memory_space<vmem>>[vector<16xi32>], vector<16xf32>,
      %gather3A_123 = tpu.vector_load_idx %arg10[%get3A_121] : memref<10112xf32, #tpu.memory_space<vmem>>[vector<16xi32>], vector<16xf32>,
      %add3A_124 = arith.addf %gather3A_122, %gather3A_123 : vector<16xf32>
      %ge3A_125 = arith.constant 0.000000e+00 : f32
      %ge3A_126 = vector.broadcast %ge3A_125 : f32 to vector<16xf32>
      %ge3A_127 = arith.cmpf oge, %add3A_124, %ge3A_126 : vector<16xf32>
      %mul3A_128 = arith.constant 2.000000e-01 : f32
      %mul3A_129 = vector.broadcast %mul3A_128 : f32 to vector<16xf32>
      %mul3A_130 = arith.mulf %mul3A_129, %add3A_124 : vector<16xf32>
      %select_n3A_131 = arith.select %ge3A_127, %add3A_124, %mul3A_130 : vector<16xi1>, vector<16xf32>
      %exp3A_132 = math.exp %select_n3A_131 : vector<16xf32>
      %swap3A_133 = arith.constant 96 : index
      %swap3A_134 = tpu.vector_load %arg13[%swap3A_133] {strides = array<i32>} : memref<128xf32, #tpu.memory_space<vmem>>, vector<16xf32>,
      tpu.vector_store %arg13[%swap3A_133], %exp3A_132 {strides = array<i32>} : memref<128xf32, #tpu.memory_space<vmem>>, vector<16xf32>,
      %get3A_135 = arith.constant 112 : index
      %get3A_136 = tpu.vector_load %arg11[%get3A_135] {strides = array<i32>} : memref<128xi32, #tpu.memory_space<vmem>>, vector<16xi32>,
      %get3A_137 = arith.constant 112 : index
      %get3A_138 = tpu.vector_load %arg12[%get3A_137] {strides = array<i32>} : memref<128xi32, #tpu.memory_space<vmem>>, vector<16xi32>,
      %gather3A_139 = tpu.vector_load_idx %arg9[%get3A_136] : memref<10112xf32, #tpu.memory_space<vmem>>[vector<16xi32>], vector<16xf32>,
      %gather3A_140 = tpu.vector_load_idx %arg10[%get3A_138] : memref<10112xf32, #tpu.memory_space<vmem>>[vector<16xi32>], vector<16xf32>,
      %add3A_141 = arith.addf %gather3A_139, %gather3A_140 : vector<16xf32>
      %ge3A_142 = arith.constant 0.000000e+00 : f32
      %ge3A_143 = vector.broadcast %ge3A_142 : f32 to vector<16xf32>
      %ge3A_144 = arith.cmpf oge, %add3A_141, %ge3A_143 : vector<16xf32>
      %mul3A_145 = arith.constant 2.000000e-01 : f32
      %mul3A_146 = vector.broadcast %mul3A_145 : f32 to vector<16xf32>
      %mul3A_147 = arith.mulf %mul3A_146, %add3A_141 : vector<16xf32>
      %select_n3A_148 = arith.select %ge3A_144, %add3A_141, %mul3A_147 : vector<16xi1>, vector<16xf32>
      %exp3A_149 = math.exp %select_n3A_148 : vector<16xf32>
      %swap3A_150 = arith.constant 112 : index
      %swap3A_151 = tpu.vector_load %arg13[%swap3A_150] {strides = array<i32>} : memref<128xf32, #tpu.memory_space<vmem>>, vector<16xf32>,
      tpu.vector_store %arg13[%swap3A_150], %exp3A_149 {strides = array<i32>} : memref<128xf32, #tpu.memory_space<vmem>>, vector<16xf32>,
      %dma_wait3A = arith.constant 0 : i32
      %dma_wait3A_152 = arith.constant 0 : i32
      %dma_wait3A_153 = tpu.memref_slice %arg2[%dma_wait3A, %dma_wait3A_152] : memref<10112x144xf32, #tpu.memory_space<hbm>> -> memref<10112x144xf32, #tpu.memory_space<hbm>>
      tpu.wait_indirect_dma semaphore(%arg16 : memref<!tpu.dma_semaphore, #tpu.memory_space<semaphore_mem>>) src(%dma_wait3A_153 : memref<10112x144xf32, #tpu.memory_space<hbm>>) dst(%arg14 : memref<128x144xf32, #tpu.memory_space<vmem>>)
      %scan3A_154 = arith.constant 0 : i32
      %scan3A_155 = arith.constant 0 : i32
      %scan3A_156 = arith.constant 128 : i32
      %scan3A_157 = arith.addi %scan3A_155, %scan3A_156 : i32
      %scan3A_158 = arith.constant 1 : i32
      scf.for %scan3A_160 = %scan3A_155 to %scan3A_157 step %scan3A_158  : i32 {
        %add3A_161 = vector.broadcast %scan3A_160 : i32 to vector<16xi32>
        %add3A_162 = arith.addi %broadcast_in_dim3A_5, %add3A_161 : vector<16xi32>
        %gather3A_163 = tpu.vector_load_idx %arg13[%add3A_162] : memref<128xf32, #tpu.memory_space<vmem>>[vector<16xi32>], vector<16xf32>,
        %get3A_164 = arith.index_cast %scan3A_160 : i32 to index
        %get3A_165 = arith.constant 0 : index
        %get3A_166 = tpu.vector_load %arg14[%get3A_164, %get3A_165] {strides = array<i32>} : memref<128x144xf32, #tpu.memory_space<vmem>>, vector<16xf32>,
        %mul3A_167 = arith.mulf %get3A_166, %gather3A_163 : vector<16xf32>
        %swap3A_168 = arith.index_cast %scan3A_160 : i32 to index
        %swap3A_169 = arith.constant 0 : index
        %swap3A_170 = tpu.vector_load %arg14[%swap3A_168, %swap3A_169] {strides = array<i32>} : memref<128x144xf32, #tpu.memory_space<vmem>>, vector<16xf32>,
        tpu.vector_store %arg14[%swap3A_168, %swap3A_169], %mul3A_167 {strides = array<i32>} : memref<128x144xf32, #tpu.memory_space<vmem>>, vector<16xf32>,
        %get3A_171 = arith.index_cast %scan3A_160 : i32 to index
        %get3A_172 = arith.constant 16 : index
        %get3A_173 = tpu.vector_load %arg14[%get3A_171, %get3A_172] {strides = array<i32>} : memref<128x144xf32, #tpu.memory_space<vmem>>, vector<16xf32>,
        %mul3A_174 = arith.mulf %get3A_173, %gather3A_163 : vector<16xf32>
        %swap3A_175 = arith.index_cast %scan3A_160 : i32 to index
        %swap3A_176 = arith.constant 16 : index
        %swap3A_177 = tpu.vector_load %arg14[%swap3A_175, %swap3A_176] {strides = array<i32>} : memref<128x144xf32, #tpu.memory_space<vmem>>, vector<16xf32>,
        tpu.vector_store %arg14[%swap3A_175, %swap3A_176], %mul3A_174 {strides = array<i32>} : memref<128x144xf32, #tpu.memory_space<vmem>>, vector<16xf32>,
        %get3A_178 = arith.index_cast %scan3A_160 : i32 to index
        %get3A_179 = arith.constant 32 : index
        %get3A_180 = tpu.vector_load %arg14[%get3A_178, %get3A_179] {strides = array<i32>} : memref<128x144xf32, #tpu.memory_space<vmem>>, vector<16xf32>,
        %mul3A_181 = arith.mulf %get3A_180, %gather3A_163 : vector<16xf32>
        %swap3A_182 = arith.index_cast %scan3A_160 : i32 to index
        %swap3A_183 = arith.constant 32 : index
        %swap3A_184 = tpu.vector_load %arg14[%swap3A_182, %swap3A_183] {strides = array<i32>} : memref<128x144xf32, #tpu.memory_space<vmem>>, vector<16xf32>,
        tpu.vector_store %arg14[%swap3A_182, %swap3A_183], %mul3A_181 {strides = array<i32>} : memref<128x144xf32, #tpu.memory_space<vmem>>, vector<16xf32>,
        %get3A_185 = arith.index_cast %scan3A_160 : i32 to index
        %get3A_186 = arith.constant 48 : index
        %get3A_187 = tpu.vector_load %arg14[%get3A_185, %get3A_186] {strides = array<i32>} : memref<128x144xf32, #tpu.memory_space<vmem>>, vector<16xf32>,
        %mul3A_188 = arith.mulf %get3A_187, %gather3A_163 : vector<16xf32>
        %swap3A_189 = arith.index_cast %scan3A_160 : i32 to index
        %swap3A_190 = arith.constant 48 : index
        %swap3A_191 = tpu.vector_load %arg14[%swap3A_189, %swap3A_190] {strides = array<i32>} : memref<128x144xf32, #tpu.memory_space<vmem>>, vector<16xf32>,
        tpu.vector_store %arg14[%swap3A_189, %swap3A_190], %mul3A_188 {strides = array<i32>} : memref<128x144xf32, #tpu.memory_space<vmem>>, vector<16xf32>,
        %get3A_192 = arith.index_cast %scan3A_160 : i32 to index
        %get3A_193 = arith.constant 64 : index
        %get3A_194 = tpu.vector_load %arg14[%get3A_192, %get3A_193] {strides = array<i32>} : memref<128x144xf32, #tpu.memory_space<vmem>>, vector<16xf32>,
        %mul3A_195 = arith.mulf %get3A_194, %gather3A_163 : vector<16xf32>
        %swap3A_196 = arith.index_cast %scan3A_160 : i32 to index
        %swap3A_197 = arith.constant 64 : index
        %swap3A_198 = tpu.vector_load %arg14[%swap3A_196, %swap3A_197] {strides = array<i32>} : memref<128x144xf32, #tpu.memory_space<vmem>>, vector<16xf32>,
        tpu.vector_store %arg14[%swap3A_196, %swap3A_197], %mul3A_195 {strides = array<i32>} : memref<128x144xf32, #tpu.memory_space<vmem>>, vector<16xf32>,
        %get3A_199 = arith.index_cast %scan3A_160 : i32 to index
        %get3A_200 = arith.constant 80 : index
        %get3A_201 = tpu.vector_load %arg14[%get3A_199, %get3A_200] {strides = array<i32>} : memref<128x144xf32, #tpu.memory_space<vmem>>, vector<16xf32>,
        %mul3A_202 = arith.mulf %get3A_201, %gather3A_163 : vector<16xf32>
        %swap3A_203 = arith.index_cast %scan3A_160 : i32 to index
        %swap3A_204 = arith.constant 80 : index
        %swap3A_205 = tpu.vector_load %arg14[%swap3A_203, %swap3A_204] {strides = array<i32>} : memref<128x144xf32, #tpu.memory_space<vmem>>, vector<16xf32>,
        tpu.vector_store %arg14[%swap3A_203, %swap3A_204], %mul3A_202 {strides = array<i32>} : memref<128x144xf32, #tpu.memory_space<vmem>>, vector<16xf32>,
        %get3A_206 = arith.index_cast %scan3A_160 : i32 to index
        %get3A_207 = arith.constant 96 : index
        %get3A_208 = tpu.vector_load %arg14[%get3A_206, %get3A_207] {strides = array<i32>} : memref<128x144xf32, #tpu.memory_space<vmem>>, vector<16xf32>,
        %mul3A_209 = arith.mulf %get3A_208, %gather3A_163 : vector<16xf32>
        %swap3A_210 = arith.index_cast %scan3A_160 : i32 to index
        %swap3A_211 = arith.constant 96 : index
        %swap3A_212 = tpu.vector_load %arg14[%swap3A_210, %swap3A_211] {strides = array<i32>} : memref<128x144xf32, #tpu.memory_space<vmem>>, vector<16xf32>,
        tpu.vector_store %arg14[%swap3A_210, %swap3A_211], %mul3A_209 {strides = array<i32>} : memref<128x144xf32, #tpu.memory_space<vmem>>, vector<16xf32>,
        %get3A_213 = arith.index_cast %scan3A_160 : i32 to index
        %get3A_214 = arith.constant 112 : index
        %get3A_215 = tpu.vector_load %arg14[%get3A_213, %get3A_214] {strides = array<i32>} : memref<128x144xf32, #tpu.memory_space<vmem>>, vector<16xf32>,
        %mul3A_216 = arith.mulf %get3A_215, %gather3A_163 : vector<16xf32>
        %swap3A_217 = arith.index_cast %scan3A_160 : i32 to index
        %swap3A_218 = arith.constant 112 : index
        %swap3A_219 = tpu.vector_load %arg14[%swap3A_217, %swap3A_218] {strides = array<i32>} : memref<128x144xf32, #tpu.memory_space<vmem>>, vector<16xf32>,
        tpu.vector_store %arg14[%swap3A_217, %swap3A_218], %mul3A_216 {strides = array<i32>} : memref<128x144xf32, #tpu.memory_space<vmem>>, vector<16xf32>,
        %get3A_220 = arith.index_cast %scan3A_160 : i32 to index
        %get3A_221 = arith.constant 128 : index
        %get3A_222 = tpu.vector_load %arg14[%get3A_220, %get3A_221] {strides = array<i32>} : memref<128x144xf32, #tpu.memory_space<vmem>>, vector<16xf32>,
        %mul3A_223 = arith.mulf %get3A_222, %gather3A_163 : vector<16xf32>
        %swap3A_224 = arith.index_cast %scan3A_160 : i32 to index
        %swap3A_225 = arith.constant 128 : index
        %swap3A_226 = tpu.vector_load %arg14[%swap3A_224, %swap3A_225] {strides = array<i32>} : memref<128x144xf32, #tpu.memory_space<vmem>>, vector<16xf32>,
        tpu.vector_store %arg14[%swap3A_224, %swap3A_225], %mul3A_223 {strides = array<i32>} : memref<128x144xf32, #tpu.memory_space<vmem>>, vector<16xf32>,
      }
      %scan3A_159 = arith.constant 128 : i32
      "tpu.region"() ({
        %run_scoped3A = tpu.sem_alloc : memref<!tpu.dma_semaphore, #tpu.memory_space<semaphore_mem>>
        %dma_start3A_160 = arith.constant 0 : i32
        %dma_start3A_161 = arith.constant 0 : i32
        %dma_start3A_162 = tpu.memref_slice %arg15[%dma_start3A_160, %dma_start3A_161] : memref<10112x144xf32, #tpu.memory_space<vmem_shared>> -> memref<10112x144xf32, #tpu.memory_space<vmem_shared>>
        tpu.enqueue_indirect_dma source(%arg14 : memref<128x144xf32, #tpu.memory_space<vmem>>) target(%dma_start3A_162 : memref<10112x144xf32, #tpu.memory_space<vmem_shared>>) offsets(%arg12 : memref<128xi32, #tpu.memory_space<vmem>>) semaphore(%run_scoped3A : memref<!tpu.dma_semaphore, #tpu.memory_space<semaphore_mem>>) {add = true}
        %dma_wait3A_163 = arith.constant 0 : i32
        %dma_wait3A_164 = arith.constant 0 : i32
        %dma_wait3A_165 = tpu.memref_slice %arg15[%dma_wait3A_163, %dma_wait3A_164] : memref<10112x144xf32, #tpu.memory_space<vmem_shared>> -> memref<10112x144xf32, #tpu.memory_space<vmem_shared>>
        tpu.wait_indirect_dma semaphore(%run_scoped3A : memref<!tpu.dma_semaphore, #tpu.memory_space<semaphore_mem>>) src(%arg14 : memref<128x144xf32, #tpu.memory_space<vmem>>) dst(%dma_wait3A_165 : memref<10112x144xf32, #tpu.memory_space<vmem_shared>>)
        tpu.yield
      }) : () -> ()
    }
    %scan3A_10 = arith.constant 81 : i32
    %barrier3A_11 = arith.constant 0 : index
    tpu.barrier barrier_id(%barrier3A_11)
    %mul3A_12 = arith.constant 632 : i32
    %mul3A_13 = arith.muli %arg1, %mul3A_12 : i32
    %mul3A_14 = arith.constant 632 : i32
    %mul3A_15 = arith.muli %arg1, %mul3A_14 : i32
    "tpu.region"() ({
      %run_scoped3A = tpu.sem_alloc : memref<!tpu.dma_semaphore, #tpu.memory_space<semaphore_mem>>
      %dma_start3A = arith.constant 0 : i32
      %dma_start3A_16 = tpu.memref_slice %arg8[%arg0, %mul3A_15, %dma_start3A] : memref<2x10112x144xf32, #tpu.memory_space<hbm>> -> memref<1x632x144xf32, #tpu.memory_space<hbm>>
      %dma_start3A_17 = tpu.memref_squeeze %dma_start3A_16 : memref<1x632x144xf32, #tpu.memory_space<hbm>> -> memref<632x144xf32, #tpu.memory_space<hbm>>
      %dma_start3A_18 = arith.constant 0 : i32
      %dma_start3A_19 = tpu.memref_slice %arg15[%mul3A_13, %dma_start3A_18] : memref<10112x144xf32, #tpu.memory_space<vmem_shared>> -> memref<632x144xf32, #tpu.memory_space<vmem_shared>>
      tpu.enqueue_dma source(%dma_start3A_19 : memref<632x144xf32, #tpu.memory_space<vmem_shared>>) target(%dma_start3A_17 : memref<632x144xf32, #tpu.memory_space<hbm>>) target_semaphore(%run_scoped3A : memref<!tpu.dma_semaphore, #tpu.memory_space<semaphore_mem>>)
      %dma_wait3A = arith.constant 0 : i32
      %dma_wait3A_20 = tpu.memref_slice %arg8[%arg0, %mul3A_15, %dma_wait3A] : memref<2x10112x144xf32, #tpu.memory_space<hbm>> -> memref<1x632x144xf32, #tpu.memory_space<hbm>>
      %dma_wait3A_21 = tpu.memref_squeeze %dma_wait3A_20 : memref<1x632x144xf32, #tpu.memory_space<hbm>> -> memref<632x144xf32, #tpu.memory_space<hbm>>
      %dma_wait3A_22 = arith.constant 0 : i32
      %dma_wait3A_23 = tpu.memref_slice %arg15[%mul3A_13, %dma_wait3A_22] : memref<10112x144xf32, #tpu.memory_space<vmem_shared>> -> memref<632x144xf32, #tpu.memory_space<vmem_shared>>
      tpu.wait_dma2 semaphore(%run_scoped3A : memref<!tpu.dma_semaphore, #tpu.memory_space<semaphore_mem>>) src(%dma_wait3A_23 : memref<632x144xf32, #tpu.memory_space<vmem_shared>>) dst(%dma_wait3A_21 : memref<632x144xf32, #tpu.memory_space<hbm>>)
      tpu.yield
    }) : () -> ()
    return
  }
}

#map = affine_map<(d0, d1) -> (0, 0)>
#map1 = affine_map<(d0, d1) -> (0)>
#map2 = affine_map<(d0, d1) -> (0, 0, 0)>
module attributes {stable_mosaic.version = 14 : i64} {
  func.func @_sc_edge_body(%arg0: i32, %arg1: i32, %arg2: memref<10112x144xf32, #tpu.memory_space<hbm>>, %arg3: memref<10112xf32, #tpu.memory_space<hbm>>, %arg4: memref<10112xf32, #tpu.memory_space<hbm>>, %arg5: memref<331776xi32, #tpu.memory_space<hbm>>, %arg6: memref<331776xi32, #tpu.memory_space<hbm>>, %arg7: memref<632x144xf32, #tpu.memory_space<hbm>>, %arg8: memref<2x10112x144xf32, #tpu.memory_space<hbm>>, %arg9: memref<10112xf32, #tpu.memory_space<vmem>>, %arg10: memref<10112xf32, #tpu.memory_space<vmem>>, %arg11: memref<128xi32, #tpu.memory_space<vmem>>, %arg12: memref<128xi32, #tpu.memory_space<vmem>>, %arg13: memref<128xf32, #tpu.memory_space<vmem>>, %arg14: memref<128x144xf32, #tpu.memory_space<vmem>>, %arg15: memref<10112x144xf32, #tpu.memory_space<vmem_shared>>, %arg16: memref<!tpu.dma_semaphore, #tpu.memory_space<semaphore_mem>>) attributes {dimension_semantics = [#tpu.dimension_semantics<core_parallel>, #tpu.dimension_semantics<subcore_parallel>], iteration_bounds = array<i64: 2, 16>, scalar_prefetch = 0 : i64, scratch_operands = 8 : i64, tpu.core_type = #tpu.core_type<sc_vector_subcore>, window_params = [{transform_indices = #map}, {transform_indices = #map1}, {transform_indices = #map1}, {transform_indices = #map1}, {transform_indices = #map1}, {transform_indices = #map}, {transform_indices = #map2}]} {
    %mul3A = arith.constant 16 : i32
    %mul3A_0 = arith.muli %arg0, %mul3A : i32
    %add3A = arith.addi %mul3A_0, %arg1 : i32
    %mul3A_1 = arith.constant 632 : i32
    %mul3A_2 = arith.muli %arg1, %mul3A_1 : i32
    "tpu.region"() ({
      %run_scoped3A = tpu.sem_alloc : memref<!tpu.dma_semaphore, #tpu.memory_space<semaphore_mem>>
      %dma_start3A = arith.constant 0 : i32
      %dma_start3A_16 = tpu.memref_slice %arg15[%mul3A_2, %dma_start3A] : memref<10112x144xf32, #tpu.memory_space<vmem_shared>> -> memref<632x144xf32, #tpu.memory_space<vmem_shared>>
      tpu.enqueue_dma source(%arg7 : memref<632x144xf32, #tpu.memory_space<hbm>>) target(%dma_start3A_16 : memref<632x144xf32, #tpu.memory_space<vmem_shared>>) target_semaphore(%run_scoped3A : memref<!tpu.dma_semaphore, #tpu.memory_space<semaphore_mem>>)
      %dma_wait3A = arith.constant 0 : i32
      %dma_wait3A_17 = tpu.memref_slice %arg15[%mul3A_2, %dma_wait3A] : memref<10112x144xf32, #tpu.memory_space<vmem_shared>> -> memref<632x144xf32, #tpu.memory_space<vmem_shared>>
      tpu.wait_dma2 semaphore(%run_scoped3A : memref<!tpu.dma_semaphore, #tpu.memory_space<semaphore_mem>>) src(%arg7 : memref<632x144xf32, #tpu.memory_space<hbm>>) dst(%dma_wait3A_17 : memref<632x144xf32, #tpu.memory_space<vmem_shared>>)
      tpu.yield
    }) : () -> ()
    "tpu.region"() ({
      %run_scoped3A = tpu.sem_alloc : memref<!tpu.dma_semaphore, #tpu.memory_space<semaphore_mem>>
      tpu.enqueue_dma source(%arg3 : memref<10112xf32, #tpu.memory_space<hbm>>) target(%arg9 : memref<10112xf32, #tpu.memory_space<vmem>>) target_semaphore(%run_scoped3A : memref<!tpu.dma_semaphore, #tpu.memory_space<semaphore_mem>>)
      tpu.wait_dma2 semaphore(%run_scoped3A : memref<!tpu.dma_semaphore, #tpu.memory_space<semaphore_mem>>) src(%arg3 : memref<10112xf32, #tpu.memory_space<hbm>>) dst(%arg9 : memref<10112xf32, #tpu.memory_space<vmem>>)
      tpu.yield
    }) : () -> ()
    "tpu.region"() ({
      %run_scoped3A = tpu.sem_alloc : memref<!tpu.dma_semaphore, #tpu.memory_space<semaphore_mem>>
      tpu.enqueue_dma source(%arg4 : memref<10112xf32, #tpu.memory_space<hbm>>) target(%arg10 : memref<10112xf32, #tpu.memory_space<vmem>>) target_semaphore(%run_scoped3A : memref<!tpu.dma_semaphore, #tpu.memory_space<semaphore_mem>>)
      tpu.wait_dma2 semaphore(%run_scoped3A : memref<!tpu.dma_semaphore, #tpu.memory_space<semaphore_mem>>) src(%arg4 : memref<10112xf32, #tpu.memory_space<hbm>>) dst(%arg10 : memref<10112xf32, #tpu.memory_space<vmem>>)
      tpu.yield
    }) : () -> ()
    %barrier3A = arith.constant 0 : index
    tpu.barrier barrier_id(%barrier3A)
    %mul3A_3 = arith.constant 10368 : i32
    %mul3A_4 = arith.muli %add3A, %mul3A_3 : i32
    %broadcast_in_dim3A = arith.constant 0 : i32
    %broadcast_in_dim3A_5 = vector.broadcast %broadcast_in_dim3A : i32 to vector<16xi32>
    %scan3A = arith.constant 0 : i32
    %scan3A_6 = arith.constant 0 : i32
    %scan3A_7 = arith.constant 81 : i32
    %scan3A_8 = arith.addi %scan3A_6, %scan3A_7 : i32
    %scan3A_9 = arith.constant 1 : i32
    scf.for %scan3A_16 = %scan3A_6 to %scan3A_8 step %scan3A_9  : i32 {
      %mul3A_17 = arith.constant 128 : i32
      %mul3A_18 = arith.muli %scan3A_16, %mul3A_17 : i32
      %add3A_19 = arith.addi %mul3A_4, %mul3A_18 : i32
      %multiple_of3A = tpu.assume_multiple %add3A_19, 8 : i32
      "tpu.region"() ({
        %run_scoped3A = tpu.sem_alloc : memref<!tpu.dma_semaphore, #tpu.memory_space<semaphore_mem>>
        %dma_start3A_160 = tpu.memref_slice %arg5[%multiple_of3A] : memref<331776xi32, #tpu.memory_space<hbm>> -> memref<128xi32, #tpu.memory_space<hbm>>
        %dma_start3A_161 = tpu.memref_slice %arg5[%multiple_of3A] : memref<331776xi32, #tpu.memory_space<hbm>> -> memref<128xi32, #tpu.memory_space<hbm>>
        tpu.enqueue_dma source(%dma_start3A_161 : memref<128xi32, #tpu.memory_space<hbm>>) target(%arg11 : memref<128xi32, #tpu.memory_space<vmem>>) target_semaphore(%run_scoped3A : memref<!tpu.dma_semaphore, #tpu.memory_space<semaphore_mem>>)
        %dma_wait3A_162 = tpu.memref_slice %arg5[%multiple_of3A] : memref<331776xi32, #tpu.memory_space<hbm>> -> memref<128xi32, #tpu.memory_space<hbm>>
        %dma_wait3A_163 = tpu.memref_slice %arg5[%multiple_of3A] : memref<331776xi32, #tpu.memory_space<hbm>> -> memref<128xi32, #tpu.memory_space<hbm>>
        tpu.wait_dma2 semaphore(%run_scoped3A : memref<!tpu.dma_semaphore, #tpu.memory_space<semaphore_mem>>) src(%dma_wait3A_163 : memref<128xi32, #tpu.memory_space<hbm>>) dst(%arg11 : memref<128xi32, #tpu.memory_space<vmem>>)
        tpu.yield
      }) : () -> ()
      "tpu.region"() ({
        %run_scoped3A = tpu.sem_alloc : memref<!tpu.dma_semaphore, #tpu.memory_space<semaphore_mem>>
        %dma_start3A_160 = tpu.memref_slice %arg6[%multiple_of3A] : memref<331776xi32, #tpu.memory_space<hbm>> -> memref<128xi32, #tpu.memory_space<hbm>>
        %dma_start3A_161 = tpu.memref_slice %arg6[%multiple_of3A] : memref<331776xi32, #tpu.memory_space<hbm>> -> memref<128xi32, #tpu.memory_space<hbm>>
        tpu.enqueue_dma source(%dma_start3A_161 : memref<128xi32, #tpu.memory_space<hbm>>) target(%arg12 : memref<128xi32, #tpu.memory_space<vmem>>) target_semaphore(%run_scoped3A : memref<!tpu.dma_semaphore, #tpu.memory_space<semaphore_mem>>)
        %dma_wait3A_162 = tpu.memref_slice %arg6[%multiple_of3A] : memref<331776xi32, #tpu.memory_space<hbm>> -> memref<128xi32, #tpu.memory_space<hbm>>
        %dma_wait3A_163 = tpu.memref_slice %arg6[%multiple_of3A] : memref<331776xi32, #tpu.memory_space<hbm>> -> memref<128xi32, #tpu.memory_space<hbm>>
        tpu.wait_dma2 semaphore(%run_scoped3A : memref<!tpu.dma_semaphore, #tpu.memory_space<semaphore_mem>>) src(%dma_wait3A_163 : memref<128xi32, #tpu.memory_space<hbm>>) dst(%arg12 : memref<128xi32, #tpu.memory_space<vmem>>)
        tpu.yield
      }) : () -> ()
      %dma_start3A = arith.constant 0 : i32
      %dma_start3A_20 = arith.constant 0 : i32
      %dma_start3A_21 = tpu.memref_slice %arg2[%dma_start3A, %dma_start3A_20] : memref<10112x144xf32, #tpu.memory_space<hbm>> -> memref<10112x144xf32, #tpu.memory_space<hbm>>
      tpu.enqueue_indirect_dma source(%dma_start3A_21 : memref<10112x144xf32, #tpu.memory_space<hbm>>) target(%arg14 : memref<128x144xf32, #tpu.memory_space<vmem>>) offsets(%arg11 : memref<128xi32, #tpu.memory_space<vmem>>) semaphore(%arg16 : memref<!tpu.dma_semaphore, #tpu.memory_space<semaphore_mem>>)
      %get3A = arith.constant 0 : index
      %get3A_22 = tpu.vector_load %arg11[%get3A] {strides = array<i32>} : memref<128xi32, #tpu.memory_space<vmem>>, vector<16xi32>,
      %get3A_23 = arith.constant 0 : index
      %get3A_24 = tpu.vector_load %arg12[%get3A_23] {strides = array<i32>} : memref<128xi32, #tpu.memory_space<vmem>>, vector<16xi32>,
      %gather3A = tpu.vector_load_idx %arg9[%get3A_22] : memref<10112xf32, #tpu.memory_space<vmem>>[vector<16xi32>], vector<16xf32>,
      %gather3A_25 = tpu.vector_load_idx %arg10[%get3A_24] : memref<10112xf32, #tpu.memory_space<vmem>>[vector<16xi32>], vector<16xf32>,
      %add3A_26 = arith.addf %gather3A, %gather3A_25 : vector<16xf32>
      %ge3A = arith.constant 0.000000e+00 : f32
      %ge3A_27 = vector.broadcast %ge3A : f32 to vector<16xf32>
      %ge3A_28 = arith.cmpf oge, %add3A_26, %ge3A_27 : vector<16xf32>
      %mul3A_29 = arith.constant 2.000000e-01 : f32
      %mul3A_30 = vector.broadcast %mul3A_29 : f32 to vector<16xf32>
      %mul3A_31 = arith.mulf %mul3A_30, %add3A_26 : vector<16xf32>
      %select_n3A = arith.select %ge3A_28, %add3A_26, %mul3A_31 : vector<16xi1>, vector<16xf32>
      %exp3A = math.exp %select_n3A : vector<16xf32>
      %swap3A = arith.constant 0 : index
      %swap3A_32 = tpu.vector_load %arg13[%swap3A] {strides = array<i32>} : memref<128xf32, #tpu.memory_space<vmem>>, vector<16xf32>,
      tpu.vector_store %arg13[%swap3A], %exp3A {strides = array<i32>} : memref<128xf32, #tpu.memory_space<vmem>>, vector<16xf32>,
      %get3A_33 = arith.constant 16 : index
      %get3A_34 = tpu.vector_load %arg11[%get3A_33] {strides = array<i32>} : memref<128xi32, #tpu.memory_space<vmem>>, vector<16xi32>,
      %get3A_35 = arith.constant 16 : index
      %get3A_36 = tpu.vector_load %arg12[%get3A_35] {strides = array<i32>} : memref<128xi32, #tpu.memory_space<vmem>>, vector<16xi32>,
      %gather3A_37 = tpu.vector_load_idx %arg9[%get3A_34] : memref<10112xf32, #tpu.memory_space<vmem>>[vector<16xi32>], vector<16xf32>,
      %gather3A_38 = tpu.vector_load_idx %arg10[%get3A_36] : memref<10112xf32, #tpu.memory_space<vmem>>[vector<16xi32>], vector<16xf32>,
      %add3A_39 = arith.addf %gather3A_37, %gather3A_38 : vector<16xf32>
      %ge3A_40 = arith.constant 0.000000e+00 : f32
      %ge3A_41 = vector.broadcast %ge3A_40 : f32 to vector<16xf32>
      %ge3A_42 = arith.cmpf oge, %add3A_39, %ge3A_41 : vector<16xf32>
      %mul3A_43 = arith.constant 2.000000e-01 : f32
      %mul3A_44 = vector.broadcast %mul3A_43 : f32 to vector<16xf32>
      %mul3A_45 = arith.mulf %mul3A_44, %add3A_39 : vector<16xf32>
      %select_n3A_46 = arith.select %ge3A_42, %add3A_39, %mul3A_45 : vector<16xi1>, vector<16xf32>
      %exp3A_47 = math.exp %select_n3A_46 : vector<16xf32>
      %swap3A_48 = arith.constant 16 : index
      %swap3A_49 = tpu.vector_load %arg13[%swap3A_48] {strides = array<i32>} : memref<128xf32, #tpu.memory_space<vmem>>, vector<16xf32>,
      tpu.vector_store %arg13[%swap3A_48], %exp3A_47 {strides = array<i32>} : memref<128xf32, #tpu.memory_space<vmem>>, vector<16xf32>,
      %get3A_50 = arith.constant 32 : index
      %get3A_51 = tpu.vector_load %arg11[%get3A_50] {strides = array<i32>} : memref<128xi32, #tpu.memory_space<vmem>>, vector<16xi32>,
      %get3A_52 = arith.constant 32 : index
      %get3A_53 = tpu.vector_load %arg12[%get3A_52] {strides = array<i32>} : memref<128xi32, #tpu.memory_space<vmem>>, vector<16xi32>,
      %gather3A_54 = tpu.vector_load_idx %arg9[%get3A_51] : memref<10112xf32, #tpu.memory_space<vmem>>[vector<16xi32>], vector<16xf32>,
      %gather3A_55 = tpu.vector_load_idx %arg10[%get3A_53] : memref<10112xf32, #tpu.memory_space<vmem>>[vector<16xi32>], vector<16xf32>,
      %add3A_56 = arith.addf %gather3A_54, %gather3A_55 : vector<16xf32>
      %ge3A_57 = arith.constant 0.000000e+00 : f32
      %ge3A_58 = vector.broadcast %ge3A_57 : f32 to vector<16xf32>
      %ge3A_59 = arith.cmpf oge, %add3A_56, %ge3A_58 : vector<16xf32>
      %mul3A_60 = arith.constant 2.000000e-01 : f32
      %mul3A_61 = vector.broadcast %mul3A_60 : f32 to vector<16xf32>
      %mul3A_62 = arith.mulf %mul3A_61, %add3A_56 : vector<16xf32>
      %select_n3A_63 = arith.select %ge3A_59, %add3A_56, %mul3A_62 : vector<16xi1>, vector<16xf32>
      %exp3A_64 = math.exp %select_n3A_63 : vector<16xf32>
      %swap3A_65 = arith.constant 32 : index
      %swap3A_66 = tpu.vector_load %arg13[%swap3A_65] {strides = array<i32>} : memref<128xf32, #tpu.memory_space<vmem>>, vector<16xf32>,
      tpu.vector_store %arg13[%swap3A_65], %exp3A_64 {strides = array<i32>} : memref<128xf32, #tpu.memory_space<vmem>>, vector<16xf32>,
      %get3A_67 = arith.constant 48 : index
      %get3A_68 = tpu.vector_load %arg11[%get3A_67] {strides = array<i32>} : memref<128xi32, #tpu.memory_space<vmem>>, vector<16xi32>,
      %get3A_69 = arith.constant 48 : index
      %get3A_70 = tpu.vector_load %arg12[%get3A_69] {strides = array<i32>} : memref<128xi32, #tpu.memory_space<vmem>>, vector<16xi32>,
      %gather3A_71 = tpu.vector_load_idx %arg9[%get3A_68] : memref<10112xf32, #tpu.memory_space<vmem>>[vector<16xi32>], vector<16xf32>,
      %gather3A_72 = tpu.vector_load_idx %arg10[%get3A_70] : memref<10112xf32, #tpu.memory_space<vmem>>[vector<16xi32>], vector<16xf32>,
      %add3A_73 = arith.addf %gather3A_71, %gather3A_72 : vector<16xf32>
      %ge3A_74 = arith.constant 0.000000e+00 : f32
      %ge3A_75 = vector.broadcast %ge3A_74 : f32 to vector<16xf32>
      %ge3A_76 = arith.cmpf oge, %add3A_73, %ge3A_75 : vector<16xf32>
      %mul3A_77 = arith.constant 2.000000e-01 : f32
      %mul3A_78 = vector.broadcast %mul3A_77 : f32 to vector<16xf32>
      %mul3A_79 = arith.mulf %mul3A_78, %add3A_73 : vector<16xf32>
      %select_n3A_80 = arith.select %ge3A_76, %add3A_73, %mul3A_79 : vector<16xi1>, vector<16xf32>
      %exp3A_81 = math.exp %select_n3A_80 : vector<16xf32>
      %swap3A_82 = arith.constant 48 : index
      %swap3A_83 = tpu.vector_load %arg13[%swap3A_82] {strides = array<i32>} : memref<128xf32, #tpu.memory_space<vmem>>, vector<16xf32>,
      tpu.vector_store %arg13[%swap3A_82], %exp3A_81 {strides = array<i32>} : memref<128xf32, #tpu.memory_space<vmem>>, vector<16xf32>,
      %get3A_84 = arith.constant 64 : index
      %get3A_85 = tpu.vector_load %arg11[%get3A_84] {strides = array<i32>} : memref<128xi32, #tpu.memory_space<vmem>>, vector<16xi32>,
      %get3A_86 = arith.constant 64 : index
      %get3A_87 = tpu.vector_load %arg12[%get3A_86] {strides = array<i32>} : memref<128xi32, #tpu.memory_space<vmem>>, vector<16xi32>,
      %gather3A_88 = tpu.vector_load_idx %arg9[%get3A_85] : memref<10112xf32, #tpu.memory_space<vmem>>[vector<16xi32>], vector<16xf32>,
      %gather3A_89 = tpu.vector_load_idx %arg10[%get3A_87] : memref<10112xf32, #tpu.memory_space<vmem>>[vector<16xi32>], vector<16xf32>,
      %add3A_90 = arith.addf %gather3A_88, %gather3A_89 : vector<16xf32>
      %ge3A_91 = arith.constant 0.000000e+00 : f32
      %ge3A_92 = vector.broadcast %ge3A_91 : f32 to vector<16xf32>
      %ge3A_93 = arith.cmpf oge, %add3A_90, %ge3A_92 : vector<16xf32>
      %mul3A_94 = arith.constant 2.000000e-01 : f32
      %mul3A_95 = vector.broadcast %mul3A_94 : f32 to vector<16xf32>
      %mul3A_96 = arith.mulf %mul3A_95, %add3A_90 : vector<16xf32>
      %select_n3A_97 = arith.select %ge3A_93, %add3A_90, %mul3A_96 : vector<16xi1>, vector<16xf32>
      %exp3A_98 = math.exp %select_n3A_97 : vector<16xf32>
      %swap3A_99 = arith.constant 64 : index
      %swap3A_100 = tpu.vector_load %arg13[%swap3A_99] {strides = array<i32>} : memref<128xf32, #tpu.memory_space<vmem>>, vector<16xf32>,
      tpu.vector_store %arg13[%swap3A_99], %exp3A_98 {strides = array<i32>} : memref<128xf32, #tpu.memory_space<vmem>>, vector<16xf32>,
      %get3A_101 = arith.constant 80 : index
      %get3A_102 = tpu.vector_load %arg11[%get3A_101] {strides = array<i32>} : memref<128xi32, #tpu.memory_space<vmem>>, vector<16xi32>,
      %get3A_103 = arith.constant 80 : index
      %get3A_104 = tpu.vector_load %arg12[%get3A_103] {strides = array<i32>} : memref<128xi32, #tpu.memory_space<vmem>>, vector<16xi32>,
      %gather3A_105 = tpu.vector_load_idx %arg9[%get3A_102] : memref<10112xf32, #tpu.memory_space<vmem>>[vector<16xi32>], vector<16xf32>,
      %gather3A_106 = tpu.vector_load_idx %arg10[%get3A_104] : memref<10112xf32, #tpu.memory_space<vmem>>[vector<16xi32>], vector<16xf32>,
      %add3A_107 = arith.addf %gather3A_105, %gather3A_106 : vector<16xf32>
      %ge3A_108 = arith.constant 0.000000e+00 : f32
      %ge3A_109 = vector.broadcast %ge3A_108 : f32 to vector<16xf32>
      %ge3A_110 = arith.cmpf oge, %add3A_107, %ge3A_109 : vector<16xf32>
      %mul3A_111 = arith.constant 2.000000e-01 : f32
      %mul3A_112 = vector.broadcast %mul3A_111 : f32 to vector<16xf32>
      %mul3A_113 = arith.mulf %mul3A_112, %add3A_107 : vector<16xf32>
      %select_n3A_114 = arith.select %ge3A_110, %add3A_107, %mul3A_113 : vector<16xi1>, vector<16xf32>
      %exp3A_115 = math.exp %select_n3A_114 : vector<16xf32>
      %swap3A_116 = arith.constant 80 : index
      %swap3A_117 = tpu.vector_load %arg13[%swap3A_116] {strides = array<i32>} : memref<128xf32, #tpu.memory_space<vmem>>, vector<16xf32>,
      tpu.vector_store %arg13[%swap3A_116], %exp3A_115 {strides = array<i32>} : memref<128xf32, #tpu.memory_space<vmem>>, vector<16xf32>,
      %get3A_118 = arith.constant 96 : index
      %get3A_119 = tpu.vector_load %arg11[%get3A_118] {strides = array<i32>} : memref<128xi32, #tpu.memory_space<vmem>>, vector<16xi32>,
      %get3A_120 = arith.constant 96 : index
      %get3A_121 = tpu.vector_load %arg12[%get3A_120] {strides = array<i32>} : memref<128xi32, #tpu.memory_space<vmem>>, vector<16xi32>,
      %gather3A_122 = tpu.vector_load_idx %arg9[%get3A_119] : memref<10112xf32, #tpu.memory_space<vmem>>[vector<16xi32>], vector<16xf32>,
      %gather3A_123 = tpu.vector_load_idx %arg10[%get3A_121] : memref<10112xf32, #tpu.memory_space<vmem>>[vector<16xi32>], vector<16xf32>,
      %add3A_124 = arith.addf %gather3A_122, %gather3A_123 : vector<16xf32>
      %ge3A_125 = arith.constant 0.000000e+00 : f32
      %ge3A_126 = vector.broadcast %ge3A_125 : f32 to vector<16xf32>
      %ge3A_127 = arith.cmpf oge, %add3A_124, %ge3A_126 : vector<16xf32>
      %mul3A_128 = arith.constant 2.000000e-01 : f32
      %mul3A_129 = vector.broadcast %mul3A_128 : f32 to vector<16xf32>
      %mul3A_130 = arith.mulf %mul3A_129, %add3A_124 : vector<16xf32>
      %select_n3A_131 = arith.select %ge3A_127, %add3A_124, %mul3A_130 : vector<16xi1>, vector<16xf32>
      %exp3A_132 = math.exp %select_n3A_131 : vector<16xf32>
      %swap3A_133 = arith.constant 96 : index
      %swap3A_134 = tpu.vector_load %arg13[%swap3A_133] {strides = array<i32>} : memref<128xf32, #tpu.memory_space<vmem>>, vector<16xf32>,
      tpu.vector_store %arg13[%swap3A_133], %exp3A_132 {strides = array<i32>} : memref<128xf32, #tpu.memory_space<vmem>>, vector<16xf32>,
      %get3A_135 = arith.constant 112 : index
      %get3A_136 = tpu.vector_load %arg11[%get3A_135] {strides = array<i32>} : memref<128xi32, #tpu.memory_space<vmem>>, vector<16xi32>,
      %get3A_137 = arith.constant 112 : index
      %get3A_138 = tpu.vector_load %arg12[%get3A_137] {strides = array<i32>} : memref<128xi32, #tpu.memory_space<vmem>>, vector<16xi32>,
      %gather3A_139 = tpu.vector_load_idx %arg9[%get3A_136] : memref<10112xf32, #tpu.memory_space<vmem>>[vector<16xi32>], vector<16xf32>,
      %gather3A_140 = tpu.vector_load_idx %arg10[%get3A_138] : memref<10112xf32, #tpu.memory_space<vmem>>[vector<16xi32>], vector<16xf32>,
      %add3A_141 = arith.addf %gather3A_139, %gather3A_140 : vector<16xf32>
      %ge3A_142 = arith.constant 0.000000e+00 : f32
      %ge3A_143 = vector.broadcast %ge3A_142 : f32 to vector<16xf32>
      %ge3A_144 = arith.cmpf oge, %add3A_141, %ge3A_143 : vector<16xf32>
      %mul3A_145 = arith.constant 2.000000e-01 : f32
      %mul3A_146 = vector.broadcast %mul3A_145 : f32 to vector<16xf32>
      %mul3A_147 = arith.mulf %mul3A_146, %add3A_141 : vector<16xf32>
      %select_n3A_148 = arith.select %ge3A_144, %add3A_141, %mul3A_147 : vector<16xi1>, vector<16xf32>
      %exp3A_149 = math.exp %select_n3A_148 : vector<16xf32>
      %swap3A_150 = arith.constant 112 : index
      %swap3A_151 = tpu.vector_load %arg13[%swap3A_150] {strides = array<i32>} : memref<128xf32, #tpu.memory_space<vmem>>, vector<16xf32>,
      tpu.vector_store %arg13[%swap3A_150], %exp3A_149 {strides = array<i32>} : memref<128xf32, #tpu.memory_space<vmem>>, vector<16xf32>,
      %dma_wait3A = arith.constant 0 : i32
      %dma_wait3A_152 = arith.constant 0 : i32
      %dma_wait3A_153 = tpu.memref_slice %arg2[%dma_wait3A, %dma_wait3A_152] : memref<10112x144xf32, #tpu.memory_space<hbm>> -> memref<10112x144xf32, #tpu.memory_space<hbm>>
      tpu.wait_indirect_dma semaphore(%arg16 : memref<!tpu.dma_semaphore, #tpu.memory_space<semaphore_mem>>) src(%dma_wait3A_153 : memref<10112x144xf32, #tpu.memory_space<hbm>>) dst(%arg14 : memref<128x144xf32, #tpu.memory_space<vmem>>)
      %scan3A_154 = arith.constant 0 : i32
      %scan3A_155 = arith.constant 0 : i32
      %scan3A_156 = arith.constant 128 : i32
      %scan3A_157 = arith.addi %scan3A_155, %scan3A_156 : i32
      %scan3A_158 = arith.constant 1 : i32
      scf.for %scan3A_160 = %scan3A_155 to %scan3A_157 step %scan3A_158  : i32 {
        %add3A_161 = vector.broadcast %scan3A_160 : i32 to vector<16xi32>
        %add3A_162 = arith.addi %broadcast_in_dim3A_5, %add3A_161 : vector<16xi32>
        %gather3A_163 = tpu.vector_load_idx %arg13[%add3A_162] : memref<128xf32, #tpu.memory_space<vmem>>[vector<16xi32>], vector<16xf32>,
        %get3A_164 = arith.index_cast %scan3A_160 : i32 to index
        %get3A_165 = arith.constant 0 : index
        %get3A_166 = tpu.vector_load %arg14[%get3A_164, %get3A_165] {strides = array<i32>} : memref<128x144xf32, #tpu.memory_space<vmem>>, vector<16xf32>,
        %mul3A_167 = arith.mulf %get3A_166, %gather3A_163 : vector<16xf32>
        %swap3A_168 = arith.index_cast %scan3A_160 : i32 to index
        %swap3A_169 = arith.constant 0 : index
        %swap3A_170 = tpu.vector_load %arg14[%swap3A_168, %swap3A_169] {strides = array<i32>} : memref<128x144xf32, #tpu.memory_space<vmem>>, vector<16xf32>,
        tpu.vector_store %arg14[%swap3A_168, %swap3A_169], %mul3A_167 {strides = array<i32>} : memref<128x144xf32, #tpu.memory_space<vmem>>, vector<16xf32>,
        %get3A_171 = arith.index_cast %scan3A_160 : i32 to index
        %get3A_172 = arith.constant 16 : index
        %get3A_173 = tpu.vector_load %arg14[%get3A_171, %get3A_172] {strides = array<i32>} : memref<128x144xf32, #tpu.memory_space<vmem>>, vector<16xf32>,
        %mul3A_174 = arith.mulf %get3A_173, %gather3A_163 : vector<16xf32>
        %swap3A_175 = arith.index_cast %scan3A_160 : i32 to index
        %swap3A_176 = arith.constant 16 : index
        %swap3A_177 = tpu.vector_load %arg14[%swap3A_175, %swap3A_176] {strides = array<i32>} : memref<128x144xf32, #tpu.memory_space<vmem>>, vector<16xf32>,
        tpu.vector_store %arg14[%swap3A_175, %swap3A_176], %mul3A_174 {strides = array<i32>} : memref<128x144xf32, #tpu.memory_space<vmem>>, vector<16xf32>,
        %get3A_178 = arith.index_cast %scan3A_160 : i32 to index
        %get3A_179 = arith.constant 32 : index
        %get3A_180 = tpu.vector_load %arg14[%get3A_178, %get3A_179] {strides = array<i32>} : memref<128x144xf32, #tpu.memory_space<vmem>>, vector<16xf32>,
        %mul3A_181 = arith.mulf %get3A_180, %gather3A_163 : vector<16xf32>
        %swap3A_182 = arith.index_cast %scan3A_160 : i32 to index
        %swap3A_183 = arith.constant 32 : index
        %swap3A_184 = tpu.vector_load %arg14[%swap3A_182, %swap3A_183] {strides = array<i32>} : memref<128x144xf32, #tpu.memory_space<vmem>>, vector<16xf32>,
        tpu.vector_store %arg14[%swap3A_182, %swap3A_183], %mul3A_181 {strides = array<i32>} : memref<128x144xf32, #tpu.memory_space<vmem>>, vector<16xf32>,
        %get3A_185 = arith.index_cast %scan3A_160 : i32 to index
        %get3A_186 = arith.constant 48 : index
        %get3A_187 = tpu.vector_load %arg14[%get3A_185, %get3A_186] {strides = array<i32>} : memref<128x144xf32, #tpu.memory_space<vmem>>, vector<16xf32>,
        %mul3A_188 = arith.mulf %get3A_187, %gather3A_163 : vector<16xf32>
        %swap3A_189 = arith.index_cast %scan3A_160 : i32 to index
        %swap3A_190 = arith.constant 48 : index
        %swap3A_191 = tpu.vector_load %arg14[%swap3A_189, %swap3A_190] {strides = array<i32>} : memref<128x144xf32, #tpu.memory_space<vmem>>, vector<16xf32>,
        tpu.vector_store %arg14[%swap3A_189, %swap3A_190], %mul3A_188 {strides = array<i32>} : memref<128x144xf32, #tpu.memory_space<vmem>>, vector<16xf32>,
        %get3A_192 = arith.index_cast %scan3A_160 : i32 to index
        %get3A_193 = arith.constant 64 : index
        %get3A_194 = tpu.vector_load %arg14[%get3A_192, %get3A_193] {strides = array<i32>} : memref<128x144xf32, #tpu.memory_space<vmem>>, vector<16xf32>,
        %mul3A_195 = arith.mulf %get3A_194, %gather3A_163 : vector<16xf32>
        %swap3A_196 = arith.index_cast %scan3A_160 : i32 to index
        %swap3A_197 = arith.constant 64 : index
        %swap3A_198 = tpu.vector_load %arg14[%swap3A_196, %swap3A_197] {strides = array<i32>} : memref<128x144xf32, #tpu.memory_space<vmem>>, vector<16xf32>,
        tpu.vector_store %arg14[%swap3A_196, %swap3A_197], %mul3A_195 {strides = array<i32>} : memref<128x144xf32, #tpu.memory_space<vmem>>, vector<16xf32>,
        %get3A_199 = arith.index_cast %scan3A_160 : i32 to index
        %get3A_200 = arith.constant 80 : index
        %get3A_201 = tpu.vector_load %arg14[%get3A_199, %get3A_200] {strides = array<i32>} : memref<128x144xf32, #tpu.memory_space<vmem>>, vector<16xf32>,
        %mul3A_202 = arith.mulf %get3A_201, %gather3A_163 : vector<16xf32>
        %swap3A_203 = arith.index_cast %scan3A_160 : i32 to index
        %swap3A_204 = arith.constant 80 : index
        %swap3A_205 = tpu.vector_load %arg14[%swap3A_203, %swap3A_204] {strides = array<i32>} : memref<128x144xf32, #tpu.memory_space<vmem>>, vector<16xf32>,
        tpu.vector_store %arg14[%swap3A_203, %swap3A_204], %mul3A_202 {strides = array<i32>} : memref<128x144xf32, #tpu.memory_space<vmem>>, vector<16xf32>,
        %get3A_206 = arith.index_cast %scan3A_160 : i32 to index
        %get3A_207 = arith.constant 96 : index
        %get3A_208 = tpu.vector_load %arg14[%get3A_206, %get3A_207] {strides = array<i32>} : memref<128x144xf32, #tpu.memory_space<vmem>>, vector<16xf32>,
        %mul3A_209 = arith.mulf %get3A_208, %gather3A_163 : vector<16xf32>
        %swap3A_210 = arith.index_cast %scan3A_160 : i32 to index
        %swap3A_211 = arith.constant 96 : index
        %swap3A_212 = tpu.vector_load %arg14[%swap3A_210, %swap3A_211] {strides = array<i32>} : memref<128x144xf32, #tpu.memory_space<vmem>>, vector<16xf32>,
        tpu.vector_store %arg14[%swap3A_210, %swap3A_211], %mul3A_209 {strides = array<i32>} : memref<128x144xf32, #tpu.memory_space<vmem>>, vector<16xf32>,
        %get3A_213 = arith.index_cast %scan3A_160 : i32 to index
        %get3A_214 = arith.constant 112 : index
        %get3A_215 = tpu.vector_load %arg14[%get3A_213, %get3A_214] {strides = array<i32>} : memref<128x144xf32, #tpu.memory_space<vmem>>, vector<16xf32>,
        %mul3A_216 = arith.mulf %get3A_215, %gather3A_163 : vector<16xf32>
        %swap3A_217 = arith.index_cast %scan3A_160 : i32 to index
        %swap3A_218 = arith.constant 112 : index
        %swap3A_219 = tpu.vector_load %arg14[%swap3A_217, %swap3A_218] {strides = array<i32>} : memref<128x144xf32, #tpu.memory_space<vmem>>, vector<16xf32>,
        tpu.vector_store %arg14[%swap3A_217, %swap3A_218], %mul3A_216 {strides = array<i32>} : memref<128x144xf32, #tpu.memory_space<vmem>>, vector<16xf32>,
        %get3A_220 = arith.index_cast %scan3A_160 : i32 to index
        %get3A_221 = arith.constant 128 : index
        %get3A_222 = tpu.vector_load %arg14[%get3A_220, %get3A_221] {strides = array<i32>} : memref<128x144xf32, #tpu.memory_space<vmem>>, vector<16xf32>,
        %mul3A_223 = arith.mulf %get3A_222, %gather3A_163 : vector<16xf32>
        %swap3A_224 = arith.index_cast %scan3A_160 : i32 to index
        %swap3A_225 = arith.constant 128 : index
        %swap3A_226 = tpu.vector_load %arg14[%swap3A_224, %swap3A_225] {strides = array<i32>} : memref<128x144xf32, #tpu.memory_space<vmem>>, vector<16xf32>,
        tpu.vector_store %arg14[%swap3A_224, %swap3A_225], %mul3A_223 {strides = array<i32>} : memref<128x144xf32, #tpu.memory_space<vmem>>, vector<16xf32>,
      }
      %scan3A_159 = arith.constant 128 : i32
      "tpu.region"() ({
        %run_scoped3A = tpu.sem_alloc : memref<!tpu.dma_semaphore, #tpu.memory_space<semaphore_mem>>
        %dma_start3A_160 = arith.constant 0 : i32
        %dma_start3A_161 = arith.constant 0 : i32
        %dma_start3A_162 = tpu.memref_slice %arg15[%dma_start3A_160, %dma_start3A_161] : memref<10112x144xf32, #tpu.memory_space<vmem_shared>> -> memref<10112x144xf32, #tpu.memory_space<vmem_shared>>
        tpu.enqueue_indirect_dma source(%arg14 : memref<128x144xf32, #tpu.memory_space<vmem>>) target(%dma_start3A_162 : memref<10112x144xf32, #tpu.memory_space<vmem_shared>>) offsets(%arg12 : memref<128xi32, #tpu.memory_space<vmem>>) semaphore(%run_scoped3A : memref<!tpu.dma_semaphore, #tpu.memory_space<semaphore_mem>>) {add = true}
        %dma_wait3A_163 = arith.constant 0 : i32
        %dma_wait3A_164 = arith.constant 0 : i32
        %dma_wait3A_165 = tpu.memref_slice %arg15[%dma_wait3A_163, %dma_wait3A_164] : memref<10112x144xf32, #tpu.memory_space<vmem_shared>> -> memref<10112x144xf32, #tpu.memory_space<vmem_shared>>
        tpu.wait_indirect_dma semaphore(%run_scoped3A : memref<!tpu.dma_semaphore, #tpu.memory_space<semaphore_mem>>) src(%arg14 : memref<128x144xf32, #tpu.memory_space<vmem>>) dst(%dma_wait3A_165 : memref<10112x144xf32, #tpu.memory_space<vmem_shared>>)
        tpu.yield
      }) : () -> ()
    }
    %scan3A_10 = arith.constant 81 : i32
    %barrier3A_11 = arith.constant 0 : index
    tpu.barrier barrier_id(%barrier3A_11)
    %mul3A_12 = arith.constant 632 : i32
    %mul3A_13 = arith.muli %arg1, %mul3A_12 : i32
    %mul3A_14 = arith.constant 632 : i32
    %mul3A_15 = arith.muli %arg1, %mul3A_14 : i32
    "tpu.region"() ({
      %run_scoped3A = tpu.sem_alloc : memref<!tpu.dma_semaphore, #tpu.memory_space<semaphore_mem>>
      %dma_start3A = arith.constant 0 : i32
      %dma_start3A_16 = tpu.memref_slice %arg8[%arg0, %mul3A_15, %dma_start3A] : memref<2x10112x144xf32, #tpu.memory_space<hbm>> -> memref<1x632x144xf32, #tpu.memory_space<hbm>>
      %dma_start3A_17 = tpu.memref_squeeze %dma_start3A_16 : memref<1x632x144xf32, #tpu.memory_space<hbm>> -> memref<632x144xf32, #tpu.memory_space<hbm>>
      %dma_start3A_18 = arith.constant 0 : i32
      %dma_start3A_19 = tpu.memref_slice %arg15[%mul3A_13, %dma_start3A_18] : memref<10112x144xf32, #tpu.memory_space<vmem_shared>> -> memref<632x144xf32, #tpu.memory_space<vmem_shared>>
      tpu.enqueue_dma source(%dma_start3A_19 : memref<632x144xf32, #tpu.memory_space<vmem_shared>>) target(%dma_start3A_17 : memref<632x144xf32, #tpu.memory_space<hbm>>) target_semaphore(%run_scoped3A : memref<!tpu.dma_semaphore, #tpu.memory_space<semaphore_mem>>)
      %dma_wait3A = arith.constant 0 : i32
      %dma_wait3A_20 = tpu.memref_slice %arg8[%arg0, %mul3A_15, %dma_wait3A] : memref<2x10112x144xf32, #tpu.memory_space<hbm>> -> memref<1x632x144xf32, #tpu.memory_space<hbm>>
      %dma_wait3A_21 = tpu.memref_squeeze %dma_wait3A_20 : memref<1x632x144xf32, #tpu.memory_space<hbm>> -> memref<632x144xf32, #tpu.memory_space<hbm>>
      %dma_wait3A_22 = arith.constant 0 : i32
      %dma_wait3A_23 = tpu.memref_slice %arg15[%mul3A_13, %dma_wait3A_22] : memref<10112x144xf32, #tpu.memory_space<vmem_shared>> -> memref<632x144xf32, #tpu.memory_space<vmem_shared>>
      tpu.wait_dma2 semaphore(%run_scoped3A : memref<!tpu.dma_semaphore, #tpu.memory_space<semaphore_mem>>) src(%dma_wait3A_23 : memref<632x144xf32, #tpu.memory_space<vmem_shared>>) dst(%dma_wait3A_21 : memref<632x144xf32, #tpu.memory_space<hbm>>)
      tpu.yield
    }) : () -> ()
    return
  }
}

#map = affine_map<(d0, d1) -> (0, 0)>
#map1 = affine_map<(d0, d1) -> (0)>
#map2 = affine_map<(d0, d1) -> (0, 0, 0)>
module attributes {stable_mosaic.version = 14 : i64} {
  func.func @_sc_edge_body(%arg0: i32, %arg1: i32, %arg2: memref<10112x144xf32, #tpu.memory_space<hbm>>, %arg3: memref<10112xf32, #tpu.memory_space<hbm>>, %arg4: memref<10112xf32, #tpu.memory_space<hbm>>, %arg5: memref<331776xi32, #tpu.memory_space<hbm>>, %arg6: memref<331776xi32, #tpu.memory_space<hbm>>, %arg7: memref<632x144xf32, #tpu.memory_space<hbm>>, %arg8: memref<2x10112x144xf32, #tpu.memory_space<hbm>>, %arg9: memref<10112xf32, #tpu.memory_space<vmem>>, %arg10: memref<10112xf32, #tpu.memory_space<vmem>>, %arg11: memref<128xi32, #tpu.memory_space<vmem>>, %arg12: memref<128xi32, #tpu.memory_space<vmem>>, %arg13: memref<128xf32, #tpu.memory_space<vmem>>, %arg14: memref<128x144xf32, #tpu.memory_space<vmem>>, %arg15: memref<10112x144xf32, #tpu.memory_space<vmem_shared>>, %arg16: memref<!tpu.dma_semaphore, #tpu.memory_space<semaphore_mem>>) attributes {dimension_semantics = [#tpu.dimension_semantics<core_parallel>, #tpu.dimension_semantics<subcore_parallel>], iteration_bounds = array<i64: 2, 16>, scalar_prefetch = 0 : i64, scratch_operands = 8 : i64, tpu.core_type = #tpu.core_type<sc_vector_subcore>, window_params = [{transform_indices = #map}, {transform_indices = #map1}, {transform_indices = #map1}, {transform_indices = #map1}, {transform_indices = #map1}, {transform_indices = #map}, {transform_indices = #map2}]} {
    %mul3A = arith.constant 16 : i32
    %mul3A_0 = arith.muli %arg0, %mul3A : i32
    %add3A = arith.addi %mul3A_0, %arg1 : i32
    %mul3A_1 = arith.constant 632 : i32
    %mul3A_2 = arith.muli %arg1, %mul3A_1 : i32
    "tpu.region"() ({
      %run_scoped3A = tpu.sem_alloc : memref<!tpu.dma_semaphore, #tpu.memory_space<semaphore_mem>>
      %dma_start3A = arith.constant 0 : i32
      %dma_start3A_16 = tpu.memref_slice %arg15[%mul3A_2, %dma_start3A] : memref<10112x144xf32, #tpu.memory_space<vmem_shared>> -> memref<632x144xf32, #tpu.memory_space<vmem_shared>>
      tpu.enqueue_dma source(%arg7 : memref<632x144xf32, #tpu.memory_space<hbm>>) target(%dma_start3A_16 : memref<632x144xf32, #tpu.memory_space<vmem_shared>>) target_semaphore(%run_scoped3A : memref<!tpu.dma_semaphore, #tpu.memory_space<semaphore_mem>>)
      %dma_wait3A = arith.constant 0 : i32
      %dma_wait3A_17 = tpu.memref_slice %arg15[%mul3A_2, %dma_wait3A] : memref<10112x144xf32, #tpu.memory_space<vmem_shared>> -> memref<632x144xf32, #tpu.memory_space<vmem_shared>>
      tpu.wait_dma2 semaphore(%run_scoped3A : memref<!tpu.dma_semaphore, #tpu.memory_space<semaphore_mem>>) src(%arg7 : memref<632x144xf32, #tpu.memory_space<hbm>>) dst(%dma_wait3A_17 : memref<632x144xf32, #tpu.memory_space<vmem_shared>>)
      tpu.yield
    }) : () -> ()
    "tpu.region"() ({
      %run_scoped3A = tpu.sem_alloc : memref<!tpu.dma_semaphore, #tpu.memory_space<semaphore_mem>>
      tpu.enqueue_dma source(%arg3 : memref<10112xf32, #tpu.memory_space<hbm>>) target(%arg9 : memref<10112xf32, #tpu.memory_space<vmem>>) target_semaphore(%run_scoped3A : memref<!tpu.dma_semaphore, #tpu.memory_space<semaphore_mem>>)
      tpu.wait_dma2 semaphore(%run_scoped3A : memref<!tpu.dma_semaphore, #tpu.memory_space<semaphore_mem>>) src(%arg3 : memref<10112xf32, #tpu.memory_space<hbm>>) dst(%arg9 : memref<10112xf32, #tpu.memory_space<vmem>>)
      tpu.yield
    }) : () -> ()
    "tpu.region"() ({
      %run_scoped3A = tpu.sem_alloc : memref<!tpu.dma_semaphore, #tpu.memory_space<semaphore_mem>>
      tpu.enqueue_dma source(%arg4 : memref<10112xf32, #tpu.memory_space<hbm>>) target(%arg10 : memref<10112xf32, #tpu.memory_space<vmem>>) target_semaphore(%run_scoped3A : memref<!tpu.dma_semaphore, #tpu.memory_space<semaphore_mem>>)
      tpu.wait_dma2 semaphore(%run_scoped3A : memref<!tpu.dma_semaphore, #tpu.memory_space<semaphore_mem>>) src(%arg4 : memref<10112xf32, #tpu.memory_space<hbm>>) dst(%arg10 : memref<10112xf32, #tpu.memory_space<vmem>>)
      tpu.yield
    }) : () -> ()
    %barrier3A = arith.constant 0 : index
    tpu.barrier barrier_id(%barrier3A)
    %mul3A_3 = arith.constant 10368 : i32
    %mul3A_4 = arith.muli %add3A, %mul3A_3 : i32
    %broadcast_in_dim3A = arith.constant 0 : i32
    %broadcast_in_dim3A_5 = vector.broadcast %broadcast_in_dim3A : i32 to vector<16xi32>
    %scan3A = arith.constant 0 : i32
    %scan3A_6 = arith.constant 0 : i32
    %scan3A_7 = arith.constant 81 : i32
    %scan3A_8 = arith.addi %scan3A_6, %scan3A_7 : i32
    %scan3A_9 = arith.constant 1 : i32
    scf.for %scan3A_16 = %scan3A_6 to %scan3A_8 step %scan3A_9  : i32 {
      %mul3A_17 = arith.constant 128 : i32
      %mul3A_18 = arith.muli %scan3A_16, %mul3A_17 : i32
      %add3A_19 = arith.addi %mul3A_4, %mul3A_18 : i32
      %multiple_of3A = tpu.assume_multiple %add3A_19, 8 : i32
      "tpu.region"() ({
        %run_scoped3A = tpu.sem_alloc : memref<!tpu.dma_semaphore, #tpu.memory_space<semaphore_mem>>
        %dma_start3A_160 = tpu.memref_slice %arg5[%multiple_of3A] : memref<331776xi32, #tpu.memory_space<hbm>> -> memref<128xi32, #tpu.memory_space<hbm>>
        %dma_start3A_161 = tpu.memref_slice %arg5[%multiple_of3A] : memref<331776xi32, #tpu.memory_space<hbm>> -> memref<128xi32, #tpu.memory_space<hbm>>
        tpu.enqueue_dma source(%dma_start3A_161 : memref<128xi32, #tpu.memory_space<hbm>>) target(%arg11 : memref<128xi32, #tpu.memory_space<vmem>>) target_semaphore(%run_scoped3A : memref<!tpu.dma_semaphore, #tpu.memory_space<semaphore_mem>>)
        %dma_wait3A_162 = tpu.memref_slice %arg5[%multiple_of3A] : memref<331776xi32, #tpu.memory_space<hbm>> -> memref<128xi32, #tpu.memory_space<hbm>>
        %dma_wait3A_163 = tpu.memref_slice %arg5[%multiple_of3A] : memref<331776xi32, #tpu.memory_space<hbm>> -> memref<128xi32, #tpu.memory_space<hbm>>
        tpu.wait_dma2 semaphore(%run_scoped3A : memref<!tpu.dma_semaphore, #tpu.memory_space<semaphore_mem>>) src(%dma_wait3A_163 : memref<128xi32, #tpu.memory_space<hbm>>) dst(%arg11 : memref<128xi32, #tpu.memory_space<vmem>>)
        tpu.yield
      }) : () -> ()
      "tpu.region"() ({
        %run_scoped3A = tpu.sem_alloc : memref<!tpu.dma_semaphore, #tpu.memory_space<semaphore_mem>>
        %dma_start3A_160 = tpu.memref_slice %arg6[%multiple_of3A] : memref<331776xi32, #tpu.memory_space<hbm>> -> memref<128xi32, #tpu.memory_space<hbm>>
        %dma_start3A_161 = tpu.memref_slice %arg6[%multiple_of3A] : memref<331776xi32, #tpu.memory_space<hbm>> -> memref<128xi32, #tpu.memory_space<hbm>>
        tpu.enqueue_dma source(%dma_start3A_161 : memref<128xi32, #tpu.memory_space<hbm>>) target(%arg12 : memref<128xi32, #tpu.memory_space<vmem>>) target_semaphore(%run_scoped3A : memref<!tpu.dma_semaphore, #tpu.memory_space<semaphore_mem>>)
        %dma_wait3A_162 = tpu.memref_slice %arg6[%multiple_of3A] : memref<331776xi32, #tpu.memory_space<hbm>> -> memref<128xi32, #tpu.memory_space<hbm>>
        %dma_wait3A_163 = tpu.memref_slice %arg6[%multiple_of3A] : memref<331776xi32, #tpu.memory_space<hbm>> -> memref<128xi32, #tpu.memory_space<hbm>>
        tpu.wait_dma2 semaphore(%run_scoped3A : memref<!tpu.dma_semaphore, #tpu.memory_space<semaphore_mem>>) src(%dma_wait3A_163 : memref<128xi32, #tpu.memory_space<hbm>>) dst(%arg12 : memref<128xi32, #tpu.memory_space<vmem>>)
        tpu.yield
      }) : () -> ()
      %dma_start3A = arith.constant 0 : i32
      %dma_start3A_20 = arith.constant 0 : i32
      %dma_start3A_21 = tpu.memref_slice %arg2[%dma_start3A, %dma_start3A_20] : memref<10112x144xf32, #tpu.memory_space<hbm>> -> memref<10112x144xf32, #tpu.memory_space<hbm>>
      tpu.enqueue_indirect_dma source(%dma_start3A_21 : memref<10112x144xf32, #tpu.memory_space<hbm>>) target(%arg14 : memref<128x144xf32, #tpu.memory_space<vmem>>) offsets(%arg11 : memref<128xi32, #tpu.memory_space<vmem>>) semaphore(%arg16 : memref<!tpu.dma_semaphore, #tpu.memory_space<semaphore_mem>>)
      %get3A = arith.constant 0 : index
      %get3A_22 = tpu.vector_load %arg11[%get3A] {strides = array<i32>} : memref<128xi32, #tpu.memory_space<vmem>>, vector<16xi32>,
      %get3A_23 = arith.constant 0 : index
      %get3A_24 = tpu.vector_load %arg12[%get3A_23] {strides = array<i32>} : memref<128xi32, #tpu.memory_space<vmem>>, vector<16xi32>,
      %gather3A = tpu.vector_load_idx %arg9[%get3A_22] : memref<10112xf32, #tpu.memory_space<vmem>>[vector<16xi32>], vector<16xf32>,
      %gather3A_25 = tpu.vector_load_idx %arg10[%get3A_24] : memref<10112xf32, #tpu.memory_space<vmem>>[vector<16xi32>], vector<16xf32>,
      %add3A_26 = arith.addf %gather3A, %gather3A_25 : vector<16xf32>
      %ge3A = arith.constant 0.000000e+00 : f32
      %ge3A_27 = vector.broadcast %ge3A : f32 to vector<16xf32>
      %ge3A_28 = arith.cmpf oge, %add3A_26, %ge3A_27 : vector<16xf32>
      %mul3A_29 = arith.constant 2.000000e-01 : f32
      %mul3A_30 = vector.broadcast %mul3A_29 : f32 to vector<16xf32>
      %mul3A_31 = arith.mulf %mul3A_30, %add3A_26 : vector<16xf32>
      %select_n3A = arith.select %ge3A_28, %add3A_26, %mul3A_31 : vector<16xi1>, vector<16xf32>
      %exp3A = math.exp %select_n3A : vector<16xf32>
      %swap3A = arith.constant 0 : index
      %swap3A_32 = tpu.vector_load %arg13[%swap3A] {strides = array<i32>} : memref<128xf32, #tpu.memory_space<vmem>>, vector<16xf32>,
      tpu.vector_store %arg13[%swap3A], %exp3A {strides = array<i32>} : memref<128xf32, #tpu.memory_space<vmem>>, vector<16xf32>,
      %get3A_33 = arith.constant 16 : index
      %get3A_34 = tpu.vector_load %arg11[%get3A_33] {strides = array<i32>} : memref<128xi32, #tpu.memory_space<vmem>>, vector<16xi32>,
      %get3A_35 = arith.constant 16 : index
      %get3A_36 = tpu.vector_load %arg12[%get3A_35] {strides = array<i32>} : memref<128xi32, #tpu.memory_space<vmem>>, vector<16xi32>,
      %gather3A_37 = tpu.vector_load_idx %arg9[%get3A_34] : memref<10112xf32, #tpu.memory_space<vmem>>[vector<16xi32>], vector<16xf32>,
      %gather3A_38 = tpu.vector_load_idx %arg10[%get3A_36] : memref<10112xf32, #tpu.memory_space<vmem>>[vector<16xi32>], vector<16xf32>,
      %add3A_39 = arith.addf %gather3A_37, %gather3A_38 : vector<16xf32>
      %ge3A_40 = arith.constant 0.000000e+00 : f32
      %ge3A_41 = vector.broadcast %ge3A_40 : f32 to vector<16xf32>
      %ge3A_42 = arith.cmpf oge, %add3A_39, %ge3A_41 : vector<16xf32>
      %mul3A_43 = arith.constant 2.000000e-01 : f32
      %mul3A_44 = vector.broadcast %mul3A_43 : f32 to vector<16xf32>
      %mul3A_45 = arith.mulf %mul3A_44, %add3A_39 : vector<16xf32>
      %select_n3A_46 = arith.select %ge3A_42, %add3A_39, %mul3A_45 : vector<16xi1>, vector<16xf32>
      %exp3A_47 = math.exp %select_n3A_46 : vector<16xf32>
      %swap3A_48 = arith.constant 16 : index
      %swap3A_49 = tpu.vector_load %arg13[%swap3A_48] {strides = array<i32>} : memref<128xf32, #tpu.memory_space<vmem>>, vector<16xf32>,
      tpu.vector_store %arg13[%swap3A_48], %exp3A_47 {strides = array<i32>} : memref<128xf32, #tpu.memory_space<vmem>>, vector<16xf32>,
      %get3A_50 = arith.constant 32 : index
      %get3A_51 = tpu.vector_load %arg11[%get3A_50] {strides = array<i32>} : memref<128xi32, #tpu.memory_space<vmem>>, vector<16xi32>,
      %get3A_52 = arith.constant 32 : index
      %get3A_53 = tpu.vector_load %arg12[%get3A_52] {strides = array<i32>} : memref<128xi32, #tpu.memory_space<vmem>>, vector<16xi32>,
      %gather3A_54 = tpu.vector_load_idx %arg9[%get3A_51] : memref<10112xf32, #tpu.memory_space<vmem>>[vector<16xi32>], vector<16xf32>,
      %gather3A_55 = tpu.vector_load_idx %arg10[%get3A_53] : memref<10112xf32, #tpu.memory_space<vmem>>[vector<16xi32>], vector<16xf32>,
      %add3A_56 = arith.addf %gather3A_54, %gather3A_55 : vector<16xf32>
      %ge3A_57 = arith.constant 0.000000e+00 : f32
      %ge3A_58 = vector.broadcast %ge3A_57 : f32 to vector<16xf32>
      %ge3A_59 = arith.cmpf oge, %add3A_56, %ge3A_58 : vector<16xf32>
      %mul3A_60 = arith.constant 2.000000e-01 : f32
      %mul3A_61 = vector.broadcast %mul3A_60 : f32 to vector<16xf32>
      %mul3A_62 = arith.mulf %mul3A_61, %add3A_56 : vector<16xf32>
      %select_n3A_63 = arith.select %ge3A_59, %add3A_56, %mul3A_62 : vector<16xi1>, vector<16xf32>
      %exp3A_64 = math.exp %select_n3A_63 : vector<16xf32>
      %swap3A_65 = arith.constant 32 : index
      %swap3A_66 = tpu.vector_load %arg13[%swap3A_65] {strides = array<i32>} : memref<128xf32, #tpu.memory_space<vmem>>, vector<16xf32>,
      tpu.vector_store %arg13[%swap3A_65], %exp3A_64 {strides = array<i32>} : memref<128xf32, #tpu.memory_space<vmem>>, vector<16xf32>,
      %get3A_67 = arith.constant 48 : index
      %get3A_68 = tpu.vector_load %arg11[%get3A_67] {strides = array<i32>} : memref<128xi32, #tpu.memory_space<vmem>>, vector<16xi32>,
      %get3A_69 = arith.constant 48 : index
      %get3A_70 = tpu.vector_load %arg12[%get3A_69] {strides = array<i32>} : memref<128xi32, #tpu.memory_space<vmem>>, vector<16xi32>,
      %gather3A_71 = tpu.vector_load_idx %arg9[%get3A_68] : memref<10112xf32, #tpu.memory_space<vmem>>[vector<16xi32>], vector<16xf32>,
      %gather3A_72 = tpu.vector_load_idx %arg10[%get3A_70] : memref<10112xf32, #tpu.memory_space<vmem>>[vector<16xi32>], vector<16xf32>,
      %add3A_73 = arith.addf %gather3A_71, %gather3A_72 : vector<16xf32>
      %ge3A_74 = arith.constant 0.000000e+00 : f32
      %ge3A_75 = vector.broadcast %ge3A_74 : f32 to vector<16xf32>
      %ge3A_76 = arith.cmpf oge, %add3A_73, %ge3A_75 : vector<16xf32>
      %mul3A_77 = arith.constant 2.000000e-01 : f32
      %mul3A_78 = vector.broadcast %mul3A_77 : f32 to vector<16xf32>
      %mul3A_79 = arith.mulf %mul3A_78, %add3A_73 : vector<16xf32>
      %select_n3A_80 = arith.select %ge3A_76, %add3A_73, %mul3A_79 : vector<16xi1>, vector<16xf32>
      %exp3A_81 = math.exp %select_n3A_80 : vector<16xf32>
      %swap3A_82 = arith.constant 48 : index
      %swap3A_83 = tpu.vector_load %arg13[%swap3A_82] {strides = array<i32>} : memref<128xf32, #tpu.memory_space<vmem>>, vector<16xf32>,
      tpu.vector_store %arg13[%swap3A_82], %exp3A_81 {strides = array<i32>} : memref<128xf32, #tpu.memory_space<vmem>>, vector<16xf32>,
      %get3A_84 = arith.constant 64 : index
      %get3A_85 = tpu.vector_load %arg11[%get3A_84] {strides = array<i32>} : memref<128xi32, #tpu.memory_space<vmem>>, vector<16xi32>,
      %get3A_86 = arith.constant 64 : index
      %get3A_87 = tpu.vector_load %arg12[%get3A_86] {strides = array<i32>} : memref<128xi32, #tpu.memory_space<vmem>>, vector<16xi32>,
      %gather3A_88 = tpu.vector_load_idx %arg9[%get3A_85] : memref<10112xf32, #tpu.memory_space<vmem>>[vector<16xi32>], vector<16xf32>,
      %gather3A_89 = tpu.vector_load_idx %arg10[%get3A_87] : memref<10112xf32, #tpu.memory_space<vmem>>[vector<16xi32>], vector<16xf32>,
      %add3A_90 = arith.addf %gather3A_88, %gather3A_89 : vector<16xf32>
      %ge3A_91 = arith.constant 0.000000e+00 : f32
      %ge3A_92 = vector.broadcast %ge3A_91 : f32 to vector<16xf32>
      %ge3A_93 = arith.cmpf oge, %add3A_90, %ge3A_92 : vector<16xf32>
      %mul3A_94 = arith.constant 2.000000e-01 : f32
      %mul3A_95 = vector.broadcast %mul3A_94 : f32 to vector<16xf32>
      %mul3A_96 = arith.mulf %mul3A_95, %add3A_90 : vector<16xf32>
      %select_n3A_97 = arith.select %ge3A_93, %add3A_90, %mul3A_96 : vector<16xi1>, vector<16xf32>
      %exp3A_98 = math.exp %select_n3A_97 : vector<16xf32>
      %swap3A_99 = arith.constant 64 : index
      %swap3A_100 = tpu.vector_load %arg13[%swap3A_99] {strides = array<i32>} : memref<128xf32, #tpu.memory_space<vmem>>, vector<16xf32>,
      tpu.vector_store %arg13[%swap3A_99], %exp3A_98 {strides = array<i32>} : memref<128xf32, #tpu.memory_space<vmem>>, vector<16xf32>,
      %get3A_101 = arith.constant 80 : index
      %get3A_102 = tpu.vector_load %arg11[%get3A_101] {strides = array<i32>} : memref<128xi32, #tpu.memory_space<vmem>>, vector<16xi32>,
      %get3A_103 = arith.constant 80 : index
      %get3A_104 = tpu.vector_load %arg12[%get3A_103] {strides = array<i32>} : memref<128xi32, #tpu.memory_space<vmem>>, vector<16xi32>,
      %gather3A_105 = tpu.vector_load_idx %arg9[%get3A_102] : memref<10112xf32, #tpu.memory_space<vmem>>[vector<16xi32>], vector<16xf32>,
      %gather3A_106 = tpu.vector_load_idx %arg10[%get3A_104] : memref<10112xf32, #tpu.memory_space<vmem>>[vector<16xi32>], vector<16xf32>,
      %add3A_107 = arith.addf %gather3A_105, %gather3A_106 : vector<16xf32>
      %ge3A_108 = arith.constant 0.000000e+00 : f32
      %ge3A_109 = vector.broadcast %ge3A_108 : f32 to vector<16xf32>
      %ge3A_110 = arith.cmpf oge, %add3A_107, %ge3A_109 : vector<16xf32>
      %mul3A_111 = arith.constant 2.000000e-01 : f32
      %mul3A_112 = vector.broadcast %mul3A_111 : f32 to vector<16xf32>
      %mul3A_113 = arith.mulf %mul3A_112, %add3A_107 : vector<16xf32>
      %select_n3A_114 = arith.select %ge3A_110, %add3A_107, %mul3A_113 : vector<16xi1>, vector<16xf32>
      %exp3A_115 = math.exp %select_n3A_114 : vector<16xf32>
      %swap3A_116 = arith.constant 80 : index
      %swap3A_117 = tpu.vector_load %arg13[%swap3A_116] {strides = array<i32>} : memref<128xf32, #tpu.memory_space<vmem>>, vector<16xf32>,
      tpu.vector_store %arg13[%swap3A_116], %exp3A_115 {strides = array<i32>} : memref<128xf32, #tpu.memory_space<vmem>>, vector<16xf32>,
      %get3A_118 = arith.constant 96 : index
      %get3A_119 = tpu.vector_load %arg11[%get3A_118] {strides = array<i32>} : memref<128xi32, #tpu.memory_space<vmem>>, vector<16xi32>,
      %get3A_120 = arith.constant 96 : index
      %get3A_121 = tpu.vector_load %arg12[%get3A_120] {strides = array<i32>} : memref<128xi32, #tpu.memory_space<vmem>>, vector<16xi32>,
      %gather3A_122 = tpu.vector_load_idx %arg9[%get3A_119] : memref<10112xf32, #tpu.memory_space<vmem>>[vector<16xi32>], vector<16xf32>,
      %gather3A_123 = tpu.vector_load_idx %arg10[%get3A_121] : memref<10112xf32, #tpu.memory_space<vmem>>[vector<16xi32>], vector<16xf32>,
      %add3A_124 = arith.addf %gather3A_122, %gather3A_123 : vector<16xf32>
      %ge3A_125 = arith.constant 0.000000e+00 : f32
      %ge3A_126 = vector.broadcast %ge3A_125 : f32 to vector<16xf32>
      %ge3A_127 = arith.cmpf oge, %add3A_124, %ge3A_126 : vector<16xf32>
      %mul3A_128 = arith.constant 2.000000e-01 : f32
      %mul3A_129 = vector.broadcast %mul3A_128 : f32 to vector<16xf32>
      %mul3A_130 = arith.mulf %mul3A_129, %add3A_124 : vector<16xf32>
      %select_n3A_131 = arith.select %ge3A_127, %add3A_124, %mul3A_130 : vector<16xi1>, vector<16xf32>
      %exp3A_132 = math.exp %select_n3A_131 : vector<16xf32>
      %swap3A_133 = arith.constant 96 : index
      %swap3A_134 = tpu.vector_load %arg13[%swap3A_133] {strides = array<i32>} : memref<128xf32, #tpu.memory_space<vmem>>, vector<16xf32>,
      tpu.vector_store %arg13[%swap3A_133], %exp3A_132 {strides = array<i32>} : memref<128xf32, #tpu.memory_space<vmem>>, vector<16xf32>,
      %get3A_135 = arith.constant 112 : index
      %get3A_136 = tpu.vector_load %arg11[%get3A_135] {strides = array<i32>} : memref<128xi32, #tpu.memory_space<vmem>>, vector<16xi32>,
      %get3A_137 = arith.constant 112 : index
      %get3A_138 = tpu.vector_load %arg12[%get3A_137] {strides = array<i32>} : memref<128xi32, #tpu.memory_space<vmem>>, vector<16xi32>,
      %gather3A_139 = tpu.vector_load_idx %arg9[%get3A_136] : memref<10112xf32, #tpu.memory_space<vmem>>[vector<16xi32>], vector<16xf32>,
      %gather3A_140 = tpu.vector_load_idx %arg10[%get3A_138] : memref<10112xf32, #tpu.memory_space<vmem>>[vector<16xi32>], vector<16xf32>,
      %add3A_141 = arith.addf %gather3A_139, %gather3A_140 : vector<16xf32>
      %ge3A_142 = arith.constant 0.000000e+00 : f32
      %ge3A_143 = vector.broadcast %ge3A_142 : f32 to vector<16xf32>
      %ge3A_144 = arith.cmpf oge, %add3A_141, %ge3A_143 : vector<16xf32>
      %mul3A_145 = arith.constant 2.000000e-01 : f32
      %mul3A_146 = vector.broadcast %mul3A_145 : f32 to vector<16xf32>
      %mul3A_147 = arith.mulf %mul3A_146, %add3A_141 : vector<16xf32>
      %select_n3A_148 = arith.select %ge3A_144, %add3A_141, %mul3A_147 : vector<16xi1>, vector<16xf32>
      %exp3A_149 = math.exp %select_n3A_148 : vector<16xf32>
      %swap3A_150 = arith.constant 112 : index
      %swap3A_151 = tpu.vector_load %arg13[%swap3A_150] {strides = array<i32>} : memref<128xf32, #tpu.memory_space<vmem>>, vector<16xf32>,
      tpu.vector_store %arg13[%swap3A_150], %exp3A_149 {strides = array<i32>} : memref<128xf32, #tpu.memory_space<vmem>>, vector<16xf32>,
      %dma_wait3A = arith.constant 0 : i32
      %dma_wait3A_152 = arith.constant 0 : i32
      %dma_wait3A_153 = tpu.memref_slice %arg2[%dma_wait3A, %dma_wait3A_152] : memref<10112x144xf32, #tpu.memory_space<hbm>> -> memref<10112x144xf32, #tpu.memory_space<hbm>>
      tpu.wait_indirect_dma semaphore(%arg16 : memref<!tpu.dma_semaphore, #tpu.memory_space<semaphore_mem>>) src(%dma_wait3A_153 : memref<10112x144xf32, #tpu.memory_space<hbm>>) dst(%arg14 : memref<128x144xf32, #tpu.memory_space<vmem>>)
      %scan3A_154 = arith.constant 0 : i32
      %scan3A_155 = arith.constant 0 : i32
      %scan3A_156 = arith.constant 128 : i32
      %scan3A_157 = arith.addi %scan3A_155, %scan3A_156 : i32
      %scan3A_158 = arith.constant 1 : i32
      scf.for %scan3A_160 = %scan3A_155 to %scan3A_157 step %scan3A_158  : i32 {
        %add3A_161 = vector.broadcast %scan3A_160 : i32 to vector<16xi32>
        %add3A_162 = arith.addi %broadcast_in_dim3A_5, %add3A_161 : vector<16xi32>
        %gather3A_163 = tpu.vector_load_idx %arg13[%add3A_162] : memref<128xf32, #tpu.memory_space<vmem>>[vector<16xi32>], vector<16xf32>,
        %get3A_164 = arith.index_cast %scan3A_160 : i32 to index
        %get3A_165 = arith.constant 0 : index
        %get3A_166 = tpu.vector_load %arg14[%get3A_164, %get3A_165] {strides = array<i32>} : memref<128x144xf32, #tpu.memory_space<vmem>>, vector<16xf32>,
        %mul3A_167 = arith.mulf %get3A_166, %gather3A_163 : vector<16xf32>
        %swap3A_168 = arith.index_cast %scan3A_160 : i32 to index
        %swap3A_169 = arith.constant 0 : index
        %swap3A_170 = tpu.vector_load %arg14[%swap3A_168, %swap3A_169] {strides = array<i32>} : memref<128x144xf32, #tpu.memory_space<vmem>>, vector<16xf32>,
        tpu.vector_store %arg14[%swap3A_168, %swap3A_169], %mul3A_167 {strides = array<i32>} : memref<128x144xf32, #tpu.memory_space<vmem>>, vector<16xf32>,
        %get3A_171 = arith.index_cast %scan3A_160 : i32 to index
        %get3A_172 = arith.constant 16 : index
        %get3A_173 = tpu.vector_load %arg14[%get3A_171, %get3A_172] {strides = array<i32>} : memref<128x144xf32, #tpu.memory_space<vmem>>, vector<16xf32>,
        %mul3A_174 = arith.mulf %get3A_173, %gather3A_163 : vector<16xf32>
        %swap3A_175 = arith.index_cast %scan3A_160 : i32 to index
        %swap3A_176 = arith.constant 16 : index
        %swap3A_177 = tpu.vector_load %arg14[%swap3A_175, %swap3A_176] {strides = array<i32>} : memref<128x144xf32, #tpu.memory_space<vmem>>, vector<16xf32>,
        tpu.vector_store %arg14[%swap3A_175, %swap3A_176], %mul3A_174 {strides = array<i32>} : memref<128x144xf32, #tpu.memory_space<vmem>>, vector<16xf32>,
        %get3A_178 = arith.index_cast %scan3A_160 : i32 to index
        %get3A_179 = arith.constant 32 : index
        %get3A_180 = tpu.vector_load %arg14[%get3A_178, %get3A_179] {strides = array<i32>} : memref<128x144xf32, #tpu.memory_space<vmem>>, vector<16xf32>,
        %mul3A_181 = arith.mulf %get3A_180, %gather3A_163 : vector<16xf32>
        %swap3A_182 = arith.index_cast %scan3A_160 : i32 to index
        %swap3A_183 = arith.constant 32 : index
        %swap3A_184 = tpu.vector_load %arg14[%swap3A_182, %swap3A_183] {strides = array<i32>} : memref<128x144xf32, #tpu.memory_space<vmem>>, vector<16xf32>,
        tpu.vector_store %arg14[%swap3A_182, %swap3A_183], %mul3A_181 {strides = array<i32>} : memref<128x144xf32, #tpu.memory_space<vmem>>, vector<16xf32>,
        %get3A_185 = arith.index_cast %scan3A_160 : i32 to index
        %get3A_186 = arith.constant 48 : index
        %get3A_187 = tpu.vector_load %arg14[%get3A_185, %get3A_186] {strides = array<i32>} : memref<128x144xf32, #tpu.memory_space<vmem>>, vector<16xf32>,
        %mul3A_188 = arith.mulf %get3A_187, %gather3A_163 : vector<16xf32>
        %swap3A_189 = arith.index_cast %scan3A_160 : i32 to index
        %swap3A_190 = arith.constant 48 : index
        %swap3A_191 = tpu.vector_load %arg14[%swap3A_189, %swap3A_190] {strides = array<i32>} : memref<128x144xf32, #tpu.memory_space<vmem>>, vector<16xf32>,
        tpu.vector_store %arg14[%swap3A_189, %swap3A_190], %mul3A_188 {strides = array<i32>} : memref<128x144xf32, #tpu.memory_space<vmem>>, vector<16xf32>,
        %get3A_192 = arith.index_cast %scan3A_160 : i32 to index
        %get3A_193 = arith.constant 64 : index
        %get3A_194 = tpu.vector_load %arg14[%get3A_192, %get3A_193] {strides = array<i32>} : memref<128x144xf32, #tpu.memory_space<vmem>>, vector<16xf32>,
        %mul3A_195 = arith.mulf %get3A_194, %gather3A_163 : vector<16xf32>
        %swap3A_196 = arith.index_cast %scan3A_160 : i32 to index
        %swap3A_197 = arith.constant 64 : index
        %swap3A_198 = tpu.vector_load %arg14[%swap3A_196, %swap3A_197] {strides = array<i32>} : memref<128x144xf32, #tpu.memory_space<vmem>>, vector<16xf32>,
        tpu.vector_store %arg14[%swap3A_196, %swap3A_197], %mul3A_195 {strides = array<i32>} : memref<128x144xf32, #tpu.memory_space<vmem>>, vector<16xf32>,
        %get3A_199 = arith.index_cast %scan3A_160 : i32 to index
        %get3A_200 = arith.constant 80 : index
        %get3A_201 = tpu.vector_load %arg14[%get3A_199, %get3A_200] {strides = array<i32>} : memref<128x144xf32, #tpu.memory_space<vmem>>, vector<16xf32>,
        %mul3A_202 = arith.mulf %get3A_201, %gather3A_163 : vector<16xf32>
        %swap3A_203 = arith.index_cast %scan3A_160 : i32 to index
        %swap3A_204 = arith.constant 80 : index
        %swap3A_205 = tpu.vector_load %arg14[%swap3A_203, %swap3A_204] {strides = array<i32>} : memref<128x144xf32, #tpu.memory_space<vmem>>, vector<16xf32>,
        tpu.vector_store %arg14[%swap3A_203, %swap3A_204], %mul3A_202 {strides = array<i32>} : memref<128x144xf32, #tpu.memory_space<vmem>>, vector<16xf32>,
        %get3A_206 = arith.index_cast %scan3A_160 : i32 to index
        %get3A_207 = arith.constant 96 : index
        %get3A_208 = tpu.vector_load %arg14[%get3A_206, %get3A_207] {strides = array<i32>} : memref<128x144xf32, #tpu.memory_space<vmem>>, vector<16xf32>,
        %mul3A_209 = arith.mulf %get3A_208, %gather3A_163 : vector<16xf32>
        %swap3A_210 = arith.index_cast %scan3A_160 : i32 to index
        %swap3A_211 = arith.constant 96 : index
        %swap3A_212 = tpu.vector_load %arg14[%swap3A_210, %swap3A_211] {strides = array<i32>} : memref<128x144xf32, #tpu.memory_space<vmem>>, vector<16xf32>,
        tpu.vector_store %arg14[%swap3A_210, %swap3A_211], %mul3A_209 {strides = array<i32>} : memref<128x144xf32, #tpu.memory_space<vmem>>, vector<16xf32>,
        %get3A_213 = arith.index_cast %scan3A_160 : i32 to index
        %get3A_214 = arith.constant 112 : index
        %get3A_215 = tpu.vector_load %arg14[%get3A_213, %get3A_214] {strides = array<i32>} : memref<128x144xf32, #tpu.memory_space<vmem>>, vector<16xf32>,
        %mul3A_216 = arith.mulf %get3A_215, %gather3A_163 : vector<16xf32>
        %swap3A_217 = arith.index_cast %scan3A_160 : i32 to index
        %swap3A_218 = arith.constant 112 : index
        %swap3A_219 = tpu.vector_load %arg14[%swap3A_217, %swap3A_218] {strides = array<i32>} : memref<128x144xf32, #tpu.memory_space<vmem>>, vector<16xf32>,
        tpu.vector_store %arg14[%swap3A_217, %swap3A_218], %mul3A_216 {strides = array<i32>} : memref<128x144xf32, #tpu.memory_space<vmem>>, vector<16xf32>,
        %get3A_220 = arith.index_cast %scan3A_160 : i32 to index
        %get3A_221 = arith.constant 128 : index
        %get3A_222 = tpu.vector_load %arg14[%get3A_220, %get3A_221] {strides = array<i32>} : memref<128x144xf32, #tpu.memory_space<vmem>>, vector<16xf32>,
        %mul3A_223 = arith.mulf %get3A_222, %gather3A_163 : vector<16xf32>
        %swap3A_224 = arith.index_cast %scan3A_160 : i32 to index
        %swap3A_225 = arith.constant 128 : index
        %swap3A_226 = tpu.vector_load %arg14[%swap3A_224, %swap3A_225] {strides = array<i32>} : memref<128x144xf32, #tpu.memory_space<vmem>>, vector<16xf32>,
        tpu.vector_store %arg14[%swap3A_224, %swap3A_225], %mul3A_223 {strides = array<i32>} : memref<128x144xf32, #tpu.memory_space<vmem>>, vector<16xf32>,
      }
      %scan3A_159 = arith.constant 128 : i32
      "tpu.region"() ({
        %run_scoped3A = tpu.sem_alloc : memref<!tpu.dma_semaphore, #tpu.memory_space<semaphore_mem>>
        %dma_start3A_160 = arith.constant 0 : i32
        %dma_start3A_161 = arith.constant 0 : i32
        %dma_start3A_162 = tpu.memref_slice %arg15[%dma_start3A_160, %dma_start3A_161] : memref<10112x144xf32, #tpu.memory_space<vmem_shared>> -> memref<10112x144xf32, #tpu.memory_space<vmem_shared>>
        tpu.enqueue_indirect_dma source(%arg14 : memref<128x144xf32, #tpu.memory_space<vmem>>) target(%dma_start3A_162 : memref<10112x144xf32, #tpu.memory_space<vmem_shared>>) offsets(%arg12 : memref<128xi32, #tpu.memory_space<vmem>>) semaphore(%run_scoped3A : memref<!tpu.dma_semaphore, #tpu.memory_space<semaphore_mem>>) {add = true}
        %dma_wait3A_163 = arith.constant 0 : i32
        %dma_wait3A_164 = arith.constant 0 : i32
        %dma_wait3A_165 = tpu.memref_slice %arg15[%dma_wait3A_163, %dma_wait3A_164] : memref<10112x144xf32, #tpu.memory_space<vmem_shared>> -> memref<10112x144xf32, #tpu.memory_space<vmem_shared>>
        tpu.wait_indirect_dma semaphore(%run_scoped3A : memref<!tpu.dma_semaphore, #tpu.memory_space<semaphore_mem>>) src(%arg14 : memref<128x144xf32, #tpu.memory_space<vmem>>) dst(%dma_wait3A_165 : memref<10112x144xf32, #tpu.memory_space<vmem_shared>>)
        tpu.yield
      }) : () -> ()
    }
    %scan3A_10 = arith.constant 81 : i32
    %barrier3A_11 = arith.constant 0 : index
    tpu.barrier barrier_id(%barrier3A_11)
    %mul3A_12 = arith.constant 632 : i32
    %mul3A_13 = arith.muli %arg1, %mul3A_12 : i32
    %mul3A_14 = arith.constant 632 : i32
    %mul3A_15 = arith.muli %arg1, %mul3A_14 : i32
    "tpu.region"() ({
      %run_scoped3A = tpu.sem_alloc : memref<!tpu.dma_semaphore, #tpu.memory_space<semaphore_mem>>
      %dma_start3A = arith.constant 0 : i32
      %dma_start3A_16 = tpu.memref_slice %arg8[%arg0, %mul3A_15, %dma_start3A] : memref<2x10112x144xf32, #tpu.memory_space<hbm>> -> memref<1x632x144xf32, #tpu.memory_space<hbm>>
      %dma_start3A_17 = tpu.memref_squeeze %dma_start3A_16 : memref<1x632x144xf32, #tpu.memory_space<hbm>> -> memref<632x144xf32, #tpu.memory_space<hbm>>
      %dma_start3A_18 = arith.constant 0 : i32
      %dma_start3A_19 = tpu.memref_slice %arg15[%mul3A_13, %dma_start3A_18] : memref<10112x144xf32, #tpu.memory_space<vmem_shared>> -> memref<632x144xf32, #tpu.memory_space<vmem_shared>>
      tpu.enqueue_dma source(%dma_start3A_19 : memref<632x144xf32, #tpu.memory_space<vmem_shared>>) target(%dma_start3A_17 : memref<632x144xf32, #tpu.memory_space<hbm>>) target_semaphore(%run_scoped3A : memref<!tpu.dma_semaphore, #tpu.memory_space<semaphore_mem>>)
      %dma_wait3A = arith.constant 0 : i32
      %dma_wait3A_20 = tpu.memref_slice %arg8[%arg0, %mul3A_15, %dma_wait3A] : memref<2x10112x144xf32, #tpu.memory_space<hbm>> -> memref<1x632x144xf32, #tpu.memory_space<hbm>>
      %dma_wait3A_21 = tpu.memref_squeeze %dma_wait3A_20 : memref<1x632x144xf32, #tpu.memory_space<hbm>> -> memref<632x144xf32, #tpu.memory_space<hbm>>
      %dma_wait3A_22 = arith.constant 0 : i32
      %dma_wait3A_23 = tpu.memref_slice %arg15[%mul3A_13, %dma_wait3A_22] : memref<10112x144xf32, #tpu.memory_space<vmem_shared>> -> memref<632x144xf32, #tpu.memory_space<vmem_shared>>
      tpu.wait_dma2 semaphore(%run_scoped3A : memref<!tpu.dma_semaphore, #tpu.memory_space<semaphore_mem>>) src(%dma_wait3A_23 : memref<632x144xf32, #tpu.memory_space<vmem_shared>>) dst(%dma_wait3A_21 : memref<632x144xf32, #tpu.memory_space<hbm>>)
      tpu.yield
    }) : () -> ()
    return
  }
}

#map = affine_map<(d0, d1) -> (0, 0)>
#map1 = affine_map<(d0, d1) -> (0)>
#map2 = affine_map<(d0, d1) -> (0, 0, 0)>
module attributes {stable_mosaic.version = 14 : i64} {
  func.func @_sc_edge_body(%arg0: i32, %arg1: i32, %arg2: memref<10112x144xf32, #tpu.memory_space<hbm>>, %arg3: memref<10112xf32, #tpu.memory_space<hbm>>, %arg4: memref<10112xf32, #tpu.memory_space<hbm>>, %arg5: memref<331776xi32, #tpu.memory_space<hbm>>, %arg6: memref<331776xi32, #tpu.memory_space<hbm>>, %arg7: memref<632x144xf32, #tpu.memory_space<hbm>>, %arg8: memref<2x10112x144xf32, #tpu.memory_space<hbm>>, %arg9: memref<10112xf32, #tpu.memory_space<vmem>>, %arg10: memref<10112xf32, #tpu.memory_space<vmem>>, %arg11: memref<128xi32, #tpu.memory_space<vmem>>, %arg12: memref<128xi32, #tpu.memory_space<vmem>>, %arg13: memref<128xf32, #tpu.memory_space<vmem>>, %arg14: memref<128x144xf32, #tpu.memory_space<vmem>>, %arg15: memref<10112x144xf32, #tpu.memory_space<vmem_shared>>, %arg16: memref<!tpu.dma_semaphore, #tpu.memory_space<semaphore_mem>>) attributes {dimension_semantics = [#tpu.dimension_semantics<core_parallel>, #tpu.dimension_semantics<subcore_parallel>], iteration_bounds = array<i64: 2, 16>, scalar_prefetch = 0 : i64, scratch_operands = 8 : i64, tpu.core_type = #tpu.core_type<sc_vector_subcore>, window_params = [{transform_indices = #map}, {transform_indices = #map1}, {transform_indices = #map1}, {transform_indices = #map1}, {transform_indices = #map1}, {transform_indices = #map}, {transform_indices = #map2}]} {
    %mul3A = arith.constant 16 : i32
    %mul3A_0 = arith.muli %arg0, %mul3A : i32
    %add3A = arith.addi %mul3A_0, %arg1 : i32
    %mul3A_1 = arith.constant 632 : i32
    %mul3A_2 = arith.muli %arg1, %mul3A_1 : i32
    "tpu.region"() ({
      %run_scoped3A = tpu.sem_alloc : memref<!tpu.dma_semaphore, #tpu.memory_space<semaphore_mem>>
      %dma_start3A = arith.constant 0 : i32
      %dma_start3A_16 = tpu.memref_slice %arg15[%mul3A_2, %dma_start3A] : memref<10112x144xf32, #tpu.memory_space<vmem_shared>> -> memref<632x144xf32, #tpu.memory_space<vmem_shared>>
      tpu.enqueue_dma source(%arg7 : memref<632x144xf32, #tpu.memory_space<hbm>>) target(%dma_start3A_16 : memref<632x144xf32, #tpu.memory_space<vmem_shared>>) target_semaphore(%run_scoped3A : memref<!tpu.dma_semaphore, #tpu.memory_space<semaphore_mem>>)
      %dma_wait3A = arith.constant 0 : i32
      %dma_wait3A_17 = tpu.memref_slice %arg15[%mul3A_2, %dma_wait3A] : memref<10112x144xf32, #tpu.memory_space<vmem_shared>> -> memref<632x144xf32, #tpu.memory_space<vmem_shared>>
      tpu.wait_dma2 semaphore(%run_scoped3A : memref<!tpu.dma_semaphore, #tpu.memory_space<semaphore_mem>>) src(%arg7 : memref<632x144xf32, #tpu.memory_space<hbm>>) dst(%dma_wait3A_17 : memref<632x144xf32, #tpu.memory_space<vmem_shared>>)
      tpu.yield
    }) : () -> ()
    "tpu.region"() ({
      %run_scoped3A = tpu.sem_alloc : memref<!tpu.dma_semaphore, #tpu.memory_space<semaphore_mem>>
      tpu.enqueue_dma source(%arg3 : memref<10112xf32, #tpu.memory_space<hbm>>) target(%arg9 : memref<10112xf32, #tpu.memory_space<vmem>>) target_semaphore(%run_scoped3A : memref<!tpu.dma_semaphore, #tpu.memory_space<semaphore_mem>>)
      tpu.wait_dma2 semaphore(%run_scoped3A : memref<!tpu.dma_semaphore, #tpu.memory_space<semaphore_mem>>) src(%arg3 : memref<10112xf32, #tpu.memory_space<hbm>>) dst(%arg9 : memref<10112xf32, #tpu.memory_space<vmem>>)
      tpu.yield
    }) : () -> ()
    "tpu.region"() ({
      %run_scoped3A = tpu.sem_alloc : memref<!tpu.dma_semaphore, #tpu.memory_space<semaphore_mem>>
      tpu.enqueue_dma source(%arg4 : memref<10112xf32, #tpu.memory_space<hbm>>) target(%arg10 : memref<10112xf32, #tpu.memory_space<vmem>>) target_semaphore(%run_scoped3A : memref<!tpu.dma_semaphore, #tpu.memory_space<semaphore_mem>>)
      tpu.wait_dma2 semaphore(%run_scoped3A : memref<!tpu.dma_semaphore, #tpu.memory_space<semaphore_mem>>) src(%arg4 : memref<10112xf32, #tpu.memory_space<hbm>>) dst(%arg10 : memref<10112xf32, #tpu.memory_space<vmem>>)
      tpu.yield
    }) : () -> ()
    %barrier3A = arith.constant 0 : index
    tpu.barrier barrier_id(%barrier3A)
    %mul3A_3 = arith.constant 10368 : i32
    %mul3A_4 = arith.muli %add3A, %mul3A_3 : i32
    %broadcast_in_dim3A = arith.constant 0 : i32
    %broadcast_in_dim3A_5 = vector.broadcast %broadcast_in_dim3A : i32 to vector<16xi32>
    %scan3A = arith.constant 0 : i32
    %scan3A_6 = arith.constant 0 : i32
    %scan3A_7 = arith.constant 81 : i32
    %scan3A_8 = arith.addi %scan3A_6, %scan3A_7 : i32
    %scan3A_9 = arith.constant 1 : i32
    scf.for %scan3A_16 = %scan3A_6 to %scan3A_8 step %scan3A_9  : i32 {
      %mul3A_17 = arith.constant 128 : i32
      %mul3A_18 = arith.muli %scan3A_16, %mul3A_17 : i32
      %add3A_19 = arith.addi %mul3A_4, %mul3A_18 : i32
      %multiple_of3A = tpu.assume_multiple %add3A_19, 8 : i32
      "tpu.region"() ({
        %run_scoped3A = tpu.sem_alloc : memref<!tpu.dma_semaphore, #tpu.memory_space<semaphore_mem>>
        %dma_start3A_160 = tpu.memref_slice %arg5[%multiple_of3A] : memref<331776xi32, #tpu.memory_space<hbm>> -> memref<128xi32, #tpu.memory_space<hbm>>
        %dma_start3A_161 = tpu.memref_slice %arg5[%multiple_of3A] : memref<331776xi32, #tpu.memory_space<hbm>> -> memref<128xi32, #tpu.memory_space<hbm>>
        tpu.enqueue_dma source(%dma_start3A_161 : memref<128xi32, #tpu.memory_space<hbm>>) target(%arg11 : memref<128xi32, #tpu.memory_space<vmem>>) target_semaphore(%run_scoped3A : memref<!tpu.dma_semaphore, #tpu.memory_space<semaphore_mem>>)
        %dma_wait3A_162 = tpu.memref_slice %arg5[%multiple_of3A] : memref<331776xi32, #tpu.memory_space<hbm>> -> memref<128xi32, #tpu.memory_space<hbm>>
        %dma_wait3A_163 = tpu.memref_slice %arg5[%multiple_of3A] : memref<331776xi32, #tpu.memory_space<hbm>> -> memref<128xi32, #tpu.memory_space<hbm>>
        tpu.wait_dma2 semaphore(%run_scoped3A : memref<!tpu.dma_semaphore, #tpu.memory_space<semaphore_mem>>) src(%dma_wait3A_163 : memref<128xi32, #tpu.memory_space<hbm>>) dst(%arg11 : memref<128xi32, #tpu.memory_space<vmem>>)
        tpu.yield
      }) : () -> ()
      "tpu.region"() ({
        %run_scoped3A = tpu.sem_alloc : memref<!tpu.dma_semaphore, #tpu.memory_space<semaphore_mem>>
        %dma_start3A_160 = tpu.memref_slice %arg6[%multiple_of3A] : memref<331776xi32, #tpu.memory_space<hbm>> -> memref<128xi32, #tpu.memory_space<hbm>>
        %dma_start3A_161 = tpu.memref_slice %arg6[%multiple_of3A] : memref<331776xi32, #tpu.memory_space<hbm>> -> memref<128xi32, #tpu.memory_space<hbm>>
        tpu.enqueue_dma source(%dma_start3A_161 : memref<128xi32, #tpu.memory_space<hbm>>) target(%arg12 : memref<128xi32, #tpu.memory_space<vmem>>) target_semaphore(%run_scoped3A : memref<!tpu.dma_semaphore, #tpu.memory_space<semaphore_mem>>)
        %dma_wait3A_162 = tpu.memref_slice %arg6[%multiple_of3A] : memref<331776xi32, #tpu.memory_space<hbm>> -> memref<128xi32, #tpu.memory_space<hbm>>
        %dma_wait3A_163 = tpu.memref_slice %arg6[%multiple_of3A] : memref<331776xi32, #tpu.memory_space<hbm>> -> memref<128xi32, #tpu.memory_space<hbm>>
        tpu.wait_dma2 semaphore(%run_scoped3A : memref<!tpu.dma_semaphore, #tpu.memory_space<semaphore_mem>>) src(%dma_wait3A_163 : memref<128xi32, #tpu.memory_space<hbm>>) dst(%arg12 : memref<128xi32, #tpu.memory_space<vmem>>)
        tpu.yield
      }) : () -> ()
      %dma_start3A = arith.constant 0 : i32
      %dma_start3A_20 = arith.constant 0 : i32
      %dma_start3A_21 = tpu.memref_slice %arg2[%dma_start3A, %dma_start3A_20] : memref<10112x144xf32, #tpu.memory_space<hbm>> -> memref<10112x144xf32, #tpu.memory_space<hbm>>
      tpu.enqueue_indirect_dma source(%dma_start3A_21 : memref<10112x144xf32, #tpu.memory_space<hbm>>) target(%arg14 : memref<128x144xf32, #tpu.memory_space<vmem>>) offsets(%arg11 : memref<128xi32, #tpu.memory_space<vmem>>) semaphore(%arg16 : memref<!tpu.dma_semaphore, #tpu.memory_space<semaphore_mem>>)
      %get3A = arith.constant 0 : index
      %get3A_22 = tpu.vector_load %arg11[%get3A] {strides = array<i32>} : memref<128xi32, #tpu.memory_space<vmem>>, vector<16xi32>,
      %get3A_23 = arith.constant 0 : index
      %get3A_24 = tpu.vector_load %arg12[%get3A_23] {strides = array<i32>} : memref<128xi32, #tpu.memory_space<vmem>>, vector<16xi32>,
      %gather3A = tpu.vector_load_idx %arg9[%get3A_22] : memref<10112xf32, #tpu.memory_space<vmem>>[vector<16xi32>], vector<16xf32>,
      %gather3A_25 = tpu.vector_load_idx %arg10[%get3A_24] : memref<10112xf32, #tpu.memory_space<vmem>>[vector<16xi32>], vector<16xf32>,
      %add3A_26 = arith.addf %gather3A, %gather3A_25 : vector<16xf32>
      %ge3A = arith.constant 0.000000e+00 : f32
      %ge3A_27 = vector.broadcast %ge3A : f32 to vector<16xf32>
      %ge3A_28 = arith.cmpf oge, %add3A_26, %ge3A_27 : vector<16xf32>
      %mul3A_29 = arith.constant 2.000000e-01 : f32
      %mul3A_30 = vector.broadcast %mul3A_29 : f32 to vector<16xf32>
      %mul3A_31 = arith.mulf %mul3A_30, %add3A_26 : vector<16xf32>
      %select_n3A = arith.select %ge3A_28, %add3A_26, %mul3A_31 : vector<16xi1>, vector<16xf32>
      %exp3A = math.exp %select_n3A : vector<16xf32>
      %swap3A = arith.constant 0 : index
      %swap3A_32 = tpu.vector_load %arg13[%swap3A] {strides = array<i32>} : memref<128xf32, #tpu.memory_space<vmem>>, vector<16xf32>,
      tpu.vector_store %arg13[%swap3A], %exp3A {strides = array<i32>} : memref<128xf32, #tpu.memory_space<vmem>>, vector<16xf32>,
      %get3A_33 = arith.constant 16 : index
      %get3A_34 = tpu.vector_load %arg11[%get3A_33] {strides = array<i32>} : memref<128xi32, #tpu.memory_space<vmem>>, vector<16xi32>,
      %get3A_35 = arith.constant 16 : index
      %get3A_36 = tpu.vector_load %arg12[%get3A_35] {strides = array<i32>} : memref<128xi32, #tpu.memory_space<vmem>>, vector<16xi32>,
      %gather3A_37 = tpu.vector_load_idx %arg9[%get3A_34] : memref<10112xf32, #tpu.memory_space<vmem>>[vector<16xi32>], vector<16xf32>,
      %gather3A_38 = tpu.vector_load_idx %arg10[%get3A_36] : memref<10112xf32, #tpu.memory_space<vmem>>[vector<16xi32>], vector<16xf32>,
      %add3A_39 = arith.addf %gather3A_37, %gather3A_38 : vector<16xf32>
      %ge3A_40 = arith.constant 0.000000e+00 : f32
      %ge3A_41 = vector.broadcast %ge3A_40 : f32 to vector<16xf32>
      %ge3A_42 = arith.cmpf oge, %add3A_39, %ge3A_41 : vector<16xf32>
      %mul3A_43 = arith.constant 2.000000e-01 : f32
      %mul3A_44 = vector.broadcast %mul3A_43 : f32 to vector<16xf32>
      %mul3A_45 = arith.mulf %mul3A_44, %add3A_39 : vector<16xf32>
      %select_n3A_46 = arith.select %ge3A_42, %add3A_39, %mul3A_45 : vector<16xi1>, vector<16xf32>
      %exp3A_47 = math.exp %select_n3A_46 : vector<16xf32>
      %swap3A_48 = arith.constant 16 : index
      %swap3A_49 = tpu.vector_load %arg13[%swap3A_48] {strides = array<i32>} : memref<128xf32, #tpu.memory_space<vmem>>, vector<16xf32>,
      tpu.vector_store %arg13[%swap3A_48], %exp3A_47 {strides = array<i32>} : memref<128xf32, #tpu.memory_space<vmem>>, vector<16xf32>,
      %get3A_50 = arith.constant 32 : index
      %get3A_51 = tpu.vector_load %arg11[%get3A_50] {strides = array<i32>} : memref<128xi32, #tpu.memory_space<vmem>>, vector<16xi32>,
      %get3A_52 = arith.constant 32 : index
      %get3A_53 = tpu.vector_load %arg12[%get3A_52] {strides = array<i32>} : memref<128xi32, #tpu.memory_space<vmem>>, vector<16xi32>,
      %gather3A_54 = tpu.vector_load_idx %arg9[%get3A_51] : memref<10112xf32, #tpu.memory_space<vmem>>[vector<16xi32>], vector<16xf32>,
      %gather3A_55 = tpu.vector_load_idx %arg10[%get3A_53] : memref<10112xf32, #tpu.memory_space<vmem>>[vector<16xi32>], vector<16xf32>,
      %add3A_56 = arith.addf %gather3A_54, %gather3A_55 : vector<16xf32>
      %ge3A_57 = arith.constant 0.000000e+00 : f32
      %ge3A_58 = vector.broadcast %ge3A_57 : f32 to vector<16xf32>
      %ge3A_59 = arith.cmpf oge, %add3A_56, %ge3A_58 : vector<16xf32>
      %mul3A_60 = arith.constant 2.000000e-01 : f32
      %mul3A_61 = vector.broadcast %mul3A_60 : f32 to vector<16xf32>
      %mul3A_62 = arith.mulf %mul3A_61, %add3A_56 : vector<16xf32>
      %select_n3A_63 = arith.select %ge3A_59, %add3A_56, %mul3A_62 : vector<16xi1>, vector<16xf32>
      %exp3A_64 = math.exp %select_n3A_63 : vector<16xf32>
      %swap3A_65 = arith.constant 32 : index
      %swap3A_66 = tpu.vector_load %arg13[%swap3A_65] {strides = array<i32>} : memref<128xf32, #tpu.memory_space<vmem>>, vector<16xf32>,
      tpu.vector_store %arg13[%swap3A_65], %exp3A_64 {strides = array<i32>} : memref<128xf32, #tpu.memory_space<vmem>>, vector<16xf32>,
      %get3A_67 = arith.constant 48 : index
      %get3A_68 = tpu.vector_load %arg11[%get3A_67] {strides = array<i32>} : memref<128xi32, #tpu.memory_space<vmem>>, vector<16xi32>,
      %get3A_69 = arith.constant 48 : index
      %get3A_70 = tpu.vector_load %arg12[%get3A_69] {strides = array<i32>} : memref<128xi32, #tpu.memory_space<vmem>>, vector<16xi32>,
      %gather3A_71 = tpu.vector_load_idx %arg9[%get3A_68] : memref<10112xf32, #tpu.memory_space<vmem>>[vector<16xi32>], vector<16xf32>,
      %gather3A_72 = tpu.vector_load_idx %arg10[%get3A_70] : memref<10112xf32, #tpu.memory_space<vmem>>[vector<16xi32>], vector<16xf32>,
      %add3A_73 = arith.addf %gather3A_71, %gather3A_72 : vector<16xf32>
      %ge3A_74 = arith.constant 0.000000e+00 : f32
      %ge3A_75 = vector.broadcast %ge3A_74 : f32 to vector<16xf32>
      %ge3A_76 = arith.cmpf oge, %add3A_73, %ge3A_75 : vector<16xf32>
      %mul3A_77 = arith.constant 2.000000e-01 : f32
      %mul3A_78 = vector.broadcast %mul3A_77 : f32 to vector<16xf32>
      %mul3A_79 = arith.mulf %mul3A_78, %add3A_73 : vector<16xf32>
      %select_n3A_80 = arith.select %ge3A_76, %add3A_73, %mul3A_79 : vector<16xi1>, vector<16xf32>
      %exp3A_81 = math.exp %select_n3A_80 : vector<16xf32>
      %swap3A_82 = arith.constant 48 : index
      %swap3A_83 = tpu.vector_load %arg13[%swap3A_82] {strides = array<i32>} : memref<128xf32, #tpu.memory_space<vmem>>, vector<16xf32>,
      tpu.vector_store %arg13[%swap3A_82], %exp3A_81 {strides = array<i32>} : memref<128xf32, #tpu.memory_space<vmem>>, vector<16xf32>,
      %get3A_84 = arith.constant 64 : index
      %get3A_85 = tpu.vector_load %arg11[%get3A_84] {strides = array<i32>} : memref<128xi32, #tpu.memory_space<vmem>>, vector<16xi32>,
      %get3A_86 = arith.constant 64 : index
      %get3A_87 = tpu.vector_load %arg12[%get3A_86] {strides = array<i32>} : memref<128xi32, #tpu.memory_space<vmem>>, vector<16xi32>,
      %gather3A_88 = tpu.vector_load_idx %arg9[%get3A_85] : memref<10112xf32, #tpu.memory_space<vmem>>[vector<16xi32>], vector<16xf32>,
      %gather3A_89 = tpu.vector_load_idx %arg10[%get3A_87] : memref<10112xf32, #tpu.memory_space<vmem>>[vector<16xi32>], vector<16xf32>,
      %add3A_90 = arith.addf %gather3A_88, %gather3A_89 : vector<16xf32>
      %ge3A_91 = arith.constant 0.000000e+00 : f32
      %ge3A_92 = vector.broadcast %ge3A_91 : f32 to vector<16xf32>
      %ge3A_93 = arith.cmpf oge, %add3A_90, %ge3A_92 : vector<16xf32>
      %mul3A_94 = arith.constant 2.000000e-01 : f32
      %mul3A_95 = vector.broadcast %mul3A_94 : f32 to vector<16xf32>
      %mul3A_96 = arith.mulf %mul3A_95, %add3A_90 : vector<16xf32>
      %select_n3A_97 = arith.select %ge3A_93, %add3A_90, %mul3A_96 : vector<16xi1>, vector<16xf32>
      %exp3A_98 = math.exp %select_n3A_97 : vector<16xf32>
      %swap3A_99 = arith.constant 64 : index
      %swap3A_100 = tpu.vector_load %arg13[%swap3A_99] {strides = array<i32>} : memref<128xf32, #tpu.memory_space<vmem>>, vector<16xf32>,
      tpu.vector_store %arg13[%swap3A_99], %exp3A_98 {strides = array<i32>} : memref<128xf32, #tpu.memory_space<vmem>>, vector<16xf32>,
      %get3A_101 = arith.constant 80 : index
      %get3A_102 = tpu.vector_load %arg11[%get3A_101] {strides = array<i32>} : memref<128xi32, #tpu.memory_space<vmem>>, vector<16xi32>,
      %get3A_103 = arith.constant 80 : index
      %get3A_104 = tpu.vector_load %arg12[%get3A_103] {strides = array<i32>} : memref<128xi32, #tpu.memory_space<vmem>>, vector<16xi32>,
      %gather3A_105 = tpu.vector_load_idx %arg9[%get3A_102] : memref<10112xf32, #tpu.memory_space<vmem>>[vector<16xi32>], vector<16xf32>,
      %gather3A_106 = tpu.vector_load_idx %arg10[%get3A_104] : memref<10112xf32, #tpu.memory_space<vmem>>[vector<16xi32>], vector<16xf32>,
      %add3A_107 = arith.addf %gather3A_105, %gather3A_106 : vector<16xf32>
      %ge3A_108 = arith.constant 0.000000e+00 : f32
      %ge3A_109 = vector.broadcast %ge3A_108 : f32 to vector<16xf32>
      %ge3A_110 = arith.cmpf oge, %add3A_107, %ge3A_109 : vector<16xf32>
      %mul3A_111 = arith.constant 2.000000e-01 : f32
      %mul3A_112 = vector.broadcast %mul3A_111 : f32 to vector<16xf32>
      %mul3A_113 = arith.mulf %mul3A_112, %add3A_107 : vector<16xf32>
      %select_n3A_114 = arith.select %ge3A_110, %add3A_107, %mul3A_113 : vector<16xi1>, vector<16xf32>
      %exp3A_115 = math.exp %select_n3A_114 : vector<16xf32>
      %swap3A_116 = arith.constant 80 : index
      %swap3A_117 = tpu.vector_load %arg13[%swap3A_116] {strides = array<i32>} : memref<128xf32, #tpu.memory_space<vmem>>, vector<16xf32>,
      tpu.vector_store %arg13[%swap3A_116], %exp3A_115 {strides = array<i32>} : memref<128xf32, #tpu.memory_space<vmem>>, vector<16xf32>,
      %get3A_118 = arith.constant 96 : index
      %get3A_119 = tpu.vector_load %arg11[%get3A_118] {strides = array<i32>} : memref<128xi32, #tpu.memory_space<vmem>>, vector<16xi32>,
      %get3A_120 = arith.constant 96 : index
      %get3A_121 = tpu.vector_load %arg12[%get3A_120] {strides = array<i32>} : memref<128xi32, #tpu.memory_space<vmem>>, vector<16xi32>,
      %gather3A_122 = tpu.vector_load_idx %arg9[%get3A_119] : memref<10112xf32, #tpu.memory_space<vmem>>[vector<16xi32>], vector<16xf32>,
      %gather3A_123 = tpu.vector_load_idx %arg10[%get3A_121] : memref<10112xf32, #tpu.memory_space<vmem>>[vector<16xi32>], vector<16xf32>,
      %add3A_124 = arith.addf %gather3A_122, %gather3A_123 : vector<16xf32>
      %ge3A_125 = arith.constant 0.000000e+00 : f32
      %ge3A_126 = vector.broadcast %ge3A_125 : f32 to vector<16xf32>
      %ge3A_127 = arith.cmpf oge, %add3A_124, %ge3A_126 : vector<16xf32>
      %mul3A_128 = arith.constant 2.000000e-01 : f32
      %mul3A_129 = vector.broadcast %mul3A_128 : f32 to vector<16xf32>
      %mul3A_130 = arith.mulf %mul3A_129, %add3A_124 : vector<16xf32>
      %select_n3A_131 = arith.select %ge3A_127, %add3A_124, %mul3A_130 : vector<16xi1>, vector<16xf32>
      %exp3A_132 = math.exp %select_n3A_131 : vector<16xf32>
      %swap3A_133 = arith.constant 96 : index
      %swap3A_134 = tpu.vector_load %arg13[%swap3A_133] {strides = array<i32>} : memref<128xf32, #tpu.memory_space<vmem>>, vector<16xf32>,
      tpu.vector_store %arg13[%swap3A_133], %exp3A_132 {strides = array<i32>} : memref<128xf32, #tpu.memory_space<vmem>>, vector<16xf32>,
      %get3A_135 = arith.constant 112 : index
      %get3A_136 = tpu.vector_load %arg11[%get3A_135] {strides = array<i32>} : memref<128xi32, #tpu.memory_space<vmem>>, vector<16xi32>,
      %get3A_137 = arith.constant 112 : index
      %get3A_138 = tpu.vector_load %arg12[%get3A_137] {strides = array<i32>} : memref<128xi32, #tpu.memory_space<vmem>>, vector<16xi32>,
      %gather3A_139 = tpu.vector_load_idx %arg9[%get3A_136] : memref<10112xf32, #tpu.memory_space<vmem>>[vector<16xi32>], vector<16xf32>,
      %gather3A_140 = tpu.vector_load_idx %arg10[%get3A_138] : memref<10112xf32, #tpu.memory_space<vmem>>[vector<16xi32>], vector<16xf32>,
      %add3A_141 = arith.addf %gather3A_139, %gather3A_140 : vector<16xf32>
      %ge3A_142 = arith.constant 0.000000e+00 : f32
      %ge3A_143 = vector.broadcast %ge3A_142 : f32 to vector<16xf32>
      %ge3A_144 = arith.cmpf oge, %add3A_141, %ge3A_143 : vector<16xf32>
      %mul3A_145 = arith.constant 2.000000e-01 : f32
      %mul3A_146 = vector.broadcast %mul3A_145 : f32 to vector<16xf32>
      %mul3A_147 = arith.mulf %mul3A_146, %add3A_141 : vector<16xf32>
      %select_n3A_148 = arith.select %ge3A_144, %add3A_141, %mul3A_147 : vector<16xi1>, vector<16xf32>
      %exp3A_149 = math.exp %select_n3A_148 : vector<16xf32>
      %swap3A_150 = arith.constant 112 : index
      %swap3A_151 = tpu.vector_load %arg13[%swap3A_150] {strides = array<i32>} : memref<128xf32, #tpu.memory_space<vmem>>, vector<16xf32>,
      tpu.vector_store %arg13[%swap3A_150], %exp3A_149 {strides = array<i32>} : memref<128xf32, #tpu.memory_space<vmem>>, vector<16xf32>,
      %dma_wait3A = arith.constant 0 : i32
      %dma_wait3A_152 = arith.constant 0 : i32
      %dma_wait3A_153 = tpu.memref_slice %arg2[%dma_wait3A, %dma_wait3A_152] : memref<10112x144xf32, #tpu.memory_space<hbm>> -> memref<10112x144xf32, #tpu.memory_space<hbm>>
      tpu.wait_indirect_dma semaphore(%arg16 : memref<!tpu.dma_semaphore, #tpu.memory_space<semaphore_mem>>) src(%dma_wait3A_153 : memref<10112x144xf32, #tpu.memory_space<hbm>>) dst(%arg14 : memref<128x144xf32, #tpu.memory_space<vmem>>)
      %scan3A_154 = arith.constant 0 : i32
      %scan3A_155 = arith.constant 0 : i32
      %scan3A_156 = arith.constant 128 : i32
      %scan3A_157 = arith.addi %scan3A_155, %scan3A_156 : i32
      %scan3A_158 = arith.constant 1 : i32
      scf.for %scan3A_160 = %scan3A_155 to %scan3A_157 step %scan3A_158  : i32 {
        %add3A_161 = vector.broadcast %scan3A_160 : i32 to vector<16xi32>
        %add3A_162 = arith.addi %broadcast_in_dim3A_5, %add3A_161 : vector<16xi32>
        %gather3A_163 = tpu.vector_load_idx %arg13[%add3A_162] : memref<128xf32, #tpu.memory_space<vmem>>[vector<16xi32>], vector<16xf32>,
        %get3A_164 = arith.index_cast %scan3A_160 : i32 to index
        %get3A_165 = arith.constant 0 : index
        %get3A_166 = tpu.vector_load %arg14[%get3A_164, %get3A_165] {strides = array<i32>} : memref<128x144xf32, #tpu.memory_space<vmem>>, vector<16xf32>,
        %mul3A_167 = arith.mulf %get3A_166, %gather3A_163 : vector<16xf32>
        %swap3A_168 = arith.index_cast %scan3A_160 : i32 to index
        %swap3A_169 = arith.constant 0 : index
        %swap3A_170 = tpu.vector_load %arg14[%swap3A_168, %swap3A_169] {strides = array<i32>} : memref<128x144xf32, #tpu.memory_space<vmem>>, vector<16xf32>,
        tpu.vector_store %arg14[%swap3A_168, %swap3A_169], %mul3A_167 {strides = array<i32>} : memref<128x144xf32, #tpu.memory_space<vmem>>, vector<16xf32>,
        %get3A_171 = arith.index_cast %scan3A_160 : i32 to index
        %get3A_172 = arith.constant 16 : index
        %get3A_173 = tpu.vector_load %arg14[%get3A_171, %get3A_172] {strides = array<i32>} : memref<128x144xf32, #tpu.memory_space<vmem>>, vector<16xf32>,
        %mul3A_174 = arith.mulf %get3A_173, %gather3A_163 : vector<16xf32>
        %swap3A_175 = arith.index_cast %scan3A_160 : i32 to index
        %swap3A_176 = arith.constant 16 : index
        %swap3A_177 = tpu.vector_load %arg14[%swap3A_175, %swap3A_176] {strides = array<i32>} : memref<128x144xf32, #tpu.memory_space<vmem>>, vector<16xf32>,
        tpu.vector_store %arg14[%swap3A_175, %swap3A_176], %mul3A_174 {strides = array<i32>} : memref<128x144xf32, #tpu.memory_space<vmem>>, vector<16xf32>,
        %get3A_178 = arith.index_cast %scan3A_160 : i32 to index
        %get3A_179 = arith.constant 32 : index
        %get3A_180 = tpu.vector_load %arg14[%get3A_178, %get3A_179] {strides = array<i32>} : memref<128x144xf32, #tpu.memory_space<vmem>>, vector<16xf32>,
        %mul3A_181 = arith.mulf %get3A_180, %gather3A_163 : vector<16xf32>
        %swap3A_182 = arith.index_cast %scan3A_160 : i32 to index
        %swap3A_183 = arith.constant 32 : index
        %swap3A_184 = tpu.vector_load %arg14[%swap3A_182, %swap3A_183] {strides = array<i32>} : memref<128x144xf32, #tpu.memory_space<vmem>>, vector<16xf32>,
        tpu.vector_store %arg14[%swap3A_182, %swap3A_183], %mul3A_181 {strides = array<i32>} : memref<128x144xf32, #tpu.memory_space<vmem>>, vector<16xf32>,
        %get3A_185 = arith.index_cast %scan3A_160 : i32 to index
        %get3A_186 = arith.constant 48 : index
        %get3A_187 = tpu.vector_load %arg14[%get3A_185, %get3A_186] {strides = array<i32>} : memref<128x144xf32, #tpu.memory_space<vmem>>, vector<16xf32>,
        %mul3A_188 = arith.mulf %get3A_187, %gather3A_163 : vector<16xf32>
        %swap3A_189 = arith.index_cast %scan3A_160 : i32 to index
        %swap3A_190 = arith.constant 48 : index
        %swap3A_191 = tpu.vector_load %arg14[%swap3A_189, %swap3A_190] {strides = array<i32>} : memref<128x144xf32, #tpu.memory_space<vmem>>, vector<16xf32>,
        tpu.vector_store %arg14[%swap3A_189, %swap3A_190], %mul3A_188 {strides = array<i32>} : memref<128x144xf32, #tpu.memory_space<vmem>>, vector<16xf32>,
        %get3A_192 = arith.index_cast %scan3A_160 : i32 to index
        %get3A_193 = arith.constant 64 : index
        %get3A_194 = tpu.vector_load %arg14[%get3A_192, %get3A_193] {strides = array<i32>} : memref<128x144xf32, #tpu.memory_space<vmem>>, vector<16xf32>,
        %mul3A_195 = arith.mulf %get3A_194, %gather3A_163 : vector<16xf32>
        %swap3A_196 = arith.index_cast %scan3A_160 : i32 to index
        %swap3A_197 = arith.constant 64 : index
        %swap3A_198 = tpu.vector_load %arg14[%swap3A_196, %swap3A_197] {strides = array<i32>} : memref<128x144xf32, #tpu.memory_space<vmem>>, vector<16xf32>,
        tpu.vector_store %arg14[%swap3A_196, %swap3A_197], %mul3A_195 {strides = array<i32>} : memref<128x144xf32, #tpu.memory_space<vmem>>, vector<16xf32>,
        %get3A_199 = arith.index_cast %scan3A_160 : i32 to index
        %get3A_200 = arith.constant 80 : index
        %get3A_201 = tpu.vector_load %arg14[%get3A_199, %get3A_200] {strides = array<i32>} : memref<128x144xf32, #tpu.memory_space<vmem>>, vector<16xf32>,
        %mul3A_202 = arith.mulf %get3A_201, %gather3A_163 : vector<16xf32>
        %swap3A_203 = arith.index_cast %scan3A_160 : i32 to index
        %swap3A_204 = arith.constant 80 : index
        %swap3A_205 = tpu.vector_load %arg14[%swap3A_203, %swap3A_204] {strides = array<i32>} : memref<128x144xf32, #tpu.memory_space<vmem>>, vector<16xf32>,
        tpu.vector_store %arg14[%swap3A_203, %swap3A_204], %mul3A_202 {strides = array<i32>} : memref<128x144xf32, #tpu.memory_space<vmem>>, vector<16xf32>,
        %get3A_206 = arith.index_cast %scan3A_160 : i32 to index
        %get3A_207 = arith.constant 96 : index
        %get3A_208 = tpu.vector_load %arg14[%get3A_206, %get3A_207] {strides = array<i32>} : memref<128x144xf32, #tpu.memory_space<vmem>>, vector<16xf32>,
        %mul3A_209 = arith.mulf %get3A_208, %gather3A_163 : vector<16xf32>
        %swap3A_210 = arith.index_cast %scan3A_160 : i32 to index
        %swap3A_211 = arith.constant 96 : index
        %swap3A_212 = tpu.vector_load %arg14[%swap3A_210, %swap3A_211] {strides = array<i32>} : memref<128x144xf32, #tpu.memory_space<vmem>>, vector<16xf32>,
        tpu.vector_store %arg14[%swap3A_210, %swap3A_211], %mul3A_209 {strides = array<i32>} : memref<128x144xf32, #tpu.memory_space<vmem>>, vector<16xf32>,
        %get3A_213 = arith.index_cast %scan3A_160 : i32 to index
        %get3A_214 = arith.constant 112 : index
        %get3A_215 = tpu.vector_load %arg14[%get3A_213, %get3A_214] {strides = array<i32>} : memref<128x144xf32, #tpu.memory_space<vmem>>, vector<16xf32>,
        %mul3A_216 = arith.mulf %get3A_215, %gather3A_163 : vector<16xf32>
        %swap3A_217 = arith.index_cast %scan3A_160 : i32 to index
        %swap3A_218 = arith.constant 112 : index
        %swap3A_219 = tpu.vector_load %arg14[%swap3A_217, %swap3A_218] {strides = array<i32>} : memref<128x144xf32, #tpu.memory_space<vmem>>, vector<16xf32>,
        tpu.vector_store %arg14[%swap3A_217, %swap3A_218], %mul3A_216 {strides = array<i32>} : memref<128x144xf32, #tpu.memory_space<vmem>>, vector<16xf32>,
        %get3A_220 = arith.index_cast %scan3A_160 : i32 to index
        %get3A_221 = arith.constant 128 : index
        %get3A_222 = tpu.vector_load %arg14[%get3A_220, %get3A_221] {strides = array<i32>} : memref<128x144xf32, #tpu.memory_space<vmem>>, vector<16xf32>,
        %mul3A_223 = arith.mulf %get3A_222, %gather3A_163 : vector<16xf32>
        %swap3A_224 = arith.index_cast %scan3A_160 : i32 to index
        %swap3A_225 = arith.constant 128 : index
        %swap3A_226 = tpu.vector_load %arg14[%swap3A_224, %swap3A_225] {strides = array<i32>} : memref<128x144xf32, #tpu.memory_space<vmem>>, vector<16xf32>,
        tpu.vector_store %arg14[%swap3A_224, %swap3A_225], %mul3A_223 {strides = array<i32>} : memref<128x144xf32, #tpu.memory_space<vmem>>, vector<16xf32>,
      }
      %scan3A_159 = arith.constant 128 : i32
      "tpu.region"() ({
        %run_scoped3A = tpu.sem_alloc : memref<!tpu.dma_semaphore, #tpu.memory_space<semaphore_mem>>
        %dma_start3A_160 = arith.constant 0 : i32
        %dma_start3A_161 = arith.constant 0 : i32
        %dma_start3A_162 = tpu.memref_slice %arg15[%dma_start3A_160, %dma_start3A_161] : memref<10112x144xf32, #tpu.memory_space<vmem_shared>> -> memref<10112x144xf32, #tpu.memory_space<vmem_shared>>
        tpu.enqueue_indirect_dma source(%arg14 : memref<128x144xf32, #tpu.memory_space<vmem>>) target(%dma_start3A_162 : memref<10112x144xf32, #tpu.memory_space<vmem_shared>>) offsets(%arg12 : memref<128xi32, #tpu.memory_space<vmem>>) semaphore(%run_scoped3A : memref<!tpu.dma_semaphore, #tpu.memory_space<semaphore_mem>>) {add = true}
        %dma_wait3A_163 = arith.constant 0 : i32
        %dma_wait3A_164 = arith.constant 0 : i32
        %dma_wait3A_165 = tpu.memref_slice %arg15[%dma_wait3A_163, %dma_wait3A_164] : memref<10112x144xf32, #tpu.memory_space<vmem_shared>> -> memref<10112x144xf32, #tpu.memory_space<vmem_shared>>
        tpu.wait_indirect_dma semaphore(%run_scoped3A : memref<!tpu.dma_semaphore, #tpu.memory_space<semaphore_mem>>) src(%arg14 : memref<128x144xf32, #tpu.memory_space<vmem>>) dst(%dma_wait3A_165 : memref<10112x144xf32, #tpu.memory_space<vmem_shared>>)
        tpu.yield
      }) : () -> ()
    }
    %scan3A_10 = arith.constant 81 : i32
    %barrier3A_11 = arith.constant 0 : index
    tpu.barrier barrier_id(%barrier3A_11)
    %mul3A_12 = arith.constant 632 : i32
    %mul3A_13 = arith.muli %arg1, %mul3A_12 : i32
    %mul3A_14 = arith.constant 632 : i32
    %mul3A_15 = arith.muli %arg1, %mul3A_14 : i32
    "tpu.region"() ({
      %run_scoped3A = tpu.sem_alloc : memref<!tpu.dma_semaphore, #tpu.memory_space<semaphore_mem>>
      %dma_start3A = arith.constant 0 : i32
      %dma_start3A_16 = tpu.memref_slice %arg8[%arg0, %mul3A_15, %dma_start3A] : memref<2x10112x144xf32, #tpu.memory_space<hbm>> -> memref<1x632x144xf32, #tpu.memory_space<hbm>>
      %dma_start3A_17 = tpu.memref_squeeze %dma_start3A_16 : memref<1x632x144xf32, #tpu.memory_space<hbm>> -> memref<632x144xf32, #tpu.memory_space<hbm>>
      %dma_start3A_18 = arith.constant 0 : i32
      %dma_start3A_19 = tpu.memref_slice %arg15[%mul3A_13, %dma_start3A_18] : memref<10112x144xf32, #tpu.memory_space<vmem_shared>> -> memref<632x144xf32, #tpu.memory_space<vmem_shared>>
      tpu.enqueue_dma source(%dma_start3A_19 : memref<632x144xf32, #tpu.memory_space<vmem_shared>>) target(%dma_start3A_17 : memref<632x144xf32, #tpu.memory_space<hbm>>) target_semaphore(%run_scoped3A : memref<!tpu.dma_semaphore, #tpu.memory_space<semaphore_mem>>)
      %dma_wait3A = arith.constant 0 : i32
      %dma_wait3A_20 = tpu.memref_slice %arg8[%arg0, %mul3A_15, %dma_wait3A] : memref<2x10112x144xf32, #tpu.memory_space<hbm>> -> memref<1x632x144xf32, #tpu.memory_space<hbm>>
      %dma_wait3A_21 = tpu.memref_squeeze %dma_wait3A_20 : memref<1x632x144xf32, #tpu.memory_space<hbm>> -> memref<632x144xf32, #tpu.memory_space<hbm>>
      %dma_wait3A_22 = arith.constant 0 : i32
      %dma_wait3A_23 = tpu.memref_slice %arg15[%mul3A_13, %dma_wait3A_22] : memref<10112x144xf32, #tpu.memory_space<vmem_shared>> -> memref<632x144xf32, #tpu.memory_space<vmem_shared>>
      tpu.wait_dma2 semaphore(%run_scoped3A : memref<!tpu.dma_semaphore, #tpu.memory_space<semaphore_mem>>) src(%dma_wait3A_23 : memref<632x144xf32, #tpu.memory_space<vmem_shared>>) dst(%dma_wait3A_21 : memref<632x144xf32, #tpu.memory_space<hbm>>)
      tpu.yield
    }) : () -> ()
    return
  }
}

#map = affine_map<(d0, d1) -> (0, 0)>
#map1 = affine_map<(d0, d1) -> (0)>
#map2 = affine_map<(d0, d1) -> (0, 0, 0)>
module attributes {stable_mosaic.version = 14 : i64} {
  func.func @_sc_edge_body(%arg0: i32, %arg1: i32, %arg2: memref<10112x144xf32, #tpu.memory_space<hbm>>, %arg3: memref<10112xf32, #tpu.memory_space<hbm>>, %arg4: memref<10112xf32, #tpu.memory_space<hbm>>, %arg5: memref<331776xi32, #tpu.memory_space<hbm>>, %arg6: memref<331776xi32, #tpu.memory_space<hbm>>, %arg7: memref<632x144xf32, #tpu.memory_space<hbm>>, %arg8: memref<2x10112x144xf32, #tpu.memory_space<hbm>>, %arg9: memref<10112xf32, #tpu.memory_space<vmem>>, %arg10: memref<10112xf32, #tpu.memory_space<vmem>>, %arg11: memref<128xi32, #tpu.memory_space<vmem>>, %arg12: memref<128xi32, #tpu.memory_space<vmem>>, %arg13: memref<128xf32, #tpu.memory_space<vmem>>, %arg14: memref<128x144xf32, #tpu.memory_space<vmem>>, %arg15: memref<10112x144xf32, #tpu.memory_space<vmem_shared>>, %arg16: memref<!tpu.dma_semaphore, #tpu.memory_space<semaphore_mem>>) attributes {dimension_semantics = [#tpu.dimension_semantics<core_parallel>, #tpu.dimension_semantics<subcore_parallel>], iteration_bounds = array<i64: 2, 16>, scalar_prefetch = 0 : i64, scratch_operands = 8 : i64, tpu.core_type = #tpu.core_type<sc_vector_subcore>, window_params = [{transform_indices = #map}, {transform_indices = #map1}, {transform_indices = #map1}, {transform_indices = #map1}, {transform_indices = #map1}, {transform_indices = #map}, {transform_indices = #map2}]} {
    %mul3A = arith.constant 16 : i32
    %mul3A_0 = arith.muli %arg0, %mul3A : i32
    %add3A = arith.addi %mul3A_0, %arg1 : i32
    %mul3A_1 = arith.constant 632 : i32
    %mul3A_2 = arith.muli %arg1, %mul3A_1 : i32
    "tpu.region"() ({
      %run_scoped3A = tpu.sem_alloc : memref<!tpu.dma_semaphore, #tpu.memory_space<semaphore_mem>>
      %dma_start3A = arith.constant 0 : i32
      %dma_start3A_16 = tpu.memref_slice %arg15[%mul3A_2, %dma_start3A] : memref<10112x144xf32, #tpu.memory_space<vmem_shared>> -> memref<632x144xf32, #tpu.memory_space<vmem_shared>>
      tpu.enqueue_dma source(%arg7 : memref<632x144xf32, #tpu.memory_space<hbm>>) target(%dma_start3A_16 : memref<632x144xf32, #tpu.memory_space<vmem_shared>>) target_semaphore(%run_scoped3A : memref<!tpu.dma_semaphore, #tpu.memory_space<semaphore_mem>>)
      %dma_wait3A = arith.constant 0 : i32
      %dma_wait3A_17 = tpu.memref_slice %arg15[%mul3A_2, %dma_wait3A] : memref<10112x144xf32, #tpu.memory_space<vmem_shared>> -> memref<632x144xf32, #tpu.memory_space<vmem_shared>>
      tpu.wait_dma2 semaphore(%run_scoped3A : memref<!tpu.dma_semaphore, #tpu.memory_space<semaphore_mem>>) src(%arg7 : memref<632x144xf32, #tpu.memory_space<hbm>>) dst(%dma_wait3A_17 : memref<632x144xf32, #tpu.memory_space<vmem_shared>>)
      tpu.yield
    }) : () -> ()
    "tpu.region"() ({
      %run_scoped3A = tpu.sem_alloc : memref<!tpu.dma_semaphore, #tpu.memory_space<semaphore_mem>>
      tpu.enqueue_dma source(%arg3 : memref<10112xf32, #tpu.memory_space<hbm>>) target(%arg9 : memref<10112xf32, #tpu.memory_space<vmem>>) target_semaphore(%run_scoped3A : memref<!tpu.dma_semaphore, #tpu.memory_space<semaphore_mem>>)
      tpu.wait_dma2 semaphore(%run_scoped3A : memref<!tpu.dma_semaphore, #tpu.memory_space<semaphore_mem>>) src(%arg3 : memref<10112xf32, #tpu.memory_space<hbm>>) dst(%arg9 : memref<10112xf32, #tpu.memory_space<vmem>>)
      tpu.yield
    }) : () -> ()
    "tpu.region"() ({
      %run_scoped3A = tpu.sem_alloc : memref<!tpu.dma_semaphore, #tpu.memory_space<semaphore_mem>>
      tpu.enqueue_dma source(%arg4 : memref<10112xf32, #tpu.memory_space<hbm>>) target(%arg10 : memref<10112xf32, #tpu.memory_space<vmem>>) target_semaphore(%run_scoped3A : memref<!tpu.dma_semaphore, #tpu.memory_space<semaphore_mem>>)
      tpu.wait_dma2 semaphore(%run_scoped3A : memref<!tpu.dma_semaphore, #tpu.memory_space<semaphore_mem>>) src(%arg4 : memref<10112xf32, #tpu.memory_space<hbm>>) dst(%arg10 : memref<10112xf32, #tpu.memory_space<vmem>>)
      tpu.yield
    }) : () -> ()
    %barrier3A = arith.constant 0 : index
    tpu.barrier barrier_id(%barrier3A)
    %mul3A_3 = arith.constant 10368 : i32
    %mul3A_4 = arith.muli %add3A, %mul3A_3 : i32
    %broadcast_in_dim3A = arith.constant 0 : i32
    %broadcast_in_dim3A_5 = vector.broadcast %broadcast_in_dim3A : i32 to vector<16xi32>
    %scan3A = arith.constant 0 : i32
    %scan3A_6 = arith.constant 0 : i32
    %scan3A_7 = arith.constant 81 : i32
    %scan3A_8 = arith.addi %scan3A_6, %scan3A_7 : i32
    %scan3A_9 = arith.constant 1 : i32
    scf.for %scan3A_16 = %scan3A_6 to %scan3A_8 step %scan3A_9  : i32 {
      %mul3A_17 = arith.constant 128 : i32
      %mul3A_18 = arith.muli %scan3A_16, %mul3A_17 : i32
      %add3A_19 = arith.addi %mul3A_4, %mul3A_18 : i32
      %multiple_of3A = tpu.assume_multiple %add3A_19, 8 : i32
      "tpu.region"() ({
        %run_scoped3A = tpu.sem_alloc : memref<!tpu.dma_semaphore, #tpu.memory_space<semaphore_mem>>
        %dma_start3A_160 = tpu.memref_slice %arg5[%multiple_of3A] : memref<331776xi32, #tpu.memory_space<hbm>> -> memref<128xi32, #tpu.memory_space<hbm>>
        %dma_start3A_161 = tpu.memref_slice %arg5[%multiple_of3A] : memref<331776xi32, #tpu.memory_space<hbm>> -> memref<128xi32, #tpu.memory_space<hbm>>
        tpu.enqueue_dma source(%dma_start3A_161 : memref<128xi32, #tpu.memory_space<hbm>>) target(%arg11 : memref<128xi32, #tpu.memory_space<vmem>>) target_semaphore(%run_scoped3A : memref<!tpu.dma_semaphore, #tpu.memory_space<semaphore_mem>>)
        %dma_wait3A_162 = tpu.memref_slice %arg5[%multiple_of3A] : memref<331776xi32, #tpu.memory_space<hbm>> -> memref<128xi32, #tpu.memory_space<hbm>>
        %dma_wait3A_163 = tpu.memref_slice %arg5[%multiple_of3A] : memref<331776xi32, #tpu.memory_space<hbm>> -> memref<128xi32, #tpu.memory_space<hbm>>
        tpu.wait_dma2 semaphore(%run_scoped3A : memref<!tpu.dma_semaphore, #tpu.memory_space<semaphore_mem>>) src(%dma_wait3A_163 : memref<128xi32, #tpu.memory_space<hbm>>) dst(%arg11 : memref<128xi32, #tpu.memory_space<vmem>>)
        tpu.yield
      }) : () -> ()
      "tpu.region"() ({
        %run_scoped3A = tpu.sem_alloc : memref<!tpu.dma_semaphore, #tpu.memory_space<semaphore_mem>>
        %dma_start3A_160 = tpu.memref_slice %arg6[%multiple_of3A] : memref<331776xi32, #tpu.memory_space<hbm>> -> memref<128xi32, #tpu.memory_space<hbm>>
        %dma_start3A_161 = tpu.memref_slice %arg6[%multiple_of3A] : memref<331776xi32, #tpu.memory_space<hbm>> -> memref<128xi32, #tpu.memory_space<hbm>>
        tpu.enqueue_dma source(%dma_start3A_161 : memref<128xi32, #tpu.memory_space<hbm>>) target(%arg12 : memref<128xi32, #tpu.memory_space<vmem>>) target_semaphore(%run_scoped3A : memref<!tpu.dma_semaphore, #tpu.memory_space<semaphore_mem>>)
        %dma_wait3A_162 = tpu.memref_slice %arg6[%multiple_of3A] : memref<331776xi32, #tpu.memory_space<hbm>> -> memref<128xi32, #tpu.memory_space<hbm>>
        %dma_wait3A_163 = tpu.memref_slice %arg6[%multiple_of3A] : memref<331776xi32, #tpu.memory_space<hbm>> -> memref<128xi32, #tpu.memory_space<hbm>>
        tpu.wait_dma2 semaphore(%run_scoped3A : memref<!tpu.dma_semaphore, #tpu.memory_space<semaphore_mem>>) src(%dma_wait3A_163 : memref<128xi32, #tpu.memory_space<hbm>>) dst(%arg12 : memref<128xi32, #tpu.memory_space<vmem>>)
        tpu.yield
      }) : () -> ()
      %dma_start3A = arith.constant 0 : i32
      %dma_start3A_20 = arith.constant 0 : i32
      %dma_start3A_21 = tpu.memref_slice %arg2[%dma_start3A, %dma_start3A_20] : memref<10112x144xf32, #tpu.memory_space<hbm>> -> memref<10112x144xf32, #tpu.memory_space<hbm>>
      tpu.enqueue_indirect_dma source(%dma_start3A_21 : memref<10112x144xf32, #tpu.memory_space<hbm>>) target(%arg14 : memref<128x144xf32, #tpu.memory_space<vmem>>) offsets(%arg11 : memref<128xi32, #tpu.memory_space<vmem>>) semaphore(%arg16 : memref<!tpu.dma_semaphore, #tpu.memory_space<semaphore_mem>>)
      %get3A = arith.constant 0 : index
      %get3A_22 = tpu.vector_load %arg11[%get3A] {strides = array<i32>} : memref<128xi32, #tpu.memory_space<vmem>>, vector<16xi32>,
      %get3A_23 = arith.constant 0 : index
      %get3A_24 = tpu.vector_load %arg12[%get3A_23] {strides = array<i32>} : memref<128xi32, #tpu.memory_space<vmem>>, vector<16xi32>,
      %gather3A = tpu.vector_load_idx %arg9[%get3A_22] : memref<10112xf32, #tpu.memory_space<vmem>>[vector<16xi32>], vector<16xf32>,
      %gather3A_25 = tpu.vector_load_idx %arg10[%get3A_24] : memref<10112xf32, #tpu.memory_space<vmem>>[vector<16xi32>], vector<16xf32>,
      %add3A_26 = arith.addf %gather3A, %gather3A_25 : vector<16xf32>
      %ge3A = arith.constant 0.000000e+00 : f32
      %ge3A_27 = vector.broadcast %ge3A : f32 to vector<16xf32>
      %ge3A_28 = arith.cmpf oge, %add3A_26, %ge3A_27 : vector<16xf32>
      %mul3A_29 = arith.constant 2.000000e-01 : f32
      %mul3A_30 = vector.broadcast %mul3A_29 : f32 to vector<16xf32>
      %mul3A_31 = arith.mulf %mul3A_30, %add3A_26 : vector<16xf32>
      %select_n3A = arith.select %ge3A_28, %add3A_26, %mul3A_31 : vector<16xi1>, vector<16xf32>
      %exp3A = math.exp %select_n3A : vector<16xf32>
      %swap3A = arith.constant 0 : index
      %swap3A_32 = tpu.vector_load %arg13[%swap3A] {strides = array<i32>} : memref<128xf32, #tpu.memory_space<vmem>>, vector<16xf32>,
      tpu.vector_store %arg13[%swap3A], %exp3A {strides = array<i32>} : memref<128xf32, #tpu.memory_space<vmem>>, vector<16xf32>,
      %get3A_33 = arith.constant 16 : index
      %get3A_34 = tpu.vector_load %arg11[%get3A_33] {strides = array<i32>} : memref<128xi32, #tpu.memory_space<vmem>>, vector<16xi32>,
      %get3A_35 = arith.constant 16 : index
      %get3A_36 = tpu.vector_load %arg12[%get3A_35] {strides = array<i32>} : memref<128xi32, #tpu.memory_space<vmem>>, vector<16xi32>,
      %gather3A_37 = tpu.vector_load_idx %arg9[%get3A_34] : memref<10112xf32, #tpu.memory_space<vmem>>[vector<16xi32>], vector<16xf32>,
      %gather3A_38 = tpu.vector_load_idx %arg10[%get3A_36] : memref<10112xf32, #tpu.memory_space<vmem>>[vector<16xi32>], vector<16xf32>,
      %add3A_39 = arith.addf %gather3A_37, %gather3A_38 : vector<16xf32>
      %ge3A_40 = arith.constant 0.000000e+00 : f32
      %ge3A_41 = vector.broadcast %ge3A_40 : f32 to vector<16xf32>
      %ge3A_42 = arith.cmpf oge, %add3A_39, %ge3A_41 : vector<16xf32>
      %mul3A_43 = arith.constant 2.000000e-01 : f32
      %mul3A_44 = vector.broadcast %mul3A_43 : f32 to vector<16xf32>
      %mul3A_45 = arith.mulf %mul3A_44, %add3A_39 : vector<16xf32>
      %select_n3A_46 = arith.select %ge3A_42, %add3A_39, %mul3A_45 : vector<16xi1>, vector<16xf32>
      %exp3A_47 = math.exp %select_n3A_46 : vector<16xf32>
      %swap3A_48 = arith.constant 16 : index
      %swap3A_49 = tpu.vector_load %arg13[%swap3A_48] {strides = array<i32>} : memref<128xf32, #tpu.memory_space<vmem>>, vector<16xf32>,
      tpu.vector_store %arg13[%swap3A_48], %exp3A_47 {strides = array<i32>} : memref<128xf32, #tpu.memory_space<vmem>>, vector<16xf32>,
      %get3A_50 = arith.constant 32 : index
      %get3A_51 = tpu.vector_load %arg11[%get3A_50] {strides = array<i32>} : memref<128xi32, #tpu.memory_space<vmem>>, vector<16xi32>,
      %get3A_52 = arith.constant 32 : index
      %get3A_53 = tpu.vector_load %arg12[%get3A_52] {strides = array<i32>} : memref<128xi32, #tpu.memory_space<vmem>>, vector<16xi32>,
      %gather3A_54 = tpu.vector_load_idx %arg9[%get3A_51] : memref<10112xf32, #tpu.memory_space<vmem>>[vector<16xi32>], vector<16xf32>,
      %gather3A_55 = tpu.vector_load_idx %arg10[%get3A_53] : memref<10112xf32, #tpu.memory_space<vmem>>[vector<16xi32>], vector<16xf32>,
      %add3A_56 = arith.addf %gather3A_54, %gather3A_55 : vector<16xf32>
      %ge3A_57 = arith.constant 0.000000e+00 : f32
      %ge3A_58 = vector.broadcast %ge3A_57 : f32 to vector<16xf32>
      %ge3A_59 = arith.cmpf oge, %add3A_56, %ge3A_58 : vector<16xf32>
      %mul3A_60 = arith.constant 2.000000e-01 : f32
      %mul3A_61 = vector.broadcast %mul3A_60 : f32 to vector<16xf32>
      %mul3A_62 = arith.mulf %mul3A_61, %add3A_56 : vector<16xf32>
      %select_n3A_63 = arith.select %ge3A_59, %add3A_56, %mul3A_62 : vector<16xi1>, vector<16xf32>
      %exp3A_64 = math.exp %select_n3A_63 : vector<16xf32>
      %swap3A_65 = arith.constant 32 : index
      %swap3A_66 = tpu.vector_load %arg13[%swap3A_65] {strides = array<i32>} : memref<128xf32, #tpu.memory_space<vmem>>, vector<16xf32>,
      tpu.vector_store %arg13[%swap3A_65], %exp3A_64 {strides = array<i32>} : memref<128xf32, #tpu.memory_space<vmem>>, vector<16xf32>,
      %get3A_67 = arith.constant 48 : index
      %get3A_68 = tpu.vector_load %arg11[%get3A_67] {strides = array<i32>} : memref<128xi32, #tpu.memory_space<vmem>>, vector<16xi32>,
      %get3A_69 = arith.constant 48 : index
      %get3A_70 = tpu.vector_load %arg12[%get3A_69] {strides = array<i32>} : memref<128xi32, #tpu.memory_space<vmem>>, vector<16xi32>,
      %gather3A_71 = tpu.vector_load_idx %arg9[%get3A_68] : memref<10112xf32, #tpu.memory_space<vmem>>[vector<16xi32>], vector<16xf32>,
      %gather3A_72 = tpu.vector_load_idx %arg10[%get3A_70] : memref<10112xf32, #tpu.memory_space<vmem>>[vector<16xi32>], vector<16xf32>,
      %add3A_73 = arith.addf %gather3A_71, %gather3A_72 : vector<16xf32>
      %ge3A_74 = arith.constant 0.000000e+00 : f32
      %ge3A_75 = vector.broadcast %ge3A_74 : f32 to vector<16xf32>
      %ge3A_76 = arith.cmpf oge, %add3A_73, %ge3A_75 : vector<16xf32>
      %mul3A_77 = arith.constant 2.000000e-01 : f32
      %mul3A_78 = vector.broadcast %mul3A_77 : f32 to vector<16xf32>
      %mul3A_79 = arith.mulf %mul3A_78, %add3A_73 : vector<16xf32>
      %select_n3A_80 = arith.select %ge3A_76, %add3A_73, %mul3A_79 : vector<16xi1>, vector<16xf32>
      %exp3A_81 = math.exp %select_n3A_80 : vector<16xf32>
      %swap3A_82 = arith.constant 48 : index
      %swap3A_83 = tpu.vector_load %arg13[%swap3A_82] {strides = array<i32>} : memref<128xf32, #tpu.memory_space<vmem>>, vector<16xf32>,
      tpu.vector_store %arg13[%swap3A_82], %exp3A_81 {strides = array<i32>} : memref<128xf32, #tpu.memory_space<vmem>>, vector<16xf32>,
      %get3A_84 = arith.constant 64 : index
      %get3A_85 = tpu.vector_load %arg11[%get3A_84] {strides = array<i32>} : memref<128xi32, #tpu.memory_space<vmem>>, vector<16xi32>,
      %get3A_86 = arith.constant 64 : index
      %get3A_87 = tpu.vector_load %arg12[%get3A_86] {strides = array<i32>} : memref<128xi32, #tpu.memory_space<vmem>>, vector<16xi32>,
      %gather3A_88 = tpu.vector_load_idx %arg9[%get3A_85] : memref<10112xf32, #tpu.memory_space<vmem>>[vector<16xi32>], vector<16xf32>,
      %gather3A_89 = tpu.vector_load_idx %arg10[%get3A_87] : memref<10112xf32, #tpu.memory_space<vmem>>[vector<16xi32>], vector<16xf32>,
      %add3A_90 = arith.addf %gather3A_88, %gather3A_89 : vector<16xf32>
      %ge3A_91 = arith.constant 0.000000e+00 : f32
      %ge3A_92 = vector.broadcast %ge3A_91 : f32 to vector<16xf32>
      %ge3A_93 = arith.cmpf oge, %add3A_90, %ge3A_92 : vector<16xf32>
      %mul3A_94 = arith.constant 2.000000e-01 : f32
      %mul3A_95 = vector.broadcast %mul3A_94 : f32 to vector<16xf32>
      %mul3A_96 = arith.mulf %mul3A_95, %add3A_90 : vector<16xf32>
      %select_n3A_97 = arith.select %ge3A_93, %add3A_90, %mul3A_96 : vector<16xi1>, vector<16xf32>
      %exp3A_98 = math.exp %select_n3A_97 : vector<16xf32>
      %swap3A_99 = arith.constant 64 : index
      %swap3A_100 = tpu.vector_load %arg13[%swap3A_99] {strides = array<i32>} : memref<128xf32, #tpu.memory_space<vmem>>, vector<16xf32>,
      tpu.vector_store %arg13[%swap3A_99], %exp3A_98 {strides = array<i32>} : memref<128xf32, #tpu.memory_space<vmem>>, vector<16xf32>,
      %get3A_101 = arith.constant 80 : index
      %get3A_102 = tpu.vector_load %arg11[%get3A_101] {strides = array<i32>} : memref<128xi32, #tpu.memory_space<vmem>>, vector<16xi32>,
      %get3A_103 = arith.constant 80 : index
      %get3A_104 = tpu.vector_load %arg12[%get3A_103] {strides = array<i32>} : memref<128xi32, #tpu.memory_space<vmem>>, vector<16xi32>,
      %gather3A_105 = tpu.vector_load_idx %arg9[%get3A_102] : memref<10112xf32, #tpu.memory_space<vmem>>[vector<16xi32>], vector<16xf32>,
      %gather3A_106 = tpu.vector_load_idx %arg10[%get3A_104] : memref<10112xf32, #tpu.memory_space<vmem>>[vector<16xi32>], vector<16xf32>,
      %add3A_107 = arith.addf %gather3A_105, %gather3A_106 : vector<16xf32>
      %ge3A_108 = arith.constant 0.000000e+00 : f32
      %ge3A_109 = vector.broadcast %ge3A_108 : f32 to vector<16xf32>
      %ge3A_110 = arith.cmpf oge, %add3A_107, %ge3A_109 : vector<16xf32>
      %mul3A_111 = arith.constant 2.000000e-01 : f32
      %mul3A_112 = vector.broadcast %mul3A_111 : f32 to vector<16xf32>
      %mul3A_113 = arith.mulf %mul3A_112, %add3A_107 : vector<16xf32>
      %select_n3A_114 = arith.select %ge3A_110, %add3A_107, %mul3A_113 : vector<16xi1>, vector<16xf32>
      %exp3A_115 = math.exp %select_n3A_114 : vector<16xf32>
      %swap3A_116 = arith.constant 80 : index
      %swap3A_117 = tpu.vector_load %arg13[%swap3A_116] {strides = array<i32>} : memref<128xf32, #tpu.memory_space<vmem>>, vector<16xf32>,
      tpu.vector_store %arg13[%swap3A_116], %exp3A_115 {strides = array<i32>} : memref<128xf32, #tpu.memory_space<vmem>>, vector<16xf32>,
      %get3A_118 = arith.constant 96 : index
      %get3A_119 = tpu.vector_load %arg11[%get3A_118] {strides = array<i32>} : memref<128xi32, #tpu.memory_space<vmem>>, vector<16xi32>,
      %get3A_120 = arith.constant 96 : index
      %get3A_121 = tpu.vector_load %arg12[%get3A_120] {strides = array<i32>} : memref<128xi32, #tpu.memory_space<vmem>>, vector<16xi32>,
      %gather3A_122 = tpu.vector_load_idx %arg9[%get3A_119] : memref<10112xf32, #tpu.memory_space<vmem>>[vector<16xi32>], vector<16xf32>,
      %gather3A_123 = tpu.vector_load_idx %arg10[%get3A_121] : memref<10112xf32, #tpu.memory_space<vmem>>[vector<16xi32>], vector<16xf32>,
      %add3A_124 = arith.addf %gather3A_122, %gather3A_123 : vector<16xf32>
      %ge3A_125 = arith.constant 0.000000e+00 : f32
      %ge3A_126 = vector.broadcast %ge3A_125 : f32 to vector<16xf32>
      %ge3A_127 = arith.cmpf oge, %add3A_124, %ge3A_126 : vector<16xf32>
      %mul3A_128 = arith.constant 2.000000e-01 : f32
      %mul3A_129 = vector.broadcast %mul3A_128 : f32 to vector<16xf32>
      %mul3A_130 = arith.mulf %mul3A_129, %add3A_124 : vector<16xf32>
      %select_n3A_131 = arith.select %ge3A_127, %add3A_124, %mul3A_130 : vector<16xi1>, vector<16xf32>
      %exp3A_132 = math.exp %select_n3A_131 : vector<16xf32>
      %swap3A_133 = arith.constant 96 : index
      %swap3A_134 = tpu.vector_load %arg13[%swap3A_133] {strides = array<i32>} : memref<128xf32, #tpu.memory_space<vmem>>, vector<16xf32>,
      tpu.vector_store %arg13[%swap3A_133], %exp3A_132 {strides = array<i32>} : memref<128xf32, #tpu.memory_space<vmem>>, vector<16xf32>,
      %get3A_135 = arith.constant 112 : index
      %get3A_136 = tpu.vector_load %arg11[%get3A_135] {strides = array<i32>} : memref<128xi32, #tpu.memory_space<vmem>>, vector<16xi32>,
      %get3A_137 = arith.constant 112 : index
      %get3A_138 = tpu.vector_load %arg12[%get3A_137] {strides = array<i32>} : memref<128xi32, #tpu.memory_space<vmem>>, vector<16xi32>,
      %gather3A_139 = tpu.vector_load_idx %arg9[%get3A_136] : memref<10112xf32, #tpu.memory_space<vmem>>[vector<16xi32>], vector<16xf32>,
      %gather3A_140 = tpu.vector_load_idx %arg10[%get3A_138] : memref<10112xf32, #tpu.memory_space<vmem>>[vector<16xi32>], vector<16xf32>,
      %add3A_141 = arith.addf %gather3A_139, %gather3A_140 : vector<16xf32>
      %ge3A_142 = arith.constant 0.000000e+00 : f32
      %ge3A_143 = vector.broadcast %ge3A_142 : f32 to vector<16xf32>
      %ge3A_144 = arith.cmpf oge, %add3A_141, %ge3A_143 : vector<16xf32>
      %mul3A_145 = arith.constant 2.000000e-01 : f32
      %mul3A_146 = vector.broadcast %mul3A_145 : f32 to vector<16xf32>
      %mul3A_147 = arith.mulf %mul3A_146, %add3A_141 : vector<16xf32>
      %select_n3A_148 = arith.select %ge3A_144, %add3A_141, %mul3A_147 : vector<16xi1>, vector<16xf32>
      %exp3A_149 = math.exp %select_n3A_148 : vector<16xf32>
      %swap3A_150 = arith.constant 112 : index
      %swap3A_151 = tpu.vector_load %arg13[%swap3A_150] {strides = array<i32>} : memref<128xf32, #tpu.memory_space<vmem>>, vector<16xf32>,
      tpu.vector_store %arg13[%swap3A_150], %exp3A_149 {strides = array<i32>} : memref<128xf32, #tpu.memory_space<vmem>>, vector<16xf32>,
      %dma_wait3A = arith.constant 0 : i32
      %dma_wait3A_152 = arith.constant 0 : i32
      %dma_wait3A_153 = tpu.memref_slice %arg2[%dma_wait3A, %dma_wait3A_152] : memref<10112x144xf32, #tpu.memory_space<hbm>> -> memref<10112x144xf32, #tpu.memory_space<hbm>>
      tpu.wait_indirect_dma semaphore(%arg16 : memref<!tpu.dma_semaphore, #tpu.memory_space<semaphore_mem>>) src(%dma_wait3A_153 : memref<10112x144xf32, #tpu.memory_space<hbm>>) dst(%arg14 : memref<128x144xf32, #tpu.memory_space<vmem>>)
      %scan3A_154 = arith.constant 0 : i32
      %scan3A_155 = arith.constant 0 : i32
      %scan3A_156 = arith.constant 128 : i32
      %scan3A_157 = arith.addi %scan3A_155, %scan3A_156 : i32
      %scan3A_158 = arith.constant 1 : i32
      scf.for %scan3A_160 = %scan3A_155 to %scan3A_157 step %scan3A_158  : i32 {
        %add3A_161 = vector.broadcast %scan3A_160 : i32 to vector<16xi32>
        %add3A_162 = arith.addi %broadcast_in_dim3A_5, %add3A_161 : vector<16xi32>
        %gather3A_163 = tpu.vector_load_idx %arg13[%add3A_162] : memref<128xf32, #tpu.memory_space<vmem>>[vector<16xi32>], vector<16xf32>,
        %get3A_164 = arith.index_cast %scan3A_160 : i32 to index
        %get3A_165 = arith.constant 0 : index
        %get3A_166 = tpu.vector_load %arg14[%get3A_164, %get3A_165] {strides = array<i32>} : memref<128x144xf32, #tpu.memory_space<vmem>>, vector<16xf32>,
        %mul3A_167 = arith.mulf %get3A_166, %gather3A_163 : vector<16xf32>
        %swap3A_168 = arith.index_cast %scan3A_160 : i32 to index
        %swap3A_169 = arith.constant 0 : index
        %swap3A_170 = tpu.vector_load %arg14[%swap3A_168, %swap3A_169] {strides = array<i32>} : memref<128x144xf32, #tpu.memory_space<vmem>>, vector<16xf32>,
        tpu.vector_store %arg14[%swap3A_168, %swap3A_169], %mul3A_167 {strides = array<i32>} : memref<128x144xf32, #tpu.memory_space<vmem>>, vector<16xf32>,
        %get3A_171 = arith.index_cast %scan3A_160 : i32 to index
        %get3A_172 = arith.constant 16 : index
        %get3A_173 = tpu.vector_load %arg14[%get3A_171, %get3A_172] {strides = array<i32>} : memref<128x144xf32, #tpu.memory_space<vmem>>, vector<16xf32>,
        %mul3A_174 = arith.mulf %get3A_173, %gather3A_163 : vector<16xf32>
        %swap3A_175 = arith.index_cast %scan3A_160 : i32 to index
        %swap3A_176 = arith.constant 16 : index
        %swap3A_177 = tpu.vector_load %arg14[%swap3A_175, %swap3A_176] {strides = array<i32>} : memref<128x144xf32, #tpu.memory_space<vmem>>, vector<16xf32>,
        tpu.vector_store %arg14[%swap3A_175, %swap3A_176], %mul3A_174 {strides = array<i32>} : memref<128x144xf32, #tpu.memory_space<vmem>>, vector<16xf32>,
        %get3A_178 = arith.index_cast %scan3A_160 : i32 to index
        %get3A_179 = arith.constant 32 : index
        %get3A_180 = tpu.vector_load %arg14[%get3A_178, %get3A_179] {strides = array<i32>} : memref<128x144xf32, #tpu.memory_space<vmem>>, vector<16xf32>,
        %mul3A_181 = arith.mulf %get3A_180, %gather3A_163 : vector<16xf32>
        %swap3A_182 = arith.index_cast %scan3A_160 : i32 to index
        %swap3A_183 = arith.constant 32 : index
        %swap3A_184 = tpu.vector_load %arg14[%swap3A_182, %swap3A_183] {strides = array<i32>} : memref<128x144xf32, #tpu.memory_space<vmem>>, vector<16xf32>,
        tpu.vector_store %arg14[%swap3A_182, %swap3A_183], %mul3A_181 {strides = array<i32>} : memref<128x144xf32, #tpu.memory_space<vmem>>, vector<16xf32>,
        %get3A_185 = arith.index_cast %scan3A_160 : i32 to index
        %get3A_186 = arith.constant 48 : index
        %get3A_187 = tpu.vector_load %arg14[%get3A_185, %get3A_186] {strides = array<i32>} : memref<128x144xf32, #tpu.memory_space<vmem>>, vector<16xf32>,
        %mul3A_188 = arith.mulf %get3A_187, %gather3A_163 : vector<16xf32>
        %swap3A_189 = arith.index_cast %scan3A_160 : i32 to index
        %swap3A_190 = arith.constant 48 : index
        %swap3A_191 = tpu.vector_load %arg14[%swap3A_189, %swap3A_190] {strides = array<i32>} : memref<128x144xf32, #tpu.memory_space<vmem>>, vector<16xf32>,
        tpu.vector_store %arg14[%swap3A_189, %swap3A_190], %mul3A_188 {strides = array<i32>} : memref<128x144xf32, #tpu.memory_space<vmem>>, vector<16xf32>,
        %get3A_192 = arith.index_cast %scan3A_160 : i32 to index
        %get3A_193 = arith.constant 64 : index
        %get3A_194 = tpu.vector_load %arg14[%get3A_192, %get3A_193] {strides = array<i32>} : memref<128x144xf32, #tpu.memory_space<vmem>>, vector<16xf32>,
        %mul3A_195 = arith.mulf %get3A_194, %gather3A_163 : vector<16xf32>
        %swap3A_196 = arith.index_cast %scan3A_160 : i32 to index
        %swap3A_197 = arith.constant 64 : index
        %swap3A_198 = tpu.vector_load %arg14[%swap3A_196, %swap3A_197] {strides = array<i32>} : memref<128x144xf32, #tpu.memory_space<vmem>>, vector<16xf32>,
        tpu.vector_store %arg14[%swap3A_196, %swap3A_197], %mul3A_195 {strides = array<i32>} : memref<128x144xf32, #tpu.memory_space<vmem>>, vector<16xf32>,
        %get3A_199 = arith.index_cast %scan3A_160 : i32 to index
        %get3A_200 = arith.constant 80 : index
        %get3A_201 = tpu.vector_load %arg14[%get3A_199, %get3A_200] {strides = array<i32>} : memref<128x144xf32, #tpu.memory_space<vmem>>, vector<16xf32>,
        %mul3A_202 = arith.mulf %get3A_201, %gather3A_163 : vector<16xf32>
        %swap3A_203 = arith.index_cast %scan3A_160 : i32 to index
        %swap3A_204 = arith.constant 80 : index
        %swap3A_205 = tpu.vector_load %arg14[%swap3A_203, %swap3A_204] {strides = array<i32>} : memref<128x144xf32, #tpu.memory_space<vmem>>, vector<16xf32>,
        tpu.vector_store %arg14[%swap3A_203, %swap3A_204], %mul3A_202 {strides = array<i32>} : memref<128x144xf32, #tpu.memory_space<vmem>>, vector<16xf32>,
        %get3A_206 = arith.index_cast %scan3A_160 : i32 to index
        %get3A_207 = arith.constant 96 : index
        %get3A_208 = tpu.vector_load %arg14[%get3A_206, %get3A_207] {strides = array<i32>} : memref<128x144xf32, #tpu.memory_space<vmem>>, vector<16xf32>,
        %mul3A_209 = arith.mulf %get3A_208, %gather3A_163 : vector<16xf32>
        %swap3A_210 = arith.index_cast %scan3A_160 : i32 to index
        %swap3A_211 = arith.constant 96 : index
        %swap3A_212 = tpu.vector_load %arg14[%swap3A_210, %swap3A_211] {strides = array<i32>} : memref<128x144xf32, #tpu.memory_space<vmem>>, vector<16xf32>,
        tpu.vector_store %arg14[%swap3A_210, %swap3A_211], %mul3A_209 {strides = array<i32>} : memref<128x144xf32, #tpu.memory_space<vmem>>, vector<16xf32>,
        %get3A_213 = arith.index_cast %scan3A_160 : i32 to index
        %get3A_214 = arith.constant 112 : index
        %get3A_215 = tpu.vector_load %arg14[%get3A_213, %get3A_214] {strides = array<i32>} : memref<128x144xf32, #tpu.memory_space<vmem>>, vector<16xf32>,
        %mul3A_216 = arith.mulf %get3A_215, %gather3A_163 : vector<16xf32>
        %swap3A_217 = arith.index_cast %scan3A_160 : i32 to index
        %swap3A_218 = arith.constant 112 : index
        %swap3A_219 = tpu.vector_load %arg14[%swap3A_217, %swap3A_218] {strides = array<i32>} : memref<128x144xf32, #tpu.memory_space<vmem>>, vector<16xf32>,
        tpu.vector_store %arg14[%swap3A_217, %swap3A_218], %mul3A_216 {strides = array<i32>} : memref<128x144xf32, #tpu.memory_space<vmem>>, vector<16xf32>,
        %get3A_220 = arith.index_cast %scan3A_160 : i32 to index
        %get3A_221 = arith.constant 128 : index
        %get3A_222 = tpu.vector_load %arg14[%get3A_220, %get3A_221] {strides = array<i32>} : memref<128x144xf32, #tpu.memory_space<vmem>>, vector<16xf32>,
        %mul3A_223 = arith.mulf %get3A_222, %gather3A_163 : vector<16xf32>
        %swap3A_224 = arith.index_cast %scan3A_160 : i32 to index
        %swap3A_225 = arith.constant 128 : index
        %swap3A_226 = tpu.vector_load %arg14[%swap3A_224, %swap3A_225] {strides = array<i32>} : memref<128x144xf32, #tpu.memory_space<vmem>>, vector<16xf32>,
        tpu.vector_store %arg14[%swap3A_224, %swap3A_225], %mul3A_223 {strides = array<i32>} : memref<128x144xf32, #tpu.memory_space<vmem>>, vector<16xf32>,
      }
      %scan3A_159 = arith.constant 128 : i32
      "tpu.region"() ({
        %run_scoped3A = tpu.sem_alloc : memref<!tpu.dma_semaphore, #tpu.memory_space<semaphore_mem>>
        %dma_start3A_160 = arith.constant 0 : i32
        %dma_start3A_161 = arith.constant 0 : i32
        %dma_start3A_162 = tpu.memref_slice %arg15[%dma_start3A_160, %dma_start3A_161] : memref<10112x144xf32, #tpu.memory_space<vmem_shared>> -> memref<10112x144xf32, #tpu.memory_space<vmem_shared>>
        tpu.enqueue_indirect_dma source(%arg14 : memref<128x144xf32, #tpu.memory_space<vmem>>) target(%dma_start3A_162 : memref<10112x144xf32, #tpu.memory_space<vmem_shared>>) offsets(%arg12 : memref<128xi32, #tpu.memory_space<vmem>>) semaphore(%run_scoped3A : memref<!tpu.dma_semaphore, #tpu.memory_space<semaphore_mem>>) {add = true}
        %dma_wait3A_163 = arith.constant 0 : i32
        %dma_wait3A_164 = arith.constant 0 : i32
        %dma_wait3A_165 = tpu.memref_slice %arg15[%dma_wait3A_163, %dma_wait3A_164] : memref<10112x144xf32, #tpu.memory_space<vmem_shared>> -> memref<10112x144xf32, #tpu.memory_space<vmem_shared>>
        tpu.wait_indirect_dma semaphore(%run_scoped3A : memref<!tpu.dma_semaphore, #tpu.memory_space<semaphore_mem>>) src(%arg14 : memref<128x144xf32, #tpu.memory_space<vmem>>) dst(%dma_wait3A_165 : memref<10112x144xf32, #tpu.memory_space<vmem_shared>>)
        tpu.yield
      }) : () -> ()
    }
    %scan3A_10 = arith.constant 81 : i32
    %barrier3A_11 = arith.constant 0 : index
    tpu.barrier barrier_id(%barrier3A_11)
    %mul3A_12 = arith.constant 632 : i32
    %mul3A_13 = arith.muli %arg1, %mul3A_12 : i32
    %mul3A_14 = arith.constant 632 : i32
    %mul3A_15 = arith.muli %arg1, %mul3A_14 : i32
    "tpu.region"() ({
      %run_scoped3A = tpu.sem_alloc : memref<!tpu.dma_semaphore, #tpu.memory_space<semaphore_mem>>
      %dma_start3A = arith.constant 0 : i32
      %dma_start3A_16 = tpu.memref_slice %arg8[%arg0, %mul3A_15, %dma_start3A] : memref<2x10112x144xf32, #tpu.memory_space<hbm>> -> memref<1x632x144xf32, #tpu.memory_space<hbm>>
      %dma_start3A_17 = tpu.memref_squeeze %dma_start3A_16 : memref<1x632x144xf32, #tpu.memory_space<hbm>> -> memref<632x144xf32, #tpu.memory_space<hbm>>
      %dma_start3A_18 = arith.constant 0 : i32
      %dma_start3A_19 = tpu.memref_slice %arg15[%mul3A_13, %dma_start3A_18] : memref<10112x144xf32, #tpu.memory_space<vmem_shared>> -> memref<632x144xf32, #tpu.memory_space<vmem_shared>>
      tpu.enqueue_dma source(%dma_start3A_19 : memref<632x144xf32, #tpu.memory_space<vmem_shared>>) target(%dma_start3A_17 : memref<632x144xf32, #tpu.memory_space<hbm>>) target_semaphore(%run_scoped3A : memref<!tpu.dma_semaphore, #tpu.memory_space<semaphore_mem>>)
      %dma_wait3A = arith.constant 0 : i32
      %dma_wait3A_20 = tpu.memref_slice %arg8[%arg0, %mul3A_15, %dma_wait3A] : memref<2x10112x144xf32, #tpu.memory_space<hbm>> -> memref<1x632x144xf32, #tpu.memory_space<hbm>>
      %dma_wait3A_21 = tpu.memref_squeeze %dma_wait3A_20 : memref<1x632x144xf32, #tpu.memory_space<hbm>> -> memref<632x144xf32, #tpu.memory_space<hbm>>
      %dma_wait3A_22 = arith.constant 0 : i32
      %dma_wait3A_23 = tpu.memref_slice %arg15[%mul3A_13, %dma_wait3A_22] : memref<10112x144xf32, #tpu.memory_space<vmem_shared>> -> memref<632x144xf32, #tpu.memory_space<vmem_shared>>
      tpu.wait_dma2 semaphore(%run_scoped3A : memref<!tpu.dma_semaphore, #tpu.memory_space<semaphore_mem>>) src(%dma_wait3A_23 : memref<632x144xf32, #tpu.memory_space<vmem_shared>>) dst(%dma_wait3A_21 : memref<632x144xf32, #tpu.memory_space<hbm>>)
      tpu.yield
    }) : () -> ()
    return
  }
}

module attributes {stable_mosaic.version = 14 : i64} {
  func.func @_stage_pre_body(%arg0: memref<10000x128xf32, #tpu.memory_space<vmem>>, %arg1: memref<10000x128xf32, #tpu.memory_space<vmem>>, %arg2: memref<128x128xf32, #tpu.memory_space<vmem>>, %arg3: memref<128x2xf32, #tpu.memory_space<vmem>>, %arg4: memref<10000x128xf32, #tpu.memory_space<vmem>>, %arg5: memref<10112x144xf32, #tpu.memory_space<vmem>>, %arg6: memref<10112x2xf32, #tpu.memory_space<vmem>>) attributes {dimension_semantics = [], scalar_prefetch = 0 : i64, scratch_operands = 0 : i64, tpu.core_type = #tpu.core_type<tc>} {
    %get3A = arith.constant 0 : index
    %get3A_0 = arith.constant 0 : index
    %get3A_1 = vector.load %arg0[%get3A, %get3A_0] : memref<10000x128xf32, #tpu.memory_space<vmem>>, vector<10000x128xf32>
    %get3A_2 = arith.constant 0 : index
    %get3A_3 = arith.constant 0 : index
    %get3A_4 = vector.load %arg1[%get3A_2, %get3A_3] : memref<10000x128xf32, #tpu.memory_space<vmem>>, vector<10000x128xf32>
    %mul3A = arith.constant 0.000000e+00 : f32
    %mul3A_5 = vector.broadcast %mul3A : f32 to vector<10000x128xf32>
    %mul3A_6 = arith.mulf %mul3A_5, %get3A_4 : vector<10000x128xf32>
    %add3A = arith.addf %get3A_1, %mul3A_6 : vector<10000x128xf32>
    %swap3A = arith.constant 0 : index
    %swap3A_7 = arith.constant 0 : index
    %swap3A_8 = vector.load %arg4[%swap3A, %swap3A_7] : memref<10000x128xf32, #tpu.memory_space<vmem>>, vector<10000x128xf32>
    tpu.vector_store %arg4[%swap3A, %swap3A_7], %add3A {strides = array<i32>} : memref<10000x128xf32, #tpu.memory_space<vmem>>, vector<10000x128xf32>,
    %get3A_9 = arith.constant 0 : index
    %get3A_10 = arith.constant 0 : index
    %get3A_11 = vector.load %arg2[%get3A_9, %get3A_10] : memref<128x128xf32, #tpu.memory_space<vmem>>, vector<128x128xf32>
    %dot_general3A = arith.constant dense<0.000000e+00> : vector<10000x128xf32>
    %dot_general3A_12 = tpu.matmul %add3A, %get3A_11, %dot_general3A {dimension_numbers = #tpu.dot_dimension_numbers<[1], [0], [0], [1], [0, 0, 1, 1], [], []>, transpose_lhs_hint = false} : vector<10000x128xf32>, vector<128x128xf32>, vector<10000x128xf32> -> vector<10000x128xf32>
    %iota3A = tpu.iota {dimensions = array<i32: 1>} : vector<10000x16xi32>
    %eq3A = arith.constant 0 : i32
    %eq3A_13 = vector.broadcast %eq3A : i32 to vector<10000x16xi32>
    %eq3A_14 = arith.cmpi eq, %iota3A, %eq3A_13 : vector<10000x16xi32>
    %jit3A = arith.constant 1.000000e+00 : f32
    %jit3A_15 = arith.constant 0.000000e+00 : f32
    %broadcast_in_dim3A = vector.broadcast %jit3A : f32 to vector<10000x16xf32>
    %broadcast_in_dim3A_16 = vector.broadcast %jit3A_15 : f32 to vector<10000x16xf32>
    %select_n3A = arith.select %eq3A_14, %broadcast_in_dim3A, %broadcast_in_dim3A_16 : vector<10000x16xi1>, vector<10000x16xf32>
    %concatenate3A = tpu.concatenate %dot_general3A_12, %select_n3A in 1 : vector<10000x128xf32>, vector<10000x16xf32> -> vector<10000x144xf32>
    %swap3A_17 = arith.constant 0 : index
    %swap3A_18 = arith.constant 0 : index
    %swap3A_19 = vector.load %arg5[%swap3A_17, %swap3A_18] : memref<10112x144xf32, #tpu.memory_space<vmem>>, vector<10000x144xf32>
    tpu.vector_store %arg5[%swap3A_17, %swap3A_18], %concatenate3A {strides = array<i32>} : memref<10112x144xf32, #tpu.memory_space<vmem>>, vector<10000x144xf32>,
    %broadcast_in_dim3A_20 = arith.constant 0.000000e+00 : f32
    %broadcast_in_dim3A_21 = vector.broadcast %broadcast_in_dim3A_20 : f32 to vector<112x144xf32>
    %swap3A_22 = arith.constant 10000 : index
    %swap3A_23 = arith.constant 0 : index
    %swap3A_24 = vector.load %arg5[%swap3A_22, %swap3A_23] : memref<10112x144xf32, #tpu.memory_space<vmem>>, vector<112x144xf32>
    tpu.vector_store %arg5[%swap3A_22, %swap3A_23], %broadcast_in_dim3A_21 {strides = array<i32>} : memref<10112x144xf32, #tpu.memory_space<vmem>>, vector<112x144xf32>,
    %get3A_25 = arith.constant 0 : index
    %get3A_26 = arith.constant 0 : index
    %get3A_27 = vector.load %arg3[%get3A_25, %get3A_26] : memref<128x2xf32, #tpu.memory_space<vmem>>, vector<128x2xf32>
    %dot_general3A_28 = arith.constant dense<0.000000e+00> : vector<10000x2xf32>
    %dot_general3A_29 = tpu.matmul %dot_general3A_12, %get3A_27, %dot_general3A_28 {dimension_numbers = #tpu.dot_dimension_numbers<[1], [0], [0], [1], [0, 0, 1, 1], [], []>, transpose_lhs_hint = false} : vector<10000x128xf32>, vector<128x2xf32>, vector<10000x2xf32> -> vector<10000x2xf32>
    %swap3A_30 = arith.constant 0 : index
    %swap3A_31 = arith.constant 0 : index
    %swap3A_32 = vector.load %arg6[%swap3A_30, %swap3A_31] : memref<10112x2xf32, #tpu.memory_space<vmem>>, vector<10000x2xf32>
    tpu.vector_store %arg6[%swap3A_30, %swap3A_31], %dot_general3A_29 {strides = array<i32>} : memref<10112x2xf32, #tpu.memory_space<vmem>>, vector<10000x2xf32>,
    %broadcast_in_dim3A_33 = arith.constant -1.000000e+30 : f32
    %broadcast_in_dim3A_34 = vector.broadcast %broadcast_in_dim3A_33 : f32 to vector<112x2xf32>
    %swap3A_35 = arith.constant 10000 : index
    %swap3A_36 = arith.constant 0 : index
    %swap3A_37 = vector.load %arg6[%swap3A_35, %swap3A_36] : memref<10112x2xf32, #tpu.memory_space<vmem>>, vector<112x2xf32>
    tpu.vector_store %arg6[%swap3A_35, %swap3A_36], %broadcast_in_dim3A_34 {strides = array<i32>} : memref<10112x2xf32, #tpu.memory_space<vmem>>, vector<112x2xf32>,
    return
  }
}

module attributes {stable_mosaic.version = 14 : i64} {
  func.func @_stage_post_body(%arg0: memref<2x10112x144xf32, #tpu.memory_space<vmem>>, %arg1: memref<10000x128xf32, #tpu.memory_space<vmem>>, %arg2: memref<1x128xf32, #tpu.memory_space<vmem>>, %arg3: memref<1x128xf32, #tpu.memory_space<vmem>>, %arg4: memref<10000x128xf32, #tpu.memory_space<vmem>>) attributes {dimension_semantics = [], scalar_prefetch = 0 : i64, scratch_operands = 0 : i64, tpu.core_type = #tpu.core_type<tc>} {
    %get3A = arith.constant 0 : index
    %get3A_0 = arith.constant 0 : index
    %get3A_1 = arith.constant 0 : index
    %get3A_2 = vector.load %arg0[%get3A, %get3A_0, %get3A_1] : memref<2x10112x144xf32, #tpu.memory_space<vmem>>, vector<1x10112x144xf32>
    %get3A_3 = vector.shape_cast %get3A_2 : vector<1x10112x144xf32> to vector<10112x144xf32>
    %get3A_4 = arith.constant 1 : index
    %get3A_5 = arith.constant 0 : index
    %get3A_6 = arith.constant 0 : index
    %get3A_7 = vector.load %arg0[%get3A_4, %get3A_5, %get3A_6] : memref<2x10112x144xf32, #tpu.memory_space<vmem>>, vector<1x10112x144xf32>
    %get3A_8 = vector.shape_cast %get3A_7 : vector<1x10112x144xf32> to vector<10112x144xf32>
    %add3A = arith.addf %get3A_3, %get3A_8 : vector<10112x144xf32>
    %iota3A = tpu.iota {dimensions = array<i32: 0>} : vector<144x1xi32>
    %eq3A = arith.constant 128 : i32
    %eq3A_9 = vector.broadcast %eq3A : i32 to vector<144x1xi32>
    %eq3A_10 = arith.cmpi eq, %iota3A, %eq3A_9 : vector<144x1xi32>
    %jit3A = arith.constant 1.000000e+00 : f32
    %jit3A_11 = arith.constant 0.000000e+00 : f32
    %broadcast_in_dim3A = vector.broadcast %jit3A : f32 to vector<144x1xf32>
    %broadcast_in_dim3A_12 = vector.broadcast %jit3A_11 : f32 to vector<144x1xf32>
    %select_n3A = arith.select %eq3A_10, %broadcast_in_dim3A, %broadcast_in_dim3A_12 : vector<144x1xi1>, vector<144x1xf32>
    %slice3A = vector.extract_strided_slice %add3A {offsets = [0, 0], sizes = [10000, 144], strides = [1, 1]} : vector<10112x144xf32> to vector<10000x144xf32>
    %dot_general3A = arith.constant dense<0.000000e+00> : vector<10000x1xf32>
    %dot_general3A_13 = tpu.matmul %slice3A, %select_n3A, %dot_general3A {dimension_numbers = #tpu.dot_dimension_numbers<[1], [0], [0], [1], [0, 0, 1, 1], [], []>, transpose_lhs_hint = false} : vector<10000x144xf32>, vector<144x1xf32>, vector<10000x1xf32> -> vector<10000x1xf32>
    %slice3A_14 = vector.extract_strided_slice %add3A {offsets = [0, 0], sizes = [10000, 128], strides = [1, 1]} : vector<10112x144xf32> to vector<10000x128xf32>
    %add3A_15 = arith.constant 1.000000e-16 : f32
    %add3A_16 = vector.broadcast %add3A_15 : f32 to vector<10000x1xf32>
    %add3A_17 = arith.addf %dot_general3A_13, %add3A_16 : vector<10000x1xf32>
    %div3A = vector.broadcast %add3A_17 : vector<10000x1xf32> to vector<10000x128xf32>
    %div3A_18 = arith.divf %slice3A_14, %div3A : vector<10000x128xf32>
    %get3A_19 = arith.constant 0 : index
    %get3A_20 = arith.constant 0 : index
    %get3A_21 = vector.load %arg2[%get3A_19, %get3A_20] : memref<1x128xf32, #tpu.memory_space<vmem>>, vector<1x128xf32>
    %add3A_22 = vector.broadcast %get3A_21 : vector<1x128xf32> to vector<10000x128xf32>
    %add3A_23 = arith.addf %div3A_18, %add3A_22 : vector<10000x128xf32>
    %get3A_24 = arith.constant 0 : index
    %get3A_25 = arith.constant 0 : index
    %get3A_26 = vector.load %arg3[%get3A_24, %get3A_25] : memref<1x128xf32, #tpu.memory_space<vmem>>, vector<1x128xf32>
    %get3A_27 = arith.constant 0 : index
    %get3A_28 = arith.constant 0 : index
    %get3A_29 = vector.load %arg1[%get3A_27, %get3A_28] : memref<10000x128xf32, #tpu.memory_space<vmem>>, vector<10000x128xf32>
    %sub3A = arith.subf %add3A_23, %get3A_29 : vector<10000x128xf32>
    %mul3A = vector.broadcast %get3A_26 : vector<1x128xf32> to vector<10000x128xf32>
    %mul3A_30 = arith.mulf %mul3A, %sub3A : vector<10000x128xf32>
    %swap3A = arith.constant 0 : index
    %swap3A_31 = arith.constant 0 : index
    %swap3A_32 = vector.load %arg4[%swap3A, %swap3A_31] : memref<10000x128xf32, #tpu.memory_space<vmem>>, vector<10000x128xf32>
    tpu.vector_store %arg4[%swap3A, %swap3A_31], %mul3A_30 {strides = array<i32>} : memref<10000x128xf32, #tpu.memory_space<vmem>>, vector<10000x128xf32>,
    return
  }
}

module attributes {stable_mosaic.version = 14 : i64} {
  func.func @_stage_pre_body(%arg0: memref<10000x128xf32, #tpu.memory_space<vmem>>, %arg1: memref<10000x128xf32, #tpu.memory_space<vmem>>, %arg2: memref<128x128xf32, #tpu.memory_space<vmem>>, %arg3: memref<128x2xf32, #tpu.memory_space<vmem>>, %arg4: memref<10000x128xf32, #tpu.memory_space<vmem>>, %arg5: memref<10112x144xf32, #tpu.memory_space<vmem>>, %arg6: memref<10112x2xf32, #tpu.memory_space<vmem>>) attributes {dimension_semantics = [], scalar_prefetch = 0 : i64, scratch_operands = 0 : i64, tpu.core_type = #tpu.core_type<tc>} {
    %get3A = arith.constant 0 : index
    %get3A_0 = arith.constant 0 : index
    %get3A_1 = vector.load %arg0[%get3A, %get3A_0] : memref<10000x128xf32, #tpu.memory_space<vmem>>, vector<10000x128xf32>
    %get3A_2 = arith.constant 0 : index
    %get3A_3 = arith.constant 0 : index
    %get3A_4 = vector.load %arg1[%get3A_2, %get3A_3] : memref<10000x128xf32, #tpu.memory_space<vmem>>, vector<10000x128xf32>
    %mul3A = arith.constant 5.000000e-02 : f32
    %mul3A_5 = vector.broadcast %mul3A : f32 to vector<10000x128xf32>
    %mul3A_6 = arith.mulf %mul3A_5, %get3A_4 : vector<10000x128xf32>
    %add3A = arith.addf %get3A_1, %mul3A_6 : vector<10000x128xf32>
    %swap3A = arith.constant 0 : index
    %swap3A_7 = arith.constant 0 : index
    %swap3A_8 = vector.load %arg4[%swap3A, %swap3A_7] : memref<10000x128xf32, #tpu.memory_space<vmem>>, vector<10000x128xf32>
    tpu.vector_store %arg4[%swap3A, %swap3A_7], %add3A {strides = array<i32>} : memref<10000x128xf32, #tpu.memory_space<vmem>>, vector<10000x128xf32>,
    %get3A_9 = arith.constant 0 : index
    %get3A_10 = arith.constant 0 : index
    %get3A_11 = vector.load %arg2[%get3A_9, %get3A_10] : memref<128x128xf32, #tpu.memory_space<vmem>>, vector<128x128xf32>
    %dot_general3A = arith.constant dense<0.000000e+00> : vector<10000x128xf32>
    %dot_general3A_12 = tpu.matmul %add3A, %get3A_11, %dot_general3A {dimension_numbers = #tpu.dot_dimension_numbers<[1], [0], [0], [1], [0, 0, 1, 1], [], []>, transpose_lhs_hint = false} : vector<10000x128xf32>, vector<128x128xf32>, vector<10000x128xf32> -> vector<10000x128xf32>
    %iota3A = tpu.iota {dimensions = array<i32: 1>} : vector<10000x16xi32>
    %eq3A = arith.constant 0 : i32
    %eq3A_13 = vector.broadcast %eq3A : i32 to vector<10000x16xi32>
    %eq3A_14 = arith.cmpi eq, %iota3A, %eq3A_13 : vector<10000x16xi32>
    %jit3A = arith.constant 1.000000e+00 : f32
    %jit3A_15 = arith.constant 0.000000e+00 : f32
    %broadcast_in_dim3A = vector.broadcast %jit3A : f32 to vector<10000x16xf32>
    %broadcast_in_dim3A_16 = vector.broadcast %jit3A_15 : f32 to vector<10000x16xf32>
    %select_n3A = arith.select %eq3A_14, %broadcast_in_dim3A, %broadcast_in_dim3A_16 : vector<10000x16xi1>, vector<10000x16xf32>
    %concatenate3A = tpu.concatenate %dot_general3A_12, %select_n3A in 1 : vector<10000x128xf32>, vector<10000x16xf32> -> vector<10000x144xf32>
    %swap3A_17 = arith.constant 0 : index
    %swap3A_18 = arith.constant 0 : index
    %swap3A_19 = vector.load %arg5[%swap3A_17, %swap3A_18] : memref<10112x144xf32, #tpu.memory_space<vmem>>, vector<10000x144xf32>
    tpu.vector_store %arg5[%swap3A_17, %swap3A_18], %concatenate3A {strides = array<i32>} : memref<10112x144xf32, #tpu.memory_space<vmem>>, vector<10000x144xf32>,
    %broadcast_in_dim3A_20 = arith.constant 0.000000e+00 : f32
    %broadcast_in_dim3A_21 = vector.broadcast %broadcast_in_dim3A_20 : f32 to vector<112x144xf32>
    %swap3A_22 = arith.constant 10000 : index
    %swap3A_23 = arith.constant 0 : index
    %swap3A_24 = vector.load %arg5[%swap3A_22, %swap3A_23] : memref<10112x144xf32, #tpu.memory_space<vmem>>, vector<112x144xf32>
    tpu.vector_store %arg5[%swap3A_22, %swap3A_23], %broadcast_in_dim3A_21 {strides = array<i32>} : memref<10112x144xf32, #tpu.memory_space<vmem>>, vector<112x144xf32>,
    %get3A_25 = arith.constant 0 : index
    %get3A_26 = arith.constant 0 : index
    %get3A_27 = vector.load %arg3[%get3A_25, %get3A_26] : memref<128x2xf32, #tpu.memory_space<vmem>>, vector<128x2xf32>
    %dot_general3A_28 = arith.constant dense<0.000000e+00> : vector<10000x2xf32>
    %dot_general3A_29 = tpu.matmul %dot_general3A_12, %get3A_27, %dot_general3A_28 {dimension_numbers = #tpu.dot_dimension_numbers<[1], [0], [0], [1], [0, 0, 1, 1], [], []>, transpose_lhs_hint = false} : vector<10000x128xf32>, vector<128x2xf32>, vector<10000x2xf32> -> vector<10000x2xf32>
    %swap3A_30 = arith.constant 0 : index
    %swap3A_31 = arith.constant 0 : index
    %swap3A_32 = vector.load %arg6[%swap3A_30, %swap3A_31] : memref<10112x2xf32, #tpu.memory_space<vmem>>, vector<10000x2xf32>
    tpu.vector_store %arg6[%swap3A_30, %swap3A_31], %dot_general3A_29 {strides = array<i32>} : memref<10112x2xf32, #tpu.memory_space<vmem>>, vector<10000x2xf32>,
    %broadcast_in_dim3A_33 = arith.constant -1.000000e+30 : f32
    %broadcast_in_dim3A_34 = vector.broadcast %broadcast_in_dim3A_33 : f32 to vector<112x2xf32>
    %swap3A_35 = arith.constant 10000 : index
    %swap3A_36 = arith.constant 0 : index
    %swap3A_37 = vector.load %arg6[%swap3A_35, %swap3A_36] : memref<10112x2xf32, #tpu.memory_space<vmem>>, vector<112x2xf32>
    tpu.vector_store %arg6[%swap3A_35, %swap3A_36], %broadcast_in_dim3A_34 {strides = array<i32>} : memref<10112x2xf32, #tpu.memory_space<vmem>>, vector<112x2xf32>,
    return
  }
}

module attributes {stable_mosaic.version = 14 : i64} {
  func.func @_stage_pre_body(%arg0: memref<10000x128xf32, #tpu.memory_space<vmem>>, %arg1: memref<10000x128xf32, #tpu.memory_space<vmem>>, %arg2: memref<128x128xf32, #tpu.memory_space<vmem>>, %arg3: memref<128x2xf32, #tpu.memory_space<vmem>>, %arg4: memref<10000x128xf32, #tpu.memory_space<vmem>>, %arg5: memref<10112x144xf32, #tpu.memory_space<vmem>>, %arg6: memref<10112x2xf32, #tpu.memory_space<vmem>>) attributes {dimension_semantics = [], scalar_prefetch = 0 : i64, scratch_operands = 0 : i64, tpu.core_type = #tpu.core_type<tc>} {
    %get3A = arith.constant 0 : index
    %get3A_0 = arith.constant 0 : index
    %get3A_1 = vector.load %arg0[%get3A, %get3A_0] : memref<10000x128xf32, #tpu.memory_space<vmem>>, vector<10000x128xf32>
    %get3A_2 = arith.constant 0 : index
    %get3A_3 = arith.constant 0 : index
    %get3A_4 = vector.load %arg1[%get3A_2, %get3A_3] : memref<10000x128xf32, #tpu.memory_space<vmem>>, vector<10000x128xf32>
    %mul3A = arith.constant 1.000000e-01 : f32
    %mul3A_5 = vector.broadcast %mul3A : f32 to vector<10000x128xf32>
    %mul3A_6 = arith.mulf %mul3A_5, %get3A_4 : vector<10000x128xf32>
    %add3A = arith.addf %get3A_1, %mul3A_6 : vector<10000x128xf32>
    %swap3A = arith.constant 0 : index
    %swap3A_7 = arith.constant 0 : index
    %swap3A_8 = vector.load %arg4[%swap3A, %swap3A_7] : memref<10000x128xf32, #tpu.memory_space<vmem>>, vector<10000x128xf32>
    tpu.vector_store %arg4[%swap3A, %swap3A_7], %add3A {strides = array<i32>} : memref<10000x128xf32, #tpu.memory_space<vmem>>, vector<10000x128xf32>,
    %get3A_9 = arith.constant 0 : index
    %get3A_10 = arith.constant 0 : index
    %get3A_11 = vector.load %arg2[%get3A_9, %get3A_10] : memref<128x128xf32, #tpu.memory_space<vmem>>, vector<128x128xf32>
    %dot_general3A = arith.constant dense<0.000000e+00> : vector<10000x128xf32>
    %dot_general3A_12 = tpu.matmul %add3A, %get3A_11, %dot_general3A {dimension_numbers = #tpu.dot_dimension_numbers<[1], [0], [0], [1], [0, 0, 1, 1], [], []>, transpose_lhs_hint = false} : vector<10000x128xf32>, vector<128x128xf32>, vector<10000x128xf32> -> vector<10000x128xf32>
    %iota3A = tpu.iota {dimensions = array<i32: 1>} : vector<10000x16xi32>
    %eq3A = arith.constant 0 : i32
    %eq3A_13 = vector.broadcast %eq3A : i32 to vector<10000x16xi32>
    %eq3A_14 = arith.cmpi eq, %iota3A, %eq3A_13 : vector<10000x16xi32>
    %jit3A = arith.constant 1.000000e+00 : f32
    %jit3A_15 = arith.constant 0.000000e+00 : f32
    %broadcast_in_dim3A = vector.broadcast %jit3A : f32 to vector<10000x16xf32>
    %broadcast_in_dim3A_16 = vector.broadcast %jit3A_15 : f32 to vector<10000x16xf32>
    %select_n3A = arith.select %eq3A_14, %broadcast_in_dim3A, %broadcast_in_dim3A_16 : vector<10000x16xi1>, vector<10000x16xf32>
    %concatenate3A = tpu.concatenate %dot_general3A_12, %select_n3A in 1 : vector<10000x128xf32>, vector<10000x16xf32> -> vector<10000x144xf32>
    %swap3A_17 = arith.constant 0 : index
    %swap3A_18 = arith.constant 0 : index
    %swap3A_19 = vector.load %arg5[%swap3A_17, %swap3A_18] : memref<10112x144xf32, #tpu.memory_space<vmem>>, vector<10000x144xf32>
    tpu.vector_store %arg5[%swap3A_17, %swap3A_18], %concatenate3A {strides = array<i32>} : memref<10112x144xf32, #tpu.memory_space<vmem>>, vector<10000x144xf32>,
    %broadcast_in_dim3A_20 = arith.constant 0.000000e+00 : f32
    %broadcast_in_dim3A_21 = vector.broadcast %broadcast_in_dim3A_20 : f32 to vector<112x144xf32>
    %swap3A_22 = arith.constant 10000 : index
    %swap3A_23 = arith.constant 0 : index
    %swap3A_24 = vector.load %arg5[%swap3A_22, %swap3A_23] : memref<10112x144xf32, #tpu.memory_space<vmem>>, vector<112x144xf32>
    tpu.vector_store %arg5[%swap3A_22, %swap3A_23], %broadcast_in_dim3A_21 {strides = array<i32>} : memref<10112x144xf32, #tpu.memory_space<vmem>>, vector<112x144xf32>,
    %get3A_25 = arith.constant 0 : index
    %get3A_26 = arith.constant 0 : index
    %get3A_27 = vector.load %arg3[%get3A_25, %get3A_26] : memref<128x2xf32, #tpu.memory_space<vmem>>, vector<128x2xf32>
    %dot_general3A_28 = arith.constant dense<0.000000e+00> : vector<10000x2xf32>
    %dot_general3A_29 = tpu.matmul %dot_general3A_12, %get3A_27, %dot_general3A_28 {dimension_numbers = #tpu.dot_dimension_numbers<[1], [0], [0], [1], [0, 0, 1, 1], [], []>, transpose_lhs_hint = false} : vector<10000x128xf32>, vector<128x2xf32>, vector<10000x2xf32> -> vector<10000x2xf32>
    %swap3A_30 = arith.constant 0 : index
    %swap3A_31 = arith.constant 0 : index
    %swap3A_32 = vector.load %arg6[%swap3A_30, %swap3A_31] : memref<10112x2xf32, #tpu.memory_space<vmem>>, vector<10000x2xf32>
    tpu.vector_store %arg6[%swap3A_30, %swap3A_31], %dot_general3A_29 {strides = array<i32>} : memref<10112x2xf32, #tpu.memory_space<vmem>>, vector<10000x2xf32>,
    %broadcast_in_dim3A_33 = arith.constant -1.000000e+30 : f32
    %broadcast_in_dim3A_34 = vector.broadcast %broadcast_in_dim3A_33 : f32 to vector<112x2xf32>
    %swap3A_35 = arith.constant 10000 : index
    %swap3A_36 = arith.constant 0 : index
    %swap3A_37 = vector.load %arg6[%swap3A_35, %swap3A_36] : memref<10112x2xf32, #tpu.memory_space<vmem>>, vector<112x2xf32>
    tpu.vector_store %arg6[%swap3A_35, %swap3A_36], %broadcast_in_dim3A_34 {strides = array<i32>} : memref<10112x2xf32, #tpu.memory_space<vmem>>, vector<112x2xf32>,
    return
  }
}

module attributes {stable_mosaic.version = 14 : i64} {
  func.func @_combine_body(%arg0: memref<10000x128xf32, #tpu.memory_space<vmem>>, %arg1: memref<10000x128xf32, #tpu.memory_space<vmem>>, %arg2: memref<10000x128xf32, #tpu.memory_space<vmem>>, %arg3: memref<10000x128xf32, #tpu.memory_space<vmem>>, %arg4: memref<10000x128xf32, #tpu.memory_space<vmem>>, %arg5: memref<10000x128xf32, #tpu.memory_space<vmem>>) attributes {dimension_semantics = [], scalar_prefetch = 0 : i64, scratch_operands = 0 : i64, tpu.core_type = #tpu.core_type<tc>} {
    %get3A = arith.constant 0 : index
    %get3A_0 = arith.constant 0 : index
    %get3A_1 = vector.load %arg0[%get3A, %get3A_0] : memref<10000x128xf32, #tpu.memory_space<vmem>>, vector<10000x128xf32>
    %get3A_2 = arith.constant 0 : index
    %get3A_3 = arith.constant 0 : index
    %get3A_4 = vector.load %arg1[%get3A_2, %get3A_3] : memref<10000x128xf32, #tpu.memory_space<vmem>>, vector<10000x128xf32>
    %get3A_5 = arith.constant 0 : index
    %get3A_6 = arith.constant 0 : index
    %get3A_7 = vector.load %arg2[%get3A_5, %get3A_6] : memref<10000x128xf32, #tpu.memory_space<vmem>>, vector<10000x128xf32>
    %mul3A = arith.constant 2.000000e+00 : f32
    %mul3A_8 = vector.broadcast %mul3A : f32 to vector<10000x128xf32>
    %mul3A_9 = arith.mulf %mul3A_8, %get3A_7 : vector<10000x128xf32>
    %add3A = arith.addf %get3A_4, %mul3A_9 : vector<10000x128xf32>
    %get3A_10 = arith.constant 0 : index
    %get3A_11 = arith.constant 0 : index
    %get3A_12 = vector.load %arg3[%get3A_10, %get3A_11] : memref<10000x128xf32, #tpu.memory_space<vmem>>, vector<10000x128xf32>
    %mul3A_13 = arith.constant 2.000000e+00 : f32
    %mul3A_14 = vector.broadcast %mul3A_13 : f32 to vector<10000x128xf32>
    %mul3A_15 = arith.mulf %mul3A_14, %get3A_12 : vector<10000x128xf32>
    %add3A_16 = arith.addf %add3A, %mul3A_15 : vector<10000x128xf32>
    %get3A_17 = arith.constant 0 : index
    %get3A_18 = arith.constant 0 : index
    %get3A_19 = vector.load %arg4[%get3A_17, %get3A_18] : memref<10000x128xf32, #tpu.memory_space<vmem>>, vector<10000x128xf32>
    %add3A_20 = arith.addf %add3A_16, %get3A_19 : vector<10000x128xf32>
    %mul3A_21 = arith.constant 0.0166666675 : f32
    %mul3A_22 = vector.broadcast %mul3A_21 : f32 to vector<10000x128xf32>
    %mul3A_23 = arith.mulf %mul3A_22, %add3A_20 : vector<10000x128xf32>
    %add3A_24 = arith.addf %get3A_1, %mul3A_23 : vector<10000x128xf32>
    %swap3A = arith.constant 0 : index
    %swap3A_25 = arith.constant 0 : index
    %swap3A_26 = vector.load %arg5[%swap3A, %swap3A_25] : memref<10000x128xf32, #tpu.memory_space<vmem>>, vector<10000x128xf32>
    tpu.vector_store %arg5[%swap3A, %swap3A_25], %add3A_24 {strides = array<i32>} : memref<10000x128xf32, #tpu.memory_space<vmem>>, vector<10000x128xf32>,
    return
  }
}

module attributes {stable_mosaic.version = 14 : i64} {
  func.func @_readout_body(%arg0: memref<10000x128xf32, #tpu.memory_space<vmem>>, %arg1: memref<128x64xf32, #tpu.memory_space<vmem>>, %arg2: memref<1x64xf32, #tpu.memory_space<vmem>>, %arg3: memref<64x128xf32, #tpu.memory_space<vmem>>, %arg4: memref<1x128xf32, #tpu.memory_space<vmem>>, %arg5: memref<10000x128xf32, #tpu.memory_space<vmem>>) attributes {dimension_semantics = [], scalar_prefetch = 0 : i64, scratch_operands = 0 : i64, tpu.core_type = #tpu.core_type<tc>} {
    %get3A = arith.constant 0 : index
    %get3A_0 = arith.constant 0 : index
    %get3A_1 = vector.load %arg0[%get3A, %get3A_0] : memref<10000x128xf32, #tpu.memory_space<vmem>>, vector<10000x128xf32>
    %tanh3A = math.tanh %get3A_1 : vector<10000x128xf32>
    %get3A_2 = arith.constant 0 : index
    %get3A_3 = arith.constant 0 : index
    %get3A_4 = vector.load %arg1[%get3A_2, %get3A_3] : memref<128x64xf32, #tpu.memory_space<vmem>>, vector<128x64xf32>
    %dot_general3A = arith.constant dense<0.000000e+00> : vector<10000x64xf32>
    %dot_general3A_5 = tpu.matmul %tanh3A, %get3A_4, %dot_general3A {dimension_numbers = #tpu.dot_dimension_numbers<[1], [0], [0], [1], [0, 0, 1, 1], [], []>, transpose_lhs_hint = false} : vector<10000x128xf32>, vector<128x64xf32>, vector<10000x64xf32> -> vector<10000x64xf32>
    %get3A_6 = arith.constant 0 : index
    %get3A_7 = arith.constant 0 : index
    %get3A_8 = vector.load %arg2[%get3A_6, %get3A_7] : memref<1x64xf32, #tpu.memory_space<vmem>>, vector<1x64xf32>
    %add3A = vector.broadcast %get3A_8 : vector<1x64xf32> to vector<10000x64xf32>
    %add3A_9 = arith.addf %dot_general3A_5, %add3A : vector<10000x64xf32>
    %ge3A = arith.constant 0.000000e+00 : f32
    %ge3A_10 = vector.broadcast %ge3A : f32 to vector<10000x64xf32>
    %ge3A_11 = arith.cmpf oge, %add3A_9, %ge3A_10 : vector<10000x64xf32>
    %mul3A = arith.constant 0.00999999977 : f32
    %mul3A_12 = vector.broadcast %mul3A : f32 to vector<10000x64xf32>
    %mul3A_13 = arith.mulf %mul3A_12, %add3A_9 : vector<10000x64xf32>
    %select_n3A = arith.select %ge3A_11, %add3A_9, %mul3A_13 : vector<10000x64xi1>, vector<10000x64xf32>
    %get3A_14 = arith.constant 0 : index
    %get3A_15 = arith.constant 0 : index
    %get3A_16 = vector.load %arg3[%get3A_14, %get3A_15] : memref<64x128xf32, #tpu.memory_space<vmem>>, vector<64x128xf32>
    %dot_general3A_17 = arith.constant dense<0.000000e+00> : vector<10000x128xf32>
    %dot_general3A_18 = tpu.matmul %select_n3A, %get3A_16, %dot_general3A_17 {dimension_numbers = #tpu.dot_dimension_numbers<[1], [0], [0], [1], [0, 0, 1, 1], [], []>, transpose_lhs_hint = false} : vector<10000x64xf32>, vector<64x128xf32>, vector<10000x128xf32> -> vector<10000x128xf32>
    %get3A_19 = arith.constant 0 : index
    %get3A_20 = arith.constant 0 : index
    %get3A_21 = vector.load %arg4[%get3A_19, %get3A_20] : memref<1x128xf32, #tpu.memory_space<vmem>>, vector<1x128xf32>
    %add3A_22 = vector.broadcast %get3A_21 : vector<1x128xf32> to vector<10000x128xf32>
    %add3A_23 = arith.addf %dot_general3A_18, %add3A_22 : vector<10000x128xf32>
    %ge3A_24 = arith.constant 0.000000e+00 : f32
    %ge3A_25 = vector.broadcast %ge3A_24 : f32 to vector<10000x128xf32>
    %ge3A_26 = arith.cmpf oge, %add3A_23, %ge3A_25 : vector<10000x128xf32>
    %mul3A_27 = arith.constant 0.00999999977 : f32
    %mul3A_28 = vector.broadcast %mul3A_27 : f32 to vector<10000x128xf32>
    %mul3A_29 = arith.mulf %mul3A_28, %add3A_23 : vector<10000x128xf32>
    %select_n3A_30 = arith.select %ge3A_26, %add3A_23, %mul3A_29 : vector<10000x128xi1>, vector<10000x128xf32>
    %swap3A = arith.constant 0 : index
    %swap3A_31 = arith.constant 0 : index
    %swap3A_32 = vector.load %arg5[%swap3A, %swap3A_31] : memref<10000x128xf32, #tpu.memory_space<vmem>>, vector<10000x128xf32>
    tpu.vector_store %arg5[%swap3A, %swap3A_31], %select_n3A_30 {strides = array<i32>} : memref<10000x128xf32, #tpu.memory_space<vmem>>, vector<10000x128xf32>,
    return
  }
}

</mosaic_0001>

<sc_bundles>
// kernel: kernel.29.cloned.1.call-start
scs
__scs_entry_jumppad:
0x0: {  	(pc) =	sbr.rel $0x88, $3  }
0x1: {  	(tag) =	ssettag $0x0;
	lr =	simm.s32 $0x1  }
0x2: {  	[smem:$0x3F96] =	sst lr;
	_ =	strace $0xD0000000  }
0x3: {  	_ = 	snop  }
0x4: {  	_ = 	snop  }
0x5: {  	_ = 	snop  }
0x6: {  	_ = 	snop  }
0x7: {  	_ = 	snop  }
__scs_overlays_trampoline_lowered:
0x8: {  	[smem:$0x3FA5] =	sst s0  }
0x9: {  	[smem:$0x3FA6] =	sst s1  }
0xa: {  	[smem:$0x3FA7] =	sst s2  }
0xb: {  	[smem:$0x3FA8] =	sst s3  }
0xc: {  	[smem:$0x3FA9] =	sst s4  }
0xd: {  	[smem:$0x3FAA] =	sst s5  }
0xe: {  	[smem:$0x3FAB] =	sst s6  }
0xf: {  	[smem:$0x3FAC] =	sst s7  }
0x10: {  	[smem:$0x3FAD] =	sst s8  }
0x11: {  	[smem:$0x3FAE] =	sst s9;
	s0 =	simm.s32 @!p0 $0x0  }
0x12: {  	s1 =	sld [smem:$0x3F94];
	s0 =	simm.s32 @p0 $0x1  }
0x13: {  	[smem:$0x3FAF] =	sst s0;
	s0 =	simm.s32 @!p1 $0x0  }
0x14: {  	s2 =	sld [smem:$0x3F93];
	s0 =	simm.s32 @p1 $0x1  }
0x15: {  	[smem:$0x3FB0] =	sst s0;
	s0 =	simm.s32 @!p2 $0x0  }
0x16: {  	s3 =	sld [smem:$0x3FDB];
	s0 =	simm.s32 @p2 $0x1  }
0x17: {  	s4 =	simm.s32 $0x1BF5;
	[smem:$0x3FB2] =	sst s0  }
0x18: {  	s0 =	sld [smem:$0x3F95];
	_ =	swait.ge [sflag:s4], $0x0  }
0x19: {  	s7 =	sld [smem:$0x3F96]  }
0x1a: {  	s8 =	sadd.s32 $0xFFFFE003, lr  }
0x1b: {  	s9 =	sadd.s32 $0xFFFFFEF7, lr;
	s5 =	simm.s32 $0xFFFFFFFF;
	p2 =	slt.u32 s8, $0xFFFFF086  }
0x1c: {  	p1 =	slt.u32 s9, $0xF7A;
	s5 =	simm.s32 @!p2 $0x0  }
0x1d: {  	s5 =	simm.s32 @p1 $0x1;
	p0 =	seq.s32 s7, s2  }
0x1e: {  	s7 =	smul.u32 @!p0 $0xF7A, s2;
	p2 =	seq.s32 @!p0 s5, $0x0  }
0x1f: {  	s9 =	smul.u32 $0xF7A, s1;
	s8 =	simm.s32 @!p0 $0x1BF5;
	p2 =	por !p2, p0  }
0x20: {  	[sflag:s8] =	ssyncset.s32 @!p0 $0xFFFFF086;
	s6 =	sadd.s32 @!p0 s3, s7;
	s7 =	simm.s32 @!p0 $0x108  }
0x21: {  	s3 =	sadd.s32 s3, s9;
	s6 =	sadd.s32 @!p0 $0x88, s6;
	s7 =	simm.s32 @p2 $0x1082  }
0x22: {  	[simem:s7], [sflag:s8] =	dma.local @!p0 [hbm:s6], $0xF7A  }
0x23: {  	s9 =	sor.u32 $0xD0000000, s2;
	s6 =	simm.s32 $0x108;
	_ =	swait.ge @!p0 [sflag:s8], $0x0  }
0x24: {  	s3 =	sadd.s32 $0x88, s3;
	s6 =	simm.s32 @!p1 $0x1082;
	[sflag:s4] =	ssyncset.s32 $0xFFFFF086  }
0x25: {  	[simem:s6], [sflag:s4] =	dma.local [hbm:s3], $0xF7A  }
0x26: {  	[smem:$0x3F96] =	sst s1;
	(tag) =	ssettag s2;
	_ =	strace s9  }
0x27: {  	s1 =	sld [smem:$0x3FA6]  }
0x28: {  	s2 =	sld [smem:$0x3FA7]  }
0x29: {  	s4 =	sld [smem:$0x3FA9]  }
0x2a: {  	p0 =	seq.s32 s5, $0x0;
	s5 =	sld [smem:$0x3FAA]  }
0x2b: {  	s6 =	sld [smem:$0x3FAB]  }
0x2c: {  	s7 =	sld [smem:$0x3FAC]  }
0x2d: {  	s3 =	simm.s32 $0x108;
	s8 =	sld [smem:$0x3FAD]  }
0x2e: {  	s3 =	simm.s32 @!p0 $0x1082;
	s9 =	sld [smem:$0x3FAE]  }
0x2f: {  	lr =	sadd.s32 s0, s3;
	s0 =	sld [smem:$0x3FA5]  }
0x30: {  	s3 =	sld [smem:$0x3FA8]  }
0x31: {  	[smem:$0x3FB1] =	sst s10  }
0x32: {  	s10 =	sld [smem:$0x3FAF];
	_ =	sdelay $0x3  }
0x33: {  	p0 =	seq.s32 s10, $0x1;
	s10 =	sld [smem:$0x3FB1];
	_ =	sdelay $0x3  }
0x34: {  	[smem:$0x3FB1] =	sst s10  }
0x35: {  	s10 =	sld [smem:$0x3FB0];
	_ =	sdelay $0x3  }
0x36: {  	p1 =	seq.s32 s10, $0x1;
	s10 =	sld [smem:$0x3FB1];
	_ =	sdelay $0x3  }
0x37: {  	[smem:$0x3FB1] =	sst s10  }
0x38: {  	s10 =	sld [smem:$0x3FB2]  }
0x39: {  	_ = 	snop;
	(pc) =	sbr.ind lr, $3  }
0x3a: {  	_ = 	snop  }
0x3b: {  	_ = 	snop  }
0x3c: {  	p2 =	seq.s32 s10, $0x1;
	s10 =	sld [smem:$0x3FB1]  }
0x3d: {  	_ =	shalt  }
0x3e: {  	_ =	shalt  }
0x3f: {  	_ =	shalt  }
0x40: {  	_ =	shalt  }
0x41: {  	_ =	shalt  }
0x42: {  	_ =	shalt  }
0x43: {  	_ =	shalt  }
0x44: {  	_ =	shalt  }
0x45: {  	_ =	shalt  }
0x46: {  	_ =	shalt  }
0x47: {  	_ =	shalt  }
0x48: {  	_ =	shalt  }
0x49: {  	_ =	shalt  }
0x4a: {  	_ =	shalt  }
0x4b: {  	_ =	shalt  }
0x4c: {  	_ =	shalt  }
0x4d: {  	_ =	shalt  }
0x4e: {  	_ =	shalt  }
0x4f: {  	_ =	shalt  }
0x50: {  	_ =	shalt  }
0x51: {  	_ =	shalt  }
0x52: {  	_ =	shalt  }
0x53: {  	_ =	shalt  }
0x54: {  	_ =	shalt  }
0x55: {  	_ =	shalt  }
0x56: {  	_ =	shalt  }
0x57: {  	_ =	shalt  }
0x58: {  	_ =	shalt  }
0x59: {  	_ =	shalt  }
0x5a: {  	_ =	shalt  }
0x5b: {  	_ =	shalt  }
0x5c: {  	_ =	shalt  }
0x5d: {  	_ =	shalt  }
0x5e: {  	_ =	shalt  }
0x5f: {  	_ =	shalt  }
0x60: {  	_ =	shalt  }
0x61: {  	_ =	shalt  }
0x62: {  	_ =	shalt  }
0x63: {  	_ =	shalt  }
0x64: {  	_ =	shalt  }
0x65: {  	_ =	shalt  }
0x66: {  	_ =	shalt  }
0x67: {  	_ =	shalt  }
0x68: {  	_ =	shalt  }
0x69: {  	_ =	shalt  }
0x6a: {  	_ =	shalt  }
0x6b: {  	_ =	shalt  }
0x6c: {  	_ =	shalt  }
0x6d: {  	_ =	shalt  }
0x6e: {  	_ =	shalt  }
0x6f: {  	_ =	shalt  }
0x70: {  	_ =	shalt  }
0x71: {  	_ =	shalt  }
0x72: {  	_ =	shalt  }
0x73: {  	_ =	shalt  }
0x74: {  	_ =	shalt  }
0x75: {  	_ =	shalt  }
0x76: {  	_ =	shalt  }
0x77: {  	_ =	shalt  }
0x78: {  	_ =	shalt  }
0x79: {  	_ =	shalt  }
0x7a: {  	_ =	shalt  }
0x7b: {  	_ =	shalt  }
0x7c: {  	_ =	shalt  }
0x7d: {  	_ =	shalt  }
0x7e: {  	_ =	shalt  }
0x7f: {  	_ =	shalt  }
0x80: {  	_ =	shalt  }
0x81: {  	_ =	shalt  }
0x82: {  	_ =	shalt  }
0x83: {  	_ =	shalt  }
0x84: {  	_ =	shalt  }
0x85: {  	_ =	shalt  }
0x86: {  	_ =	shalt  }
0x87: {  	_ =	shalt  }
.Lfunc_end0:
.L_simem_size_0:
called_computation_lowered:
.L_overlay_start_0:
0x88: {  	s2 =	sld [smem:$0x3FD9]  }
0x89: {  	s3 =	sld [smem:$0x3FFE];
	_ =	sdelay $0x1  }
0x8a: {  	s1 =	srdreg.scid  }
0x8b: {  	s0 =	sand.u32 $0x1, s1  }
0x8c: {  	s17 =	sshll.u32 s0, $0xA;
	s2 =	sadd.s32 s3, s2  }
0x8d: {  	s2 =	sadd.s32 s2, s17  }
0x8e: {  	[smem:$0x3FBD] =	sst s2  }
0x8f: {  	_ = 	snop  }
0x90: {  	s2 =	sld [smem:$0x3FD0];
	(tm) =	ssettm $0x1  }
0x91: {  	s18 =	sld [smem:$0x3FFB];
	_ =	sdelay $0x3  }
0x92: {  	_ =	strace s18  }
0x93: {  	s3 =	sld [smem:$0x3FFC];
	_ =	sdelay $0x3  }
0x94: {  	_ =	strace s3  }
0x95: {  	s3 =	sld [smem:$0x3FFD];
	_ =	sdelay $0x3  }
0x96: {  	_ =	strace s3  }
0x97: {  	_ =	strace $0x8FFFFFFF  }
0x98: {  	s19 =	sld [smem:$0x3FDB];
	_ =	sdelay $0x1  }
0x99: {  	s4 =	simm.s32 $_scs_section_size  }
0x9a: {  	s5 =	simm.s32 $_size__tile_overlayer_lowered;
	s6 =	simm.s32 $_tile_overlayer_lowered  }
0x9b: {  	s22 =	simm.s32 $0x1BFF;
	s21 =	sshll.u32 s6, $0x1;
	s3 =	sadd.s32 s4, s19  }
0x9c: {  	s7 =	simm.s32 $0x0;
	s20 =	sshll.u32 s5, $0x1;
	s5 =	sadd.s32 s21, s3  }
0x9d: {  	[timem:s7], [sflag:s22] =	dma.local [hbm:s5], s20  }
0x9e: {  	_ =	swait.ge [sflag:s22], s20  }
0x9f: {  	s4 =	ssub.s32 $0x0, s20;
	[sflag:s22] =	ssyncset.done $0x0  }
0xa0: {  	[sflag:s22] =	ssyncadd.s32 s4;
	_ =	sdelay $0x1  }
0xa1: {  	s23 =	simm.s32 $0x1B8B  }
0xa2: {  	_ =	swait.ge [sflag:s23], $0x1  }
0xa3: {  	[sflag:s23] =	ssyncset.done $0x0  }
0xa4: {  	s25 =	simm.s32 $0x1B8E;
	s24 =	sld [smem:$0x3FFE];
	[sflag:s23] =	ssyncadd.s32 $0xFFFFFFFF  }
0xa5: {  	s26 =	simm.s32 $execute0_lowered;
	[smem:$0x3FD2] =	sst s25  }
0xa6: {  	s5 =	sshll.u32 s26, $0x1;
	_ =	strace $0x80000046;
	[dreg:$0x1] =	wrdreg $0xFFFFFFFF  }
0xa7: {  	s28 =	simm.s32 $_size_execute0_lowered;
	s3 =	sadd.s32 s3, s5;
	[dreg:$0x0] =	wrdreg $0x0  }
0xa8: {  	s5 =	sshll.u32 s28, $0x1;
	[dreg:$0x2] =	wrdreg s3  }
0xa9: {  	[dreg:$0x3] =	wrdreg s5  }
0xaa: {  	[dreg:$0x4] =	wrdreg $0xC0  }
0xab: {  	_ =	task [dreg:s7], $0x5FFFF  }
0xac: {  	[dreg:$0x1] =	wrdreg $0xFFFFFFFF  }
0xad: {  	[dreg:$0x0] =	wrdreg $0x60  }
0xae: {  	[dreg:$0x2] =	wrdreg s24  }
0xaf: {  	[dreg:$0x3] =	wrdreg s2  }
0xb0: {  	[dreg:$0x4] =	wrdreg $0x98800  }
0xb1: {  	[dreg:$0x5] =	wrdreg $0x9  }
0xb2: {  	_ =	task.clear_ibuf [dreg:s7], $0x6FFFF;
	_ =	strace $0x90000046  }
0xb3: {  	s29 =	simm.s32 $0x9;
	_ =	strace $0x80000048  }
0xb4: {  	_ =	swait.ge [sflag:s29], $0x1  }
0xb5: {  	[sflag:s29] =	ssyncadd.s32 $0xFFFFFFFF  }
0xb6: {  	_ =	strace $0x90000048  }
0xb7: {  	_ =	sfence  }
0xb8: {  	s30 =	sld [smem:$0x0];
	_ =	sdelay $0x2  }
0xb9: {  	s31 =	sshll.u32 s1, $0xD;
	s1 =	sshrl.u32 s1, $0x2  }
0xba: {  	s3 =	sand.u32 $0x4000, s31;
	s1 =	sadd.s32 s1, s30  }
0xbb: {  	s0 =	sor.u32 s3, s0;
	s1 =	sshll.u32 s1, $0x11  }
0xbc: {  	s0 =	sor.u32 s1, s0  }
0xbd: {  	s0 =	sadd.s32 $0x8F2B, s0  }
0xbe: {  	[sflag:s0] =	ssyncadd.remote.s32 $0x1  }
0xbf: {  	_ =	sfence.sel $0xFFFF  }
0xc0: {  	[dreg:$0x0] =	wrdreg $0xFFFFFFFF;
	(pc) =	sbr.abs _section_cstart, $3  }
0xc1: {  	[dreg:$0x1] =	wrdreg $0xFFFFFFFF  }
0xc2: {  	_ =	task.clear_ibuf [dreg:s7], $0x2FFFF;
	_ =	strace $0x9FFFFFFF  }
0xc3: {  	(tm) =	ssettm $0x7FFFFFFF  }
tec
execute0_lowered:
.L_overlay_start_1:
0x0: {  	(tag) =	ssettag $0x1  }
0x1: {  	s10 =	rddreg [dreg:$0x0]  }
0x2: {  	s2 =	rddreg [dreg:$0x1]  }
0x3: {  	s3 =	rddreg [dreg:$0x2]  }
0x4: {  	s0 =	rddreg [dreg:$0x3];
	s5 =	srdreg.scid  }
0x5: {  	s1 =	stileid.u32;
	s4 =	simm.s32 $0x0;
	s16 =	simm.s32 $0x2780  }
0x6: {  	s17 =	simm.s32 $0x4F00;
	s18 =	simm.s32 $0x4F80;
	s19 =	simm.s32 $0x80  }
0x7: {  	s20 =	simm.s32 $0x5080;
	s21 =	simm.s32 $0x1;
	s22 =	simm.s32 $0x5000  }
0x8: {  	s23 =	simm.s32 $0x0;
	s11 =	sand.u32 $0x1, s5;
	s12 =	smul.u32 $0x16380, s1  }
0x9: {  	[smem:$0x7FF] =	sst s4;
	s5 =	sadd.s32 $0x2400, s10;
	s6 =	sadd.s32 $0x51400, s10  }
0xa: {  	s7 =	sadd.s32 $0x5BC00, s10;
	s8 =	sadd.s32 $0x51A00, s10;
	s9 =	smul.u32 $0x163800, s11  }
0xb: {  	s31 =	sshll.u32 s1, $0x6;
	_ =	strace $0x80000047;
	s14 =	ssub.s32 $0x2, s11  }
0xc: {  	s11 =	sshll.u32 s11, $0x4;
	s30 =	sshrl.u32 s14, $0x1;
	s13 =	sadd.s32 s12, s9  }
0xd: {  	s11 =	sor.u32 s1, s11;
	s15 =	sadd.s32 s12, s3;
	s13 =	sshrl.u32 s13, $0x3  }
0xe: {  	s9 =	sadd.s32 $0x2EC00, s10;
	s14 =	ssub.s32 s14, s30;
	s13 =	sadd.s32 s13, s10  }
0xf: {  	s11 =	smul.u32 $0x2880, s11;
	s10 =	sor.u32 $0x1C02, s31;
	s12 =	sadd.s32 $0x65E00, s13  }
0x10: {  	s13 =	smax.u32 s14, $0x1;
	s14 =	sshrl.u32 s15, $0x3;
	s15 =	simm.s32 $0x2  }
.LBB2_1:
0x11: {  	[spmem:s14], [sflag:s10] =	dma.local [hbm:s9], $0x2C70  }
0x12: {  	_ =	swait.ge [sflag:s15], $0x2C70  }
0x13: {  	[sflag:s15] =	ssyncset.done $0x0  }
0x14: {  	[sflag:s15] =	ssyncadd.s32 $0xFFFFD390  }
0x15: {  	[tilespmem:s4], [sflag:$0x2] =	stream.linear.gather [hbm4b:s6+s4], $0x2780, $0x38;
	[tilespmem:$0x1FC00] =	vst v63  }
0x16: {  	_ =	swait.ge [sflag:s15], $0x2780  }
0x17: {  	[sflag:s15] =	ssyncset.done $0x0  }
0x18: {  	[sflag:s15] =	ssyncadd.s32 $0xFFFFD880  }
0x19: {  	[tilespmem:s16], [sflag:$0x2] =	stream.linear.gather [hbm4b:s2+s4], $0x2780, $0x38;
	[tilespmem:$0x1FC00] =	vst v63  }
0x1a: {  	_ =	swait.ge [sflag:s15], $0x2780  }
0x1b: {  	[sflag:s15] =	ssyncset.done $0x0  }
0x1c: {  	[sflag:s15] =	ssyncadd.s32 $0xFFFFD880  }
0x1d: {  	s24 =	simm.s32 $0x0;
	[bflag:$0x0] =	sbarrier.arrive $0xFFFF  }
.LBB2_2:
0x1e: {  	s25 =	sshll.u32 s24, $0x7  }
0x1f: {  	s25 =	sadd.s32 s11, s25  }
0x20: {  	s26 =	sshrl.u32 s25, $0x3  }
0x21: {  	s31 =	simm.s32 $0x0;
	s28 =	sadd.s32 s7, s26  }
0x22: {  	[tilespmem:s17], [sflag:$0x2] =	stream.linear.gather [hbm4b:s28+s31], $0x80, $0x38;
	[tilespmem:$0x1FC00] =	vst v63  }
0x23: {  	_ =	swait.ge [sflag:s15], $0x80  }
0x24: {  	[sflag:s15] =	ssyncset.done $0x0  }
0x25: {  	s26 =	sadd.s32 s8, s26;
	[sflag:s15] =	ssyncadd.s32 $0xFFFFFF80  }
0x26: {  	[tilespmem:s18], [sflag:$0x2] =	stream.linear.gather [hbm4b:s26+s31], $0x80, $0x38;
	[tilespmem:$0x1FC00] =	vst v63  }
0x27: {  	_ =	swait.ge [sflag:s15], $0x80  }
0x28: {  	[sflag:s15] =	ssyncset.done $0x0  }
0x29: {  	[sflag:s15] =	ssyncadd.s32 $0xFFFFFF80  }
0x2a: {  	[tilespmem:s20], [sflag:$0x1] =	stream.indirect.gather [hbm4b:s5+s19], $0x90, s17, s19, $0xb8;
	[tilespmem:$0x1FC00] =	vst v63  }
0x2b: {  	v0 =	vld [tilespmem:$0x4F00]  }
0x2c: {  	v1 =	vld [tilespmem:$0x4F80];
	_ =	sdelay $0x6  }
0x2d: {  	v0 =	vld.idx.msk [tilespmem:v0+s31+$0x0], $0xffff  }
0x2e: {  	v1 =	vld.idx.msk [tilespmem:v1+s16+$0x0], $0xffff;
	_ =	sdelay $0x4  }
0x2f: {  	v0 =	vadd.f32 v1, v0;
	_ =	sdelay $0x1  }
0x30: {  	v1 =	vmul.f32 $2.000000030e-01, v0  }
0x31: {  	vm0 =	vge.f32 v0, $0.0e+00  }
0x32: {  	v0 =	vsel vm0, v0, v1  }
0x33: {  	v0 =	vmul.f32 $1.442695020e+00, v0;
	_ =	sdelay $0x1  }
0x34: {  	(erf) = vpow2.f32 v0;
	_ =	sdelay $0x2  }
0x35: {  	v0 =	vld [tilespmem:$0x4F10]  }
0x36: {  	v1 =	vld [tilespmem:$0x4F90];
	_ =	sdelay $0x4  }
0x37: {  	v2 =	vpop (erf)  }
0x38: {  	[tilespmem:$0x5000] =	vst v2  }
0x39: {  	v0 =	vld.idx.msk [tilespmem:v0+s31+$0x0], $0xffff  }
0x3a: {  	v1 =	vld.idx.msk [tilespmem:v1+s16+$0x0], $0xffff;
	_ =	sdelay $0x4  }
0x3b: {  	v0 =	vadd.f32 v1, v0;
	_ =	sdelay $0x1  }
0x3c: {  	v1 =	vmul.f32 $2.000000030e-01, v0  }
0x3d: {  	vm9 =	vge.f32 v0, $0.0e+00  }
0x3e: {  	v0 =	vsel vm9, v0, v1  }
0x3f: {  	v0 =	vmul.f32 $1.442695020e+00, v0;
	_ =	sdelay $0x1  }
0x40: {  	(erf) = vpow2.f32 v0;
	_ =	sdelay $0x2  }
0x41: {  	v0 =	vld [tilespmem:$0x4F20]  }
0x42: {  	v1 =	vld [tilespmem:$0x4FA0];
	_ =	sdelay $0x4  }
0x43: {  	v2 =	vpop (erf)  }
0x44: {  	[tilespmem:$0x5010] =	vst v2  }
0x45: {  	v0 =	vld.idx.msk [tilespmem:v0+s31+$0x0], $0xffff  }
0x46: {  	v1 =	vld.idx.msk [tilespmem:v1+s16+$0x0], $0xffff;
	_ =	sdelay $0x4  }
0x47: {  	v0 =	vadd.f32 v1, v0;
	_ =	sdelay $0x1  }
0x48: {  	v1 =	vmul.f32 $2.000000030e-01, v0  }
0x49: {  	vm10 =	vge.f32 v0, $0.0e+00  }
0x4a: {  	v0 =	vsel vm10, v0, v1  }
0x4b: {  	v0 =	vmul.f32 $1.442695020e+00, v0;
	_ =	sdelay $0x1  }
0x4c: {  	(erf) = vpow2.f32 v0;
	_ =	sdelay $0x2  }
0x4d: {  	v0 =	vld [tilespmem:$0x4F30]  }
0x4e: {  	v1 =	vld [tilespmem:$0x4FB0];
	_ =	sdelay $0x4  }
0x4f: {  	v2 =	vpop (erf)  }
0x50: {  	[tilespmem:$0x5020] =	vst v2  }
0x51: {  	v0 =	vld.idx.msk [tilespmem:v0+s31+$0x0], $0xffff  }
0x52: {  	v1 =	vld.idx.msk [tilespmem:v1+s16+$0x0], $0xffff;
	_ =	sdelay $0x4  }
0x53: {  	v0 =	vadd.f32 v1, v0;
	_ =	sdelay $0x1  }
0x54: {  	v1 =	vmul.f32 $2.000000030e-01, v0  }
0x55: {  	vm11 =	vge.f32 v0, $0.0e+00  }
0x56: {  	v0 =	vsel vm11, v0, v1  }
0x57: {  	v0 =	vmul.f32 $1.442695020e+00, v0;
	_ =	sdelay $0x1  }
0x58: {  	(erf) = vpow2.f32 v0;
	_ =	sdelay $0x2  }
0x59: {  	v0 =	vld [tilespmem:$0x4F40]  }
0x5a: {  	v1 =	vld [tilespmem:$0x4FC0];
	_ =	sdelay $0x4  }
0x5b: {  	v2 =	vpop (erf)  }
0x5c: {  	[tilespmem:$0x5030] =	vst v2  }
0x5d: {  	v0 =	vld.idx.msk [tilespmem:v0+s31+$0x0], $0xffff  }
0x5e: {  	v1 =	vld.idx.msk [tilespmem:v1+s16+$0x0], $0xffff;
	_ =	sdelay $0x4  }
0x5f: {  	v0 =	vadd.f32 v1, v0;
	_ =	sdelay $0x1  }
0x60: {  	v1 =	vmul.f32 $2.000000030e-01, v0  }
0x61: {  	vm12 =	vge.f32 v0, $0.0e+00  }
0x62: {  	v0 =	vsel vm12, v0, v1  }
0x63: {  	v0 =	vmul.f32 $1.442695020e+00, v0;
	_ =	sdelay $0x1  }
0x64: {  	(erf) = vpow2.f32 v0;
	_ =	sdelay $0x2  }
0x65: {  	v0 =	vld [tilespmem:$0x4F50]  }
0x66: {  	v1 =	vld [tilespmem:$0x4FD0];
	_ =	sdelay $0x4  }
0x67: {  	v2 =	vpop (erf)  }
0x68: {  	[tilespmem:$0x5040] =	vst v2  }
0x69: {  	v0 =	vld.idx.msk [tilespmem:v0+s31+$0x0], $0xffff  }
0x6a: {  	v1 =	vld.idx.msk [tilespmem:v1+s16+$0x0], $0xffff;
	_ =	sdelay $0x4  }
0x6b: {  	v0 =	vadd.f32 v1, v0;
	_ =	sdelay $0x1  }
0x6c: {  	v1 =	vmul.f32 $2.000000030e-01, v0  }
0x6d: {  	vm13 =	vge.f32 v0, $0.0e+00  }
0x6e: {  	v0 =	vsel vm13, v0, v1  }
0x6f: {  	v0 =	vmul.f32 $1.442695020e+00, v0;
	_ =	sdelay $0x1  }
0x70: {  	(erf) = vpow2.f32 v0;
	_ =	sdelay $0x2  }
0x71: {  	v0 =	vld [tilespmem:$0x4F60]  }
0x72: {  	v1 =	vld [tilespmem:$0x4FE0];
	_ =	sdelay $0x4  }
0x73: {  	v2 =	vpop (erf)  }
0x74: {  	[tilespmem:$0x5050] =	vst v2  }
0x75: {  	v0 =	vld.idx.msk [tilespmem:v0+s31+$0x0], $0xffff  }
0x76: {  	v1 =	vld.idx.msk [tilespmem:v1+s16+$0x0], $0xffff;
	_ =	sdelay $0x4  }
0x77: {  	v0 =	vadd.f32 v1, v0;
	_ =	sdelay $0x1  }
0x78: {  	v1 =	vmul.f32 $2.000000030e-01, v0  }
0x79: {  	vm14 =	vge.f32 v0, $0.0e+00  }
0x7a: {  	v0 =	vsel vm14, v0, v1  }
0x7b: {  	v0 =	vmul.f32 $1.442695020e+00, v0;
	_ =	sdelay $0x1  }
0x7c: {  	(erf) = vpow2.f32 v0;
	_ =	sdelay $0x2  }
0x7d: {  	v0 =	vld [tilespmem:$0x4F70]  }
0x7e: {  	v1 =	vld [tilespmem:$0x4FF0];
	_ =	sdelay $0x4  }
0x7f: {  	v2 =	vpop (erf)  }
0x80: {  	[tilespmem:$0x5060] =	vst v2  }
0x81: {  	v0 =	vld.idx.msk [tilespmem:v0+s31+$0x0], $0xffff  }
0x82: {  	v1 =	vld.idx.msk [tilespmem:v1+s16+$0x0], $0xffff;
	_ =	sdelay $0x4  }
0x83: {  	v0 =	vadd.f32 v1, v0;
	_ =	sdelay $0x1  }
0x84: {  	v1 =	vmul.f32 $2.000000030e-01, v0  }
0x85: {  	vm15 =	vge.f32 v0, $0.0e+00  }
0x86: {  	v0 =	vsel vm15, v0, v1  }
0x87: {  	v0 =	vmul.f32 $1.442695020e+00, v0;
	_ =	sdelay $0x1  }
0x88: {  	(erf) = vpow2.f32 v0;
	_ =	sdelay $0x8  }
0x89: {  	v0 =	vpop (erf)  }
0x8a: {  	[tilespmem:$0x5070] =	vst v0  }
0x8b: {  	_ =	swait.ge [sflag:s21], $0x4800  }
0x8c: {  	[sflag:s21] =	ssyncset.done $0x0  }
0x8d: {  	s25 =	simm.s32 $0x50C0;
	v0 =	vmov s31;
	[sflag:s21] =	ssyncadd.s32 $0xFFFFB800  }
0x8e: {  	v5 =	vld [tilespmem:s25+$0xFFFFFFC0]  }
0x8f: {  	v8 =	vld [tilespmem:s25+$0x30]  }
0x90: {  	v6 =	vld [tilespmem:s25+$0x40]  }
0x91: {  	v10 =	vld [tilespmem:s25+$0xFFFFFFE0]  }
0x92: {  	v1 =	vld.idx.msk [tilespmem:v0+s22+$0x0], $0xffff  }
0x93: {  	v2 =	vld [tilespmem:s25+$0x20]  }
0x94: {  	v3 =	vld [tilespmem:s25+$0xFFFFFFD0]  }
0x95: {  	v4 =	vld [tilespmem:s25+$0x10]  }
0x96: {  	v0 =	vld [tilespmem:s25+$0xFFFFFFF0]  }
0x97: {  	v9 =	vmul.f32 v5, v1;
	v7 =	vmul.f32 v6, v1;
	v5 =	vld [tilespmem:s25+$0x0]  }
0x98: {  	s28 =	simm.s32 $0x50C0;
	s26 =	simm.s32 $0x1;
	v6 =	vmul.f32 v10, v1;
	v8 =	vmul.f32 v8, v1  }
.LBB2_3:
0x99: {  	p0 =	sne.s32 s26, $0x7F  }
0x9a: {  	[tilespmem:s25+$0xFFFFFFC0] =	vst v9;
	v3 =	vmul.f32 v3, v1;
	v2 =	vmul.f32 v2, v1;
	s28 =	sadd.s32 $0x90, s28;
	s29 =	smov.u32 s26;
	s26 =	sadd.s32 $0x1, s26  }
0x9b: {  	v9 =	vmul.f32 v0, v1;
	v0 =	vmul.f32 v4, v1;
	[tilespmem:s25+$0x40] =	vst v7  }
0x9c: {  	v1 =	vmul.f32 v5, v1;
	[tilespmem:s25+$0x30] =	vst v8  }
0x9d: {  	[tilespmem:s25+$0xFFFFFFE0] =	vst v6  }
0x9e: {  	v4 =	vmov s29;
	[tilespmem:s25+$0x10] =	vst v0  }
0x9f: {  	v0 =	vld [tilespmem:s28+$0xFFFFFFF0];
	[tilespmem:s25+$0x0] =	vst v1  }
0xa0: {  	v6 =	vld [tilespmem:s28+$0xFFFFFFC0];
	[tilespmem:s25+$0xFFFFFFF0] =	vst v9  }
0xa1: {  	v8 =	vld [tilespmem:s28+$0x30];
	[tilespmem:s25+$0x20] =	vst v2  }
0xa2: {  	v7 =	vld [tilespmem:s28+$0x40];
	[tilespmem:s25+$0xFFFFFFD0] =	vst v3;
	s25 =	smov.u32 s28  }
0xa3: {  	v1 =	vld.idx.msk [tilespmem:v4+s22+$0x0], $0xffff  }
0xa4: {  	v10 =	vld [tilespmem:s28+$0xFFFFFFE0]  }
0xa5: {  	v2 =	vld [tilespmem:s28+$0x20]  }
.Ltmp0:
0xa6: {  	v3 =	vld [tilespmem:s28+$0xFFFFFFD0];
	(pc) =	sbr.rel @p0 .LBB2_3-.Ltmp0, $4  }
0xa7: {  	v4 =	vld [tilespmem:s28+$0x10]  }
0xa8: {  	v5 =	vld [tilespmem:s28+$0x0]  }
0xa9: {  	v9 =	vmul.f32 v6, v1;
	v7 =	vmul.f32 v7, v1  }
0xaa: {  	v8 =	vmul.f32 v8, v1;
	v6 =	vmul.f32 v10, v1  }
0xab: {  	[tilespmem:s25+$0xFFFFFFC0] =	vst v9  }
0xac: {  	[tilespmem:s25+$0x40] =	vst v7  }
0xad: {  	v0 =	vmul.f32 v0, v1;
	[tilespmem:s25+$0x30] =	vst v8  }
0xae: {  	v2 =	vmul.f32 v2, v1;
	[tilespmem:s25+$0xFFFFFFE0] =	vst v6  }
0xaf: {  	v63 =	vmul.f32 v3, v1;
	[tilespmem:s25+$0xFFFFFFF0] =	vst v0  }
0xb0: {  	v4 =	vmul.f32 v4, v1;
	[tilespmem:s25+$0x20] =	vst v2  }
0xb1: {  	s24 =	sadd.s32 $0x1, s24;
	v5 =	vmul.f32 v5, v1;
	[tilespmem:s25+$0xFFFFFFD0] =	vst v63  }
0xb2: {  	p0 =	sne.s32 s24, $0x51;
	[tilespmem:s25+$0x10] =	vst v4  }
.Ltmp1:
0xb3: {  	[tilespmem:s25+$0x0] =	vst v5;
	(pc) =	sbr.rel @p0 .LBB2_2-.Ltmp1, $4  }
0xb4: {  	[spmem:s3] =	stream.indirect.scatter.add.f32 [tilespmem:s20], [sflag:$0x2], $0x90, s18, s19, $0xb8;
	[tilespmem:$0x1FC00] =	vst v63  }
0xb5: {  	_ =	swait.ge [sflag:s15], $0x4800  }
0xb6: {  	[sflag:s15] =	ssyncset.done $0x0  }
0xb7: {  	[sflag:s15] =	ssyncadd.s32 $0xFFFFB800  }
0xb8: {  	s23 =	sadd.s32 $0x1, s23  }
0xb9: {  	p0 =	sne.s32 s23, s13  }
.Ltmp2:
0xba: {  	[bflag:$0x0] =	sbarrier.arrive $0xFFFF;
	(pc) =	sbr.rel @p0 .LBB2_1-.Ltmp2, $4  }
0xbb: {  	[hbm:s12], [sflag:s10] =	dma.local [spmem:s14], $0x2C70  }
0xbc: {  	_ =	swait.ge [sflag:s15], $0x2C70  }
0xbd: {  	[sflag:s15] =	ssyncset.done $0x0  }
0xbe: {  	[sflag:s15] =	ssyncadd.s32 $0xFFFFD390  }
0xbf: {  	_ =	sfence.sel $0x180000  }
0xc0: {  	[bflag:$0x0] =	sbarrier.arrive $0xFFFF  }
0xc1: {  	p0 =	sne.s32 s1, $0x0;
	_ =	strace $0x90000047  }
0xc2: {  	s0 =	sadd.s32 @!p0 $0x100000, s0;
	[bflag:$0x2] =	sbarrier.arrive $0xFFFF  }
0xc3: {  	[sflag:s0] =	ssyncadd.tile.s32 @!p0 $0x1;
	_ =	shalt  }
.Lfunc_end2:
_tile_overlayer_lowered:
.L_overlay_start_2:
0xc4: {  	(tag) =	ssettag $0x2  }
0xc5: {  	s0 =	rddreg [dreg:$0x0];
	s2 =	stileid.u32  }
0xc6: {  	s1 =	rddreg [dreg:$0x1];
	p0 =	sne.s32 s2, $0x0  }
0xc7: {  	s3 =	rddreg [dreg:$0x2];
	[bflag:$0x3] =	sbarrier.arrive $0xFFFF;
	s2 =	simm.s32 @!p0 $0x1C02  }
0xc8: {  	[timem:s3], [sflag:s2] =	dma.local @!p0 [hbm:s0], s1  }
0xc9: {  	s0 =	simm.s32 @!p0 $0x2  }
0xca: {  	_ =	swait.ge @!p0 [sflag:s0], s1  }
0xcb: {  	s1 =	ssub.s32 @!p0 $0x0, s1;
	[sflag:s0] =	ssyncset.done @!p0 $0x0  }
0xcc: {  	[sflag:s0] =	ssyncadd.s32 @!p0 s1  }
0xcd: {  	[bflag:$0x3] =	sbarrier.arrive $0xFFFF  }
0xce: {  	_ =	shalt  }

// kernel: kernel.32.cloned.1.call-start
scs
__scs_entry_jumppad:
0x0: {  	(pc) =	sbr.rel $0x88, $3  }
0x1: {  	(tag) =	ssettag $0x0;
	lr =	simm.s32 $0x1  }
0x2: {  	[smem:$0x3F96] =	sst lr;
	_ =	strace $0xD0000000  }
0x3: {  	_ = 	snop  }
0x4: {  	_ = 	snop  }
0x5: {  	_ = 	snop  }
0x6: {  	_ = 	snop  }
0x7: {  	_ = 	snop  }
__scs_overlays_trampoline_lowered:
0x8: {  	[smem:$0x3FA5] =	sst s0  }
0x9: {  	[smem:$0x3FA6] =	sst s1  }
0xa: {  	[smem:$0x3FA7] =	sst s2  }
0xb: {  	[smem:$0x3FA8] =	sst s3  }
0xc: {  	[smem:$0x3FA9] =	sst s4  }
0xd: {  	[smem:$0x3FAA] =	sst s5  }
0xe: {  	[smem:$0x3FAB] =	sst s6  }
0xf: {  	[smem:$0x3FAC] =	sst s7  }
0x10: {  	[smem:$0x3FAD] =	sst s8  }
0x11: {  	[smem:$0x3FAE] =	sst s9;
	s0 =	simm.s32 @!p0 $0x0  }
0x12: {  	s1 =	sld [smem:$0x3F94];
	s0 =	simm.s32 @p0 $0x1  }
0x13: {  	[smem:$0x3FAF] =	sst s0;
	s0 =	simm.s32 @!p1 $0x0  }
0x14: {  	s2 =	sld [smem:$0x3F93];
	s0 =	simm.s32 @p1 $0x1  }
0x15: {  	[smem:$0x3FB0] =	sst s0;
	s0 =	simm.s32 @!p2 $0x0  }
0x16: {  	s3 =	sld [smem:$0x3FDB];
	s0 =	simm.s32 @p2 $0x1  }
0x17: {  	s4 =	simm.s32 $0x1BF5;
	[smem:$0x3FB2] =	sst s0  }
0x18: {  	s0 =	sld [smem:$0x3F95];
	_ =	swait.ge [sflag:s4], $0x0  }
0x19: {  	s7 =	sld [smem:$0x3F96]  }
0x1a: {  	s8 =	sadd.s32 $0xFFFFE003, lr  }
0x1b: {  	s9 =	sadd.s32 $0xFFFFFEF7, lr;
	s5 =	simm.s32 $0xFFFFFFFF;
	p2 =	slt.u32 s8, $0xFFFFF086  }
0x1c: {  	p1 =	slt.u32 s9, $0xF7A;
	s5 =	simm.s32 @!p2 $0x0  }
0x1d: {  	s5 =	simm.s32 @p1 $0x1;
	p0 =	seq.s32 s7, s2  }
0x1e: {  	s7 =	smul.u32 @!p0 $0xF7A, s2;
	p2 =	seq.s32 @!p0 s5, $0x0  }
0x1f: {  	s9 =	smul.u32 $0xF7A, s1;
	s8 =	simm.s32 @!p0 $0x1BF5;
	p2 =	por !p2, p0  }
0x20: {  	[sflag:s8] =	ssyncset.s32 @!p0 $0xFFFFF086;
	s6 =	sadd.s32 @!p0 s3, s7;
	s7 =	simm.s32 @!p0 $0x108  }
0x21: {  	s3 =	sadd.s32 s3, s9;
	s6 =	sadd.s32 @!p0 $0x88, s6;
	s7 =	simm.s32 @p2 $0x1082  }
0x22: {  	[simem:s7], [sflag:s8] =	dma.local @!p0 [hbm:s6], $0xF7A  }
0x23: {  	s9 =	sor.u32 $0xD0000000, s2;
	s6 =	simm.s32 $0x108;
	_ =	swait.ge @!p0 [sflag:s8], $0x0  }
0x24: {  	s3 =	sadd.s32 $0x88, s3;
	s6 =	simm.s32 @!p1 $0x1082;
	[sflag:s4] =	ssyncset.s32 $0xFFFFF086  }
0x25: {  	[simem:s6], [sflag:s4] =	dma.local [hbm:s3], $0xF7A  }
0x26: {  	[smem:$0x3F96] =	sst s1;
	(tag) =	ssettag s2;
	_ =	strace s9  }
0x27: {  	s1 =	sld [smem:$0x3FA6]  }
0x28: {  	s2 =	sld [smem:$0x3FA7]  }
0x29: {  	s4 =	sld [smem:$0x3FA9]  }
0x2a: {  	p0 =	seq.s32 s5, $0x0;
	s5 =	sld [smem:$0x3FAA]  }
0x2b: {  	s6 =	sld [smem:$0x3FAB]  }
0x2c: {  	s7 =	sld [smem:$0x3FAC]  }
0x2d: {  	s3 =	simm.s32 $0x108;
	s8 =	sld [smem:$0x3FAD]  }
0x2e: {  	s3 =	simm.s32 @!p0 $0x1082;
	s9 =	sld [smem:$0x3FAE]  }
0x2f: {  	lr =	sadd.s32 s0, s3;
	s0 =	sld [smem:$0x3FA5]  }
0x30: {  	s3 =	sld [smem:$0x3FA8]  }
0x31: {  	[smem:$0x3FB1] =	sst s10  }
0x32: {  	s10 =	sld [smem:$0x3FAF];
	_ =	sdelay $0x3  }
0x33: {  	p0 =	seq.s32 s10, $0x1;
	s10 =	sld [smem:$0x3FB1];
	_ =	sdelay $0x3  }
0x34: {  	[smem:$0x3FB1] =	sst s10  }
0x35: {  	s10 =	sld [smem:$0x3FB0];
	_ =	sdelay $0x3  }
0x36: {  	p1 =	seq.s32 s10, $0x1;
	s10 =	sld [smem:$0x3FB1];
	_ =	sdelay $0x3  }
0x37: {  	[smem:$0x3FB1] =	sst s10  }
0x38: {  	s10 =	sld [smem:$0x3FB2]  }
0x39: {  	_ = 	snop;
	(pc) =	sbr.ind lr, $3  }
0x3a: {  	_ = 	snop  }
0x3b: {  	_ = 	snop  }
0x3c: {  	p2 =	seq.s32 s10, $0x1;
	s10 =	sld [smem:$0x3FB1]  }
0x3d: {  	_ =	shalt  }
0x3e: {  	_ =	shalt  }
0x3f: {  	_ =	shalt  }
0x40: {  	_ =	shalt  }
0x41: {  	_ =	shalt  }
0x42: {  	_ =	shalt  }
0x43: {  	_ =	shalt  }
0x44: {  	_ =	shalt  }
0x45: {  	_ =	shalt  }
0x46: {  	_ =	shalt  }
0x47: {  	_ =	shalt  }
0x48: {  	_ =	shalt  }
0x49: {  	_ =	shalt  }
0x4a: {  	_ =	shalt  }
0x4b: {  	_ =	shalt  }
0x4c: {  	_ =	shalt  }
0x4d: {  	_ =	shalt  }
0x4e: {  	_ =	shalt  }
0x4f: {  	_ =	shalt  }
0x50: {  	_ =	shalt  }
0x51: {  	_ =	shalt  }
0x52: {  	_ =	shalt  }
0x53: {  	_ =	shalt  }
0x54: {  	_ =	shalt  }
0x55: {  	_ =	shalt  }
0x56: {  	_ =	shalt  }
0x57: {  	_ =	shalt  }
0x58: {  	_ =	shalt  }
0x59: {  	_ =	shalt  }
0x5a: {  	_ =	shalt  }
0x5b: {  	_ =	shalt  }
0x5c: {  	_ =	shalt  }
0x5d: {  	_ =	shalt  }
0x5e: {  	_ =	shalt  }
0x5f: {  	_ =	shalt  }
0x60: {  	_ =	shalt  }
0x61: {  	_ =	shalt  }
0x62: {  	_ =	shalt  }
0x63: {  	_ =	shalt  }
0x64: {  	_ =	shalt  }
0x65: {  	_ =	shalt  }
0x66: {  	_ =	shalt  }
0x67: {  	_ =	shalt  }
0x68: {  	_ =	shalt  }
0x69: {  	_ =	shalt  }
0x6a: {  	_ =	shalt  }
0x6b: {  	_ =	shalt  }
0x6c: {  	_ =	shalt  }
0x6d: {  	_ =	shalt  }
0x6e: {  	_ =	shalt  }
0x6f: {  	_ =	shalt  }
0x70: {  	_ =	shalt  }
0x71: {  	_ =	shalt  }
0x72: {  	_ =	shalt  }
0x73: {  	_ =	shalt  }
0x74: {  	_ =	shalt  }
0x75: {  	_ =	shalt  }
0x76: {  	_ =	shalt  }
0x77: {  	_ =	shalt  }
0x78: {  	_ =	shalt  }
0x79: {  	_ =	shalt  }
0x7a: {  	_ =	shalt  }
0x7b: {  	_ =	shalt  }
0x7c: {  	_ =	shalt  }
0x7d: {  	_ =	shalt  }
0x7e: {  	_ =	shalt  }
0x7f: {  	_ =	shalt  }
0x80: {  	_ =	shalt  }
0x81: {  	_ =	shalt  }
0x82: {  	_ =	shalt  }
0x83: {  	_ =	shalt  }
0x84: {  	_ =	shalt  }
0x85: {  	_ =	shalt  }
0x86: {  	_ =	shalt  }
0x87: {  	_ =	shalt  }
.Lfunc_end0:
.L_simem_size_0:
called_computation.1_lowered:
.L_overlay_start_0:
0x88: {  	s2 =	sld [smem:$0x3FD9]  }
0x89: {  	s3 =	sld [smem:$0x3FFE];
	_ =	sdelay $0x1  }
0x8a: {  	s1 =	srdreg.scid  }
0x8b: {  	s0 =	sand.u32 $0x1, s1  }
0x8c: {  	s16 =	sshll.u32 s0, $0xA;
	s2 =	sadd.s32 s3, s2  }
0x8d: {  	s2 =	sadd.s32 s2, s16  }
0x8e: {  	[smem:$0x3FBD] =	sst s2  }
0x8f: {  	_ = 	snop  }
0x90: {  	(tm) =	ssettm $0x1  }
0x91: {  	s17 =	sld [smem:$0x3FFB];
	_ =	sdelay $0x3  }
0x92: {  	_ =	strace s17  }
0x93: {  	s2 =	sld [smem:$0x3FFC];
	_ =	sdelay $0x3  }
0x94: {  	_ =	strace s2  }
0x95: {  	s2 =	sld [smem:$0x3FFD];
	_ =	sdelay $0x3  }
0x96: {  	_ =	strace s2  }
0x97: {  	_ =	strace $0x8FFFFFFF  }
0x98: {  	s18 =	sld [smem:$0x3FDB];
	_ =	sdelay $0x1  }
0x99: {  	s19 =	simm.s32 $_scs_section_size  }
0x9a: {  	s4 =	simm.s32 $_size__tile_overlayer_lowered;
	s5 =	simm.s32 $_tile_overlayer_lowered  }
0x9b: {  	s22 =	simm.s32 $0x1BFF;
	s21 =	sshll.u32 s5, $0x1;
	s2 =	sadd.s32 s19, s18  }
0x9c: {  	s6 =	simm.s32 $0x0;
	s20 =	sshll.u32 s4, $0x1;
	s4 =	sadd.s32 s21, s2  }
0x9d: {  	[timem:s6], [sflag:s22] =	dma.local [hbm:s4], s20  }
0x9e: {  	_ =	swait.ge [sflag:s22], s20  }
0x9f: {  	s3 =	ssub.s32 $0x0, s20;
	[sflag:s22] =	ssyncset.done $0x0  }
0xa0: {  	[sflag:s22] =	ssyncadd.s32 s3;
	_ =	sdelay $0x1  }
0xa1: {  	s23 =	simm.s32 $0x1B8B  }
0xa2: {  	_ =	swait.ge [sflag:s23], $0x1  }
0xa3: {  	[sflag:s23] =	ssyncset.done $0x0  }
0xa4: {  	s25 =	simm.s32 $0x1B8E;
	s24 =	sld [smem:$0x3FFE];
	[sflag:s23] =	ssyncadd.s32 $0xFFFFFFFF  }
0xa5: {  	s26 =	simm.s32 $execute0_lowered;
	[smem:$0x3FD2] =	sst s25  }
0xa6: {  	s4 =	sshll.u32 s26, $0x1;
	_ =	strace $0x80000049;
	[dreg:$0x1] =	wrdreg $0xFFFFFFFF  }
0xa7: {  	s28 =	simm.s32 $_size_execute0_lowered;
	s2 =	sadd.s32 s2, s4;
	[dreg:$0x0] =	wrdreg $0x0  }
0xa8: {  	s4 =	sshll.u32 s28, $0x1;
	[dreg:$0x2] =	wrdreg s2  }
0xa9: {  	[dreg:$0x3] =	wrdreg s4  }
0xaa: {  	[dreg:$0x4] =	wrdreg $0xC0  }
0xab: {  	_ =	task [dreg:s6], $0x5FFFF  }
0xac: {  	[dreg:$0x1] =	wrdreg $0xFFFFFFFF  }
0xad: {  	[dreg:$0x0] =	wrdreg $0x60  }
0xae: {  	[dreg:$0x2] =	wrdreg s24  }
0xaf: {  	[dreg:$0x3] =	wrdreg $0x98800  }
0xb0: {  	[dreg:$0x4] =	wrdreg $0x9  }
0xb1: {  	_ =	task.clear_ibuf [dreg:s6], $0x5FFFF;
	_ =	strace $0x90000049  }
0xb2: {  	s29 =	simm.s32 $0x9;
	_ =	strace $0x8000004B  }
0xb3: {  	_ =	swait.ge [sflag:s29], $0x1  }
0xb4: {  	[sflag:s29] =	ssyncadd.s32 $0xFFFFFFFF  }
0xb5: {  	_ =	strace $0x9000004B  }
0xb6: {  	_ =	sfence  }
0xb7: {  	s30 =	sld [smem:$0x0];
	_ =	sdelay $0x2  }
0xb8: {  	s31 =	sshll.u32 s1, $0xD;
	s1 =	sshrl.u32 s1, $0x2  }
0xb9: {  	s3 =	sand.u32 $0x4000, s31;
	s1 =	sadd.s32 s1, s30  }
0xba: {  	s0 =	sor.u32 s3, s0;
	s1 =	sshll.u32 s1, $0x11  }
0xbb: {  	s0 =	sor.u32 s1, s0  }
0xbc: {  	s0 =	sadd.s32 $0x8F2B, s0  }
0xbd: {  	[sflag:s0] =	ssyncadd.remote.s32 $0x1  }
0xbe: {  	_ =	sfence.sel $0xFFFF  }
0xbf: {  	[dreg:$0x0] =	wrdreg $0xFFFFFFFF;
	(pc) =	sbr.abs _section_cstart, $3  }
0xc0: {  	[dreg:$0x1] =	wrdreg $0xFFFFFFFF  }
0xc1: {  	_ =	task.clear_ibuf [dreg:s6], $0x2FFFF;
	_ =	strace $0x9FFFFFFF  }
0xc2: {  	(tm) =	ssettm $0x7FFFFFFF  }
0xc3: {  	_ =	shalt  }
tec
execute0_lowered:
.L_overlay_start_1:
0x0: {  	(tag) =	ssettag $0x1  }
0x1: {  	s10 =	rddreg [dreg:$0x0]  }
0x2: {  	s2 =	rddreg [dreg:$0x1]  }
0x3: {  	s0 =	rddreg [dreg:$0x2];
	s3 =	simm.s32 $0x0;
	s4 =	srdreg.scid  }
0x4: {  	s1 =	stileid.u32;
	s16 =	simm.s32 $0x2780;
	s17 =	simm.s32 $0x4F00  }
0x5: {  	s18 =	simm.s32 $0x4F80;
	s19 =	simm.s32 $0x80;
	s20 =	simm.s32 $0x5080  }
0x6: {  	s21 =	simm.s32 $0x1;
	s22 =	simm.s32 $0x5000;
	s23 =	simm.s32 $0x0  }
0x7: {  	[smem:$0x7FF] =	sst s3;
	s11 =	sand.u32 $0x1, s4;
	s12 =	smul.u32 $0x16380, s1  }
0x8: {  	s4 =	sadd.s32 $0x2400, s10;
	s5 =	sadd.s32 $0x32000, s10;
	s6 =	sadd.s32 $0x31A00, s10  }
0x9: {  	s7 =	sadd.s32 $0x5BC00, s10;
	s8 =	sadd.s32 $0x51A00, s10;
	s9 =	smul.u32 $0x163800, s11  }
0xa: {  	s31 =	sshll.u32 s1, $0x6;
	_ =	strace $0x8000004A;
	s14 =	ssub.s32 $0x2, s11  }
0xb: {  	s11 =	sshll.u32 s11, $0x4;
	s30 =	sshrl.u32 s14, $0x1;
	s13 =	sadd.s32 s12, s9  }
0xc: {  	s11 =	sor.u32 s1, s11;
	s15 =	sadd.s32 s12, s2;
	s13 =	sshrl.u32 s13, $0x3  }
0xd: {  	s9 =	sadd.s32 $0x2EC00, s10;
	s14 =	ssub.s32 s14, s30;
	s13 =	sadd.s32 s13, s10  }
0xe: {  	s11 =	smul.u32 $0x2880, s11;
	s10 =	sor.u32 $0x1C02, s31;
	s12 =	sadd.s32 $0x65E00, s13  }
0xf: {  	s13 =	smax.u32 s14, $0x1;
	s14 =	sshrl.u32 s15, $0x3;
	s15 =	simm.s32 $0x2  }
.LBB2_1:
0x10: {  	[spmem:s14], [sflag:s10] =	dma.local [hbm:s9], $0x2C70  }
0x11: {  	_ =	swait.ge [sflag:s15], $0x2C70  }
0x12: {  	[sflag:s15] =	ssyncset.done $0x0  }
0x13: {  	[sflag:s15] =	ssyncadd.s32 $0xFFFFD390  }
0x14: {  	[tilespmem:s3], [sflag:$0x2] =	stream.linear.gather [hbm4b:s5+s3], $0x2780, $0x38;
	[tilespmem:$0x1FC00] =	vst v63  }
0x15: {  	_ =	swait.ge [sflag:s15], $0x2780  }
0x16: {  	[sflag:s15] =	ssyncset.done $0x0  }
0x17: {  	[sflag:s15] =	ssyncadd.s32 $0xFFFFD880  }
0x18: {  	[tilespmem:s16], [sflag:$0x2] =	stream.linear.gather [hbm4b:s6+s3], $0x2780, $0x38;
	[tilespmem:$0x1FC00] =	vst v63  }
0x19: {  	_ =	swait.ge [sflag:s15], $0x2780  }
0x1a: {  	[sflag:s15] =	ssyncset.done $0x0  }
0x1b: {  	[sflag:s15] =	ssyncadd.s32 $0xFFFFD880  }
0x1c: {  	s24 =	simm.s32 $0x0;
	[bflag:$0x0] =	sbarrier.arrive $0xFFFF  }
.LBB2_2:
0x1d: {  	s25 =	sshll.u32 s24, $0x7  }
0x1e: {  	s25 =	sadd.s32 s11, s25  }
0x1f: {  	s26 =	sshrl.u32 s25, $0x3  }
0x20: {  	s31 =	simm.s32 $0x0;
	s28 =	sadd.s32 s7, s26  }
0x21: {  	[tilespmem:s17], [sflag:$0x2] =	stream.linear.gather [hbm4b:s28+s31], $0x80, $0x38;
	[tilespmem:$0x1FC00] =	vst v63  }
0x22: {  	_ =	swait.ge [sflag:s15], $0x80  }
0x23: {  	[sflag:s15] =	ssyncset.done $0x0  }
0x24: {  	s26 =	sadd.s32 s8, s26;
	[sflag:s15] =	ssyncadd.s32 $0xFFFFFF80  }
0x25: {  	[tilespmem:s18], [sflag:$0x2] =	stream.linear.gather [hbm4b:s26+s31], $0x80, $0x38;
	[tilespmem:$0x1FC00] =	vst v63  }
0x26: {  	_ =	swait.ge [sflag:s15], $0x80  }
0x27: {  	[sflag:s15] =	ssyncset.done $0x0  }
0x28: {  	[sflag:s15] =	ssyncadd.s32 $0xFFFFFF80  }
0x29: {  	[tilespmem:s20], [sflag:$0x1] =	stream.indirect.gather [hbm4b:s4+s19], $0x90, s17, s19, $0xb8;
	[tilespmem:$0x1FC00] =	vst v63  }
0x2a: {  	v0 =	vld [tilespmem:$0x4F00]  }
0x2b: {  	v1 =	vld [tilespmem:$0x4F80];
	_ =	sdelay $0x6  }
0x2c: {  	v0 =	vld.idx.msk [tilespmem:v0+s31+$0x0], $0xffff  }
0x2d: {  	v1 =	vld.idx.msk [tilespmem:v1+s16+$0x0], $0xffff;
	_ =	sdelay $0x4  }
0x2e: {  	v0 =	vadd.f32 v1, v0;
	_ =	sdelay $0x1  }
0x2f: {  	v1 =	vmul.f32 $2.000000030e-01, v0  }
0x30: {  	vm0 =	vge.f32 v0, $0.0e+00  }
0x31: {  	v0 =	vsel vm0, v0, v1  }
0x32: {  	v0 =	vmul.f32 $1.442695020e+00, v0;
	_ =	sdelay $0x1  }
0x33: {  	(erf) = vpow2.f32 v0;
	_ =	sdelay $0x2  }
0x34: {  	v0 =	vld [tilespmem:$0x4F10]  }
0x35: {  	v1 =	vld [tilespmem:$0x4F90];
	_ =	sdelay $0x4  }
0x36: {  	v2 =	vpop (erf)  }
0x37: {  	[tilespmem:$0x5000] =	vst v2  }
0x38: {  	v0 =	vld.idx.msk [tilespmem:v0+s31+$0x0], $0xffff  }
0x39: {  	v1 =	vld.idx.msk [tilespmem:v1+s16+$0x0], $0xffff;
	_ =	sdelay $0x4  }
0x3a: {  	v0 =	vadd.f32 v1, v0;
	_ =	sdelay $0x1  }
0x3b: {  	v1 =	vmul.f32 $2.000000030e-01, v0  }
0x3c: {  	vm9 =	vge.f32 v0, $0.0e+00  }
0x3d: {  	v0 =	vsel vm9, v0, v1  }
0x3e: {  	v0 =	vmul.f32 $1.442695020e+00, v0;
	_ =	sdelay $0x1  }
0x3f: {  	(erf) = vpow2.f32 v0;
	_ =	sdelay $0x2  }
0x40: {  	v0 =	vld [tilespmem:$0x4F20]  }
0x41: {  	v1 =	vld [tilespmem:$0x4FA0];
	_ =	sdelay $0x4  }
0x42: {  	v2 =	vpop (erf)  }
0x43: {  	[tilespmem:$0x5010] =	vst v2  }
0x44: {  	v0 =	vld.idx.msk [tilespmem:v0+s31+$0x0], $0xffff  }
0x45: {  	v1 =	vld.idx.msk [tilespmem:v1+s16+$0x0], $0xffff;
	_ =	sdelay $0x4  }
0x46: {  	v0 =	vadd.f32 v1, v0;
	_ =	sdelay $0x1  }
0x47: {  	v1 =	vmul.f32 $2.000000030e-01, v0  }
0x48: {  	vm10 =	vge.f32 v0, $0.0e+00  }
0x49: {  	v0 =	vsel vm10, v0, v1  }
0x4a: {  	v0 =	vmul.f32 $1.442695020e+00, v0;
	_ =	sdelay $0x1  }
0x4b: {  	(erf) = vpow2.f32 v0;
	_ =	sdelay $0x2  }
0x4c: {  	v0 =	vld [tilespmem:$0x4F30]  }
0x4d: {  	v1 =	vld [tilespmem:$0x4FB0];
	_ =	sdelay $0x4  }
0x4e: {  	v2 =	vpop (erf)  }
0x4f: {  	[tilespmem:$0x5020] =	vst v2  }
0x50: {  	v0 =	vld.idx.msk [tilespmem:v0+s31+$0x0], $0xffff  }
0x51: {  	v1 =	vld.idx.msk [tilespmem:v1+s16+$0x0], $0xffff;
	_ =	sdelay $0x4  }
0x52: {  	v0 =	vadd.f32 v1, v0;
	_ =	sdelay $0x1  }
0x53: {  	v1 =	vmul.f32 $2.000000030e-01, v0  }
0x54: {  	vm11 =	vge.f32 v0, $0.0e+00  }
0x55: {  	v0 =	vsel vm11, v0, v1  }
0x56: {  	v0 =	vmul.f32 $1.442695020e+00, v0;
	_ =	sdelay $0x1  }
0x57: {  	(erf) = vpow2.f32 v0;
	_ =	sdelay $0x2  }
0x58: {  	v0 =	vld [tilespmem:$0x4F40]  }
0x59: {  	v1 =	vld [tilespmem:$0x4FC0];
	_ =	sdelay $0x4  }
0x5a: {  	v2 =	vpop (erf)  }
0x5b: {  	[tilespmem:$0x5030] =	vst v2  }
0x5c: {  	v0 =	vld.idx.msk [tilespmem:v0+s31+$0x0], $0xffff  }
0x5d: {  	v1 =	vld.idx.msk [tilespmem:v1+s16+$0x0], $0xffff;
	_ =	sdelay $0x4  }
0x5e: {  	v0 =	vadd.f32 v1, v0;
	_ =	sdelay $0x1  }
0x5f: {  	v1 =	vmul.f32 $2.000000030e-01, v0  }
0x60: {  	vm12 =	vge.f32 v0, $0.0e+00  }
0x61: {  	v0 =	vsel vm12, v0, v1  }
0x62: {  	v0 =	vmul.f32 $1.442695020e+00, v0;
	_ =	sdelay $0x1  }
0x63: {  	(erf) = vpow2.f32 v0;
	_ =	sdelay $0x2  }
0x64: {  	v0 =	vld [tilespmem:$0x4F50]  }
0x65: {  	v1 =	vld [tilespmem:$0x4FD0];
	_ =	sdelay $0x4  }
0x66: {  	v2 =	vpop (erf)  }
0x67: {  	[tilespmem:$0x5040] =	vst v2  }
0x68: {  	v0 =	vld.idx.msk [tilespmem:v0+s31+$0x0], $0xffff  }
0x69: {  	v1 =	vld.idx.msk [tilespmem:v1+s16+$0x0], $0xffff;
	_ =	sdelay $0x4  }
0x6a: {  	v0 =	vadd.f32 v1, v0;
	_ =	sdelay $0x1  }
0x6b: {  	v1 =	vmul.f32 $2.000000030e-01, v0  }
0x6c: {  	vm13 =	vge.f32 v0, $0.0e+00  }
0x6d: {  	v0 =	vsel vm13, v0, v1  }
0x6e: {  	v0 =	vmul.f32 $1.442695020e+00, v0;
	_ =	sdelay $0x1  }
0x6f: {  	(erf) = vpow2.f32 v0;
	_ =	sdelay $0x2  }
0x70: {  	v0 =	vld [tilespmem:$0x4F60]  }
0x71: {  	v1 =	vld [tilespmem:$0x4FE0];
	_ =	sdelay $0x4  }
0x72: {  	v2 =	vpop (erf)  }
0x73: {  	[tilespmem:$0x5050] =	vst v2  }
0x74: {  	v0 =	vld.idx.msk [tilespmem:v0+s31+$0x0], $0xffff  }
0x75: {  	v1 =	vld.idx.msk [tilespmem:v1+s16+$0x0], $0xffff;
	_ =	sdelay $0x4  }
0x76: {  	v0 =	vadd.f32 v1, v0;
	_ =	sdelay $0x1  }
0x77: {  	v1 =	vmul.f32 $2.000000030e-01, v0  }
0x78: {  	vm14 =	vge.f32 v0, $0.0e+00  }
0x79: {  	v0 =	vsel vm14, v0, v1  }
0x7a: {  	v0 =	vmul.f32 $1.442695020e+00, v0;
	_ =	sdelay $0x1  }
0x7b: {  	(erf) = vpow2.f32 v0;
	_ =	sdelay $0x2  }
0x7c: {  	v0 =	vld [tilespmem:$0x4F70]  }
0x7d: {  	v1 =	vld [tilespmem:$0x4FF0];
	_ =	sdelay $0x4  }
0x7e: {  	v2 =	vpop (erf)  }
0x7f: {  	[tilespmem:$0x5060] =	vst v2  }
0x80: {  	v0 =	vld.idx.msk [tilespmem:v0+s31+$0x0], $0xffff  }
0x81: {  	v1 =	vld.idx.msk [tilespmem:v1+s16+$0x0], $0xffff;
	_ =	sdelay $0x4  }
0x82: {  	v0 =	vadd.f32 v1, v0;
	_ =	sdelay $0x1  }
0x83: {  	v1 =	vmul.f32 $2.000000030e-01, v0  }
0x84: {  	vm15 =	vge.f32 v0, $0.0e+00  }
0x85: {  	v0 =	vsel vm15, v0, v1  }
0x86: {  	v0 =	vmul.f32 $1.442695020e+00, v0;
	_ =	sdelay $0x1  }
0x87: {  	(erf) = vpow2.f32 v0;
	_ =	sdelay $0x8  }
0x88: {  	v0 =	vpop (erf)  }
0x89: {  	[tilespmem:$0x5070] =	vst v0  }
0x8a: {  	_ =	swait.ge [sflag:s21], $0x4800  }
0x8b: {  	[sflag:s21] =	ssyncset.done $0x0  }
0x8c: {  	s25 =	simm.s32 $0x50C0;
	v0 =	vmov s31;
	[sflag:s21] =	ssyncadd.s32 $0xFFFFB800  }
0x8d: {  	v5 =	vld [tilespmem:s25+$0xFFFFFFC0]  }
0x8e: {  	v8 =	vld [tilespmem:s25+$0x30]  }
0x8f: {  	v6 =	vld [tilespmem:s25+$0x40]  }
0x90: {  	v10 =	vld [tilespmem:s25+$0xFFFFFFE0]  }
0x91: {  	v1 =	vld.idx.msk [tilespmem:v0+s22+$0x0], $0xffff  }
0x92: {  	v2 =	vld [tilespmem:s25+$0x20]  }
0x93: {  	v3 =	vld [tilespmem:s25+$0xFFFFFFD0]  }
0x94: {  	v4 =	vld [tilespmem:s25+$0x10]  }
0x95: {  	v0 =	vld [tilespmem:s25+$0xFFFFFFF0]  }
0x96: {  	v9 =	vmul.f32 v5, v1;
	v7 =	vmul.f32 v6, v1;
	v5 =	vld [tilespmem:s25+$0x0]  }
0x97: {  	s28 =	simm.s32 $0x50C0;
	s26 =	simm.s32 $0x1;
	v6 =	vmul.f32 v10, v1;
	v8 =	vmul.f32 v8, v1  }
.LBB2_3:
0x98: {  	p0 =	sne.s32 s26, $0x7F  }
0x99: {  	[tilespmem:s25+$0xFFFFFFC0] =	vst v9;
	v3 =	vmul.f32 v3, v1;
	v2 =	vmul.f32 v2, v1;
	s28 =	sadd.s32 $0x90, s28;
	s29 =	smov.u32 s26;
	s26 =	sadd.s32 $0x1, s26  }
0x9a: {  	v9 =	vmul.f32 v0, v1;
	v0 =	vmul.f32 v4, v1;
	[tilespmem:s25+$0x40] =	vst v7  }
0x9b: {  	v1 =	vmul.f32 v5, v1;
	[tilespmem:s25+$0x30] =	vst v8  }
0x9c: {  	[tilespmem:s25+$0xFFFFFFE0] =	vst v6  }
0x9d: {  	v4 =	vmov s29;
	[tilespmem:s25+$0x10] =	vst v0  }
0x9e: {  	v0 =	vld [tilespmem:s28+$0xFFFFFFF0];
	[tilespmem:s25+$0x0] =	vst v1  }
0x9f: {  	v6 =	vld [tilespmem:s28+$0xFFFFFFC0];
	[tilespmem:s25+$0xFFFFFFF0] =	vst v9  }
0xa0: {  	v8 =	vld [tilespmem:s28+$0x30];
	[tilespmem:s25+$0x20] =	vst v2  }
0xa1: {  	v7 =	vld [tilespmem:s28+$0x40];
	[tilespmem:s25+$0xFFFFFFD0] =	vst v3;
	s25 =	smov.u32 s28  }
0xa2: {  	v1 =	vld.idx.msk [tilespmem:v4+s22+$0x0], $0xffff  }
0xa3: {  	v10 =	vld [tilespmem:s28+$0xFFFFFFE0]  }
0xa4: {  	v2 =	vld [tilespmem:s28+$0x20]  }
.Ltmp0:
0xa5: {  	v3 =	vld [tilespmem:s28+$0xFFFFFFD0];
	(pc) =	sbr.rel @p0 .LBB2_3-.Ltmp0, $4  }
0xa6: {  	v4 =	vld [tilespmem:s28+$0x10]  }
0xa7: {  	v5 =	vld [tilespmem:s28+$0x0]  }
0xa8: {  	v9 =	vmul.f32 v6, v1;
	v7 =	vmul.f32 v7, v1  }
0xa9: {  	v8 =	vmul.f32 v8, v1;
	v6 =	vmul.f32 v10, v1  }
0xaa: {  	[tilespmem:s25+$0xFFFFFFC0] =	vst v9  }
0xab: {  	[tilespmem:s25+$0x40] =	vst v7  }
0xac: {  	v0 =	vmul.f32 v0, v1;
	[tilespmem:s25+$0x30] =	vst v8  }
0xad: {  	v2 =	vmul.f32 v2, v1;
	[tilespmem:s25+$0xFFFFFFE0] =	vst v6  }
0xae: {  	v63 =	vmul.f32 v3, v1;
	[tilespmem:s25+$0xFFFFFFF0] =	vst v0  }
0xaf: {  	v4 =	vmul.f32 v4, v1;
	[tilespmem:s25+$0x20] =	vst v2  }
0xb0: {  	s24 =	sadd.s32 $0x1, s24;
	v5 =	vmul.f32 v5, v1;
	[tilespmem:s25+$0xFFFFFFD0] =	vst v63  }
0xb1: {  	p0 =	sne.s32 s24, $0x51;
	[tilespmem:s25+$0x10] =	vst v4  }
.Ltmp1:
0xb2: {  	[tilespmem:s25+$0x0] =	vst v5;
	(pc) =	sbr.rel @p0 .LBB2_2-.Ltmp1, $4  }
0xb3: {  	[spmem:s2] =	stream.indirect.scatter.add.f32 [tilespmem:s20], [sflag:$0x2], $0x90, s18, s19, $0xb8;
	[tilespmem:$0x1FC00] =	vst v63  }
0xb4: {  	_ =	swait.ge [sflag:s15], $0x4800  }
0xb5: {  	[sflag:s15] =	ssyncset.done $0x0  }
0xb6: {  	[sflag:s15] =	ssyncadd.s32 $0xFFFFB800  }
0xb7: {  	s23 =	sadd.s32 $0x1, s23  }
0xb8: {  	p0 =	sne.s32 s23, s13  }
.Ltmp2:
0xb9: {  	[bflag:$0x0] =	sbarrier.arrive $0xFFFF;
	(pc) =	sbr.rel @p0 .LBB2_1-.Ltmp2, $4  }
0xba: {  	[hbm:s12], [sflag:s10] =	dma.local [spmem:s14], $0x2C70  }
0xbb: {  	_ =	swait.ge [sflag:s15], $0x2C70  }
0xbc: {  	[sflag:s15] =	ssyncset.done $0x0  }
0xbd: {  	[sflag:s15] =	ssyncadd.s32 $0xFFFFD390  }
0xbe: {  	_ =	sfence.sel $0x180000  }
0xbf: {  	[bflag:$0x0] =	sbarrier.arrive $0xFFFF  }
0xc0: {  	p0 =	sne.s32 s1, $0x0;
	_ =	strace $0x9000004A  }
0xc1: {  	s0 =	sadd.s32 @!p0 $0x100000, s0;
	[bflag:$0x2] =	sbarrier.arrive $0xFFFF  }
0xc2: {  	[sflag:s0] =	ssyncadd.tile.s32 @!p0 $0x1;
	_ =	shalt  }
.Lfunc_end2:
_tile_overlayer_lowered:
.L_overlay_start_2:
0xc3: {  	(tag) =	ssettag $0x2  }
0xc4: {  	s0 =	rddreg [dreg:$0x0];
	s2 =	stileid.u32  }
0xc5: {  	s1 =	rddreg [dreg:$0x1];
	p0 =	sne.s32 s2, $0x0  }
0xc6: {  	s3 =	rddreg [dreg:$0x2];
	[bflag:$0x3] =	sbarrier.arrive $0xFFFF;
	s2 =	simm.s32 @!p0 $0x1C02  }
0xc7: {  	[timem:s3], [sflag:s2] =	dma.local @!p0 [hbm:s0], s1  }
0xc8: {  	s0 =	simm.s32 @!p0 $0x2  }
0xc9: {  	_ =	swait.ge @!p0 [sflag:s0], s1  }
0xca: {  	s1 =	ssub.s32 @!p0 $0x0, s1;
	[sflag:s0] =	ssyncset.done @!p0 $0x0  }
0xcb: {  	[sflag:s0] =	ssyncadd.s32 @!p0 s1  }
0xcc: {  	[bflag:$0x3] =	sbarrier.arrive $0xFFFF  }
0xcd: {  	_ =	shalt  }

// kernel: kernel.35.cloned.1.call-start
scs
__scs_entry_jumppad:
0x0: {  	(pc) =	sbr.rel $0x88, $3  }
0x1: {  	(tag) =	ssettag $0x0;
	lr =	simm.s32 $0x1  }
0x2: {  	[smem:$0x3F96] =	sst lr;
	_ =	strace $0xD0000000  }
0x3: {  	_ = 	snop  }
0x4: {  	_ = 	snop  }
0x5: {  	_ = 	snop  }
0x6: {  	_ = 	snop  }
0x7: {  	_ = 	snop  }
__scs_overlays_trampoline_lowered:
0x8: {  	[smem:$0x3FA5] =	sst s0  }
0x9: {  	[smem:$0x3FA6] =	sst s1  }
0xa: {  	[smem:$0x3FA7] =	sst s2  }
0xb: {  	[smem:$0x3FA8] =	sst s3  }
0xc: {  	[smem:$0x3FA9] =	sst s4  }
0xd: {  	[smem:$0x3FAA] =	sst s5  }
0xe: {  	[smem:$0x3FAB] =	sst s6  }
0xf: {  	[smem:$0x3FAC] =	sst s7  }
0x10: {  	[smem:$0x3FAD] =	sst s8  }
0x11: {  	[smem:$0x3FAE] =	sst s9;
	s0 =	simm.s32 @!p0 $0x0  }
0x12: {  	s1 =	sld [smem:$0x3F94];
	s0 =	simm.s32 @p0 $0x1  }
0x13: {  	[smem:$0x3FAF] =	sst s0;
	s0 =	simm.s32 @!p1 $0x0  }
0x14: {  	s2 =	sld [smem:$0x3F93];
	s0 =	simm.s32 @p1 $0x1  }
0x15: {  	[smem:$0x3FB0] =	sst s0;
	s0 =	simm.s32 @!p2 $0x0  }
0x16: {  	s3 =	sld [smem:$0x3FDB];
	s0 =	simm.s32 @p2 $0x1  }
0x17: {  	s4 =	simm.s32 $0x1BF5;
	[smem:$0x3FB2] =	sst s0  }
0x18: {  	s0 =	sld [smem:$0x3F95];
	_ =	swait.ge [sflag:s4], $0x0  }
0x19: {  	s7 =	sld [smem:$0x3F96]  }
0x1a: {  	s8 =	sadd.s32 $0xFFFFE003, lr  }
0x1b: {  	s9 =	sadd.s32 $0xFFFFFEF7, lr;
	s5 =	simm.s32 $0xFFFFFFFF;
	p2 =	slt.u32 s8, $0xFFFFF086  }
0x1c: {  	p1 =	slt.u32 s9, $0xF7A;
	s5 =	simm.s32 @!p2 $0x0  }
0x1d: {  	s5 =	simm.s32 @p1 $0x1;
	p0 =	seq.s32 s7, s2  }
0x1e: {  	s7 =	smul.u32 @!p0 $0xF7A, s2;
	p2 =	seq.s32 @!p0 s5, $0x0  }
0x1f: {  	s9 =	smul.u32 $0xF7A, s1;
	s8 =	simm.s32 @!p0 $0x1BF5;
	p2 =	por !p2, p0  }
0x20: {  	[sflag:s8] =	ssyncset.s32 @!p0 $0xFFFFF086;
	s6 =	sadd.s32 @!p0 s3, s7;
	s7 =	simm.s32 @!p0 $0x108  }
0x21: {  	s3 =	sadd.s32 s3, s9;
	s6 =	sadd.s32 @!p0 $0x88, s6;
	s7 =	simm.s32 @p2 $0x1082  }
0x22: {  	[simem:s7], [sflag:s8] =	dma.local @!p0 [hbm:s6], $0xF7A  }
0x23: {  	s9 =	sor.u32 $0xD0000000, s2;
	s6 =	simm.s32 $0x108;
	_ =	swait.ge @!p0 [sflag:s8], $0x0  }
0x24: {  	s3 =	sadd.s32 $0x88, s3;
	s6 =	simm.s32 @!p1 $0x1082;
	[sflag:s4] =	ssyncset.s32 $0xFFFFF086  }
0x25: {  	[simem:s6], [sflag:s4] =	dma.local [hbm:s3], $0xF7A  }
0x26: {  	[smem:$0x3F96] =	sst s1;
	(tag) =	ssettag s2;
	_ =	strace s9  }
0x27: {  	s1 =	sld [smem:$0x3FA6]  }
0x28: {  	s2 =	sld [smem:$0x3FA7]  }
0x29: {  	s4 =	sld [smem:$0x3FA9]  }
0x2a: {  	p0 =	seq.s32 s5, $0x0;
	s5 =	sld [smem:$0x3FAA]  }
0x2b: {  	s6 =	sld [smem:$0x3FAB]  }
0x2c: {  	s7 =	sld [smem:$0x3FAC]  }
0x2d: {  	s3 =	simm.s32 $0x108;
	s8 =	sld [smem:$0x3FAD]  }
0x2e: {  	s3 =	simm.s32 @!p0 $0x1082;
	s9 =	sld [smem:$0x3FAE]  }
0x2f: {  	lr =	sadd.s32 s0, s3;
	s0 =	sld [smem:$0x3FA5]  }
0x30: {  	s3 =	sld [smem:$0x3FA8]  }
0x31: {  	[smem:$0x3FB1] =	sst s10  }
0x32: {  	s10 =	sld [smem:$0x3FAF];
	_ =	sdelay $0x3  }
0x33: {  	p0 =	seq.s32 s10, $0x1;
	s10 =	sld [smem:$0x3FB1];
	_ =	sdelay $0x3  }
0x34: {  	[smem:$0x3FB1] =	sst s10  }
0x35: {  	s10 =	sld [smem:$0x3FB0];
	_ =	sdelay $0x3  }
0x36: {  	p1 =	seq.s32 s10, $0x1;
	s10 =	sld [smem:$0x3FB1];
	_ =	sdelay $0x3  }
0x37: {  	[smem:$0x3FB1] =	sst s10  }
0x38: {  	s10 =	sld [smem:$0x3FB2]  }
0x39: {  	_ = 	snop;
	(pc) =	sbr.ind lr, $3  }
0x3a: {  	_ = 	snop  }
0x3b: {  	_ = 	snop  }
0x3c: {  	p2 =	seq.s32 s10, $0x1;
	s10 =	sld [smem:$0x3FB1]  }
0x3d: {  	_ =	shalt  }
0x3e: {  	_ =	shalt  }
0x3f: {  	_ =	shalt  }
0x40: {  	_ =	shalt  }
0x41: {  	_ =	shalt  }
0x42: {  	_ =	shalt  }
0x43: {  	_ =	shalt  }
0x44: {  	_ =	shalt  }
0x45: {  	_ =	shalt  }
0x46: {  	_ =	shalt  }
0x47: {  	_ =	shalt  }
0x48: {  	_ =	shalt  }
0x49: {  	_ =	shalt  }
0x4a: {  	_ =	shalt  }
0x4b: {  	_ =	shalt  }
0x4c: {  	_ =	shalt  }
0x4d: {  	_ =	shalt  }
0x4e: {  	_ =	shalt  }
0x4f: {  	_ =	shalt  }
0x50: {  	_ =	shalt  }
0x51: {  	_ =	shalt  }
0x52: {  	_ =	shalt  }
0x53: {  	_ =	shalt  }
0x54: {  	_ =	shalt  }
0x55: {  	_ =	shalt  }
0x56: {  	_ =	shalt  }
0x57: {  	_ =	shalt  }
0x58: {  	_ =	shalt  }
0x59: {  	_ =	shalt  }
0x5a: {  	_ =	shalt  }
0x5b: {  	_ =	shalt  }
0x5c: {  	_ =	shalt  }
0x5d: {  	_ =	shalt  }
0x5e: {  	_ =	shalt  }
0x5f: {  	_ =	shalt  }
0x60: {  	_ =	shalt  }
0x61: {  	_ =	shalt  }
0x62: {  	_ =	shalt  }
0x63: {  	_ =	shalt  }
0x64: {  	_ =	shalt  }
0x65: {  	_ =	shalt  }
0x66: {  	_ =	shalt  }
0x67: {  	_ =	shalt  }
0x68: {  	_ =	shalt  }
0x69: {  	_ =	shalt  }
0x6a: {  	_ =	shalt  }
0x6b: {  	_ =	shalt  }
0x6c: {  	_ =	shalt  }
0x6d: {  	_ =	shalt  }
0x6e: {  	_ =	shalt  }
0x6f: {  	_ =	shalt  }
0x70: {  	_ =	shalt  }
0x71: {  	_ =	shalt  }
0x72: {  	_ =	shalt  }
0x73: {  	_ =	shalt  }
0x74: {  	_ =	shalt  }
0x75: {  	_ =	shalt  }
0x76: {  	_ =	shalt  }
0x77: {  	_ =	shalt  }
0x78: {  	_ =	shalt  }
0x79: {  	_ =	shalt  }
0x7a: {  	_ =	shalt  }
0x7b: {  	_ =	shalt  }
0x7c: {  	_ =	shalt  }
0x7d: {  	_ =	shalt  }
0x7e: {  	_ =	shalt  }
0x7f: {  	_ =	shalt  }
0x80: {  	_ =	shalt  }
0x81: {  	_ =	shalt  }
0x82: {  	_ =	shalt  }
0x83: {  	_ =	shalt  }
0x84: {  	_ =	shalt  }
0x85: {  	_ =	shalt  }
0x86: {  	_ =	shalt  }
0x87: {  	_ =	shalt  }
.Lfunc_end0:
.L_simem_size_0:
called_computation.2_lowered:
.L_overlay_start_0:
0x88: {  	s2 =	sld [smem:$0x3FD9]  }
0x89: {  	s3 =	sld [smem:$0x3FFE];
	_ =	sdelay $0x1  }
0x8a: {  	s1 =	srdreg.scid  }
0x8b: {  	s0 =	sand.u32 $0x1, s1  }
0x8c: {  	s16 =	sshll.u32 s0, $0xA;
	s2 =	sadd.s32 s3, s2  }
0x8d: {  	s2 =	sadd.s32 s2, s16  }
0x8e: {  	[smem:$0x3FBD] =	sst s2  }
0x8f: {  	_ = 	snop  }
0x90: {  	(tm) =	ssettm $0x1  }
0x91: {  	s17 =	sld [smem:$0x3FFB];
	_ =	sdelay $0x3  }
0x92: {  	_ =	strace s17  }
0x93: {  	s2 =	sld [smem:$0x3FFC];
	_ =	sdelay $0x3  }
0x94: {  	_ =	strace s2  }
0x95: {  	s2 =	sld [smem:$0x3FFD];
	_ =	sdelay $0x3  }
0x96: {  	_ =	strace s2  }
0x97: {  	_ =	strace $0x8FFFFFFF  }
0x98: {  	s18 =	sld [smem:$0x3FDB];
	_ =	sdelay $0x1  }
0x99: {  	s19 =	simm.s32 $_scs_section_size  }
0x9a: {  	s4 =	simm.s32 $_size__tile_overlayer_lowered;
	s5 =	simm.s32 $_tile_overlayer_lowered  }
0x9b: {  	s22 =	simm.s32 $0x1BFF;
	s21 =	sshll.u32 s5, $0x1;
	s2 =	sadd.s32 s19, s18  }
0x9c: {  	s6 =	simm.s32 $0x0;
	s20 =	sshll.u32 s4, $0x1;
	s4 =	sadd.s32 s21, s2  }
0x9d: {  	[timem:s6], [sflag:s22] =	dma.local [hbm:s4], s20  }
0x9e: {  	_ =	swait.ge [sflag:s22], s20  }
0x9f: {  	s3 =	ssub.s32 $0x0, s20;
	[sflag:s22] =	ssyncset.done $0x0  }
0xa0: {  	[sflag:s22] =	ssyncadd.s32 s3;
	_ =	sdelay $0x1  }
0xa1: {  	s23 =	simm.s32 $0x1B8B  }
0xa2: {  	_ =	swait.ge [sflag:s23], $0x1  }
0xa3: {  	[sflag:s23] =	ssyncset.done $0x0  }
0xa4: {  	s25 =	simm.s32 $0x1B8E;
	s24 =	sld [smem:$0x3FFE];
	[sflag:s23] =	ssyncadd.s32 $0xFFFFFFFF  }
0xa5: {  	s26 =	simm.s32 $execute0_lowered;
	[smem:$0x3FD2] =	sst s25  }
0xa6: {  	s4 =	sshll.u32 s26, $0x1;
	_ =	strace $0x8000004C;
	[dreg:$0x1] =	wrdreg $0xFFFFFFFF  }
0xa7: {  	s28 =	simm.s32 $_size_execute0_lowered;
	s2 =	sadd.s32 s2, s4;
	[dreg:$0x0] =	wrdreg $0x0  }
0xa8: {  	s4 =	sshll.u32 s28, $0x1;
	[dreg:$0x2] =	wrdreg s2  }
0xa9: {  	[dreg:$0x3] =	wrdreg s4  }
0xaa: {  	[dreg:$0x4] =	wrdreg $0xC0  }
0xab: {  	_ =	task [dreg:s6], $0x5FFFF  }
0xac: {  	[dreg:$0x1] =	wrdreg $0xFFFFFFFF  }
0xad: {  	[dreg:$0x0] =	wrdreg $0x60  }
0xae: {  	[dreg:$0x2] =	wrdreg s24  }
0xaf: {  	[dreg:$0x3] =	wrdreg $0x98800  }
0xb0: {  	[dreg:$0x4] =	wrdreg $0x9  }
0xb1: {  	_ =	task.clear_ibuf [dreg:s6], $0x5FFFF;
	_ =	strace $0x9000004C  }
0xb2: {  	s29 =	simm.s32 $0x9;
	_ =	strace $0x8000004E  }
0xb3: {  	_ =	swait.ge [sflag:s29], $0x1  }
0xb4: {  	[sflag:s29] =	ssyncadd.s32 $0xFFFFFFFF  }
0xb5: {  	_ =	strace $0x9000004E  }
0xb6: {  	_ =	sfence  }
0xb7: {  	s30 =	sld [smem:$0x0];
	_ =	sdelay $0x2  }
0xb8: {  	s31 =	sshll.u32 s1, $0xD;
	s1 =	sshrl.u32 s1, $0x2  }
0xb9: {  	s3 =	sand.u32 $0x4000, s31;
	s1 =	sadd.s32 s1, s30  }
0xba: {  	s0 =	sor.u32 s3, s0;
	s1 =	sshll.u32 s1, $0x11  }
0xbb: {  	s0 =	sor.u32 s1, s0  }
0xbc: {  	s0 =	sadd.s32 $0x8F2B, s0  }
0xbd: {  	[sflag:s0] =	ssyncadd.remote.s32 $0x1  }
0xbe: {  	_ =	sfence.sel $0xFFFF  }
0xbf: {  	[dreg:$0x0] =	wrdreg $0xFFFFFFFF;
	(pc) =	sbr.abs _section_cstart, $3  }
0xc0: {  	[dreg:$0x1] =	wrdreg $0xFFFFFFFF  }
0xc1: {  	_ =	task.clear_ibuf [dreg:s6], $0x2FFFF;
	_ =	strace $0x9FFFFFFF  }
0xc2: {  	(tm) =	ssettm $0x7FFFFFFF  }
0xc3: {  	_ =	shalt  }
tec
execute0_lowered:
.L_overlay_start_1:
0x0: {  	(tag) =	ssettag $0x1  }
0x1: {  	s10 =	rddreg [dreg:$0x0]  }
0x2: {  	s2 =	rddreg [dreg:$0x1]  }
0x3: {  	s0 =	rddreg [dreg:$0x2];
	s3 =	simm.s32 $0x0;
	s4 =	srdreg.scid  }
0x4: {  	s1 =	stileid.u32;
	s16 =	simm.s32 $0x2780;
	s17 =	simm.s32 $0x4F00  }
0x5: {  	s18 =	simm.s32 $0x4F80;
	s19 =	simm.s32 $0x80;
	s20 =	simm.s32 $0x5080  }
0x6: {  	s21 =	simm.s32 $0x1;
	s22 =	simm.s32 $0x5000;
	s23 =	simm.s32 $0x0  }
0x7: {  	[smem:$0x7FF] =	sst s3;
	s11 =	sand.u32 $0x1, s4;
	s12 =	smul.u32 $0x16380, s1  }
0x8: {  	s4 =	sadd.s32 $0xB4E00, s10;
	s5 =	sadd.s32 $0x29C00, s10;
	s6 =	sadd.s32 $0x29600, s10  }
0x9: {  	s7 =	sadd.s32 $0x5BC00, s10;
	s8 =	sadd.s32 $0x51A00, s10;
	s9 =	smul.u32 $0x163800, s11  }
0xa: {  	s31 =	sshll.u32 s1, $0x6;
	_ =	strace $0x8000004D;
	s14 =	ssub.s32 $0x2, s11  }
0xb: {  	s11 =	sshll.u32 s11, $0x4;
	s30 =	sshrl.u32 s14, $0x1;
	s13 =	sadd.s32 s12, s9  }
0xc: {  	s11 =	sor.u32 s1, s11;
	s15 =	sadd.s32 s12, s2;
	s13 =	sshrl.u32 s13, $0x3  }
0xd: {  	s9 =	sadd.s32 $0x2EC00, s10;
	s14 =	ssub.s32 s14, s30;
	s13 =	sadd.s32 s13, s10  }
0xe: {  	s11 =	smul.u32 $0x2880, s11;
	s10 =	sor.u32 $0x1C02, s31;
	s12 =	sadd.s32 $0xE1600, s13  }
0xf: {  	s13 =	smax.u32 s14, $0x1;
	s14 =	sshrl.u32 s15, $0x3;
	s15 =	simm.s32 $0x2  }
.LBB2_1:
0x10: {  	[spmem:s14], [sflag:s10] =	dma.local [hbm:s9], $0x2C70  }
0x11: {  	_ =	swait.ge [sflag:s15], $0x2C70  }
0x12: {  	[sflag:s15] =	ssyncset.done $0x0  }
0x13: {  	[sflag:s15] =	ssyncadd.s32 $0xFFFFD390  }
0x14: {  	[tilespmem:s3], [sflag:$0x2] =	stream.linear.gather [hbm4b:s5+s3], $0x2780, $0x38;
	[tilespmem:$0x1FC00] =	vst v63  }
0x15: {  	_ =	swait.ge [sflag:s15], $0x2780  }
0x16: {  	[sflag:s15] =	ssyncset.done $0x0  }
0x17: {  	[sflag:s15] =	ssyncadd.s32 $0xFFFFD880  }
0x18: {  	[tilespmem:s16], [sflag:$0x2] =	stream.linear.gather [hbm4b:s6+s3], $0x2780, $0x38;
	[tilespmem:$0x1FC00] =	vst v63  }
0x19: {  	_ =	swait.ge [sflag:s15], $0x2780  }
0x1a: {  	[sflag:s15] =	ssyncset.done $0x0  }
0x1b: {  	[sflag:s15] =	ssyncadd.s32 $0xFFFFD880  }
0x1c: {  	s24 =	simm.s32 $0x0;
	[bflag:$0x0] =	sbarrier.arrive $0xFFFF  }
.LBB2_2:
0x1d: {  	s25 =	sshll.u32 s24, $0x7  }
0x1e: {  	s25 =	sadd.s32 s11, s25  }
0x1f: {  	s26 =	sshrl.u32 s25, $0x3  }
0x20: {  	s31 =	simm.s32 $0x0;
	s28 =	sadd.s32 s7, s26  }
0x21: {  	[tilespmem:s17], [sflag:$0x2] =	stream.linear.gather [hbm4b:s28+s31], $0x80, $0x38;
	[tilespmem:$0x1FC00] =	vst v63  }
0x22: {  	_ =	swait.ge [sflag:s15], $0x80  }
0x23: {  	[sflag:s15] =	ssyncset.done $0x0  }
0x24: {  	s26 =	sadd.s32 s8, s26;
	[sflag:s15] =	ssyncadd.s32 $0xFFFFFF80  }
0x25: {  	[tilespmem:s18], [sflag:$0x2] =	stream.linear.gather [hbm4b:s26+s31], $0x80, $0x38;
	[tilespmem:$0x1FC00] =	vst v63  }
0x26: {  	_ =	swait.ge [sflag:s15], $0x80  }
0x27: {  	[sflag:s15] =	ssyncset.done $0x0  }
0x28: {  	[sflag:s15] =	ssyncadd.s32 $0xFFFFFF80  }
0x29: {  	[tilespmem:s20], [sflag:$0x1] =	stream.indirect.gather [hbm4b:s4+s19], $0x90, s17, s19, $0xb8;
	[tilespmem:$0x1FC00] =	vst v63  }
0x2a: {  	v0 =	vld [tilespmem:$0x4F00]  }
0x2b: {  	v1 =	vld [tilespmem:$0x4F80];
	_ =	sdelay $0x6  }
0x2c: {  	v0 =	vld.idx.msk [tilespmem:v0+s31+$0x0], $0xffff  }
0x2d: {  	v1 =	vld.idx.msk [tilespmem:v1+s16+$0x0], $0xffff;
	_ =	sdelay $0x4  }
0x2e: {  	v0 =	vadd.f32 v1, v0;
	_ =	sdelay $0x1  }
0x2f: {  	v1 =	vmul.f32 $2.000000030e-01, v0  }
0x30: {  	vm0 =	vge.f32 v0, $0.0e+00  }
0x31: {  	v0 =	vsel vm0, v0, v1  }
0x32: {  	v0 =	vmul.f32 $1.442695020e+00, v0;
	_ =	sdelay $0x1  }
0x33: {  	(erf) = vpow2.f32 v0;
	_ =	sdelay $0x2  }
0x34: {  	v0 =	vld [tilespmem:$0x4F10]  }
0x35: {  	v1 =	vld [tilespmem:$0x4F90];
	_ =	sdelay $0x4  }
0x36: {  	v2 =	vpop (erf)  }
0x37: {  	[tilespmem:$0x5000] =	vst v2  }
0x38: {  	v0 =	vld.idx.msk [tilespmem:v0+s31+$0x0], $0xffff  }
0x39: {  	v1 =	vld.idx.msk [tilespmem:v1+s16+$0x0], $0xffff;
	_ =	sdelay $0x4  }
0x3a: {  	v0 =	vadd.f32 v1, v0;
	_ =	sdelay $0x1  }
0x3b: {  	v1 =	vmul.f32 $2.000000030e-01, v0  }
0x3c: {  	vm9 =	vge.f32 v0, $0.0e+00  }
0x3d: {  	v0 =	vsel vm9, v0, v1  }
0x3e: {  	v0 =	vmul.f32 $1.442695020e+00, v0;
	_ =	sdelay $0x1  }
0x3f: {  	(erf) = vpow2.f32 v0;
	_ =	sdelay $0x2  }
0x40: {  	v0 =	vld [tilespmem:$0x4F20]  }
0x41: {  	v1 =	vld [tilespmem:$0x4FA0];
	_ =	sdelay $0x4  }
0x42: {  	v2 =	vpop (erf)  }
0x43: {  	[tilespmem:$0x5010] =	vst v2  }
0x44: {  	v0 =	vld.idx.msk [tilespmem:v0+s31+$0x0], $0xffff  }
0x45: {  	v1 =	vld.idx.msk [tilespmem:v1+s16+$0x0], $0xffff;
	_ =	sdelay $0x4  }
0x46: {  	v0 =	vadd.f32 v1, v0;
	_ =	sdelay $0x1  }
0x47: {  	v1 =	vmul.f32 $2.000000030e-01, v0  }
0x48: {  	vm10 =	vge.f32 v0, $0.0e+00  }
0x49: {  	v0 =	vsel vm10, v0, v1  }
0x4a: {  	v0 =	vmul.f32 $1.442695020e+00, v0;
	_ =	sdelay $0x1  }
0x4b: {  	(erf) = vpow2.f32 v0;
	_ =	sdelay $0x2  }
0x4c: {  	v0 =	vld [tilespmem:$0x4F30]  }
0x4d: {  	v1 =	vld [tilespmem:$0x4FB0];
	_ =	sdelay $0x4  }
0x4e: {  	v2 =	vpop (erf)  }
0x4f: {  	[tilespmem:$0x5020] =	vst v2  }
0x50: {  	v0 =	vld.idx.msk [tilespmem:v0+s31+$0x0], $0xffff  }
0x51: {  	v1 =	vld.idx.msk [tilespmem:v1+s16+$0x0], $0xffff;
	_ =	sdelay $0x4  }
0x52: {  	v0 =	vadd.f32 v1, v0;
	_ =	sdelay $0x1  }
0x53: {  	v1 =	vmul.f32 $2.000000030e-01, v0  }
0x54: {  	vm11 =	vge.f32 v0, $0.0e+00  }
0x55: {  	v0 =	vsel vm11, v0, v1  }
0x56: {  	v0 =	vmul.f32 $1.442695020e+00, v0;
	_ =	sdelay $0x1  }
0x57: {  	(erf) = vpow2.f32 v0;
	_ =	sdelay $0x2  }
0x58: {  	v0 =	vld [tilespmem:$0x4F40]  }
0x59: {  	v1 =	vld [tilespmem:$0x4FC0];
	_ =	sdelay $0x4  }
0x5a: {  	v2 =	vpop (erf)  }
0x5b: {  	[tilespmem:$0x5030] =	vst v2  }
0x5c: {  	v0 =	vld.idx.msk [tilespmem:v0+s31+$0x0], $0xffff  }
0x5d: {  	v1 =	vld.idx.msk [tilespmem:v1+s16+$0x0], $0xffff;
	_ =	sdelay $0x4  }
0x5e: {  	v0 =	vadd.f32 v1, v0;
	_ =	sdelay $0x1  }
0x5f: {  	v1 =	vmul.f32 $2.000000030e-01, v0  }
0x60: {  	vm12 =	vge.f32 v0, $0.0e+00  }
0x61: {  	v0 =	vsel vm12, v0, v1  }
0x62: {  	v0 =	vmul.f32 $1.442695020e+00, v0;
	_ =	sdelay $0x1  }
0x63: {  	(erf) = vpow2.f32 v0;
	_ =	sdelay $0x2  }
0x64: {  	v0 =	vld [tilespmem:$0x4F50]  }
0x65: {  	v1 =	vld [tilespmem:$0x4FD0];
	_ =	sdelay $0x4  }
0x66: {  	v2 =	vpop (erf)  }
0x67: {  	[tilespmem:$0x5040] =	vst v2  }
0x68: {  	v0 =	vld.idx.msk [tilespmem:v0+s31+$0x0], $0xffff  }
0x69: {  	v1 =	vld.idx.msk [tilespmem:v1+s16+$0x0], $0xffff;
	_ =	sdelay $0x4  }
0x6a: {  	v0 =	vadd.f32 v1, v0;
	_ =	sdelay $0x1  }
0x6b: {  	v1 =	vmul.f32 $2.000000030e-01, v0  }
0x6c: {  	vm13 =	vge.f32 v0, $0.0e+00  }
0x6d: {  	v0 =	vsel vm13, v0, v1  }
0x6e: {  	v0 =	vmul.f32 $1.442695020e+00, v0;
	_ =	sdelay $0x1  }
0x6f: {  	(erf) = vpow2.f32 v0;
	_ =	sdelay $0x2  }
0x70: {  	v0 =	vld [tilespmem:$0x4F60]  }
0x71: {  	v1 =	vld [tilespmem:$0x4FE0];
	_ =	sdelay $0x4  }
0x72: {  	v2 =	vpop (erf)  }
0x73: {  	[tilespmem:$0x5050] =	vst v2  }
0x74: {  	v0 =	vld.idx.msk [tilespmem:v0+s31+$0x0], $0xffff  }
0x75: {  	v1 =	vld.idx.msk [tilespmem:v1+s16+$0x0], $0xffff;
	_ =	sdelay $0x4  }
0x76: {  	v0 =	vadd.f32 v1, v0;
	_ =	sdelay $0x1  }
0x77: {  	v1 =	vmul.f32 $2.000000030e-01, v0  }
0x78: {  	vm14 =	vge.f32 v0, $0.0e+00  }
0x79: {  	v0 =	vsel vm14, v0, v1  }
0x7a: {  	v0 =	vmul.f32 $1.442695020e+00, v0;
	_ =	sdelay $0x1  }
0x7b: {  	(erf) = vpow2.f32 v0;
	_ =	sdelay $0x2  }
0x7c: {  	v0 =	vld [tilespmem:$0x4F70]  }
0x7d: {  	v1 =	vld [tilespmem:$0x4FF0];
	_ =	sdelay $0x4  }
0x7e: {  	v2 =	vpop (erf)  }
0x7f: {  	[tilespmem:$0x5060] =	vst v2  }
0x80: {  	v0 =	vld.idx.msk [tilespmem:v0+s31+$0x0], $0xffff  }
0x81: {  	v1 =	vld.idx.msk [tilespmem:v1+s16+$0x0], $0xffff;
	_ =	sdelay $0x4  }
0x82: {  	v0 =	vadd.f32 v1, v0;
	_ =	sdelay $0x1  }
0x83: {  	v1 =	vmul.f32 $2.000000030e-01, v0  }
0x84: {  	vm15 =	vge.f32 v0, $0.0e+00  }
0x85: {  	v0 =	vsel vm15, v0, v1  }
0x86: {  	v0 =	vmul.f32 $1.442695020e+00, v0;
	_ =	sdelay $0x1  }
0x87: {  	(erf) = vpow2.f32 v0;
	_ =	sdelay $0x8  }
0x88: {  	v0 =	vpop (erf)  }
0x89: {  	[tilespmem:$0x5070] =	vst v0  }
0x8a: {  	_ =	swait.ge [sflag:s21], $0x4800  }
0x8b: {  	[sflag:s21] =	ssyncset.done $0x0  }
0x8c: {  	s25 =	simm.s32 $0x50C0;
	v0 =	vmov s31;
	[sflag:s21] =	ssyncadd.s32 $0xFFFFB800  }
0x8d: {  	v5 =	vld [tilespmem:s25+$0xFFFFFFC0]  }
0x8e: {  	v8 =	vld [tilespmem:s25+$0x30]  }
0x8f: {  	v6 =	vld [tilespmem:s25+$0x40]  }
0x90: {  	v10 =	vld [tilespmem:s25+$0xFFFFFFE0]  }
0x91: {  	v1 =	vld.idx.msk [tilespmem:v0+s22+$0x0], $0xffff  }
0x92: {  	v2 =	vld [tilespmem:s25+$0x20]  }
0x93: {  	v3 =	vld [tilespmem:s25+$0xFFFFFFD0]  }
0x94: {  	v4 =	vld [tilespmem:s25+$0x10]  }
0x95: {  	v0 =	vld [tilespmem:s25+$0xFFFFFFF0]  }
0x96: {  	v9 =	vmul.f32 v5, v1;
	v7 =	vmul.f32 v6, v1;
	v5 =	vld [tilespmem:s25+$0x0]  }
0x97: {  	s28 =	simm.s32 $0x50C0;
	s26 =	simm.s32 $0x1;
	v6 =	vmul.f32 v10, v1;
	v8 =	vmul.f32 v8, v1  }
.LBB2_3:
0x98: {  	p0 =	sne.s32 s26, $0x7F  }
0x99: {  	[tilespmem:s25+$0xFFFFFFC0] =	vst v9;
	v3 =	vmul.f32 v3, v1;
	v2 =	vmul.f32 v2, v1;
	s28 =	sadd.s32 $0x90, s28;
	s29 =	smov.u32 s26;
	s26 =	sadd.s32 $0x1, s26  }
0x9a: {  	v9 =	vmul.f32 v0, v1;
	v0 =	vmul.f32 v4, v1;
	[tilespmem:s25+$0x40] =	vst v7  }
0x9b: {  	v1 =	vmul.f32 v5, v1;
	[tilespmem:s25+$0x30] =	vst v8  }
0x9c: {  	[tilespmem:s25+$0xFFFFFFE0] =	vst v6  }
0x9d: {  	v4 =	vmov s29;
	[tilespmem:s25+$0x10] =	vst v0  }
0x9e: {  	v0 =	vld [tilespmem:s28+$0xFFFFFFF0];
	[tilespmem:s25+$0x0] =	vst v1  }
0x9f: {  	v6 =	vld [tilespmem:s28+$0xFFFFFFC0];
	[tilespmem:s25+$0xFFFFFFF0] =	vst v9  }
0xa0: {  	v8 =	vld [tilespmem:s28+$0x30];
	[tilespmem:s25+$0x20] =	vst v2  }
0xa1: {  	v7 =	vld [tilespmem:s28+$0x40];
	[tilespmem:s25+$0xFFFFFFD0] =	vst v3;
	s25 =	smov.u32 s28  }
0xa2: {  	v1 =	vld.idx.msk [tilespmem:v4+s22+$0x0], $0xffff  }
0xa3: {  	v10 =	vld [tilespmem:s28+$0xFFFFFFE0]  }
0xa4: {  	v2 =	vld [tilespmem:s28+$0x20]  }
.Ltmp0:
0xa5: {  	v3 =	vld [tilespmem:s28+$0xFFFFFFD0];
	(pc) =	sbr.rel @p0 .LBB2_3-.Ltmp0, $4  }
0xa6: {  	v4 =	vld [tilespmem:s28+$0x10]  }
0xa7: {  	v5 =	vld [tilespmem:s28+$0x0]  }
0xa8: {  	v9 =	vmul.f32 v6, v1;
	v7 =	vmul.f32 v7, v1  }
0xa9: {  	v8 =	vmul.f32 v8, v1;
	v6 =	vmul.f32 v10, v1  }
0xaa: {  	[tilespmem:s25+$0xFFFFFFC0] =	vst v9  }
0xab: {  	[tilespmem:s25+$0x40] =	vst v7  }
0xac: {  	v0 =	vmul.f32 v0, v1;
	[tilespmem:s25+$0x30] =	vst v8  }
0xad: {  	v2 =	vmul.f32 v2, v1;
	[tilespmem:s25+$0xFFFFFFE0] =	vst v6  }
0xae: {  	v63 =	vmul.f32 v3, v1;
	[tilespmem:s25+$0xFFFFFFF0] =	vst v0  }
0xaf: {  	v4 =	vmul.f32 v4, v1;
	[tilespmem:s25+$0x20] =	vst v2  }
0xb0: {  	s24 =	sadd.s32 $0x1, s24;
	v5 =	vmul.f32 v5, v1;
	[tilespmem:s25+$0xFFFFFFD0] =	vst v63  }
0xb1: {  	p0 =	sne.s32 s24, $0x51;
	[tilespmem:s25+$0x10] =	vst v4  }
.Ltmp1:
0xb2: {  	[tilespmem:s25+$0x0] =	vst v5;
	(pc) =	sbr.rel @p0 .LBB2_2-.Ltmp1, $4  }
0xb3: {  	[spmem:s2] =	stream.indirect.scatter.add.f32 [tilespmem:s20], [sflag:$0x2], $0x90, s18, s19, $0xb8;
	[tilespmem:$0x1FC00] =	vst v63  }
0xb4: {  	_ =	swait.ge [sflag:s15], $0x4800  }
0xb5: {  	[sflag:s15] =	ssyncset.done $0x0  }
0xb6: {  	[sflag:s15] =	ssyncadd.s32 $0xFFFFB800  }
0xb7: {  	s23 =	sadd.s32 $0x1, s23  }
0xb8: {  	p0 =	sne.s32 s23, s13  }
.Ltmp2:
0xb9: {  	[bflag:$0x0] =	sbarrier.arrive $0xFFFF;
	(pc) =	sbr.rel @p0 .LBB2_1-.Ltmp2, $4  }
0xba: {  	[hbm:s12], [sflag:s10] =	dma.local [spmem:s14], $0x2C70  }
0xbb: {  	_ =	swait.ge [sflag:s15], $0x2C70  }
0xbc: {  	[sflag:s15] =	ssyncset.done $0x0  }
0xbd: {  	[sflag:s15] =	ssyncadd.s32 $0xFFFFD390  }
0xbe: {  	_ =	sfence.sel $0x180000  }
0xbf: {  	[bflag:$0x0] =	sbarrier.arrive $0xFFFF  }
0xc0: {  	p0 =	sne.s32 s1, $0x0;
	_ =	strace $0x9000004D  }
0xc1: {  	s0 =	sadd.s32 @!p0 $0x100000, s0;
	[bflag:$0x2] =	sbarrier.arrive $0xFFFF  }
0xc2: {  	[sflag:s0] =	ssyncadd.tile.s32 @!p0 $0x1;
	_ =	shalt  }
.Lfunc_end2:
_tile_overlayer_lowered:
.L_overlay_start_2:
0xc3: {  	(tag) =	ssettag $0x2  }
0xc4: {  	s0 =	rddreg [dreg:$0x0];
	s2 =	stileid.u32  }
0xc5: {  	s1 =	rddreg [dreg:$0x1];
	p0 =	sne.s32 s2, $0x0  }
0xc6: {  	s3 =	rddreg [dreg:$0x2];
	[bflag:$0x3] =	sbarrier.arrive $0xFFFF;
	s2 =	simm.s32 @!p0 $0x1C02  }
0xc7: {  	[timem:s3], [sflag:s2] =	dma.local @!p0 [hbm:s0], s1  }
0xc8: {  	s0 =	simm.s32 @!p0 $0x2  }
0xc9: {  	_ =	swait.ge @!p0 [sflag:s0], s1  }
0xca: {  	s1 =	ssub.s32 @!p0 $0x0, s1;
	[sflag:s0] =	ssyncset.done @!p0 $0x0  }
0xcb: {  	[sflag:s0] =	ssyncadd.s32 @!p0 s1  }
0xcc: {  	[bflag:$0x3] =	sbarrier.arrive $0xFFFF  }
0xcd: {  	_ =	shalt  }

// kernel: kernel.38.cloned.1.call-start
scs
__scs_entry_jumppad:
0x0: {  	(pc) =	sbr.rel $0x88, $3  }
0x1: {  	(tag) =	ssettag $0x0;
	lr =	simm.s32 $0x1  }
0x2: {  	[smem:$0x3F96] =	sst lr;
	_ =	strace $0xD0000000  }
0x3: {  	_ = 	snop  }
0x4: {  	_ = 	snop  }
0x5: {  	_ = 	snop  }
0x6: {  	_ = 	snop  }
0x7: {  	_ = 	snop  }
__scs_overlays_trampoline_lowered:
0x8: {  	[smem:$0x3FA5] =	sst s0  }
0x9: {  	[smem:$0x3FA6] =	sst s1  }
0xa: {  	[smem:$0x3FA7] =	sst s2  }
0xb: {  	[smem:$0x3FA8] =	sst s3  }
0xc: {  	[smem:$0x3FA9] =	sst s4  }
0xd: {  	[smem:$0x3FAA] =	sst s5  }
0xe: {  	[smem:$0x3FAB] =	sst s6  }
0xf: {  	[smem:$0x3FAC] =	sst s7  }
0x10: {  	[smem:$0x3FAD] =	sst s8  }
0x11: {  	[smem:$0x3FAE] =	sst s9;
	s0 =	simm.s32 @!p0 $0x0  }
0x12: {  	s1 =	sld [smem:$0x3F94];
	s0 =	simm.s32 @p0 $0x1  }
0x13: {  	[smem:$0x3FAF] =	sst s0;
	s0 =	simm.s32 @!p1 $0x0  }
0x14: {  	s2 =	sld [smem:$0x3F93];
	s0 =	simm.s32 @p1 $0x1  }
0x15: {  	[smem:$0x3FB0] =	sst s0;
	s0 =	simm.s32 @!p2 $0x0  }
0x16: {  	s3 =	sld [smem:$0x3FDB];
	s0 =	simm.s32 @p2 $0x1  }
0x17: {  	s4 =	simm.s32 $0x1BF5;
	[smem:$0x3FB2] =	sst s0  }
0x18: {  	s0 =	sld [smem:$0x3F95];
	_ =	swait.ge [sflag:s4], $0x0  }
0x19: {  	s7 =	sld [smem:$0x3F96]  }
0x1a: {  	s8 =	sadd.s32 $0xFFFFE003, lr  }
0x1b: {  	s9 =	sadd.s32 $0xFFFFFEF7, lr;
	s5 =	simm.s32 $0xFFFFFFFF;
	p2 =	slt.u32 s8, $0xFFFFF086  }
0x1c: {  	p1 =	slt.u32 s9, $0xF7A;
	s5 =	simm.s32 @!p2 $0x0  }
0x1d: {  	s5 =	simm.s32 @p1 $0x1;
	p0 =	seq.s32 s7, s2  }
0x1e: {  	s7 =	smul.u32 @!p0 $0xF7A, s2;
	p2 =	seq.s32 @!p0 s5, $0x0  }
0x1f: {  	s9 =	smul.u32 $0xF7A, s1;
	s8 =	simm.s32 @!p0 $0x1BF5;
	p2 =	por !p2, p0  }
0x20: {  	[sflag:s8] =	ssyncset.s32 @!p0 $0xFFFFF086;
	s6 =	sadd.s32 @!p0 s3, s7;
	s7 =	simm.s32 @!p0 $0x108  }
0x21: {  	s3 =	sadd.s32 s3, s9;
	s6 =	sadd.s32 @!p0 $0x88, s6;
	s7 =	simm.s32 @p2 $0x1082  }
0x22: {  	[simem:s7], [sflag:s8] =	dma.local @!p0 [hbm:s6], $0xF7A  }
0x23: {  	s9 =	sor.u32 $0xD0000000, s2;
	s6 =	simm.s32 $0x108;
	_ =	swait.ge @!p0 [sflag:s8], $0x0  }
0x24: {  	s3 =	sadd.s32 $0x88, s3;
	s6 =	simm.s32 @!p1 $0x1082;
	[sflag:s4] =	ssyncset.s32 $0xFFFFF086  }
0x25: {  	[simem:s6], [sflag:s4] =	dma.local [hbm:s3], $0xF7A  }
0x26: {  	[smem:$0x3F96] =	sst s1;
	(tag) =	ssettag s2;
	_ =	strace s9  }
0x27: {  	s1 =	sld [smem:$0x3FA6]  }
0x28: {  	s2 =	sld [smem:$0x3FA7]  }
0x29: {  	s4 =	sld [smem:$0x3FA9]  }
0x2a: {  	p0 =	seq.s32 s5, $0x0;
	s5 =	sld [smem:$0x3FAA]  }
0x2b: {  	s6 =	sld [smem:$0x3FAB]  }
0x2c: {  	s7 =	sld [smem:$0x3FAC]  }
0x2d: {  	s3 =	simm.s32 $0x108;
	s8 =	sld [smem:$0x3FAD]  }
0x2e: {  	s3 =	simm.s32 @!p0 $0x1082;
	s9 =	sld [smem:$0x3FAE]  }
0x2f: {  	lr =	sadd.s32 s0, s3;
	s0 =	sld [smem:$0x3FA5]  }
0x30: {  	s3 =	sld [smem:$0x3FA8]  }
0x31: {  	[smem:$0x3FB1] =	sst s10  }
0x32: {  	s10 =	sld [smem:$0x3FAF];
	_ =	sdelay $0x3  }
0x33: {  	p0 =	seq.s32 s10, $0x1;
	s10 =	sld [smem:$0x3FB1];
	_ =	sdelay $0x3  }
0x34: {  	[smem:$0x3FB1] =	sst s10  }
0x35: {  	s10 =	sld [smem:$0x3FB0];
	_ =	sdelay $0x3  }
0x36: {  	p1 =	seq.s32 s10, $0x1;
	s10 =	sld [smem:$0x3FB1];
	_ =	sdelay $0x3  }
0x37: {  	[smem:$0x3FB1] =	sst s10  }
0x38: {  	s10 =	sld [smem:$0x3FB2]  }
0x39: {  	_ = 	snop;
	(pc) =	sbr.ind lr, $3  }
0x3a: {  	_ = 	snop  }
0x3b: {  	_ = 	snop  }
0x3c: {  	p2 =	seq.s32 s10, $0x1;
	s10 =	sld [smem:$0x3FB1]  }
0x3d: {  	_ =	shalt  }
0x3e: {  	_ =	shalt  }
0x3f: {  	_ =	shalt  }
0x40: {  	_ =	shalt  }
0x41: {  	_ =	shalt  }
0x42: {  	_ =	shalt  }
0x43: {  	_ =	shalt  }
0x44: {  	_ =	shalt  }
0x45: {  	_ =	shalt  }
0x46: {  	_ =	shalt  }
0x47: {  	_ =	shalt  }
0x48: {  	_ =	shalt  }
0x49: {  	_ =	shalt  }
0x4a: {  	_ =	shalt  }
0x4b: {  	_ =	shalt  }
0x4c: {  	_ =	shalt  }
0x4d: {  	_ =	shalt  }
0x4e: {  	_ =	shalt  }
0x4f: {  	_ =	shalt  }
0x50: {  	_ =	shalt  }
0x51: {  	_ =	shalt  }
0x52: {  	_ =	shalt  }
0x53: {  	_ =	shalt  }
0x54: {  	_ =	shalt  }
0x55: {  	_ =	shalt  }
0x56: {  	_ =	shalt  }
0x57: {  	_ =	shalt  }
0x58: {  	_ =	shalt  }
0x59: {  	_ =	shalt  }
0x5a: {  	_ =	shalt  }
0x5b: {  	_ =	shalt  }
0x5c: {  	_ =	shalt  }
0x5d: {  	_ =	shalt  }
0x5e: {  	_ =	shalt  }
0x5f: {  	_ =	shalt  }
0x60: {  	_ =	shalt  }
0x61: {  	_ =	shalt  }
0x62: {  	_ =	shalt  }
0x63: {  	_ =	shalt  }
0x64: {  	_ =	shalt  }
0x65: {  	_ =	shalt  }
0x66: {  	_ =	shalt  }
0x67: {  	_ =	shalt  }
0x68: {  	_ =	shalt  }
0x69: {  	_ =	shalt  }
0x6a: {  	_ =	shalt  }
0x6b: {  	_ =	shalt  }
0x6c: {  	_ =	shalt  }
0x6d: {  	_ =	shalt  }
0x6e: {  	_ =	shalt  }
0x6f: {  	_ =	shalt  }
0x70: {  	_ =	shalt  }
0x71: {  	_ =	shalt  }
0x72: {  	_ =	shalt  }
0x73: {  	_ =	shalt  }
0x74: {  	_ =	shalt  }
0x75: {  	_ =	shalt  }
0x76: {  	_ =	shalt  }
0x77: {  	_ =	shalt  }
0x78: {  	_ =	shalt  }
0x79: {  	_ =	shalt  }
0x7a: {  	_ =	shalt  }
0x7b: {  	_ =	shalt  }
0x7c: {  	_ =	shalt  }
0x7d: {  	_ =	shalt  }
0x7e: {  	_ =	shalt  }
0x7f: {  	_ =	shalt  }
0x80: {  	_ =	shalt  }
0x81: {  	_ =	shalt  }
0x82: {  	_ =	shalt  }
0x83: {  	_ =	shalt  }
0x84: {  	_ =	shalt  }
0x85: {  	_ =	shalt  }
0x86: {  	_ =	shalt  }
0x87: {  	_ =	shalt  }
.Lfunc_end0:
.L_simem_size_0:
called_computation.3_lowered:
.L_overlay_start_0:
0x88: {  	s2 =	sld [smem:$0x3FD9]  }
0x89: {  	s3 =	sld [smem:$0x3FFE];
	_ =	sdelay $0x1  }
0x8a: {  	s1 =	srdreg.scid  }
0x8b: {  	s0 =	sand.u32 $0x1, s1  }
0x8c: {  	s16 =	sshll.u32 s0, $0xA;
	s2 =	sadd.s32 s3, s2  }
0x8d: {  	s2 =	sadd.s32 s2, s16  }
0x8e: {  	[smem:$0x3FBD] =	sst s2  }
0x8f: {  	_ = 	snop  }
0x90: {  	(tm) =	ssettm $0x1  }
0x91: {  	s17 =	sld [smem:$0x3FFB];
	_ =	sdelay $0x3  }
0x92: {  	_ =	strace s17  }
0x93: {  	s2 =	sld [smem:$0x3FFC];
	_ =	sdelay $0x3  }
0x94: {  	_ =	strace s2  }
0x95: {  	s2 =	sld [smem:$0x3FFD];
	_ =	sdelay $0x3  }
0x96: {  	_ =	strace s2  }
0x97: {  	_ =	strace $0x8FFFFFFF  }
0x98: {  	s18 =	sld [smem:$0x3FDB];
	_ =	sdelay $0x1  }
0x99: {  	s19 =	simm.s32 $_scs_section_size  }
0x9a: {  	s4 =	simm.s32 $_size__tile_overlayer_lowered;
	s5 =	simm.s32 $_tile_overlayer_lowered  }
0x9b: {  	s22 =	simm.s32 $0x1BFF;
	s21 =	sshll.u32 s5, $0x1;
	s2 =	sadd.s32 s19, s18  }
0x9c: {  	s6 =	simm.s32 $0x0;
	s20 =	sshll.u32 s4, $0x1;
	s4 =	sadd.s32 s21, s2  }
0x9d: {  	[timem:s6], [sflag:s22] =	dma.local [hbm:s4], s20  }
0x9e: {  	_ =	swait.ge [sflag:s22], s20  }
0x9f: {  	s3 =	ssub.s32 $0x0, s20;
	[sflag:s22] =	ssyncset.done $0x0  }
0xa0: {  	[sflag:s22] =	ssyncadd.s32 s3;
	_ =	sdelay $0x1  }
0xa1: {  	s23 =	simm.s32 $0x1B8B  }
0xa2: {  	_ =	swait.ge [sflag:s23], $0x1  }
0xa3: {  	[sflag:s23] =	ssyncset.done $0x0  }
0xa4: {  	s25 =	simm.s32 $0x1B8E;
	s24 =	sld [smem:$0x3FFE];
	[sflag:s23] =	ssyncadd.s32 $0xFFFFFFFF  }
0xa5: {  	s26 =	simm.s32 $execute0_lowered;
	[smem:$0x3FD2] =	sst s25  }
0xa6: {  	s4 =	sshll.u32 s26, $0x1;
	_ =	strace $0x8000004F;
	[dreg:$0x1] =	wrdreg $0xFFFFFFFF  }
0xa7: {  	s28 =	simm.s32 $_size_execute0_lowered;
	s2 =	sadd.s32 s2, s4;
	[dreg:$0x0] =	wrdreg $0x0  }
0xa8: {  	s4 =	sshll.u32 s28, $0x1;
	[dreg:$0x2] =	wrdreg s2  }
0xa9: {  	[dreg:$0x3] =	wrdreg s4  }
0xaa: {  	[dreg:$0x4] =	wrdreg $0xC0  }
0xab: {  	_ =	task [dreg:s6], $0x5FFFF  }
0xac: {  	[dreg:$0x1] =	wrdreg $0xFFFFFFFF  }
0xad: {  	[dreg:$0x0] =	wrdreg $0x60  }
0xae: {  	[dreg:$0x2] =	wrdreg s24  }
0xaf: {  	[dreg:$0x3] =	wrdreg $0x98800  }
0xb0: {  	[dreg:$0x4] =	wrdreg $0x9  }
0xb1: {  	_ =	task.clear_ibuf [dreg:s6], $0x5FFFF;
	_ =	strace $0x9000004F  }
0xb2: {  	s29 =	simm.s32 $0x9;
	_ =	strace $0x80000051  }
0xb3: {  	_ =	swait.ge [sflag:s29], $0x1  }
0xb4: {  	[sflag:s29] =	ssyncadd.s32 $0xFFFFFFFF  }
0xb5: {  	_ =	strace $0x90000051  }
0xb6: {  	_ =	sfence  }
0xb7: {  	s30 =	sld [smem:$0x0];
	_ =	sdelay $0x2  }
0xb8: {  	s31 =	sshll.u32 s1, $0xD;
	s1 =	sshrl.u32 s1, $0x2  }
0xb9: {  	s3 =	sand.u32 $0x4000, s31;
	s1 =	sadd.s32 s1, s30  }
0xba: {  	s0 =	sor.u32 s3, s0;
	s1 =	sshll.u32 s1, $0x11  }
0xbb: {  	s0 =	sor.u32 s1, s0  }
0xbc: {  	s0 =	sadd.s32 $0x8F2B, s0  }
0xbd: {  	[sflag:s0] =	ssyncadd.remote.s32 $0x1  }
0xbe: {  	_ =	sfence.sel $0xFFFF  }
0xbf: {  	[dreg:$0x0] =	wrdreg $0xFFFFFFFF;
	(pc) =	sbr.abs _section_cstart, $3  }
0xc0: {  	[dreg:$0x1] =	wrdreg $0xFFFFFFFF  }
0xc1: {  	_ =	task.clear_ibuf [dreg:s6], $0x2FFFF;
	_ =	strace $0x9FFFFFFF  }
0xc2: {  	(tm) =	ssettm $0x7FFFFFFF  }
0xc3: {  	_ =	shalt  }
tec
execute0_lowered:
.L_overlay_start_1:
0x0: {  	(tag) =	ssettag $0x1  }
0x1: {  	s10 =	rddreg [dreg:$0x0]  }
0x2: {  	s2 =	rddreg [dreg:$0x1]  }
0x3: {  	s0 =	rddreg [dreg:$0x2];
	s3 =	simm.s32 $0x0;
	s4 =	srdreg.scid  }
0x4: {  	s1 =	stileid.u32;
	s16 =	simm.s32 $0x2780;
	s17 =	simm.s32 $0x4F00  }
0x5: {  	s18 =	simm.s32 $0x4F80;
	s19 =	simm.s32 $0x80;
	s20 =	simm.s32 $0x5080  }
0x6: {  	s21 =	simm.s32 $0x1;
	s22 =	simm.s32 $0x5000;
	s23 =	simm.s32 $0x0  }
0x7: {  	[smem:$0x7FF] =	sst s3;
	s11 =	sand.u32 $0x1, s4;
	s12 =	smul.u32 $0x16380, s1  }
0x8: {  	s4 =	sadd.s32 $0x103200, s10;
	s5 =	sadd.s32 $0x29C00, s10;
	s6 =	sadd.s32 $0x29600, s10  }
0x9: {  	s7 =	sadd.s32 $0x5BC00, s10;
	s8 =	sadd.s32 $0x51A00, s10;
	s9 =	smul.u32 $0x163800, s11  }
0xa: {  	s31 =	sshll.u32 s1, $0x6;
	_ =	strace $0x80000050;
	s14 =	ssub.s32 $0x2, s11  }
0xb: {  	s11 =	sshll.u32 s11, $0x4;
	s30 =	sshrl.u32 s14, $0x1;
	s13 =	sadd.s32 s12, s9  }
0xc: {  	s11 =	sor.u32 s1, s11;
	s15 =	sadd.s32 s12, s2;
	s13 =	sshrl.u32 s13, $0x3  }
0xd: {  	s9 =	sadd.s32 $0x2EC00, s10;
	s14 =	ssub.s32 s14, s30;
	s13 =	sadd.s32 s13, s10  }
0xe: {  	s11 =	smul.u32 $0x2880, s11;
	s10 =	sor.u32 $0x1C02, s31;
	s12 =	sadd.s32 $0x12FA00, s13  }
0xf: {  	s13 =	smax.u32 s14, $0x1;
	s14 =	sshrl.u32 s15, $0x3;
	s15 =	simm.s32 $0x2  }
.LBB2_1:
0x10: {  	[spmem:s14], [sflag:s10] =	dma.local [hbm:s9], $0x2C70  }
0x11: {  	_ =	swait.ge [sflag:s15], $0x2C70  }
0x12: {  	[sflag:s15] =	ssyncset.done $0x0  }
0x13: {  	[sflag:s15] =	ssyncadd.s32 $0xFFFFD390  }
0x14: {  	[tilespmem:s3], [sflag:$0x2] =	stream.linear.gather [hbm4b:s5+s3], $0x2780, $0x38;
	[tilespmem:$0x1FC00] =	vst v63  }
0x15: {  	_ =	swait.ge [sflag:s15], $0x2780  }
0x16: {  	[sflag:s15] =	ssyncset.done $0x0  }
0x17: {  	[sflag:s15] =	ssyncadd.s32 $0xFFFFD880  }
0x18: {  	[tilespmem:s16], [sflag:$0x2] =	stream.linear.gather [hbm4b:s6+s3], $0x2780, $0x38;
	[tilespmem:$0x1FC00] =	vst v63  }
0x19: {  	_ =	swait.ge [sflag:s15], $0x2780  }
0x1a: {  	[sflag:s15] =	ssyncset.done $0x0  }
0x1b: {  	[sflag:s15] =	ssyncadd.s32 $0xFFFFD880  }
0x1c: {  	s24 =	simm.s32 $0x0;
	[bflag:$0x0] =	sbarrier.arrive $0xFFFF  }
.LBB2_2:
0x1d: {  	s25 =	sshll.u32 s24, $0x7  }
0x1e: {  	s25 =	sadd.s32 s11, s25  }
0x1f: {  	s26 =	sshrl.u32 s25, $0x3  }
0x20: {  	s31 =	simm.s32 $0x0;
	s28 =	sadd.s32 s7, s26  }
0x21: {  	[tilespmem:s17], [sflag:$0x2] =	stream.linear.gather [hbm4b:s28+s31], $0x80, $0x38;
	[tilespmem:$0x1FC00] =	vst v63  }
0x22: {  	_ =	swait.ge [sflag:s15], $0x80  }
0x23: {  	[sflag:s15] =	ssyncset.done $0x0  }
0x24: {  	s26 =	sadd.s32 s8, s26;
	[sflag:s15] =	ssyncadd.s32 $0xFFFFFF80  }
0x25: {  	[tilespmem:s18], [sflag:$0x2] =	stream.linear.gather [hbm4b:s26+s31], $0x80, $0x38;
	[tilespmem:$0x1FC00] =	vst v63  }
0x26: {  	_ =	swait.ge [sflag:s15], $0x80  }
0x27: {  	[sflag:s15] =	ssyncset.done $0x0  }
0x28: {  	[sflag:s15] =	ssyncadd.s32 $0xFFFFFF80  }
0x29: {  	[tilespmem:s20], [sflag:$0x1] =	stream.indirect.gather [hbm4b:s4+s19], $0x90, s17, s19, $0xb8;
	[tilespmem:$0x1FC00] =	vst v63  }
0x2a: {  	v0 =	vld [tilespmem:$0x4F00]  }
0x2b: {  	v1 =	vld [tilespmem:$0x4F80];
	_ =	sdelay $0x6  }
0x2c: {  	v0 =	vld.idx.msk [tilespmem:v0+s31+$0x0], $0xffff  }
0x2d: {  	v1 =	vld.idx.msk [tilespmem:v1+s16+$0x0], $0xffff;
	_ =	sdelay $0x4  }
0x2e: {  	v0 =	vadd.f32 v1, v0;
	_ =	sdelay $0x1  }
0x2f: {  	v1 =	vmul.f32 $2.000000030e-01, v0  }
0x30: {  	vm0 =	vge.f32 v0, $0.0e+00  }
0x31: {  	v0 =	vsel vm0, v0, v1  }
0x32: {  	v0 =	vmul.f32 $1.442695020e+00, v0;
	_ =	sdelay $0x1  }
0x33: {  	(erf) = vpow2.f32 v0;
	_ =	sdelay $0x2  }
0x34: {  	v0 =	vld [tilespmem:$0x4F10]  }
0x35: {  	v1 =	vld [tilespmem:$0x4F90];
	_ =	sdelay $0x4  }
0x36: {  	v2 =	vpop (erf)  }
0x37: {  	[tilespmem:$0x5000] =	vst v2  }
0x38: {  	v0 =	vld.idx.msk [tilespmem:v0+s31+$0x0], $0xffff  }
0x39: {  	v1 =	vld.idx.msk [tilespmem:v1+s16+$0x0], $0xffff;
	_ =	sdelay $0x4  }
0x3a: {  	v0 =	vadd.f32 v1, v0;
	_ =	sdelay $0x1  }
0x3b: {  	v1 =	vmul.f32 $2.000000030e-01, v0  }
0x3c: {  	vm9 =	vge.f32 v0, $0.0e+00  }
0x3d: {  	v0 =	vsel vm9, v0, v1  }
0x3e: {  	v0 =	vmul.f32 $1.442695020e+00, v0;
	_ =	sdelay $0x1  }
0x3f: {  	(erf) = vpow2.f32 v0;
	_ =	sdelay $0x2  }
0x40: {  	v0 =	vld [tilespmem:$0x4F20]  }
0x41: {  	v1 =	vld [tilespmem:$0x4FA0];
	_ =	sdelay $0x4  }
0x42: {  	v2 =	vpop (erf)  }
0x43: {  	[tilespmem:$0x5010] =	vst v2  }
0x44: {  	v0 =	vld.idx.msk [tilespmem:v0+s31+$0x0], $0xffff  }
0x45: {  	v1 =	vld.idx.msk [tilespmem:v1+s16+$0x0], $0xffff;
	_ =	sdelay $0x4  }
0x46: {  	v0 =	vadd.f32 v1, v0;
	_ =	sdelay $0x1  }
0x47: {  	v1 =	vmul.f32 $2.000000030e-01, v0  }
0x48: {  	vm10 =	vge.f32 v0, $0.0e+00  }
0x49: {  	v0 =	vsel vm10, v0, v1  }
0x4a: {  	v0 =	vmul.f32 $1.442695020e+00, v0;
	_ =	sdelay $0x1  }
0x4b: {  	(erf) = vpow2.f32 v0;
	_ =	sdelay $0x2  }
0x4c: {  	v0 =	vld [tilespmem:$0x4F30]  }
0x4d: {  	v1 =	vld [tilespmem:$0x4FB0];
	_ =	sdelay $0x4  }
0x4e: {  	v2 =	vpop (erf)  }
0x4f: {  	[tilespmem:$0x5020] =	vst v2  }
0x50: {  	v0 =	vld.idx.msk [tilespmem:v0+s31+$0x0], $0xffff  }
0x51: {  	v1 =	vld.idx.msk [tilespmem:v1+s16+$0x0], $0xffff;
	_ =	sdelay $0x4  }
0x52: {  	v0 =	vadd.f32 v1, v0;
	_ =	sdelay $0x1  }
0x53: {  	v1 =	vmul.f32 $2.000000030e-01, v0  }
0x54: {  	vm11 =	vge.f32 v0, $0.0e+00  }
0x55: {  	v0 =	vsel vm11, v0, v1  }
0x56: {  	v0 =	vmul.f32 $1.442695020e+00, v0;
	_ =	sdelay $0x1  }
0x57: {  	(erf) = vpow2.f32 v0;
	_ =	sdelay $0x2  }
0x58: {  	v0 =	vld [tilespmem:$0x4F40]  }
0x59: {  	v1 =	vld [tilespmem:$0x4FC0];
	_ =	sdelay $0x4  }
0x5a: {  	v2 =	vpop (erf)  }
0x5b: {  	[tilespmem:$0x5030] =	vst v2  }
0x5c: {  	v0 =	vld.idx.msk [tilespmem:v0+s31+$0x0], $0xffff  }
0x5d: {  	v1 =	vld.idx.msk [tilespmem:v1+s16+$0x0], $0xffff;
	_ =	sdelay $0x4  }
0x5e: {  	v0 =	vadd.f32 v1, v0;
	_ =	sdelay $0x1  }
0x5f: {  	v1 =	vmul.f32 $2.000000030e-01, v0  }
0x60: {  	vm12 =	vge.f32 v0, $0.0e+00  }
0x61: {  	v0 =	vsel vm12, v0, v1  }
0x62: {  	v0 =	vmul.f32 $1.442695020e+00, v0;
	_ =	sdelay $0x1  }
0x63: {  	(erf) = vpow2.f32 v0;
	_ =	sdelay $0x2  }
0x64: {  	v0 =	vld [tilespmem:$0x4F50]  }
0x65: {  	v1 =	vld [tilespmem:$0x4FD0];
	_ =	sdelay $0x4  }
0x66: {  	v2 =	vpop (erf)  }
0x67: {  	[tilespmem:$0x5040] =	vst v2  }
0x68: {  	v0 =	vld.idx.msk [tilespmem:v0+s31+$0x0], $0xffff  }
0x69: {  	v1 =	vld.idx.msk [tilespmem:v1+s16+$0x0], $0xffff;
	_ =	sdelay $0x4  }
0x6a: {  	v0 =	vadd.f32 v1, v0;
	_ =	sdelay $0x1  }
0x6b: {  	v1 =	vmul.f32 $2.000000030e-01, v0  }
0x6c: {  	vm13 =	vge.f32 v0, $0.0e+00  }
0x6d: {  	v0 =	vsel vm13, v0, v1  }
0x6e: {  	v0 =	vmul.f32 $1.442695020e+00, v0;
	_ =	sdelay $0x1  }
0x6f: {  	(erf) = vpow2.f32 v0;
	_ =	sdelay $0x2  }
0x70: {  	v0 =	vld [tilespmem:$0x4F60]  }
0x71: {  	v1 =	vld [tilespmem:$0x4FE0];
	_ =	sdelay $0x4  }
0x72: {  	v2 =	vpop (erf)  }
0x73: {  	[tilespmem:$0x5050] =	vst v2  }
0x74: {  	v0 =	vld.idx.msk [tilespmem:v0+s31+$0x0], $0xffff  }
0x75: {  	v1 =	vld.idx.msk [tilespmem:v1+s16+$0x0], $0xffff;
	_ =	sdelay $0x4  }
0x76: {  	v0 =	vadd.f32 v1, v0;
	_ =	sdelay $0x1  }
0x77: {  	v1 =	vmul.f32 $2.000000030e-01, v0  }
0x78: {  	vm14 =	vge.f32 v0, $0.0e+00  }
0x79: {  	v0 =	vsel vm14, v0, v1  }
0x7a: {  	v0 =	vmul.f32 $1.442695020e+00, v0;
	_ =	sdelay $0x1  }
0x7b: {  	(erf) = vpow2.f32 v0;
	_ =	sdelay $0x2  }
0x7c: {  	v0 =	vld [tilespmem:$0x4F70]  }
0x7d: {  	v1 =	vld [tilespmem:$0x4FF0];
	_ =	sdelay $0x4  }
0x7e: {  	v2 =	vpop (erf)  }
0x7f: {  	[tilespmem:$0x5060] =	vst v2  }
0x80: {  	v0 =	vld.idx.msk [tilespmem:v0+s31+$0x0], $0xffff  }
0x81: {  	v1 =	vld.idx.msk [tilespmem:v1+s16+$0x0], $0xffff;
	_ =	sdelay $0x4  }
0x82: {  	v0 =	vadd.f32 v1, v0;
	_ =	sdelay $0x1  }
0x83: {  	v1 =	vmul.f32 $2.000000030e-01, v0  }
0x84: {  	vm15 =	vge.f32 v0, $0.0e+00  }
0x85: {  	v0 =	vsel vm15, v0, v1  }
0x86: {  	v0 =	vmul.f32 $1.442695020e+00, v0;
	_ =	sdelay $0x1  }
0x87: {  	(erf) = vpow2.f32 v0;
	_ =	sdelay $0x8  }
0x88: {  	v0 =	vpop (erf)  }
0x89: {  	[tilespmem:$0x5070] =	vst v0  }
0x8a: {  	_ =	swait.ge [sflag:s21], $0x4800  }
0x8b: {  	[sflag:s21] =	ssyncset.done $0x0  }
0x8c: {  	s25 =	simm.s32 $0x50C0;
	v0 =	vmov s31;
	[sflag:s21] =	ssyncadd.s32 $0xFFFFB800  }
0x8d: {  	v5 =	vld [tilespmem:s25+$0xFFFFFFC0]  }
0x8e: {  	v8 =	vld [tilespmem:s25+$0x30]  }
0x8f: {  	v6 =	vld [tilespmem:s25+$0x40]  }
0x90: {  	v10 =	vld [tilespmem:s25+$0xFFFFFFE0]  }
0x91: {  	v1 =	vld.idx.msk [tilespmem:v0+s22+$0x0], $0xffff  }
0x92: {  	v2 =	vld [tilespmem:s25+$0x20]  }
0x93: {  	v3 =	vld [tilespmem:s25+$0xFFFFFFD0]  }
0x94: {  	v4 =	vld [tilespmem:s25+$0x10]  }
0x95: {  	v0 =	vld [tilespmem:s25+$0xFFFFFFF0]  }
0x96: {  	v9 =	vmul.f32 v5, v1;
	v7 =	vmul.f32 v6, v1;
	v5 =	vld [tilespmem:s25+$0x0]  }
0x97: {  	s28 =	simm.s32 $0x50C0;
	s26 =	simm.s32 $0x1;
	v6 =	vmul.f32 v10, v1;
	v8 =	vmul.f32 v8, v1  }
.LBB2_3:
0x98: {  	p0 =	sne.s32 s26, $0x7F  }
0x99: {  	[tilespmem:s25+$0xFFFFFFC0] =	vst v9;
	v3 =	vmul.f32 v3, v1;
	v2 =	vmul.f32 v2, v1;
	s28 =	sadd.s32 $0x90, s28;
	s29 =	smov.u32 s26;
	s26 =	sadd.s32 $0x1, s26  }
0x9a: {  	v9 =	vmul.f32 v0, v1;
	v0 =	vmul.f32 v4, v1;
	[tilespmem:s25+$0x40] =	vst v7  }
0x9b: {  	v1 =	vmul.f32 v5, v1;
	[tilespmem:s25+$0x30] =	vst v8  }
0x9c: {  	[tilespmem:s25+$0xFFFFFFE0] =	vst v6  }
0x9d: {  	v4 =	vmov s29;
	[tilespmem:s25+$0x10] =	vst v0  }
0x9e: {  	v0 =	vld [tilespmem:s28+$0xFFFFFFF0];
	[tilespmem:s25+$0x0] =	vst v1  }
0x9f: {  	v6 =	vld [tilespmem:s28+$0xFFFFFFC0];
	[tilespmem:s25+$0xFFFFFFF0] =	vst v9  }
0xa0: {  	v8 =	vld [tilespmem:s28+$0x30];
	[tilespmem:s25+$0x20] =	vst v2  }
0xa1: {  	v7 =	vld [tilespmem:s28+$0x40];
	[tilespmem:s25+$0xFFFFFFD0] =	vst v3;
	s25 =	smov.u32 s28  }
0xa2: {  	v1 =	vld.idx.msk [tilespmem:v4+s22+$0x0], $0xffff  }
0xa3: {  	v10 =	vld [tilespmem:s28+$0xFFFFFFE0]  }
0xa4: {  	v2 =	vld [tilespmem:s28+$0x20]  }
.Ltmp0:
0xa5: {  	v3 =	vld [tilespmem:s28+$0xFFFFFFD0];
	(pc) =	sbr.rel @p0 .LBB2_3-.Ltmp0, $4  }
0xa6: {  	v4 =	vld [tilespmem:s28+$0x10]  }
0xa7: {  	v5 =	vld [tilespmem:s28+$0x0]  }
0xa8: {  	v9 =	vmul.f32 v6, v1;
	v7 =	vmul.f32 v7, v1  }
0xa9: {  	v8 =	vmul.f32 v8, v1;
	v6 =	vmul.f32 v10, v1  }
0xaa: {  	[tilespmem:s25+$0xFFFFFFC0] =	vst v9  }
0xab: {  	[tilespmem:s25+$0x40] =	vst v7  }
0xac: {  	v0 =	vmul.f32 v0, v1;
	[tilespmem:s25+$0x30] =	vst v8  }
0xad: {  	v2 =	vmul.f32 v2, v1;
	[tilespmem:s25+$0xFFFFFFE0] =	vst v6  }
0xae: {  	v63 =	vmul.f32 v3, v1;
	[tilespmem:s25+$0xFFFFFFF0] =	vst v0  }
0xaf: {  	v4 =	vmul.f32 v4, v1;
	[tilespmem:s25+$0x20] =	vst v2  }
0xb0: {  	s24 =	sadd.s32 $0x1, s24;
	v5 =	vmul.f32 v5, v1;
	[tilespmem:s25+$0xFFFFFFD0] =	vst v63  }
0xb1: {  	p0 =	sne.s32 s24, $0x51;
	[tilespmem:s25+$0x10] =	vst v4  }
.Ltmp1:
0xb2: {  	[tilespmem:s25+$0x0] =	vst v5;
	(pc) =	sbr.rel @p0 .LBB2_2-.Ltmp1, $4  }
0xb3: {  	[spmem:s2] =	stream.indirect.scatter.add.f32 [tilespmem:s20], [sflag:$0x2], $0x90, s18, s19, $0xb8;
	[tilespmem:$0x1FC00] =	vst v63  }
0xb4: {  	_ =	swait.ge [sflag:s15], $0x4800  }
0xb5: {  	[sflag:s15] =	ssyncset.done $0x0  }
0xb6: {  	[sflag:s15] =	ssyncadd.s32 $0xFFFFB800  }
0xb7: {  	s23 =	sadd.s32 $0x1, s23  }
0xb8: {  	p0 =	sne.s32 s23, s13  }
.Ltmp2:
0xb9: {  	[bflag:$0x0] =	sbarrier.arrive $0xFFFF;
	(pc) =	sbr.rel @p0 .LBB2_1-.Ltmp2, $4  }
0xba: {  	[hbm:s12], [sflag:s10] =	dma.local [spmem:s14], $0x2C70  }
0xbb: {  	_ =	swait.ge [sflag:s15], $0x2C70  }
0xbc: {  	[sflag:s15] =	ssyncset.done $0x0  }
0xbd: {  	[sflag:s15] =	ssyncadd.s32 $0xFFFFD390  }
0xbe: {  	_ =	sfence.sel $0x180000  }
0xbf: {  	[bflag:$0x0] =	sbarrier.arrive $0xFFFF  }
0xc0: {  	p0 =	sne.s32 s1, $0x0;
	_ =	strace $0x90000050  }
0xc1: {  	s0 =	sadd.s32 @!p0 $0x100000, s0;
	[bflag:$0x2] =	sbarrier.arrive $0xFFFF  }
0xc2: {  	[sflag:s0] =	ssyncadd.tile.s32 @!p0 $0x1;
	_ =	shalt  }
.Lfunc_end2:
_tile_overlayer_lowered:
.L_overlay_start_2:
0xc3: {  	(tag) =	ssettag $0x2  }
0xc4: {  	s0 =	rddreg [dreg:$0x0];
	s2 =	stileid.u32  }
0xc5: {  	s1 =	rddreg [dreg:$0x1];
	p0 =	sne.s32 s2, $0x0  }
0xc6: {  	s3 =	rddreg [dreg:$0x2];
	[bflag:$0x3] =	sbarrier.arrive $0xFFFF;
	s2 =	simm.s32 @!p0 $0x1C02  }
0xc7: {  	[timem:s3], [sflag:s2] =	dma.local @!p0 [hbm:s0], s1  }
0xc8: {  	s0 =	simm.s32 @!p0 $0x2  }
0xc9: {  	_ =	swait.ge @!p0 [sflag:s0], s1  }
0xca: {  	s1 =	ssub.s32 @!p0 $0x0, s1;
	[sflag:s0] =	ssyncset.done @!p0 $0x0  }
0xcb: {  	[sflag:s0] =	ssyncadd.s32 @!p0 s1  }
0xcc: {  	[bflag:$0x3] =	sbarrier.arrive $0xFFFF  }
0xcd: {  	_ =	shalt  }

// kernel: kernel.41.cloned.1.call-start
scs
__scs_entry_jumppad:
0x0: {  	(pc) =	sbr.rel $0x88, $3  }
0x1: {  	(tag) =	ssettag $0x0;
	lr =	simm.s32 $0x1  }
0x2: {  	[smem:$0x3F96] =	sst lr;
	_ =	strace $0xD0000000  }
0x3: {  	_ = 	snop  }
0x4: {  	_ = 	snop  }
0x5: {  	_ = 	snop  }
0x6: {  	_ = 	snop  }
0x7: {  	_ = 	snop  }
__scs_overlays_trampoline_lowered:
0x8: {  	[smem:$0x3FA5] =	sst s0  }
0x9: {  	[smem:$0x3FA6] =	sst s1  }
0xa: {  	[smem:$0x3FA7] =	sst s2  }
0xb: {  	[smem:$0x3FA8] =	sst s3  }
0xc: {  	[smem:$0x3FA9] =	sst s4  }
0xd: {  	[smem:$0x3FAA] =	sst s5  }
0xe: {  	[smem:$0x3FAB] =	sst s6  }
0xf: {  	[smem:$0x3FAC] =	sst s7  }
0x10: {  	[smem:$0x3FAD] =	sst s8  }
0x11: {  	[smem:$0x3FAE] =	sst s9;
	s0 =	simm.s32 @!p0 $0x0  }
0x12: {  	s1 =	sld [smem:$0x3F94];
	s0 =	simm.s32 @p0 $0x1  }
0x13: {  	[smem:$0x3FAF] =	sst s0;
	s0 =	simm.s32 @!p1 $0x0  }
0x14: {  	s2 =	sld [smem:$0x3F93];
	s0 =	simm.s32 @p1 $0x1  }
0x15: {  	[smem:$0x3FB0] =	sst s0;
	s0 =	simm.s32 @!p2 $0x0  }
0x16: {  	s3 =	sld [smem:$0x3FDB];
	s0 =	simm.s32 @p2 $0x1  }
0x17: {  	s4 =	simm.s32 $0x1BF5;
	[smem:$0x3FB2] =	sst s0  }
0x18: {  	s0 =	sld [smem:$0x3F95];
	_ =	swait.ge [sflag:s4], $0x0  }
0x19: {  	s7 =	sld [smem:$0x3F96]  }
0x1a: {  	s8 =	sadd.s32 $0xFFFFE003, lr  }
0x1b: {  	s9 =	sadd.s32 $0xFFFFFEF7, lr;
	s5 =	simm.s32 $0xFFFFFFFF;
	p2 =	slt.u32 s8, $0xFFFFF086  }
0x1c: {  	p1 =	slt.u32 s9, $0xF7A;
	s5 =	simm.s32 @!p2 $0x0  }
0x1d: {  	s5 =	simm.s32 @p1 $0x1;
	p0 =	seq.s32 s7, s2  }
0x1e: {  	s7 =	smul.u32 @!p0 $0xF7A, s2;
	p2 =	seq.s32 @!p0 s5, $0x0  }
0x1f: {  	s9 =	smul.u32 $0xF7A, s1;
	s8 =	simm.s32 @!p0 $0x1BF5;
	p2 =	por !p2, p0  }
0x20: {  	[sflag:s8] =	ssyncset.s32 @!p0 $0xFFFFF086;
	s6 =	sadd.s32 @!p0 s3, s7;
	s7 =	simm.s32 @!p0 $0x108  }
0x21: {  	s3 =	sadd.s32 s3, s9;
	s6 =	sadd.s32 @!p0 $0x88, s6;
	s7 =	simm.s32 @p2 $0x1082  }
0x22: {  	[simem:s7], [sflag:s8] =	dma.local @!p0 [hbm:s6], $0xF7A  }
0x23: {  	s9 =	sor.u32 $0xD0000000, s2;
	s6 =	simm.s32 $0x108;
	_ =	swait.ge @!p0 [sflag:s8], $0x0  }
0x24: {  	s3 =	sadd.s32 $0x88, s3;
	s6 =	simm.s32 @!p1 $0x1082;
	[sflag:s4] =	ssyncset.s32 $0xFFFFF086  }
0x25: {  	[simem:s6], [sflag:s4] =	dma.local [hbm:s3], $0xF7A  }
0x26: {  	[smem:$0x3F96] =	sst s1;
	(tag) =	ssettag s2;
	_ =	strace s9  }
0x27: {  	s1 =	sld [smem:$0x3FA6]  }
0x28: {  	s2 =	sld [smem:$0x3FA7]  }
0x29: {  	s4 =	sld [smem:$0x3FA9]  }
0x2a: {  	p0 =	seq.s32 s5, $0x0;
	s5 =	sld [smem:$0x3FAA]  }
0x2b: {  	s6 =	sld [smem:$0x3FAB]  }
0x2c: {  	s7 =	sld [smem:$0x3FAC]  }
0x2d: {  	s3 =	simm.s32 $0x108;
	s8 =	sld [smem:$0x3FAD]  }
0x2e: {  	s3 =	simm.s32 @!p0 $0x1082;
	s9 =	sld [smem:$0x3FAE]  }
0x2f: {  	lr =	sadd.s32 s0, s3;
	s0 =	sld [smem:$0x3FA5]  }
0x30: {  	s3 =	sld [smem:$0x3FA8]  }
0x31: {  	[smem:$0x3FB1] =	sst s10  }
0x32: {  	s10 =	sld [smem:$0x3FAF];
	_ =	sdelay $0x3  }
0x33: {  	p0 =	seq.s32 s10, $0x1;
	s10 =	sld [smem:$0x3FB1];
	_ =	sdelay $0x3  }
0x34: {  	[smem:$0x3FB1] =	sst s10  }
0x35: {  	s10 =	sld [smem:$0x3FB0];
	_ =	sdelay $0x3  }
0x36: {  	p1 =	seq.s32 s10, $0x1;
	s10 =	sld [smem:$0x3FB1];
	_ =	sdelay $0x3  }
0x37: {  	[smem:$0x3FB1] =	sst s10  }
0x38: {  	s10 =	sld [smem:$0x3FB2]  }
0x39: {  	_ = 	snop;
	(pc) =	sbr.ind lr, $3  }
0x3a: {  	_ = 	snop  }
0x3b: {  	_ = 	snop  }
0x3c: {  	p2 =	seq.s32 s10, $0x1;
	s10 =	sld [smem:$0x3FB1]  }
0x3d: {  	_ =	shalt  }
0x3e: {  	_ =	shalt  }
0x3f: {  	_ =	shalt  }
0x40: {  	_ =	shalt  }
0x41: {  	_ =	shalt  }
0x42: {  	_ =	shalt  }
0x43: {  	_ =	shalt  }
0x44: {  	_ =	shalt  }
0x45: {  	_ =	shalt  }
0x46: {  	_ =	shalt  }
0x47: {  	_ =	shalt  }
0x48: {  	_ =	shalt  }
0x49: {  	_ =	shalt  }
0x4a: {  	_ =	shalt  }
0x4b: {  	_ =	shalt  }
0x4c: {  	_ =	shalt  }
0x4d: {  	_ =	shalt  }
0x4e: {  	_ =	shalt  }
0x4f: {  	_ =	shalt  }
0x50: {  	_ =	shalt  }
0x51: {  	_ =	shalt  }
0x52: {  	_ =	shalt  }
0x53: {  	_ =	shalt  }
0x54: {  	_ =	shalt  }
0x55: {  	_ =	shalt  }
0x56: {  	_ =	shalt  }
0x57: {  	_ =	shalt  }
0x58: {  	_ =	shalt  }
0x59: {  	_ =	shalt  }
0x5a: {  	_ =	shalt  }
0x5b: {  	_ =	shalt  }
0x5c: {  	_ =	shalt  }
0x5d: {  	_ =	shalt  }
0x5e: {  	_ =	shalt  }
0x5f: {  	_ =	shalt  }
0x60: {  	_ =	shalt  }
0x61: {  	_ =	shalt  }
0x62: {  	_ =	shalt  }
0x63: {  	_ =	shalt  }
0x64: {  	_ =	shalt  }
0x65: {  	_ =	shalt  }
0x66: {  	_ =	shalt  }
0x67: {  	_ =	shalt  }
0x68: {  	_ =	shalt  }
0x69: {  	_ =	shalt  }
0x6a: {  	_ =	shalt  }
0x6b: {  	_ =	shalt  }
0x6c: {  	_ =	shalt  }
0x6d: {  	_ =	shalt  }
0x6e: {  	_ =	shalt  }
0x6f: {  	_ =	shalt  }
0x70: {  	_ =	shalt  }
0x71: {  	_ =	shalt  }
0x72: {  	_ =	shalt  }
0x73: {  	_ =	shalt  }
0x74: {  	_ =	shalt  }
0x75: {  	_ =	shalt  }
0x76: {  	_ =	shalt  }
0x77: {  	_ =	shalt  }
0x78: {  	_ =	shalt  }
0x79: {  	_ =	shalt  }
0x7a: {  	_ =	shalt  }
0x7b: {  	_ =	shalt  }
0x7c: {  	_ =	shalt  }
0x7d: {  	_ =	shalt  }
0x7e: {  	_ =	shalt  }
0x7f: {  	_ =	shalt  }
0x80: {  	_ =	shalt  }
0x81: {  	_ =	shalt  }
0x82: {  	_ =	shalt  }
0x83: {  	_ =	shalt  }
0x84: {  	_ =	shalt  }
0x85: {  	_ =	shalt  }
0x86: {  	_ =	shalt  }
0x87: {  	_ =	shalt  }
.Lfunc_end0:
.L_simem_size_0:
called_computation.4_lowered:
.L_overlay_start_0:
0x88: {  	s2 =	sld [smem:$0x3FD9]  }
0x89: {  	s3 =	sld [smem:$0x3FFE];
	_ =	sdelay $0x1  }
0x8a: {  	s1 =	srdreg.scid  }
0x8b: {  	s0 =	sand.u32 $0x1, s1  }
0x8c: {  	s17 =	sshll.u32 s0, $0xA;
	s2 =	sadd.s32 s3, s2  }
0x8d: {  	s2 =	sadd.s32 s2, s17  }
0x8e: {  	[smem:$0x3FBD] =	sst s2  }
0x8f: {  	_ = 	snop  }
0x90: {  	s2 =	sld [smem:$0x3FD0];
	(tm) =	ssettm $0x1  }
0x91: {  	s18 =	sld [smem:$0x3FFB];
	_ =	sdelay $0x3  }
0x92: {  	_ =	strace s18  }
0x93: {  	s3 =	sld [smem:$0x3FFC];
	_ =	sdelay $0x3  }
0x94: {  	_ =	strace s3  }
0x95: {  	s3 =	sld [smem:$0x3FFD];
	_ =	sdelay $0x3  }
0x96: {  	_ =	strace s3  }
0x97: {  	_ =	strace $0x8FFFFFFF  }
0x98: {  	s19 =	sld [smem:$0x3FDB];
	_ =	sdelay $0x1  }
0x99: {  	s4 =	simm.s32 $_scs_section_size  }
0x9a: {  	s5 =	simm.s32 $_size__tile_overlayer_lowered;
	s6 =	simm.s32 $_tile_overlayer_lowered  }
0x9b: {  	s22 =	simm.s32 $0x1BFF;
	s21 =	sshll.u32 s6, $0x1;
	s3 =	sadd.s32 s4, s19  }
0x9c: {  	s7 =	simm.s32 $0x0;
	s20 =	sshll.u32 s5, $0x1;
	s5 =	sadd.s32 s21, s3  }
0x9d: {  	[timem:s7], [sflag:s22] =	dma.local [hbm:s5], s20  }
0x9e: {  	_ =	swait.ge [sflag:s22], s20  }
0x9f: {  	s4 =	ssub.s32 $0x0, s20;
	[sflag:s22] =	ssyncset.done $0x0  }
0xa0: {  	[sflag:s22] =	ssyncadd.s32 s4;
	_ =	sdelay $0x1  }
0xa1: {  	s23 =	simm.s32 $0x1B8B  }
0xa2: {  	_ =	swait.ge [sflag:s23], $0x1  }
0xa3: {  	[sflag:s23] =	ssyncset.done $0x0  }
0xa4: {  	s25 =	simm.s32 $0x1B8E;
	s24 =	sld [smem:$0x3FFE];
	[sflag:s23] =	ssyncadd.s32 $0xFFFFFFFF  }
0xa5: {  	s26 =	simm.s32 $execute0_lowered;
	[smem:$0x3FD2] =	sst s25  }
0xa6: {  	s5 =	sshll.u32 s26, $0x1;
	_ =	strace $0x80000052;
	[dreg:$0x1] =	wrdreg $0xFFFFFFFF  }
0xa7: {  	s28 =	simm.s32 $_size_execute0_lowered;
	s3 =	sadd.s32 s3, s5;
	[dreg:$0x0] =	wrdreg $0x0  }
0xa8: {  	s5 =	sshll.u32 s28, $0x1;
	[dreg:$0x2] =	wrdreg s3  }
0xa9: {  	[dreg:$0x3] =	wrdreg s5  }
0xaa: {  	[dreg:$0x4] =	wrdreg $0xC0  }
0xab: {  	_ =	task [dreg:s7], $0x5FFFF  }
0xac: {  	[dreg:$0x1] =	wrdreg $0xFFFFFFFF  }
0xad: {  	[dreg:$0x0] =	wrdreg $0x60  }
0xae: {  	[dreg:$0x2] =	wrdreg s24  }
0xaf: {  	[dreg:$0x3] =	wrdreg s2  }
0xb0: {  	[dreg:$0x4] =	wrdreg $0x98800  }
0xb1: {  	[dreg:$0x5] =	wrdreg $0x9  }
0xb2: {  	_ =	task.clear_ibuf [dreg:s7], $0x6FFFF;
	_ =	strace $0x90000052  }
0xb3: {  	s29 =	simm.s32 $0x9;
	_ =	strace $0x80000054  }
0xb4: {  	_ =	swait.ge [sflag:s29], $0x1  }
0xb5: {  	[sflag:s29] =	ssyncadd.s32 $0xFFFFFFFF  }
0xb6: {  	_ =	strace $0x90000054  }
0xb7: {  	_ =	sfence  }
0xb8: {  	s30 =	sld [smem:$0x0];
	_ =	sdelay $0x2  }
0xb9: {  	s31 =	sshll.u32 s1, $0xD;
	s1 =	sshrl.u32 s1, $0x2  }
0xba: {  	s3 =	sand.u32 $0x4000, s31;
	s1 =	sadd.s32 s1, s30  }
0xbb: {  	s0 =	sor.u32 s3, s0;
	s1 =	sshll.u32 s1, $0x11  }
0xbc: {  	s0 =	sor.u32 s1, s0  }
0xbd: {  	s0 =	sadd.s32 $0x8F2B, s0  }
0xbe: {  	[sflag:s0] =	ssyncadd.remote.s32 $0x1  }
0xbf: {  	_ =	sfence.sel $0xFFFF  }
0xc0: {  	[dreg:$0x0] =	wrdreg $0xFFFFFFFF;
	(pc) =	sbr.abs _section_cstart, $3  }
0xc1: {  	[dreg:$0x1] =	wrdreg $0xFFFFFFFF  }
0xc2: {  	_ =	task.clear_ibuf [dreg:s7], $0x2FFFF;
	_ =	strace $0x9FFFFFFF  }
0xc3: {  	(tm) =	ssettm $0x7FFFFFFF  }
tec
execute0_lowered:
.L_overlay_start_1:
0x0: {  	(tag) =	ssettag $0x1  }
0x1: {  	s10 =	rddreg [dreg:$0x0]  }
0x2: {  	s2 =	rddreg [dreg:$0x1]  }
0x3: {  	s3 =	rddreg [dreg:$0x2]  }
0x4: {  	s0 =	rddreg [dreg:$0x3];
	s5 =	srdreg.scid  }
0x5: {  	s1 =	stileid.u32;
	s4 =	simm.s32 $0x0;
	s16 =	simm.s32 $0x2780  }
0x6: {  	s17 =	simm.s32 $0x4F00;
	s18 =	simm.s32 $0x4F80;
	s19 =	simm.s32 $0x80  }
0x7: {  	s20 =	simm.s32 $0x5080;
	s21 =	simm.s32 $0x1;
	s22 =	simm.s32 $0x5000  }
0x8: {  	s23 =	simm.s32 $0x0;
	s11 =	sand.u32 $0x1, s5;
	s12 =	smul.u32 $0x16380, s1  }
0x9: {  	[smem:$0x7FF] =	sst s4;
	s5 =	sadd.s32 $0x2400, s10;
	s6 =	sadd.s32 $0x31A00, s10  }
0xa: {  	s7 =	sadd.s32 $0x5BC00, s10;
	s8 =	sadd.s32 $0x51A00, s10;
	s9 =	smul.u32 $0x163800, s11  }
0xb: {  	s31 =	sshll.u32 s1, $0x6;
	_ =	strace $0x80000053;
	s14 =	ssub.s32 $0x2, s11  }
0xc: {  	s11 =	sshll.u32 s11, $0x4;
	s30 =	sshrl.u32 s14, $0x1;
	s13 =	sadd.s32 s12, s9  }
0xd: {  	s11 =	sor.u32 s1, s11;
	s15 =	sadd.s32 s12, s3;
	s13 =	sshrl.u32 s13, $0x3  }
0xe: {  	s9 =	sadd.s32 $0x2EC00, s10;
	s14 =	ssub.s32 s14, s30;
	s13 =	sadd.s32 s13, s10  }
0xf: {  	s11 =	smul.u32 $0x2880, s11;
	s10 =	sor.u32 $0x1C02, s31;
	s12 =	sadd.s32 $0x65E00, s13  }
0x10: {  	s13 =	smax.u32 s14, $0x1;
	s14 =	sshrl.u32 s15, $0x3;
	s15 =	simm.s32 $0x2  }
.LBB2_1:
0x11: {  	[spmem:s14], [sflag:s10] =	dma.local [hbm:s9], $0x2C70  }
0x12: {  	_ =	swait.ge [sflag:s15], $0x2C70  }
0x13: {  	[sflag:s15] =	ssyncset.done $0x0  }
0x14: {  	[sflag:s15] =	ssyncadd.s32 $0xFFFFD390  }
0x15: {  	[tilespmem:s4], [sflag:$0x2] =	stream.linear.gather [hbm4b:s6+s4], $0x2780, $0x38;
	[tilespmem:$0x1FC00] =	vst v63  }
0x16: {  	_ =	swait.ge [sflag:s15], $0x2780  }
0x17: {  	[sflag:s15] =	ssyncset.done $0x0  }
0x18: {  	[sflag:s15] =	ssyncadd.s32 $0xFFFFD880  }
0x19: {  	[tilespmem:s16], [sflag:$0x2] =	stream.linear.gather [hbm4b:s2+s4], $0x2780, $0x38;
	[tilespmem:$0x1FC00] =	vst v63  }
0x1a: {  	_ =	swait.ge [sflag:s15], $0x2780  }
0x1b: {  	[sflag:s15] =	ssyncset.done $0x0  }
0x1c: {  	[sflag:s15] =	ssyncadd.s32 $0xFFFFD880  }
0x1d: {  	s24 =	simm.s32 $0x0;
	[bflag:$0x0] =	sbarrier.arrive $0xFFFF  }
.LBB2_2:
0x1e: {  	s25 =	sshll.u32 s24, $0x7  }
0x1f: {  	s25 =	sadd.s32 s11, s25  }
0x20: {  	s26 =	sshrl.u32 s25, $0x3  }
0x21: {  	s31 =	simm.s32 $0x0;
	s28 =	sadd.s32 s7, s26  }
0x22: {  	[tilespmem:s17], [sflag:$0x2] =	stream.linear.gather [hbm4b:s28+s31], $0x80, $0x38;
	[tilespmem:$0x1FC00] =	vst v63  }
0x23: {  	_ =	swait.ge [sflag:s15], $0x80  }
0x24: {  	[sflag:s15] =	ssyncset.done $0x0  }
0x25: {  	s26 =	sadd.s32 s8, s26;
	[sflag:s15] =	ssyncadd.s32 $0xFFFFFF80  }
0x26: {  	[tilespmem:s18], [sflag:$0x2] =	stream.linear.gather [hbm4b:s26+s31], $0x80, $0x38;
	[tilespmem:$0x1FC00] =	vst v63  }
0x27: {  	_ =	swait.ge [sflag:s15], $0x80  }
0x28: {  	[sflag:s15] =	ssyncset.done $0x0  }
0x29: {  	[sflag:s15] =	ssyncadd.s32 $0xFFFFFF80  }
0x2a: {  	[tilespmem:s20], [sflag:$0x1] =	stream.indirect.gather [hbm4b:s5+s19], $0x90, s17, s19, $0xb8;
	[tilespmem:$0x1FC00] =	vst v63  }
0x2b: {  	v0 =	vld [tilespmem:$0x4F00]  }
0x2c: {  	v1 =	vld [tilespmem:$0x4F80];
	_ =	sdelay $0x6  }
0x2d: {  	v0 =	vld.idx.msk [tilespmem:v0+s31+$0x0], $0xffff  }
0x2e: {  	v1 =	vld.idx.msk [tilespmem:v1+s16+$0x0], $0xffff;
	_ =	sdelay $0x4  }
0x2f: {  	v0 =	vadd.f32 v1, v0;
	_ =	sdelay $0x1  }
0x30: {  	v1 =	vmul.f32 $2.000000030e-01, v0  }
0x31: {  	vm0 =	vge.f32 v0, $0.0e+00  }
0x32: {  	v0 =	vsel vm0, v0, v1  }
0x33: {  	v0 =	vmul.f32 $1.442695020e+00, v0;
	_ =	sdelay $0x1  }
0x34: {  	(erf) = vpow2.f32 v0;
	_ =	sdelay $0x2  }
0x35: {  	v0 =	vld [tilespmem:$0x4F10]  }
0x36: {  	v1 =	vld [tilespmem:$0x4F90];
	_ =	sdelay $0x4  }
0x37: {  	v2 =	vpop (erf)  }
0x38: {  	[tilespmem:$0x5000] =	vst v2  }
0x39: {  	v0 =	vld.idx.msk [tilespmem:v0+s31+$0x0], $0xffff  }
0x3a: {  	v1 =	vld.idx.msk [tilespmem:v1+s16+$0x0], $0xffff;
	_ =	sdelay $0x4  }
0x3b: {  	v0 =	vadd.f32 v1, v0;
	_ =	sdelay $0x1  }
0x3c: {  	v1 =	vmul.f32 $2.000000030e-01, v0  }
0x3d: {  	vm9 =	vge.f32 v0, $0.0e+00  }
0x3e: {  	v0 =	vsel vm9, v0, v1  }
0x3f: {  	v0 =	vmul.f32 $1.442695020e+00, v0;
	_ =	sdelay $0x1  }
0x40: {  	(erf) = vpow2.f32 v0;
	_ =	sdelay $0x2  }
0x41: {  	v0 =	vld [tilespmem:$0x4F20]  }
0x42: {  	v1 =	vld [tilespmem:$0x4FA0];
	_ =	sdelay $0x4  }
0x43: {  	v2 =	vpop (erf)  }
0x44: {  	[tilespmem:$0x5010] =	vst v2  }
0x45: {  	v0 =	vld.idx.msk [tilespmem:v0+s31+$0x0], $0xffff  }
0x46: {  	v1 =	vld.idx.msk [tilespmem:v1+s16+$0x0], $0xffff;
	_ =	sdelay $0x4  }
0x47: {  	v0 =	vadd.f32 v1, v0;
	_ =	sdelay $0x1  }
0x48: {  	v1 =	vmul.f32 $2.000000030e-01, v0  }
0x49: {  	vm10 =	vge.f32 v0, $0.0e+00  }
0x4a: {  	v0 =	vsel vm10, v0, v1  }
0x4b: {  	v0 =	vmul.f32 $1.442695020e+00, v0;
	_ =	sdelay $0x1  }
0x4c: {  	(erf) = vpow2.f32 v0;
	_ =	sdelay $0x2  }
0x4d: {  	v0 =	vld [tilespmem:$0x4F30]  }
0x4e: {  	v1 =	vld [tilespmem:$0x4FB0];
	_ =	sdelay $0x4  }
0x4f: {  	v2 =	vpop (erf)  }
0x50: {  	[tilespmem:$0x5020] =	vst v2  }
0x51: {  	v0 =	vld.idx.msk [tilespmem:v0+s31+$0x0], $0xffff  }
0x52: {  	v1 =	vld.idx.msk [tilespmem:v1+s16+$0x0], $0xffff;
	_ =	sdelay $0x4  }
0x53: {  	v0 =	vadd.f32 v1, v0;
	_ =	sdelay $0x1  }
0x54: {  	v1 =	vmul.f32 $2.000000030e-01, v0  }
0x55: {  	vm11 =	vge.f32 v0, $0.0e+00  }
0x56: {  	v0 =	vsel vm11, v0, v1  }
0x57: {  	v0 =	vmul.f32 $1.442695020e+00, v0;
	_ =	sdelay $0x1  }
0x58: {  	(erf) = vpow2.f32 v0;
	_ =	sdelay $0x2  }
0x59: {  	v0 =	vld [tilespmem:$0x4F40]  }
0x5a: {  	v1 =	vld [tilespmem:$0x4FC0];
	_ =	sdelay $0x4  }
0x5b: {  	v2 =	vpop (erf)  }
0x5c: {  	[tilespmem:$0x5030] =	vst v2  }
0x5d: {  	v0 =	vld.idx.msk [tilespmem:v0+s31+$0x0], $0xffff  }
0x5e: {  	v1 =	vld.idx.msk [tilespmem:v1+s16+$0x0], $0xffff;
	_ =	sdelay $0x4  }
0x5f: {  	v0 =	vadd.f32 v1, v0;
	_ =	sdelay $0x1  }
0x60: {  	v1 =	vmul.f32 $2.000000030e-01, v0  }
0x61: {  	vm12 =	vge.f32 v0, $0.0e+00  }
0x62: {  	v0 =	vsel vm12, v0, v1  }
0x63: {  	v0 =	vmul.f32 $1.442695020e+00, v0;
	_ =	sdelay $0x1  }
0x64: {  	(erf) = vpow2.f32 v0;
	_ =	sdelay $0x2  }
0x65: {  	v0 =	vld [tilespmem:$0x4F50]  }
0x66: {  	v1 =	vld [tilespmem:$0x4FD0];
	_ =	sdelay $0x4  }
0x67: {  	v2 =	vpop (erf)  }
0x68: {  	[tilespmem:$0x5040] =	vst v2  }
0x69: {  	v0 =	vld.idx.msk [tilespmem:v0+s31+$0x0], $0xffff  }
0x6a: {  	v1 =	vld.idx.msk [tilespmem:v1+s16+$0x0], $0xffff;
	_ =	sdelay $0x4  }
0x6b: {  	v0 =	vadd.f32 v1, v0;
	_ =	sdelay $0x1  }
0x6c: {  	v1 =	vmul.f32 $2.000000030e-01, v0  }
0x6d: {  	vm13 =	vge.f32 v0, $0.0e+00  }
0x6e: {  	v0 =	vsel vm13, v0, v1  }
0x6f: {  	v0 =	vmul.f32 $1.442695020e+00, v0;
	_ =	sdelay $0x1  }
0x70: {  	(erf) = vpow2.f32 v0;
	_ =	sdelay $0x2  }
0x71: {  	v0 =	vld [tilespmem:$0x4F60]  }
0x72: {  	v1 =	vld [tilespmem:$0x4FE0];
	_ =	sdelay $0x4  }
0x73: {  	v2 =	vpop (erf)  }
0x74: {  	[tilespmem:$0x5050] =	vst v2  }
0x75: {  	v0 =	vld.idx.msk [tilespmem:v0+s31+$0x0], $0xffff  }
0x76: {  	v1 =	vld.idx.msk [tilespmem:v1+s16+$0x0], $0xffff;
	_ =	sdelay $0x4  }
0x77: {  	v0 =	vadd.f32 v1, v0;
	_ =	sdelay $0x1  }
0x78: {  	v1 =	vmul.f32 $2.000000030e-01, v0  }
0x79: {  	vm14 =	vge.f32 v0, $0.0e+00  }
0x7a: {  	v0 =	vsel vm14, v0, v1  }
0x7b: {  	v0 =	vmul.f32 $1.442695020e+00, v0;
	_ =	sdelay $0x1  }
0x7c: {  	(erf) = vpow2.f32 v0;
	_ =	sdelay $0x2  }
0x7d: {  	v0 =	vld [tilespmem:$0x4F70]  }
0x7e: {  	v1 =	vld [tilespmem:$0x4FF0];
	_ =	sdelay $0x4  }
0x7f: {  	v2 =	vpop (erf)  }
0x80: {  	[tilespmem:$0x5060] =	vst v2  }
0x81: {  	v0 =	vld.idx.msk [tilespmem:v0+s31+$0x0], $0xffff  }
0x82: {  	v1 =	vld.idx.msk [tilespmem:v1+s16+$0x0], $0xffff;
	_ =	sdelay $0x4  }
0x83: {  	v0 =	vadd.f32 v1, v0;
	_ =	sdelay $0x1  }
0x84: {  	v1 =	vmul.f32 $2.000000030e-01, v0  }
0x85: {  	vm15 =	vge.f32 v0, $0.0e+00  }
0x86: {  	v0 =	vsel vm15, v0, v1  }
0x87: {  	v0 =	vmul.f32 $1.442695020e+00, v0;
	_ =	sdelay $0x1  }
0x88: {  	(erf) = vpow2.f32 v0;
	_ =	sdelay $0x8  }
0x89: {  	v0 =	vpop (erf)  }
0x8a: {  	[tilespmem:$0x5070] =	vst v0  }
0x8b: {  	_ =	swait.ge [sflag:s21], $0x4800  }
0x8c: {  	[sflag:s21] =	ssyncset.done $0x0  }
0x8d: {  	s25 =	simm.s32 $0x50C0;
	v0 =	vmov s31;
	[sflag:s21] =	ssyncadd.s32 $0xFFFFB800  }
0x8e: {  	v5 =	vld [tilespmem:s25+$0xFFFFFFC0]  }
0x8f: {  	v8 =	vld [tilespmem:s25+$0x30]  }
0x90: {  	v6 =	vld [tilespmem:s25+$0x40]  }
0x91: {  	v10 =	vld [tilespmem:s25+$0xFFFFFFE0]  }
0x92: {  	v1 =	vld.idx.msk [tilespmem:v0+s22+$0x0], $0xffff  }
0x93: {  	v2 =	vld [tilespmem:s25+$0x20]  }
0x94: {  	v3 =	vld [tilespmem:s25+$0xFFFFFFD0]  }
0x95: {  	v4 =	vld [tilespmem:s25+$0x10]  }
0x96: {  	v0 =	vld [tilespmem:s25+$0xFFFFFFF0]  }
0x97: {  	v9 =	vmul.f32 v5, v1;
	v7 =	vmul.f32 v6, v1;
	v5 =	vld [tilespmem:s25+$0x0]  }
0x98: {  	s28 =	simm.s32 $0x50C0;
	s26 =	simm.s32 $0x1;
	v6 =	vmul.f32 v10, v1;
	v8 =	vmul.f32 v8, v1  }
.LBB2_3:
0x99: {  	p0 =	sne.s32 s26, $0x7F  }
0x9a: {  	[tilespmem:s25+$0xFFFFFFC0] =	vst v9;
	v3 =	vmul.f32 v3, v1;
	v2 =	vmul.f32 v2, v1;
	s28 =	sadd.s32 $0x90, s28;
	s29 =	smov.u32 s26;
	s26 =	sadd.s32 $0x1, s26  }
0x9b: {  	v9 =	vmul.f32 v0, v1;
	v0 =	vmul.f32 v4, v1;
	[tilespmem:s25+$0x40] =	vst v7  }
0x9c: {  	v1 =	vmul.f32 v5, v1;
	[tilespmem:s25+$0x30] =	vst v8  }
0x9d: {  	[tilespmem:s25+$0xFFFFFFE0] =	vst v6  }
0x9e: {  	v4 =	vmov s29;
	[tilespmem:s25+$0x10] =	vst v0  }
0x9f: {  	v0 =	vld [tilespmem:s28+$0xFFFFFFF0];
	[tilespmem:s25+$0x0] =	vst v1  }
0xa0: {  	v6 =	vld [tilespmem:s28+$0xFFFFFFC0];
	[tilespmem:s25+$0xFFFFFFF0] =	vst v9  }
0xa1: {  	v8 =	vld [tilespmem:s28+$0x30];
	[tilespmem:s25+$0x20] =	vst v2  }
0xa2: {  	v7 =	vld [tilespmem:s28+$0x40];
	[tilespmem:s25+$0xFFFFFFD0] =	vst v3;
	s25 =	smov.u32 s28  }
0xa3: {  	v1 =	vld.idx.msk [tilespmem:v4+s22+$0x0], $0xffff  }
0xa4: {  	v10 =	vld [tilespmem:s28+$0xFFFFFFE0]  }
0xa5: {  	v2 =	vld [tilespmem:s28+$0x20]  }
.Ltmp0:
0xa6: {  	v3 =	vld [tilespmem:s28+$0xFFFFFFD0];
	(pc) =	sbr.rel @p0 .LBB2_3-.Ltmp0, $4  }
0xa7: {  	v4 =	vld [tilespmem:s28+$0x10]  }
0xa8: {  	v5 =	vld [tilespmem:s28+$0x0]  }
0xa9: {  	v9 =	vmul.f32 v6, v1;
	v7 =	vmul.f32 v7, v1  }
0xaa: {  	v8 =	vmul.f32 v8, v1;
	v6 =	vmul.f32 v10, v1  }
0xab: {  	[tilespmem:s25+$0xFFFFFFC0] =	vst v9  }
0xac: {  	[tilespmem:s25+$0x40] =	vst v7  }
0xad: {  	v0 =	vmul.f32 v0, v1;
	[tilespmem:s25+$0x30] =	vst v8  }
0xae: {  	v2 =	vmul.f32 v2, v1;
	[tilespmem:s25+$0xFFFFFFE0] =	vst v6  }
0xaf: {  	v63 =	vmul.f32 v3, v1;
	[tilespmem:s25+$0xFFFFFFF0] =	vst v0  }
0xb0: {  	v4 =	vmul.f32 v4, v1;
	[tilespmem:s25+$0x20] =	vst v2  }
0xb1: {  	s24 =	sadd.s32 $0x1, s24;
	v5 =	vmul.f32 v5, v1;
	[tilespmem:s25+$0xFFFFFFD0] =	vst v63  }
0xb2: {  	p0 =	sne.s32 s24, $0x51;
	[tilespmem:s25+$0x10] =	vst v4  }
.Ltmp1:
0xb3: {  	[tilespmem:s25+$0x0] =	vst v5;
	(pc) =	sbr.rel @p0 .LBB2_2-.Ltmp1, $4  }
0xb4: {  	[spmem:s3] =	stream.indirect.scatter.add.f32 [tilespmem:s20], [sflag:$0x2], $0x90, s18, s19, $0xb8;
	[tilespmem:$0x1FC00] =	vst v63  }
0xb5: {  	_ =	swait.ge [sflag:s15], $0x4800  }
0xb6: {  	[sflag:s15] =	ssyncset.done $0x0  }
0xb7: {  	[sflag:s15] =	ssyncadd.s32 $0xFFFFB800  }
0xb8: {  	s23 =	sadd.s32 $0x1, s23  }
0xb9: {  	p0 =	sne.s32 s23, s13  }
.Ltmp2:
0xba: {  	[bflag:$0x0] =	sbarrier.arrive $0xFFFF;
	(pc) =	sbr.rel @p0 .LBB2_1-.Ltmp2, $4  }
0xbb: {  	[hbm:s12], [sflag:s10] =	dma.local [spmem:s14], $0x2C70  }
0xbc: {  	_ =	swait.ge [sflag:s15], $0x2C70  }
0xbd: {  	[sflag:s15] =	ssyncset.done $0x0  }
0xbe: {  	[sflag:s15] =	ssyncadd.s32 $0xFFFFD390  }
0xbf: {  	_ =	sfence.sel $0x180000  }
0xc0: {  	[bflag:$0x0] =	sbarrier.arrive $0xFFFF  }
0xc1: {  	p0 =	sne.s32 s1, $0x0;
	_ =	strace $0x90000053  }
0xc2: {  	s0 =	sadd.s32 @!p0 $0x100000, s0;
	[bflag:$0x2] =	sbarrier.arrive $0xFFFF  }
0xc3: {  	[sflag:s0] =	ssyncadd.tile.s32 @!p0 $0x1;
	_ =	shalt  }
.Lfunc_end2:
_tile_overlayer_lowered:
.L_overlay_start_2:
0xc4: {  	(tag) =	ssettag $0x2  }
0xc5: {  	s0 =	rddreg [dreg:$0x0];
	s2 =	stileid.u32  }
0xc6: {  	s1 =	rddreg [dreg:$0x1];
	p0 =	sne.s32 s2, $0x0  }
0xc7: {  	s3 =	rddreg [dreg:$0x2];
	[bflag:$0x3] =	sbarrier.arrive $0xFFFF;
	s2 =	simm.s32 @!p0 $0x1C02  }
0xc8: {  	[timem:s3], [sflag:s2] =	dma.local @!p0 [hbm:s0], s1  }
0xc9: {  	s0 =	simm.s32 @!p0 $0x2  }
0xca: {  	_ =	swait.ge @!p0 [sflag:s0], s1  }
0xcb: {  	s1 =	ssub.s32 @!p0 $0x0, s1;
	[sflag:s0] =	ssyncset.done @!p0 $0x0  }
0xcc: {  	[sflag:s0] =	ssyncadd.s32 @!p0 s1  }
0xcd: {  	[bflag:$0x3] =	sbarrier.arrive $0xFFFF  }
0xce: {  	_ =	shalt  }

// kernel: kernel.44.cloned.1.call-start
scs
__scs_entry_jumppad:
0x0: {  	(pc) =	sbr.rel $0x88, $3  }
0x1: {  	(tag) =	ssettag $0x0;
	lr =	simm.s32 $0x1  }
0x2: {  	[smem:$0x3F96] =	sst lr;
	_ =	strace $0xD0000000  }
0x3: {  	_ = 	snop  }
0x4: {  	_ = 	snop  }
0x5: {  	_ = 	snop  }
0x6: {  	_ = 	snop  }
0x7: {  	_ = 	snop  }
__scs_overlays_trampoline_lowered:
0x8: {  	[smem:$0x3FA5] =	sst s0  }
0x9: {  	[smem:$0x3FA6] =	sst s1  }
0xa: {  	[smem:$0x3FA7] =	sst s2  }
0xb: {  	[smem:$0x3FA8] =	sst s3  }
0xc: {  	[smem:$0x3FA9] =	sst s4  }
0xd: {  	[smem:$0x3FAA] =	sst s5  }
0xe: {  	[smem:$0x3FAB] =	sst s6  }
0xf: {  	[smem:$0x3FAC] =	sst s7  }
0x10: {  	[smem:$0x3FAD] =	sst s8  }
0x11: {  	[smem:$0x3FAE] =	sst s9;
	s0 =	simm.s32 @!p0 $0x0  }
0x12: {  	s1 =	sld [smem:$0x3F94];
	s0 =	simm.s32 @p0 $0x1  }
0x13: {  	[smem:$0x3FAF] =	sst s0;
	s0 =	simm.s32 @!p1 $0x0  }
0x14: {  	s2 =	sld [smem:$0x3F93];
	s0 =	simm.s32 @p1 $0x1  }
0x15: {  	[smem:$0x3FB0] =	sst s0;
	s0 =	simm.s32 @!p2 $0x0  }
0x16: {  	s3 =	sld [smem:$0x3FDB];
	s0 =	simm.s32 @p2 $0x1  }
0x17: {  	s4 =	simm.s32 $0x1BF5;
	[smem:$0x3FB2] =	sst s0  }
0x18: {  	s0 =	sld [smem:$0x3F95];
	_ =	swait.ge [sflag:s4], $0x0  }
0x19: {  	s7 =	sld [smem:$0x3F96]  }
0x1a: {  	s8 =	sadd.s32 $0xFFFFE003, lr  }
0x1b: {  	s9 =	sadd.s32 $0xFFFFFEF7, lr;
	s5 =	simm.s32 $0xFFFFFFFF;
	p2 =	slt.u32 s8, $0xFFFFF086  }
0x1c: {  	p1 =	slt.u32 s9, $0xF7A;
	s5 =	simm.s32 @!p2 $0x0  }
0x1d: {  	s5 =	simm.s32 @p1 $0x1;
	p0 =	seq.s32 s7, s2  }
0x1e: {  	s7 =	smul.u32 @!p0 $0xF7A, s2;
	p2 =	seq.s32 @!p0 s5, $0x0  }
0x1f: {  	s9 =	smul.u32 $0xF7A, s1;
	s8 =	simm.s32 @!p0 $0x1BF5;
	p2 =	por !p2, p0  }
0x20: {  	[sflag:s8] =	ssyncset.s32 @!p0 $0xFFFFF086;
	s6 =	sadd.s32 @!p0 s3, s7;
	s7 =	simm.s32 @!p0 $0x108  }
0x21: {  	s3 =	sadd.s32 s3, s9;
	s6 =	sadd.s32 @!p0 $0x88, s6;
	s7 =	simm.s32 @p2 $0x1082  }
0x22: {  	[simem:s7], [sflag:s8] =	dma.local @!p0 [hbm:s6], $0xF7A  }
0x23: {  	s9 =	sor.u32 $0xD0000000, s2;
	s6 =	simm.s32 $0x108;
	_ =	swait.ge @!p0 [sflag:s8], $0x0  }
0x24: {  	s3 =	sadd.s32 $0x88, s3;
	s6 =	simm.s32 @!p1 $0x1082;
	[sflag:s4] =	ssyncset.s32 $0xFFFFF086  }
0x25: {  	[simem:s6], [sflag:s4] =	dma.local [hbm:s3], $0xF7A  }
0x26: {  	[smem:$0x3F96] =	sst s1;
	(tag) =	ssettag s2;
	_ =	strace s9  }
0x27: {  	s1 =	sld [smem:$0x3FA6]  }
0x28: {  	s2 =	sld [smem:$0x3FA7]  }
0x29: {  	s4 =	sld [smem:$0x3FA9]  }
0x2a: {  	p0 =	seq.s32 s5, $0x0;
	s5 =	sld [smem:$0x3FAA]  }
0x2b: {  	s6 =	sld [smem:$0x3FAB]  }
0x2c: {  	s7 =	sld [smem:$0x3FAC]  }
0x2d: {  	s3 =	simm.s32 $0x108;
	s8 =	sld [smem:$0x3FAD]  }
0x2e: {  	s3 =	simm.s32 @!p0 $0x1082;
	s9 =	sld [smem:$0x3FAE]  }
0x2f: {  	lr =	sadd.s32 s0, s3;
	s0 =	sld [smem:$0x3FA5]  }
0x30: {  	s3 =	sld [smem:$0x3FA8]  }
0x31: {  	[smem:$0x3FB1] =	sst s10  }
0x32: {  	s10 =	sld [smem:$0x3FAF];
	_ =	sdelay $0x3  }
0x33: {  	p0 =	seq.s32 s10, $0x1;
	s10 =	sld [smem:$0x3FB1];
	_ =	sdelay $0x3  }
0x34: {  	[smem:$0x3FB1] =	sst s10  }
0x35: {  	s10 =	sld [smem:$0x3FB0];
	_ =	sdelay $0x3  }
0x36: {  	p1 =	seq.s32 s10, $0x1;
	s10 =	sld [smem:$0x3FB1];
	_ =	sdelay $0x3  }
0x37: {  	[smem:$0x3FB1] =	sst s10  }
0x38: {  	s10 =	sld [smem:$0x3FB2]  }
0x39: {  	_ = 	snop;
	(pc) =	sbr.ind lr, $3  }
0x3a: {  	_ = 	snop  }
0x3b: {  	_ = 	snop  }
0x3c: {  	p2 =	seq.s32 s10, $0x1;
	s10 =	sld [smem:$0x3FB1]  }
0x3d: {  	_ =	shalt  }
0x3e: {  	_ =	shalt  }
0x3f: {  	_ =	shalt  }
0x40: {  	_ =	shalt  }
0x41: {  	_ =	shalt  }
0x42: {  	_ =	shalt  }
0x43: {  	_ =	shalt  }
0x44: {  	_ =	shalt  }
0x45: {  	_ =	shalt  }
0x46: {  	_ =	shalt  }
0x47: {  	_ =	shalt  }
0x48: {  	_ =	shalt  }
0x49: {  	_ =	shalt  }
0x4a: {  	_ =	shalt  }
0x4b: {  	_ =	shalt  }
0x4c: {  	_ =	shalt  }
0x4d: {  	_ =	shalt  }
0x4e: {  	_ =	shalt  }
0x4f: {  	_ =	shalt  }
0x50: {  	_ =	shalt  }
0x51: {  	_ =	shalt  }
0x52: {  	_ =	shalt  }
0x53: {  	_ =	shalt  }
0x54: {  	_ =	shalt  }
0x55: {  	_ =	shalt  }
0x56: {  	_ =	shalt  }
0x57: {  	_ =	shalt  }
0x58: {  	_ =	shalt  }
0x59: {  	_ =	shalt  }
0x5a: {  	_ =	shalt  }
0x5b: {  	_ =	shalt  }
0x5c: {  	_ =	shalt  }
0x5d: {  	_ =	shalt  }
0x5e: {  	_ =	shalt  }
0x5f: {  	_ =	shalt  }
0x60: {  	_ =	shalt  }
0x61: {  	_ =	shalt  }
0x62: {  	_ =	shalt  }
0x63: {  	_ =	shalt  }
0x64: {  	_ =	shalt  }
0x65: {  	_ =	shalt  }
0x66: {  	_ =	shalt  }
0x67: {  	_ =	shalt  }
0x68: {  	_ =	shalt  }
0x69: {  	_ =	shalt  }
0x6a: {  	_ =	shalt  }
0x6b: {  	_ =	shalt  }
0x6c: {  	_ =	shalt  }
0x6d: {  	_ =	shalt  }
0x6e: {  	_ =	shalt  }
0x6f: {  	_ =	shalt  }
0x70: {  	_ =	shalt  }
0x71: {  	_ =	shalt  }
0x72: {  	_ =	shalt  }
0x73: {  	_ =	shalt  }
0x74: {  	_ =	shalt  }
0x75: {  	_ =	shalt  }
0x76: {  	_ =	shalt  }
0x77: {  	_ =	shalt  }
0x78: {  	_ =	shalt  }
0x79: {  	_ =	shalt  }
0x7a: {  	_ =	shalt  }
0x7b: {  	_ =	shalt  }
0x7c: {  	_ =	shalt  }
0x7d: {  	_ =	shalt  }
0x7e: {  	_ =	shalt  }
0x7f: {  	_ =	shalt  }
0x80: {  	_ =	shalt  }
0x81: {  	_ =	shalt  }
0x82: {  	_ =	shalt  }
0x83: {  	_ =	shalt  }
0x84: {  	_ =	shalt  }
0x85: {  	_ =	shalt  }
0x86: {  	_ =	shalt  }
0x87: {  	_ =	shalt  }
.Lfunc_end0:
.L_simem_size_0:
called_computation.5_lowered:
.L_overlay_start_0:
0x88: {  	s2 =	sld [smem:$0x3FD9]  }
0x89: {  	s3 =	sld [smem:$0x3FFE];
	_ =	sdelay $0x1  }
0x8a: {  	s1 =	srdreg.scid  }
0x8b: {  	s0 =	sand.u32 $0x1, s1  }
0x8c: {  	s17 =	sshll.u32 s0, $0xA;
	s2 =	sadd.s32 s3, s2  }
0x8d: {  	s2 =	sadd.s32 s2, s17  }
0x8e: {  	[smem:$0x3FBD] =	sst s2  }
0x8f: {  	_ = 	snop  }
0x90: {  	s2 =	sld [smem:$0x3FD0];
	(tm) =	ssettm $0x1  }
0x91: {  	s18 =	sld [smem:$0x3FFB];
	_ =	sdelay $0x3  }
0x92: {  	_ =	strace s18  }
0x93: {  	s3 =	sld [smem:$0x3FFC];
	_ =	sdelay $0x3  }
0x94: {  	_ =	strace s3  }
0x95: {  	s3 =	sld [smem:$0x3FFD];
	_ =	sdelay $0x3  }
0x96: {  	_ =	strace s3  }
0x97: {  	_ =	strace $0x8FFFFFFF  }
0x98: {  	s19 =	sld [smem:$0x3FDB];
	_ =	sdelay $0x1  }
0x99: {  	s4 =	simm.s32 $_scs_section_size  }
0x9a: {  	s5 =	simm.s32 $_size__tile_overlayer_lowered;
	s6 =	simm.s32 $_tile_overlayer_lowered  }
0x9b: {  	s22 =	simm.s32 $0x1BFF;
	s21 =	sshll.u32 s6, $0x1;
	s3 =	sadd.s32 s4, s19  }
0x9c: {  	s7 =	simm.s32 $0x0;
	s20 =	sshll.u32 s5, $0x1;
	s5 =	sadd.s32 s21, s3  }
0x9d: {  	[timem:s7], [sflag:s22] =	dma.local [hbm:s5], s20  }
0x9e: {  	_ =	swait.ge [sflag:s22], s20  }
0x9f: {  	s4 =	ssub.s32 $0x0, s20;
	[sflag:s22] =	ssyncset.done $0x0  }
0xa0: {  	[sflag:s22] =	ssyncadd.s32 s4;
	_ =	sdelay $0x1  }
0xa1: {  	s23 =	simm.s32 $0x1B8B  }
0xa2: {  	_ =	swait.ge [sflag:s23], $0x1  }
0xa3: {  	[sflag:s23] =	ssyncset.done $0x0  }
0xa4: {  	s25 =	simm.s32 $0x1B8E;
	s24 =	sld [smem:$0x3FFE];
	[sflag:s23] =	ssyncadd.s32 $0xFFFFFFFF  }
0xa5: {  	s26 =	simm.s32 $execute0_lowered;
	[smem:$0x3FD2] =	sst s25  }
0xa6: {  	s5 =	sshll.u32 s26, $0x1;
	_ =	strace $0x80000055;
	[dreg:$0x1] =	wrdreg $0xFFFFFFFF  }
0xa7: {  	s28 =	simm.s32 $_size_execute0_lowered;
	s3 =	sadd.s32 s3, s5;
	[dreg:$0x0] =	wrdreg $0x0  }
0xa8: {  	s5 =	sshll.u32 s28, $0x1;
	[dreg:$0x2] =	wrdreg s3  }
0xa9: {  	[dreg:$0x3] =	wrdreg s5  }
0xaa: {  	[dreg:$0x4] =	wrdreg $0xC0  }
0xab: {  	_ =	task [dreg:s7], $0x5FFFF  }
0xac: {  	[dreg:$0x1] =	wrdreg $0xFFFFFFFF  }
0xad: {  	[dreg:$0x0] =	wrdreg $0x60  }
0xae: {  	[dreg:$0x2] =	wrdreg s24  }
0xaf: {  	[dreg:$0x3] =	wrdreg s2  }
0xb0: {  	[dreg:$0x4] =	wrdreg $0x98800  }
0xb1: {  	[dreg:$0x5] =	wrdreg $0x9  }
0xb2: {  	_ =	task.clear_ibuf [dreg:s7], $0x6FFFF;
	_ =	strace $0x90000055  }
0xb3: {  	s29 =	simm.s32 $0x9;
	_ =	strace $0x80000057  }
0xb4: {  	_ =	swait.ge [sflag:s29], $0x1  }
0xb5: {  	[sflag:s29] =	ssyncadd.s32 $0xFFFFFFFF  }
0xb6: {  	_ =	strace $0x90000057  }
0xb7: {  	_ =	sfence  }
0xb8: {  	s30 =	sld [smem:$0x0];
	_ =	sdelay $0x2  }
0xb9: {  	s31 =	sshll.u32 s1, $0xD;
	s1 =	sshrl.u32 s1, $0x2  }
0xba: {  	s3 =	sand.u32 $0x4000, s31;
	s1 =	sadd.s32 s1, s30  }
0xbb: {  	s0 =	sor.u32 s3, s0;
	s1 =	sshll.u32 s1, $0x11  }
0xbc: {  	s0 =	sor.u32 s1, s0  }
0xbd: {  	s0 =	sadd.s32 $0x8F2B, s0  }
0xbe: {  	[sflag:s0] =	ssyncadd.remote.s32 $0x1  }
0xbf: {  	_ =	sfence.sel $0xFFFF  }
0xc0: {  	[dreg:$0x0] =	wrdreg $0xFFFFFFFF;
	(pc) =	sbr.abs _section_cstart, $3  }
0xc1: {  	[dreg:$0x1] =	wrdreg $0xFFFFFFFF  }
0xc2: {  	_ =	task.clear_ibuf [dreg:s7], $0x2FFFF;
	_ =	strace $0x9FFFFFFF  }
0xc3: {  	(tm) =	ssettm $0x7FFFFFFF  }
tec
execute0_lowered:
.L_overlay_start_1:
0x0: {  	(tag) =	ssettag $0x1  }
0x1: {  	s10 =	rddreg [dreg:$0x0]  }
0x2: {  	s2 =	rddreg [dreg:$0x1]  }
0x3: {  	s3 =	rddreg [dreg:$0x2]  }
0x4: {  	s0 =	rddreg [dreg:$0x3];
	s5 =	srdreg.scid  }
0x5: {  	s1 =	stileid.u32;
	s4 =	simm.s32 $0x0;
	s16 =	simm.s32 $0x2780  }
0x6: {  	s17 =	simm.s32 $0x4F00;
	s18 =	simm.s32 $0x4F80;
	s19 =	simm.s32 $0x80  }
0x7: {  	s20 =	simm.s32 $0x5080;
	s21 =	simm.s32 $0x1;
	s22 =	simm.s32 $0x5000  }
0x8: {  	s23 =	simm.s32 $0x0;
	s11 =	sand.u32 $0x1, s5;
	s12 =	smul.u32 $0x16380, s1  }
0x9: {  	[smem:$0x7FF] =	sst s4;
	s5 =	sadd.s32 $0x2400, s10;
	s6 =	sadd.s32 $0x31A00, s10  }
0xa: {  	s7 =	sadd.s32 $0x5BC00, s10;
	s8 =	sadd.s32 $0x51A00, s10;
	s9 =	smul.u32 $0x163800, s11  }
0xb: {  	s31 =	sshll.u32 s1, $0x6;
	_ =	strace $0x80000056;
	s14 =	ssub.s32 $0x2, s11  }
0xc: {  	s11 =	sshll.u32 s11, $0x4;
	s30 =	sshrl.u32 s14, $0x1;
	s13 =	sadd.s32 s12, s9  }
0xd: {  	s11 =	sor.u32 s1, s11;
	s15 =	sadd.s32 s12, s3;
	s13 =	sshrl.u32 s13, $0x3  }
0xe: {  	s9 =	sadd.s32 $0x2EC00, s10;
	s14 =	ssub.s32 s14, s30;
	s13 =	sadd.s32 s13, s10  }
0xf: {  	s11 =	smul.u32 $0x2880, s11;
	s10 =	sor.u32 $0x1C02, s31;
	s12 =	sadd.s32 $0x65E00, s13  }
0x10: {  	s13 =	smax.u32 s14, $0x1;
	s14 =	sshrl.u32 s15, $0x3;
	s15 =	simm.s32 $0x2  }
.LBB2_1:
0x11: {  	[spmem:s14], [sflag:s10] =	dma.local [hbm:s9], $0x2C70  }
0x12: {  	_ =	swait.ge [sflag:s15], $0x2C70  }
0x13: {  	[sflag:s15] =	ssyncset.done $0x0  }
0x14: {  	[sflag:s15] =	ssyncadd.s32 $0xFFFFD390  }
0x15: {  	[tilespmem:s4], [sflag:$0x2] =	stream.linear.gather [hbm4b:s6+s4], $0x2780, $0x38;
	[tilespmem:$0x1FC00] =	vst v63  }
0x16: {  	_ =	swait.ge [sflag:s15], $0x2780  }
0x17: {  	[sflag:s15] =	ssyncset.done $0x0  }
0x18: {  	[sflag:s15] =	ssyncadd.s32 $0xFFFFD880  }
0x19: {  	[tilespmem:s16], [sflag:$0x2] =	stream.linear.gather [hbm4b:s2+s4], $0x2780, $0x38;
	[tilespmem:$0x1FC00] =	vst v63  }
0x1a: {  	_ =	swait.ge [sflag:s15], $0x2780  }
0x1b: {  	[sflag:s15] =	ssyncset.done $0x0  }
0x1c: {  	[sflag:s15] =	ssyncadd.s32 $0xFFFFD880  }
0x1d: {  	s24 =	simm.s32 $0x0;
	[bflag:$0x0] =	sbarrier.arrive $0xFFFF  }
.LBB2_2:
0x1e: {  	s25 =	sshll.u32 s24, $0x7  }
0x1f: {  	s25 =	sadd.s32 s11, s25  }
0x20: {  	s26 =	sshrl.u32 s25, $0x3  }
0x21: {  	s31 =	simm.s32 $0x0;
	s28 =	sadd.s32 s7, s26  }
0x22: {  	[tilespmem:s17], [sflag:$0x2] =	stream.linear.gather [hbm4b:s28+s31], $0x80, $0x38;
	[tilespmem:$0x1FC00] =	vst v63  }
0x23: {  	_ =	swait.ge [sflag:s15], $0x80  }
0x24: {  	[sflag:s15] =	ssyncset.done $0x0  }
0x25: {  	s26 =	sadd.s32 s8, s26;
	[sflag:s15] =	ssyncadd.s32 $0xFFFFFF80  }
0x26: {  	[tilespmem:s18], [sflag:$0x2] =	stream.linear.gather [hbm4b:s26+s31], $0x80, $0x38;
	[tilespmem:$0x1FC00] =	vst v63  }
0x27: {  	_ =	swait.ge [sflag:s15], $0x80  }
0x28: {  	[sflag:s15] =	ssyncset.done $0x0  }
0x29: {  	[sflag:s15] =	ssyncadd.s32 $0xFFFFFF80  }
0x2a: {  	[tilespmem:s20], [sflag:$0x1] =	stream.indirect.gather [hbm4b:s5+s19], $0x90, s17, s19, $0xb8;
	[tilespmem:$0x1FC00] =	vst v63  }
0x2b: {  	v0 =	vld [tilespmem:$0x4F00]  }
0x2c: {  	v1 =	vld [tilespmem:$0x4F80];
	_ =	sdelay $0x6  }
0x2d: {  	v0 =	vld.idx.msk [tilespmem:v0+s31+$0x0], $0xffff  }
0x2e: {  	v1 =	vld.idx.msk [tilespmem:v1+s16+$0x0], $0xffff;
	_ =	sdelay $0x4  }
0x2f: {  	v0 =	vadd.f32 v1, v0;
	_ =	sdelay $0x1  }
0x30: {  	v1 =	vmul.f32 $2.000000030e-01, v0  }
0x31: {  	vm0 =	vge.f32 v0, $0.0e+00  }
0x32: {  	v0 =	vsel vm0, v0, v1  }
0x33: {  	v0 =	vmul.f32 $1.442695020e+00, v0;
	_ =	sdelay $0x1  }
0x34: {  	(erf) = vpow2.f32 v0;
	_ =	sdelay $0x2  }
0x35: {  	v0 =	vld [tilespmem:$0x4F10]  }
0x36: {  	v1 =	vld [tilespmem:$0x4F90];
	_ =	sdelay $0x4  }
0x37: {  	v2 =	vpop (erf)  }
0x38: {  	[tilespmem:$0x5000] =	vst v2  }
0x39: {  	v0 =	vld.idx.msk [tilespmem:v0+s31+$0x0], $0xffff  }
0x3a: {  	v1 =	vld.idx.msk [tilespmem:v1+s16+$0x0], $0xffff;
	_ =	sdelay $0x4  }
0x3b: {  	v0 =	vadd.f32 v1, v0;
	_ =	sdelay $0x1  }
0x3c: {  	v1 =	vmul.f32 $2.000000030e-01, v0  }
0x3d: {  	vm9 =	vge.f32 v0, $0.0e+00  }
0x3e: {  	v0 =	vsel vm9, v0, v1  }
0x3f: {  	v0 =	vmul.f32 $1.442695020e+00, v0;
	_ =	sdelay $0x1  }
0x40: {  	(erf) = vpow2.f32 v0;
	_ =	sdelay $0x2  }
0x41: {  	v0 =	vld [tilespmem:$0x4F20]  }
0x42: {  	v1 =	vld [tilespmem:$0x4FA0];
	_ =	sdelay $0x4  }
0x43: {  	v2 =	vpop (erf)  }
0x44: {  	[tilespmem:$0x5010] =	vst v2  }
0x45: {  	v0 =	vld.idx.msk [tilespmem:v0+s31+$0x0], $0xffff  }
0x46: {  	v1 =	vld.idx.msk [tilespmem:v1+s16+$0x0], $0xffff;
	_ =	sdelay $0x4  }
0x47: {  	v0 =	vadd.f32 v1, v0;
	_ =	sdelay $0x1  }
0x48: {  	v1 =	vmul.f32 $2.000000030e-01, v0  }
0x49: {  	vm10 =	vge.f32 v0, $0.0e+00  }
0x4a: {  	v0 =	vsel vm10, v0, v1  }
0x4b: {  	v0 =	vmul.f32 $1.442695020e+00, v0;
	_ =	sdelay $0x1  }
0x4c: {  	(erf) = vpow2.f32 v0;
	_ =	sdelay $0x2  }
0x4d: {  	v0 =	vld [tilespmem:$0x4F30]  }
0x4e: {  	v1 =	vld [tilespmem:$0x4FB0];
	_ =	sdelay $0x4  }
0x4f: {  	v2 =	vpop (erf)  }
0x50: {  	[tilespmem:$0x5020] =	vst v2  }
0x51: {  	v0 =	vld.idx.msk [tilespmem:v0+s31+$0x0], $0xffff  }
0x52: {  	v1 =	vld.idx.msk [tilespmem:v1+s16+$0x0], $0xffff;
	_ =	sdelay $0x4  }
0x53: {  	v0 =	vadd.f32 v1, v0;
	_ =	sdelay $0x1  }
0x54: {  	v1 =	vmul.f32 $2.000000030e-01, v0  }
0x55: {  	vm11 =	vge.f32 v0, $0.0e+00  }
0x56: {  	v0 =	vsel vm11, v0, v1  }
0x57: {  	v0 =	vmul.f32 $1.442695020e+00, v0;
	_ =	sdelay $0x1  }
0x58: {  	(erf) = vpow2.f32 v0;
	_ =	sdelay $0x2  }
0x59: {  	v0 =	vld [tilespmem:$0x4F40]  }
0x5a: {  	v1 =	vld [tilespmem:$0x4FC0];
	_ =	sdelay $0x4  }
0x5b: {  	v2 =	vpop (erf)  }
0x5c: {  	[tilespmem:$0x5030] =	vst v2  }
0x5d: {  	v0 =	vld.idx.msk [tilespmem:v0+s31+$0x0], $0xffff  }
0x5e: {  	v1 =	vld.idx.msk [tilespmem:v1+s16+$0x0], $0xffff;
	_ =	sdelay $0x4  }
0x5f: {  	v0 =	vadd.f32 v1, v0;
	_ =	sdelay $0x1  }
0x60: {  	v1 =	vmul.f32 $2.000000030e-01, v0  }
0x61: {  	vm12 =	vge.f32 v0, $0.0e+00  }
0x62: {  	v0 =	vsel vm12, v0, v1  }
0x63: {  	v0 =	vmul.f32 $1.442695020e+00, v0;
	_ =	sdelay $0x1  }
0x64: {  	(erf) = vpow2.f32 v0;
	_ =	sdelay $0x2  }
0x65: {  	v0 =	vld [tilespmem:$0x4F50]  }
0x66: {  	v1 =	vld [tilespmem:$0x4FD0];
	_ =	sdelay $0x4  }
0x67: {  	v2 =	vpop (erf)  }
0x68: {  	[tilespmem:$0x5040] =	vst v2  }
0x69: {  	v0 =	vld.idx.msk [tilespmem:v0+s31+$0x0], $0xffff  }
0x6a: {  	v1 =	vld.idx.msk [tilespmem:v1+s16+$0x0], $0xffff;
	_ =	sdelay $0x4  }
0x6b: {  	v0 =	vadd.f32 v1, v0;
	_ =	sdelay $0x1  }
0x6c: {  	v1 =	vmul.f32 $2.000000030e-01, v0  }
0x6d: {  	vm13 =	vge.f32 v0, $0.0e+00  }
0x6e: {  	v0 =	vsel vm13, v0, v1  }
0x6f: {  	v0 =	vmul.f32 $1.442695020e+00, v0;
	_ =	sdelay $0x1  }
0x70: {  	(erf) = vpow2.f32 v0;
	_ =	sdelay $0x2  }
0x71: {  	v0 =	vld [tilespmem:$0x4F60]  }
0x72: {  	v1 =	vld [tilespmem:$0x4FE0];
	_ =	sdelay $0x4  }
0x73: {  	v2 =	vpop (erf)  }
0x74: {  	[tilespmem:$0x5050] =	vst v2  }
0x75: {  	v0 =	vld.idx.msk [tilespmem:v0+s31+$0x0], $0xffff  }
0x76: {  	v1 =	vld.idx.msk [tilespmem:v1+s16+$0x0], $0xffff;
	_ =	sdelay $0x4  }
0x77: {  	v0 =	vadd.f32 v1, v0;
	_ =	sdelay $0x1  }
0x78: {  	v1 =	vmul.f32 $2.000000030e-01, v0  }
0x79: {  	vm14 =	vge.f32 v0, $0.0e+00  }
0x7a: {  	v0 =	vsel vm14, v0, v1  }
0x7b: {  	v0 =	vmul.f32 $1.442695020e+00, v0;
	_ =	sdelay $0x1  }
0x7c: {  	(erf) = vpow2.f32 v0;
	_ =	sdelay $0x2  }
0x7d: {  	v0 =	vld [tilespmem:$0x4F70]  }
0x7e: {  	v1 =	vld [tilespmem:$0x4FF0];
	_ =	sdelay $0x4  }
0x7f: {  	v2 =	vpop (erf)  }
0x80: {  	[tilespmem:$0x5060] =	vst v2  }
0x81: {  	v0 =	vld.idx.msk [tilespmem:v0+s31+$0x0], $0xffff  }
0x82: {  	v1 =	vld.idx.msk [tilespmem:v1+s16+$0x0], $0xffff;
	_ =	sdelay $0x4  }
0x83: {  	v0 =	vadd.f32 v1, v0;
	_ =	sdelay $0x1  }
0x84: {  	v1 =	vmul.f32 $2.000000030e-01, v0  }
0x85: {  	vm15 =	vge.f32 v0, $0.0e+00  }
0x86: {  	v0 =	vsel vm15, v0, v1  }
0x87: {  	v0 =	vmul.f32 $1.442695020e+00, v0;
	_ =	sdelay $0x1  }
0x88: {  	(erf) = vpow2.f32 v0;
	_ =	sdelay $0x8  }
0x89: {  	v0 =	vpop (erf)  }
0x8a: {  	[tilespmem:$0x5070] =	vst v0  }
0x8b: {  	_ =	swait.ge [sflag:s21], $0x4800  }
0x8c: {  	[sflag:s21] =	ssyncset.done $0x0  }
0x8d: {  	s25 =	simm.s32 $0x50C0;
	v0 =	vmov s31;
	[sflag:s21] =	ssyncadd.s32 $0xFFFFB800  }
0x8e: {  	v5 =	vld [tilespmem:s25+$0xFFFFFFC0]  }
0x8f: {  	v8 =	vld [tilespmem:s25+$0x30]  }
0x90: {  	v6 =	vld [tilespmem:s25+$0x40]  }
0x91: {  	v10 =	vld [tilespmem:s25+$0xFFFFFFE0]  }
0x92: {  	v1 =	vld.idx.msk [tilespmem:v0+s22+$0x0], $0xffff  }
0x93: {  	v2 =	vld [tilespmem:s25+$0x20]  }
0x94: {  	v3 =	vld [tilespmem:s25+$0xFFFFFFD0]  }
0x95: {  	v4 =	vld [tilespmem:s25+$0x10]  }
0x96: {  	v0 =	vld [tilespmem:s25+$0xFFFFFFF0]  }
0x97: {  	v9 =	vmul.f32 v5, v1;
	v7 =	vmul.f32 v6, v1;
	v5 =	vld [tilespmem:s25+$0x0]  }
0x98: {  	s28 =	simm.s32 $0x50C0;
	s26 =	simm.s32 $0x1;
	v6 =	vmul.f32 v10, v1;
	v8 =	vmul.f32 v8, v1  }
.LBB2_3:
0x99: {  	p0 =	sne.s32 s26, $0x7F  }
0x9a: {  	[tilespmem:s25+$0xFFFFFFC0] =	vst v9;
	v3 =	vmul.f32 v3, v1;
	v2 =	vmul.f32 v2, v1;
	s28 =	sadd.s32 $0x90, s28;
	s29 =	smov.u32 s26;
	s26 =	sadd.s32 $0x1, s26  }
0x9b: {  	v9 =	vmul.f32 v0, v1;
	v0 =	vmul.f32 v4, v1;
	[tilespmem:s25+$0x40] =	vst v7  }
0x9c: {  	v1 =	vmul.f32 v5, v1;
	[tilespmem:s25+$0x30] =	vst v8  }
0x9d: {  	[tilespmem:s25+$0xFFFFFFE0] =	vst v6  }
0x9e: {  	v4 =	vmov s29;
	[tilespmem:s25+$0x10] =	vst v0  }
0x9f: {  	v0 =	vld [tilespmem:s28+$0xFFFFFFF0];
	[tilespmem:s25+$0x0] =	vst v1  }
0xa0: {  	v6 =	vld [tilespmem:s28+$0xFFFFFFC0];
	[tilespmem:s25+$0xFFFFFFF0] =	vst v9  }
0xa1: {  	v8 =	vld [tilespmem:s28+$0x30];
	[tilespmem:s25+$0x20] =	vst v2  }
0xa2: {  	v7 =	vld [tilespmem:s28+$0x40];
	[tilespmem:s25+$0xFFFFFFD0] =	vst v3;
	s25 =	smov.u32 s28  }
0xa3: {  	v1 =	vld.idx.msk [tilespmem:v4+s22+$0x0], $0xffff  }
0xa4: {  	v10 =	vld [tilespmem:s28+$0xFFFFFFE0]  }
0xa5: {  	v2 =	vld [tilespmem:s28+$0x20]  }
.Ltmp0:
0xa6: {  	v3 =	vld [tilespmem:s28+$0xFFFFFFD0];
	(pc) =	sbr.rel @p0 .LBB2_3-.Ltmp0, $4  }
0xa7: {  	v4 =	vld [tilespmem:s28+$0x10]  }
0xa8: {  	v5 =	vld [tilespmem:s28+$0x0]  }
0xa9: {  	v9 =	vmul.f32 v6, v1;
	v7 =	vmul.f32 v7, v1  }
0xaa: {  	v8 =	vmul.f32 v8, v1;
	v6 =	vmul.f32 v10, v1  }
0xab: {  	[tilespmem:s25+$0xFFFFFFC0] =	vst v9  }
0xac: {  	[tilespmem:s25+$0x40] =	vst v7  }
0xad: {  	v0 =	vmul.f32 v0, v1;
	[tilespmem:s25+$0x30] =	vst v8  }
0xae: {  	v2 =	vmul.f32 v2, v1;
	[tilespmem:s25+$0xFFFFFFE0] =	vst v6  }
0xaf: {  	v63 =	vmul.f32 v3, v1;
	[tilespmem:s25+$0xFFFFFFF0] =	vst v0  }
0xb0: {  	v4 =	vmul.f32 v4, v1;
	[tilespmem:s25+$0x20] =	vst v2  }
0xb1: {  	s24 =	sadd.s32 $0x1, s24;
	v5 =	vmul.f32 v5, v1;
	[tilespmem:s25+$0xFFFFFFD0] =	vst v63  }
0xb2: {  	p0 =	sne.s32 s24, $0x51;
	[tilespmem:s25+$0x10] =	vst v4  }
.Ltmp1:
0xb3: {  	[tilespmem:s25+$0x0] =	vst v5;
	(pc) =	sbr.rel @p0 .LBB2_2-.Ltmp1, $4  }
0xb4: {  	[spmem:s3] =	stream.indirect.scatter.add.f32 [tilespmem:s20], [sflag:$0x2], $0x90, s18, s19, $0xb8;
	[tilespmem:$0x1FC00] =	vst v63  }
0xb5: {  	_ =	swait.ge [sflag:s15], $0x4800  }
0xb6: {  	[sflag:s15] =	ssyncset.done $0x0  }
0xb7: {  	[sflag:s15] =	ssyncadd.s32 $0xFFFFB800  }
0xb8: {  	s23 =	sadd.s32 $0x1, s23  }
0xb9: {  	p0 =	sne.s32 s23, s13  }
.Ltmp2:
0xba: {  	[bflag:$0x0] =	sbarrier.arrive $0xFFFF;
	(pc) =	sbr.rel @p0 .LBB2_1-.Ltmp2, $4  }
0xbb: {  	[hbm:s12], [sflag:s10] =	dma.local [spmem:s14], $0x2C70  }
0xbc: {  	_ =	swait.ge [sflag:s15], $0x2C70  }
0xbd: {  	[sflag:s15] =	ssyncset.done $0x0  }
0xbe: {  	[sflag:s15] =	ssyncadd.s32 $0xFFFFD390  }
0xbf: {  	_ =	sfence.sel $0x180000  }
0xc0: {  	[bflag:$0x0] =	sbarrier.arrive $0xFFFF  }
0xc1: {  	p0 =	sne.s32 s1, $0x0;
	_ =	strace $0x90000056  }
0xc2: {  	s0 =	sadd.s32 @!p0 $0x100000, s0;
	[bflag:$0x2] =	sbarrier.arrive $0xFFFF  }
0xc3: {  	[sflag:s0] =	ssyncadd.tile.s32 @!p0 $0x1;
	_ =	shalt  }
.Lfunc_end2:
_tile_overlayer_lowered:
.L_overlay_start_2:
0xc4: {  	(tag) =	ssettag $0x2  }
0xc5: {  	s0 =	rddreg [dreg:$0x0];
	s2 =	stileid.u32  }
0xc6: {  	s1 =	rddreg [dreg:$0x1];
	p0 =	sne.s32 s2, $0x0  }
0xc7: {  	s3 =	rddreg [dreg:$0x2];
	[bflag:$0x3] =	sbarrier.arrive $0xFFFF;
	s2 =	simm.s32 @!p0 $0x1C02  }
0xc8: {  	[timem:s3], [sflag:s2] =	dma.local @!p0 [hbm:s0], s1  }
0xc9: {  	s0 =	simm.s32 @!p0 $0x2  }
0xca: {  	_ =	swait.ge @!p0 [sflag:s0], s1  }
0xcb: {  	s1 =	ssub.s32 @!p0 $0x0, s1;
	[sflag:s0] =	ssyncset.done @!p0 $0x0  }
0xcc: {  	[sflag:s0] =	ssyncadd.s32 @!p0 s1  }
0xcd: {  	[bflag:$0x3] =	sbarrier.arrive $0xFFFF  }
0xce: {  	_ =	shalt  }

// kernel: kernel.47.cloned.1.call-start
scs
__scs_entry_jumppad:
0x0: {  	(pc) =	sbr.rel $0x88, $3  }
0x1: {  	(tag) =	ssettag $0x0;
	lr =	simm.s32 $0x1  }
0x2: {  	[smem:$0x3F96] =	sst lr;
	_ =	strace $0xD0000000  }
0x3: {  	_ = 	snop  }
0x4: {  	_ = 	snop  }
0x5: {  	_ = 	snop  }
0x6: {  	_ = 	snop  }
0x7: {  	_ = 	snop  }
__scs_overlays_trampoline_lowered:
0x8: {  	[smem:$0x3FA5] =	sst s0  }
0x9: {  	[smem:$0x3FA6] =	sst s1  }
0xa: {  	[smem:$0x3FA7] =	sst s2  }
0xb: {  	[smem:$0x3FA8] =	sst s3  }
0xc: {  	[smem:$0x3FA9] =	sst s4  }
0xd: {  	[smem:$0x3FAA] =	sst s5  }
0xe: {  	[smem:$0x3FAB] =	sst s6  }
0xf: {  	[smem:$0x3FAC] =	sst s7  }
0x10: {  	[smem:$0x3FAD] =	sst s8  }
0x11: {  	[smem:$0x3FAE] =	sst s9;
	s0 =	simm.s32 @!p0 $0x0  }
0x12: {  	s1 =	sld [smem:$0x3F94];
	s0 =	simm.s32 @p0 $0x1  }
0x13: {  	[smem:$0x3FAF] =	sst s0;
	s0 =	simm.s32 @!p1 $0x0  }
0x14: {  	s2 =	sld [smem:$0x3F93];
	s0 =	simm.s32 @p1 $0x1  }
0x15: {  	[smem:$0x3FB0] =	sst s0;
	s0 =	simm.s32 @!p2 $0x0  }
0x16: {  	s3 =	sld [smem:$0x3FDB];
	s0 =	simm.s32 @p2 $0x1  }
0x17: {  	s4 =	simm.s32 $0x1BF5;
	[smem:$0x3FB2] =	sst s0  }
0x18: {  	s0 =	sld [smem:$0x3F95];
	_ =	swait.ge [sflag:s4], $0x0  }
0x19: {  	s7 =	sld [smem:$0x3F96]  }
0x1a: {  	s8 =	sadd.s32 $0xFFFFE003, lr  }
0x1b: {  	s9 =	sadd.s32 $0xFFFFFEF7, lr;
	s5 =	simm.s32 $0xFFFFFFFF;
	p2 =	slt.u32 s8, $0xFFFFF086  }
0x1c: {  	p1 =	slt.u32 s9, $0xF7A;
	s5 =	simm.s32 @!p2 $0x0  }
0x1d: {  	s5 =	simm.s32 @p1 $0x1;
	p0 =	seq.s32 s7, s2  }
0x1e: {  	s7 =	smul.u32 @!p0 $0xF7A, s2;
	p2 =	seq.s32 @!p0 s5, $0x0  }
0x1f: {  	s9 =	smul.u32 $0xF7A, s1;
	s8 =	simm.s32 @!p0 $0x1BF5;
	p2 =	por !p2, p0  }
0x20: {  	[sflag:s8] =	ssyncset.s32 @!p0 $0xFFFFF086;
	s6 =	sadd.s32 @!p0 s3, s7;
	s7 =	simm.s32 @!p0 $0x108  }
0x21: {  	s3 =	sadd.s32 s3, s9;
	s6 =	sadd.s32 @!p0 $0x88, s6;
	s7 =	simm.s32 @p2 $0x1082  }
0x22: {  	[simem:s7], [sflag:s8] =	dma.local @!p0 [hbm:s6], $0xF7A  }
0x23: {  	s9 =	sor.u32 $0xD0000000, s2;
	s6 =	simm.s32 $0x108;
	_ =	swait.ge @!p0 [sflag:s8], $0x0  }
0x24: {  	s3 =	sadd.s32 $0x88, s3;
	s6 =	simm.s32 @!p1 $0x1082;
	[sflag:s4] =	ssyncset.s32 $0xFFFFF086  }
0x25: {  	[simem:s6], [sflag:s4] =	dma.local [hbm:s3], $0xF7A  }
0x26: {  	[smem:$0x3F96] =	sst s1;
	(tag) =	ssettag s2;
	_ =	strace s9  }
0x27: {  	s1 =	sld [smem:$0x3FA6]  }
0x28: {  	s2 =	sld [smem:$0x3FA7]  }
0x29: {  	s4 =	sld [smem:$0x3FA9]  }
0x2a: {  	p0 =	seq.s32 s5, $0x0;
	s5 =	sld [smem:$0x3FAA]  }
0x2b: {  	s6 =	sld [smem:$0x3FAB]  }
0x2c: {  	s7 =	sld [smem:$0x3FAC]  }
0x2d: {  	s3 =	simm.s32 $0x108;
	s8 =	sld [smem:$0x3FAD]  }
0x2e: {  	s3 =	simm.s32 @!p0 $0x1082;
	s9 =	sld [smem:$0x3FAE]  }
0x2f: {  	lr =	sadd.s32 s0, s3;
	s0 =	sld [smem:$0x3FA5]  }
0x30: {  	s3 =	sld [smem:$0x3FA8]  }
0x31: {  	[smem:$0x3FB1] =	sst s10  }
0x32: {  	s10 =	sld [smem:$0x3FAF];
	_ =	sdelay $0x3  }
0x33: {  	p0 =	seq.s32 s10, $0x1;
	s10 =	sld [smem:$0x3FB1];
	_ =	sdelay $0x3  }
0x34: {  	[smem:$0x3FB1] =	sst s10  }
0x35: {  	s10 =	sld [smem:$0x3FB0];
	_ =	sdelay $0x3  }
0x36: {  	p1 =	seq.s32 s10, $0x1;
	s10 =	sld [smem:$0x3FB1];
	_ =	sdelay $0x3  }
0x37: {  	[smem:$0x3FB1] =	sst s10  }
0x38: {  	s10 =	sld [smem:$0x3FB2]  }
0x39: {  	_ = 	snop;
	(pc) =	sbr.ind lr, $3  }
0x3a: {  	_ = 	snop  }
0x3b: {  	_ = 	snop  }
0x3c: {  	p2 =	seq.s32 s10, $0x1;
	s10 =	sld [smem:$0x3FB1]  }
0x3d: {  	_ =	shalt  }
0x3e: {  	_ =	shalt  }
0x3f: {  	_ =	shalt  }
0x40: {  	_ =	shalt  }
0x41: {  	_ =	shalt  }
0x42: {  	_ =	shalt  }
0x43: {  	_ =	shalt  }
0x44: {  	_ =	shalt  }
0x45: {  	_ =	shalt  }
0x46: {  	_ =	shalt  }
0x47: {  	_ =	shalt  }
0x48: {  	_ =	shalt  }
0x49: {  	_ =	shalt  }
0x4a: {  	_ =	shalt  }
0x4b: {  	_ =	shalt  }
0x4c: {  	_ =	shalt  }
0x4d: {  	_ =	shalt  }
0x4e: {  	_ =	shalt  }
0x4f: {  	_ =	shalt  }
0x50: {  	_ =	shalt  }
0x51: {  	_ =	shalt  }
0x52: {  	_ =	shalt  }
0x53: {  	_ =	shalt  }
0x54: {  	_ =	shalt  }
0x55: {  	_ =	shalt  }
0x56: {  	_ =	shalt  }
0x57: {  	_ =	shalt  }
0x58: {  	_ =	shalt  }
0x59: {  	_ =	shalt  }
0x5a: {  	_ =	shalt  }
0x5b: {  	_ =	shalt  }
0x5c: {  	_ =	shalt  }
0x5d: {  	_ =	shalt  }
0x5e: {  	_ =	shalt  }
0x5f: {  	_ =	shalt  }
0x60: {  	_ =	shalt  }
0x61: {  	_ =	shalt  }
0x62: {  	_ =	shalt  }
0x63: {  	_ =	shalt  }
0x64: {  	_ =	shalt  }
0x65: {  	_ =	shalt  }
0x66: {  	_ =	shalt  }
0x67: {  	_ =	shalt  }
0x68: {  	_ =	shalt  }
0x69: {  	_ =	shalt  }
0x6a: {  	_ =	shalt  }
0x6b: {  	_ =	shalt  }
0x6c: {  	_ =	shalt  }
0x6d: {  	_ =	shalt  }
0x6e: {  	_ =	shalt  }
0x6f: {  	_ =	shalt  }
0x70: {  	_ =	shalt  }
0x71: {  	_ =	shalt  }
0x72: {  	_ =	shalt  }
0x73: {  	_ =	shalt  }
0x74: {  	_ =	shalt  }
0x75: {  	_ =	shalt  }
0x76: {  	_ =	shalt  }
0x77: {  	_ =	shalt  }
0x78: {  	_ =	shalt  }
0x79: {  	_ =	shalt  }
0x7a: {  	_ =	shalt  }
0x7b: {  	_ =	shalt  }
0x7c: {  	_ =	shalt  }
0x7d: {  	_ =	shalt  }
0x7e: {  	_ =	shalt  }
0x7f: {  	_ =	shalt  }
0x80: {  	_ =	shalt  }
0x81: {  	_ =	shalt  }
0x82: {  	_ =	shalt  }
0x83: {  	_ =	shalt  }
0x84: {  	_ =	shalt  }
0x85: {  	_ =	shalt  }
0x86: {  	_ =	shalt  }
0x87: {  	_ =	shalt  }
.Lfunc_end0:
.L_simem_size_0:
called_computation.6_lowered:
.L_overlay_start_0:
0x88: {  	s2 =	sld [smem:$0x3FD9]  }
0x89: {  	s3 =	sld [smem:$0x3FFE];
	_ =	sdelay $0x1  }
0x8a: {  	s1 =	srdreg.scid  }
0x8b: {  	s0 =	sand.u32 $0x1, s1  }
0x8c: {  	s16 =	sshll.u32 s0, $0xA;
	s2 =	sadd.s32 s3, s2  }
0x8d: {  	s2 =	sadd.s32 s2, s16  }
0x8e: {  	[smem:$0x3FBD] =	sst s2  }
0x8f: {  	_ = 	snop  }
0x90: {  	(tm) =	ssettm $0x1  }
0x91: {  	s17 =	sld [smem:$0x3FFB];
	_ =	sdelay $0x3  }
0x92: {  	_ =	strace s17  }
0x93: {  	s2 =	sld [smem:$0x3FFC];
	_ =	sdelay $0x3  }
0x94: {  	_ =	strace s2  }
0x95: {  	s2 =	sld [smem:$0x3FFD];
	_ =	sdelay $0x3  }
0x96: {  	_ =	strace s2  }
0x97: {  	_ =	strace $0x8FFFFFFF  }
0x98: {  	s18 =	sld [smem:$0x3FDB];
	_ =	sdelay $0x1  }
0x99: {  	s19 =	simm.s32 $_scs_section_size  }
0x9a: {  	s4 =	simm.s32 $_size__tile_overlayer_lowered;
	s5 =	simm.s32 $_tile_overlayer_lowered  }
0x9b: {  	s22 =	simm.s32 $0x1BFF;
	s21 =	sshll.u32 s5, $0x1;
	s2 =	sadd.s32 s19, s18  }
0x9c: {  	s6 =	simm.s32 $0x0;
	s20 =	sshll.u32 s4, $0x1;
	s4 =	sadd.s32 s21, s2  }
0x9d: {  	[timem:s6], [sflag:s22] =	dma.local [hbm:s4], s20  }
0x9e: {  	_ =	swait.ge [sflag:s22], s20  }
0x9f: {  	s3 =	ssub.s32 $0x0, s20;
	[sflag:s22] =	ssyncset.done $0x0  }
0xa0: {  	[sflag:s22] =	ssyncadd.s32 s3;
	_ =	sdelay $0x1  }
0xa1: {  	s23 =	simm.s32 $0x1B8B  }
0xa2: {  	_ =	swait.ge [sflag:s23], $0x1  }
0xa3: {  	[sflag:s23] =	ssyncset.done $0x0  }
0xa4: {  	s25 =	simm.s32 $0x1B8E;
	s24 =	sld [smem:$0x3FFE];
	[sflag:s23] =	ssyncadd.s32 $0xFFFFFFFF  }
0xa5: {  	s26 =	simm.s32 $execute0_lowered;
	[smem:$0x3FD2] =	sst s25  }
0xa6: {  	s4 =	sshll.u32 s26, $0x1;
	_ =	strace $0x80000058;
	[dreg:$0x1] =	wrdreg $0xFFFFFFFF  }
0xa7: {  	s28 =	simm.s32 $_size_execute0_lowered;
	s2 =	sadd.s32 s2, s4;
	[dreg:$0x0] =	wrdreg $0x0  }
0xa8: {  	s4 =	sshll.u32 s28, $0x1;
	[dreg:$0x2] =	wrdreg s2  }
0xa9: {  	[dreg:$0x3] =	wrdreg s4  }
0xaa: {  	[dreg:$0x4] =	wrdreg $0xC0  }
0xab: {  	_ =	task [dreg:s6], $0x5FFFF  }
0xac: {  	[dreg:$0x1] =	wrdreg $0xFFFFFFFF  }
0xad: {  	[dreg:$0x0] =	wrdreg $0x60  }
0xae: {  	[dreg:$0x2] =	wrdreg s24  }
0xaf: {  	[dreg:$0x3] =	wrdreg $0x98800  }
0xb0: {  	[dreg:$0x4] =	wrdreg $0x9  }
0xb1: {  	_ =	task.clear_ibuf [dreg:s6], $0x5FFFF;
	_ =	strace $0x90000058  }
0xb2: {  	s29 =	simm.s32 $0x9;
	_ =	strace $0x8000005A  }
0xb3: {  	_ =	swait.ge [sflag:s29], $0x1  }
0xb4: {  	[sflag:s29] =	ssyncadd.s32 $0xFFFFFFFF  }
0xb5: {  	_ =	strace $0x9000005A  }
0xb6: {  	_ =	sfence  }
0xb7: {  	s30 =	sld [smem:$0x0];
	_ =	sdelay $0x2  }
0xb8: {  	s31 =	sshll.u32 s1, $0xD;
	s1 =	sshrl.u32 s1, $0x2  }
0xb9: {  	s3 =	sand.u32 $0x4000, s31;
	s1 =	sadd.s32 s1, s30  }
0xba: {  	s0 =	sor.u32 s3, s0;
	s1 =	sshll.u32 s1, $0x11  }
0xbb: {  	s0 =	sor.u32 s1, s0  }
0xbc: {  	s0 =	sadd.s32 $0x8F2B, s0  }
0xbd: {  	[sflag:s0] =	ssyncadd.remote.s32 $0x1  }
0xbe: {  	_ =	sfence.sel $0xFFFF  }
0xbf: {  	[dreg:$0x0] =	wrdreg $0xFFFFFFFF;
	(pc) =	sbr.abs _section_cstart, $3  }
0xc0: {  	[dreg:$0x1] =	wrdreg $0xFFFFFFFF  }
0xc1: {  	_ =	task.clear_ibuf [dreg:s6], $0x2FFFF;
	_ =	strace $0x9FFFFFFF  }
0xc2: {  	(tm) =	ssettm $0x7FFFFFFF  }
0xc3: {  	_ =	shalt  }
tec
execute0_lowered:
.L_overlay_start_1:
0x0: {  	(tag) =	ssettag $0x1  }
0x1: {  	s10 =	rddreg [dreg:$0x0]  }
0x2: {  	s2 =	rddreg [dreg:$0x1]  }
0x3: {  	s0 =	rddreg [dreg:$0x2];
	s3 =	simm.s32 $0x0;
	s4 =	srdreg.scid  }
0x4: {  	s1 =	stileid.u32;
	s16 =	simm.s32 $0x2780;
	s17 =	simm.s32 $0x4F00  }
0x5: {  	s18 =	simm.s32 $0x4F80;
	s19 =	simm.s32 $0x80;
	s20 =	simm.s32 $0x5080  }
0x6: {  	s21 =	simm.s32 $0x1;
	s22 =	simm.s32 $0x5000;
	s23 =	simm.s32 $0x0  }
0x7: {  	[smem:$0x7FF] =	sst s3;
	s11 =	sand.u32 $0x1, s4;
	s12 =	smul.u32 $0x16380, s1  }
0x8: {  	s4 =	sadd.s32 $0x2400, s10;
	s5 =	sadd.s32 $0x32000, s10;
	s6 =	sadd.s32 $0x31A00, s10  }
0x9: {  	s7 =	sadd.s32 $0x5BC00, s10;
	s8 =	sadd.s32 $0x51A00, s10;
	s9 =	smul.u32 $0x163800, s11  }
0xa: {  	s31 =	sshll.u32 s1, $0x6;
	_ =	strace $0x80000059;
	s14 =	ssub.s32 $0x2, s11  }
0xb: {  	s11 =	sshll.u32 s11, $0x4;
	s30 =	sshrl.u32 s14, $0x1;
	s13 =	sadd.s32 s12, s9  }
0xc: {  	s11 =	sor.u32 s1, s11;
	s15 =	sadd.s32 s12, s2;
	s13 =	sshrl.u32 s13, $0x3  }
0xd: {  	s9 =	sadd.s32 $0x2EC00, s10;
	s14 =	ssub.s32 s14, s30;
	s13 =	sadd.s32 s13, s10  }
0xe: {  	s11 =	smul.u32 $0x2880, s11;
	s10 =	sor.u32 $0x1C02, s31;
	s12 =	sadd.s32 $0x65E00, s13  }
0xf: {  	s13 =	smax.u32 s14, $0x1;
	s14 =	sshrl.u32 s15, $0x3;
	s15 =	simm.s32 $0x2  }
.LBB2_1:
0x10: {  	[spmem:s14], [sflag:s10] =	dma.local [hbm:s9], $0x2C70  }
0x11: {  	_ =	swait.ge [sflag:s15], $0x2C70  }
0x12: {  	[sflag:s15] =	ssyncset.done $0x0  }
0x13: {  	[sflag:s15] =	ssyncadd.s32 $0xFFFFD390  }
0x14: {  	[tilespmem:s3], [sflag:$0x2] =	stream.linear.gather [hbm4b:s5+s3], $0x2780, $0x38;
	[tilespmem:$0x1FC00] =	vst v63  }
0x15: {  	_ =	swait.ge [sflag:s15], $0x2780  }
0x16: {  	[sflag:s15] =	ssyncset.done $0x0  }
0x17: {  	[sflag:s15] =	ssyncadd.s32 $0xFFFFD880  }
0x18: {  	[tilespmem:s16], [sflag:$0x2] =	stream.linear.gather [hbm4b:s6+s3], $0x2780, $0x38;
	[tilespmem:$0x1FC00] =	vst v63  }
0x19: {  	_ =	swait.ge [sflag:s15], $0x2780  }
0x1a: {  	[sflag:s15] =	ssyncset.done $0x0  }
0x1b: {  	[sflag:s15] =	ssyncadd.s32 $0xFFFFD880  }
0x1c: {  	s24 =	simm.s32 $0x0;
	[bflag:$0x0] =	sbarrier.arrive $0xFFFF  }
.LBB2_2:
0x1d: {  	s25 =	sshll.u32 s24, $0x7  }
0x1e: {  	s25 =	sadd.s32 s11, s25  }
0x1f: {  	s26 =	sshrl.u32 s25, $0x3  }
0x20: {  	s31 =	simm.s32 $0x0;
	s28 =	sadd.s32 s7, s26  }
0x21: {  	[tilespmem:s17], [sflag:$0x2] =	stream.linear.gather [hbm4b:s28+s31], $0x80, $0x38;
	[tilespmem:$0x1FC00] =	vst v63  }
0x22: {  	_ =	swait.ge [sflag:s15], $0x80  }
0x23: {  	[sflag:s15] =	ssyncset.done $0x0  }
0x24: {  	s26 =	sadd.s32 s8, s26;
	[sflag:s15] =	ssyncadd.s32 $0xFFFFFF80  }
0x25: {  	[tilespmem:s18], [sflag:$0x2] =	stream.linear.gather [hbm4b:s26+s31], $0x80, $0x38;
	[tilespmem:$0x1FC00] =	vst v63  }
0x26: {  	_ =	swait.ge [sflag:s15], $0x80  }
0x27: {  	[sflag:s15] =	ssyncset.done $0x0  }
0x28: {  	[sflag:s15] =	ssyncadd.s32 $0xFFFFFF80  }
0x29: {  	[tilespmem:s20], [sflag:$0x1] =	stream.indirect.gather [hbm4b:s4+s19], $0x90, s17, s19, $0xb8;
	[tilespmem:$0x1FC00] =	vst v63  }
0x2a: {  	v0 =	vld [tilespmem:$0x4F00]  }
0x2b: {  	v1 =	vld [tilespmem:$0x4F80];
	_ =	sdelay $0x6  }
0x2c: {  	v0 =	vld.idx.msk [tilespmem:v0+s31+$0x0], $0xffff  }
0x2d: {  	v1 =	vld.idx.msk [tilespmem:v1+s16+$0x0], $0xffff;
	_ =	sdelay $0x4  }
0x2e: {  	v0 =	vadd.f32 v1, v0;
	_ =	sdelay $0x1  }
0x2f: {  	v1 =	vmul.f32 $2.000000030e-01, v0  }
0x30: {  	vm0 =	vge.f32 v0, $0.0e+00  }
0x31: {  	v0 =	vsel vm0, v0, v1  }
0x32: {  	v0 =	vmul.f32 $1.442695020e+00, v0;
	_ =	sdelay $0x1  }
0x33: {  	(erf) = vpow2.f32 v0;
	_ =	sdelay $0x2  }
0x34: {  	v0 =	vld [tilespmem:$0x4F10]  }
0x35: {  	v1 =	vld [tilespmem:$0x4F90];
	_ =	sdelay $0x4  }
0x36: {  	v2 =	vpop (erf)  }
0x37: {  	[tilespmem:$0x5000] =	vst v2  }
0x38: {  	v0 =	vld.idx.msk [tilespmem:v0+s31+$0x0], $0xffff  }
0x39: {  	v1 =	vld.idx.msk [tilespmem:v1+s16+$0x0], $0xffff;
	_ =	sdelay $0x4  }
0x3a: {  	v0 =	vadd.f32 v1, v0;
	_ =	sdelay $0x1  }
0x3b: {  	v1 =	vmul.f32 $2.000000030e-01, v0  }
0x3c: {  	vm9 =	vge.f32 v0, $0.0e+00  }
0x3d: {  	v0 =	vsel vm9, v0, v1  }
0x3e: {  	v0 =	vmul.f32 $1.442695020e+00, v0;
	_ =	sdelay $0x1  }
0x3f: {  	(erf) = vpow2.f32 v0;
	_ =	sdelay $0x2  }
0x40: {  	v0 =	vld [tilespmem:$0x4F20]  }
0x41: {  	v1 =	vld [tilespmem:$0x4FA0];
	_ =	sdelay $0x4  }
0x42: {  	v2 =	vpop (erf)  }
0x43: {  	[tilespmem:$0x5010] =	vst v2  }
0x44: {  	v0 =	vld.idx.msk [tilespmem:v0+s31+$0x0], $0xffff  }
0x45: {  	v1 =	vld.idx.msk [tilespmem:v1+s16+$0x0], $0xffff;
	_ =	sdelay $0x4  }
0x46: {  	v0 =	vadd.f32 v1, v0;
	_ =	sdelay $0x1  }
0x47: {  	v1 =	vmul.f32 $2.000000030e-01, v0  }
0x48: {  	vm10 =	vge.f32 v0, $0.0e+00  }
0x49: {  	v0 =	vsel vm10, v0, v1  }
0x4a: {  	v0 =	vmul.f32 $1.442695020e+00, v0;
	_ =	sdelay $0x1  }
0x4b: {  	(erf) = vpow2.f32 v0;
	_ =	sdelay $0x2  }
0x4c: {  	v0 =	vld [tilespmem:$0x4F30]  }
0x4d: {  	v1 =	vld [tilespmem:$0x4FB0];
	_ =	sdelay $0x4  }
0x4e: {  	v2 =	vpop (erf)  }
0x4f: {  	[tilespmem:$0x5020] =	vst v2  }
0x50: {  	v0 =	vld.idx.msk [tilespmem:v0+s31+$0x0], $0xffff  }
0x51: {  	v1 =	vld.idx.msk [tilespmem:v1+s16+$0x0], $0xffff;
	_ =	sdelay $0x4  }
0x52: {  	v0 =	vadd.f32 v1, v0;
	_ =	sdelay $0x1  }
0x53: {  	v1 =	vmul.f32 $2.000000030e-01, v0  }
0x54: {  	vm11 =	vge.f32 v0, $0.0e+00  }
0x55: {  	v0 =	vsel vm11, v0, v1  }
0x56: {  	v0 =	vmul.f32 $1.442695020e+00, v0;
	_ =	sdelay $0x1  }
0x57: {  	(erf) = vpow2.f32 v0;
	_ =	sdelay $0x2  }
0x58: {  	v0 =	vld [tilespmem:$0x4F40]  }
0x59: {  	v1 =	vld [tilespmem:$0x4FC0];
	_ =	sdelay $0x4  }
0x5a: {  	v2 =	vpop (erf)  }
0x5b: {  	[tilespmem:$0x5030] =	vst v2  }
0x5c: {  	v0 =	vld.idx.msk [tilespmem:v0+s31+$0x0], $0xffff  }
0x5d: {  	v1 =	vld.idx.msk [tilespmem:v1+s16+$0x0], $0xffff;
	_ =	sdelay $0x4  }
0x5e: {  	v0 =	vadd.f32 v1, v0;
	_ =	sdelay $0x1  }
0x5f: {  	v1 =	vmul.f32 $2.000000030e-01, v0  }
0x60: {  	vm12 =	vge.f32 v0, $0.0e+00  }
0x61: {  	v0 =	vsel vm12, v0, v1  }
0x62: {  	v0 =	vmul.f32 $1.442695020e+00, v0;
	_ =	sdelay $0x1  }
0x63: {  	(erf) = vpow2.f32 v0;
	_ =	sdelay $0x2  }
0x64: {  	v0 =	vld [tilespmem:$0x4F50]  }
0x65: {  	v1 =	vld [tilespmem:$0x4FD0];
	_ =	sdelay $0x4  }
0x66: {  	v2 =	vpop (erf)  }
0x67: {  	[tilespmem:$0x5040] =	vst v2  }
0x68: {  	v0 =	vld.idx.msk [tilespmem:v0+s31+$0x0], $0xffff  }
0x69: {  	v1 =	vld.idx.msk [tilespmem:v1+s16+$0x0], $0xffff;
	_ =	sdelay $0x4  }
0x6a: {  	v0 =	vadd.f32 v1, v0;
	_ =	sdelay $0x1  }
0x6b: {  	v1 =	vmul.f32 $2.000000030e-01, v0  }
0x6c: {  	vm13 =	vge.f32 v0, $0.0e+00  }
0x6d: {  	v0 =	vsel vm13, v0, v1  }
0x6e: {  	v0 =	vmul.f32 $1.442695020e+00, v0;
	_ =	sdelay $0x1  }
0x6f: {  	(erf) = vpow2.f32 v0;
	_ =	sdelay $0x2  }
0x70: {  	v0 =	vld [tilespmem:$0x4F60]  }
0x71: {  	v1 =	vld [tilespmem:$0x4FE0];
	_ =	sdelay $0x4  }
0x72: {  	v2 =	vpop (erf)  }
0x73: {  	[tilespmem:$0x5050] =	vst v2  }
0x74: {  	v0 =	vld.idx.msk [tilespmem:v0+s31+$0x0], $0xffff  }
0x75: {  	v1 =	vld.idx.msk [tilespmem:v1+s16+$0x0], $0xffff;
	_ =	sdelay $0x4  }
0x76: {  	v0 =	vadd.f32 v1, v0;
	_ =	sdelay $0x1  }
0x77: {  	v1 =	vmul.f32 $2.000000030e-01, v0  }
0x78: {  	vm14 =	vge.f32 v0, $0.0e+00  }
0x79: {  	v0 =	vsel vm14, v0, v1  }
0x7a: {  	v0 =	vmul.f32 $1.442695020e+00, v0;
	_ =	sdelay $0x1  }
0x7b: {  	(erf) = vpow2.f32 v0;
	_ =	sdelay $0x2  }
0x7c: {  	v0 =	vld [tilespmem:$0x4F70]  }
0x7d: {  	v1 =	vld [tilespmem:$0x4FF0];
	_ =	sdelay $0x4  }
0x7e: {  	v2 =	vpop (erf)  }
0x7f: {  	[tilespmem:$0x5060] =	vst v2  }
0x80: {  	v0 =	vld.idx.msk [tilespmem:v0+s31+$0x0], $0xffff  }
0x81: {  	v1 =	vld.idx.msk [tilespmem:v1+s16+$0x0], $0xffff;
	_ =	sdelay $0x4  }
0x82: {  	v0 =	vadd.f32 v1, v0;
	_ =	sdelay $0x1  }
0x83: {  	v1 =	vmul.f32 $2.000000030e-01, v0  }
0x84: {  	vm15 =	vge.f32 v0, $0.0e+00  }
0x85: {  	v0 =	vsel vm15, v0, v1  }
0x86: {  	v0 =	vmul.f32 $1.442695020e+00, v0;
	_ =	sdelay $0x1  }
0x87: {  	(erf) = vpow2.f32 v0;
	_ =	sdelay $0x8  }
0x88: {  	v0 =	vpop (erf)  }
0x89: {  	[tilespmem:$0x5070] =	vst v0  }
0x8a: {  	_ =	swait.ge [sflag:s21], $0x4800  }
0x8b: {  	[sflag:s21] =	ssyncset.done $0x0  }
0x8c: {  	s25 =	simm.s32 $0x50C0;
	v0 =	vmov s31;
	[sflag:s21] =	ssyncadd.s32 $0xFFFFB800  }
0x8d: {  	v5 =	vld [tilespmem:s25+$0xFFFFFFC0]  }
0x8e: {  	v8 =	vld [tilespmem:s25+$0x30]  }
0x8f: {  	v6 =	vld [tilespmem:s25+$0x40]  }
0x90: {  	v10 =	vld [tilespmem:s25+$0xFFFFFFE0]  }
0x91: {  	v1 =	vld.idx.msk [tilespmem:v0+s22+$0x0], $0xffff  }
0x92: {  	v2 =	vld [tilespmem:s25+$0x20]  }
0x93: {  	v3 =	vld [tilespmem:s25+$0xFFFFFFD0]  }
0x94: {  	v4 =	vld [tilespmem:s25+$0x10]  }
0x95: {  	v0 =	vld [tilespmem:s25+$0xFFFFFFF0]  }
0x96: {  	v9 =	vmul.f32 v5, v1;
	v7 =	vmul.f32 v6, v1;
	v5 =	vld [tilespmem:s25+$0x0]  }
0x97: {  	s28 =	simm.s32 $0x50C0;
	s26 =	simm.s32 $0x1;
	v6 =	vmul.f32 v10, v1;
	v8 =	vmul.f32 v8, v1  }
.LBB2_3:
0x98: {  	p0 =	sne.s32 s26, $0x7F  }
0x99: {  	[tilespmem:s25+$0xFFFFFFC0] =	vst v9;
	v3 =	vmul.f32 v3, v1;
	v2 =	vmul.f32 v2, v1;
	s28 =	sadd.s32 $0x90, s28;
	s29 =	smov.u32 s26;
	s26 =	sadd.s32 $0x1, s26  }
0x9a: {  	v9 =	vmul.f32 v0, v1;
	v0 =	vmul.f32 v4, v1;
	[tilespmem:s25+$0x40] =	vst v7  }
0x9b: {  	v1 =	vmul.f32 v5, v1;
	[tilespmem:s25+$0x30] =	vst v8  }
0x9c: {  	[tilespmem:s25+$0xFFFFFFE0] =	vst v6  }
0x9d: {  	v4 =	vmov s29;
	[tilespmem:s25+$0x10] =	vst v0  }
0x9e: {  	v0 =	vld [tilespmem:s28+$0xFFFFFFF0];
	[tilespmem:s25+$0x0] =	vst v1  }
0x9f: {  	v6 =	vld [tilespmem:s28+$0xFFFFFFC0];
	[tilespmem:s25+$0xFFFFFFF0] =	vst v9  }
0xa0: {  	v8 =	vld [tilespmem:s28+$0x30];
	[tilespmem:s25+$0x20] =	vst v2  }
0xa1: {  	v7 =	vld [tilespmem:s28+$0x40];
	[tilespmem:s25+$0xFFFFFFD0] =	vst v3;
	s25 =	smov.u32 s28  }
0xa2: {  	v1 =	vld.idx.msk [tilespmem:v4+s22+$0x0], $0xffff  }
0xa3: {  	v10 =	vld [tilespmem:s28+$0xFFFFFFE0]  }
0xa4: {  	v2 =	vld [tilespmem:s28+$0x20]  }
.Ltmp0:
0xa5: {  	v3 =	vld [tilespmem:s28+$0xFFFFFFD0];
	(pc) =	sbr.rel @p0 .LBB2_3-.Ltmp0, $4  }
0xa6: {  	v4 =	vld [tilespmem:s28+$0x10]  }
0xa7: {  	v5 =	vld [tilespmem:s28+$0x0]  }
0xa8: {  	v9 =	vmul.f32 v6, v1;
	v7 =	vmul.f32 v7, v1  }
0xa9: {  	v8 =	vmul.f32 v8, v1;
	v6 =	vmul.f32 v10, v1  }
0xaa: {  	[tilespmem:s25+$0xFFFFFFC0] =	vst v9  }
0xab: {  	[tilespmem:s25+$0x40] =	vst v7  }
0xac: {  	v0 =	vmul.f32 v0, v1;
	[tilespmem:s25+$0x30] =	vst v8  }
0xad: {  	v2 =	vmul.f32 v2, v1;
	[tilespmem:s25+$0xFFFFFFE0] =	vst v6  }
0xae: {  	v63 =	vmul.f32 v3, v1;
	[tilespmem:s25+$0xFFFFFFF0] =	vst v0  }
0xaf: {  	v4 =	vmul.f32 v4, v1;
	[tilespmem:s25+$0x20] =	vst v2  }
0xb0: {  	s24 =	sadd.s32 $0x1, s24;
	v5 =	vmul.f32 v5, v1;
	[tilespmem:s25+$0xFFFFFFD0] =	vst v63  }
0xb1: {  	p0 =	sne.s32 s24, $0x51;
	[tilespmem:s25+$0x10] =	vst v4  }
.Ltmp1:
0xb2: {  	[tilespmem:s25+$0x0] =	vst v5;
	(pc) =	sbr.rel @p0 .LBB2_2-.Ltmp1, $4  }
0xb3: {  	[spmem:s2] =	stream.indirect.scatter.add.f32 [tilespmem:s20], [sflag:$0x2], $0x90, s18, s19, $0xb8;
	[tilespmem:$0x1FC00] =	vst v63  }
0xb4: {  	_ =	swait.ge [sflag:s15], $0x4800  }
0xb5: {  	[sflag:s15] =	ssyncset.done $0x0  }
0xb6: {  	[sflag:s15] =	ssyncadd.s32 $0xFFFFB800  }
0xb7: {  	s23 =	sadd.s32 $0x1, s23  }
0xb8: {  	p0 =	sne.s32 s23, s13  }
.Ltmp2:
0xb9: {  	[bflag:$0x0] =	sbarrier.arrive $0xFFFF;
	(pc) =	sbr.rel @p0 .LBB2_1-.Ltmp2, $4  }
0xba: {  	[hbm:s12], [sflag:s10] =	dma.local [spmem:s14], $0x2C70  }
0xbb: {  	_ =	swait.ge [sflag:s15], $0x2C70  }
0xbc: {  	[sflag:s15] =	ssyncset.done $0x0  }
0xbd: {  	[sflag:s15] =	ssyncadd.s32 $0xFFFFD390  }
0xbe: {  	_ =	sfence.sel $0x180000  }
0xbf: {  	[bflag:$0x0] =	sbarrier.arrive $0xFFFF  }
0xc0: {  	p0 =	sne.s32 s1, $0x0;
	_ =	strace $0x90000059  }
0xc1: {  	s0 =	sadd.s32 @!p0 $0x100000, s0;
	[bflag:$0x2] =	sbarrier.arrive $0xFFFF  }
0xc2: {  	[sflag:s0] =	ssyncadd.tile.s32 @!p0 $0x1;
	_ =	shalt  }
.Lfunc_end2:
_tile_overlayer_lowered:
.L_overlay_start_2:
0xc3: {  	(tag) =	ssettag $0x2  }
0xc4: {  	s0 =	rddreg [dreg:$0x0];
	s2 =	stileid.u32  }
0xc5: {  	s1 =	rddreg [dreg:$0x1];
	p0 =	sne.s32 s2, $0x0  }
0xc6: {  	s3 =	rddreg [dreg:$0x2];
	[bflag:$0x3] =	sbarrier.arrive $0xFFFF;
	s2 =	simm.s32 @!p0 $0x1C02  }
0xc7: {  	[timem:s3], [sflag:s2] =	dma.local @!p0 [hbm:s0], s1  }
0xc8: {  	s0 =	simm.s32 @!p0 $0x2  }
0xc9: {  	_ =	swait.ge @!p0 [sflag:s0], s1  }
0xca: {  	s1 =	ssub.s32 @!p0 $0x0, s1;
	[sflag:s0] =	ssyncset.done @!p0 $0x0  }
0xcb: {  	[sflag:s0] =	ssyncadd.s32 @!p0 s1  }
0xcc: {  	[bflag:$0x3] =	sbarrier.arrive $0xFFFF  }
0xcd: {  	_ =	shalt  }

// kernel: kernel.50.cloned.1.call-start
scs
__scs_entry_jumppad:
0x0: {  	(pc) =	sbr.rel $0x88, $3  }
0x1: {  	(tag) =	ssettag $0x0;
	lr =	simm.s32 $0x1  }
0x2: {  	[smem:$0x3F96] =	sst lr;
	_ =	strace $0xD0000000  }
0x3: {  	_ = 	snop  }
0x4: {  	_ = 	snop  }
0x5: {  	_ = 	snop  }
0x6: {  	_ = 	snop  }
0x7: {  	_ = 	snop  }
__scs_overlays_trampoline_lowered:
0x8: {  	[smem:$0x3FA5] =	sst s0  }
0x9: {  	[smem:$0x3FA6] =	sst s1  }
0xa: {  	[smem:$0x3FA7] =	sst s2  }
0xb: {  	[smem:$0x3FA8] =	sst s3  }
0xc: {  	[smem:$0x3FA9] =	sst s4  }
0xd: {  	[smem:$0x3FAA] =	sst s5  }
0xe: {  	[smem:$0x3FAB] =	sst s6  }
0xf: {  	[smem:$0x3FAC] =	sst s7  }
0x10: {  	[smem:$0x3FAD] =	sst s8  }
0x11: {  	[smem:$0x3FAE] =	sst s9;
	s0 =	simm.s32 @!p0 $0x0  }
0x12: {  	s1 =	sld [smem:$0x3F94];
	s0 =	simm.s32 @p0 $0x1  }
0x13: {  	[smem:$0x3FAF] =	sst s0;
	s0 =	simm.s32 @!p1 $0x0  }
0x14: {  	s2 =	sld [smem:$0x3F93];
	s0 =	simm.s32 @p1 $0x1  }
0x15: {  	[smem:$0x3FB0] =	sst s0;
	s0 =	simm.s32 @!p2 $0x0  }
0x16: {  	s3 =	sld [smem:$0x3FDB];
	s0 =	simm.s32 @p2 $0x1  }
0x17: {  	s4 =	simm.s32 $0x1BF5;
	[smem:$0x3FB2] =	sst s0  }
0x18: {  	s0 =	sld [smem:$0x3F95];
	_ =	swait.ge [sflag:s4], $0x0  }
0x19: {  	s7 =	sld [smem:$0x3F96]  }
0x1a: {  	s8 =	sadd.s32 $0xFFFFE003, lr  }
0x1b: {  	s9 =	sadd.s32 $0xFFFFFEF7, lr;
	s5 =	simm.s32 $0xFFFFFFFF;
	p2 =	slt.u32 s8, $0xFFFFF086  }
0x1c: {  	p1 =	slt.u32 s9, $0xF7A;
	s5 =	simm.s32 @!p2 $0x0  }
0x1d: {  	s5 =	simm.s32 @p1 $0x1;
	p0 =	seq.s32 s7, s2  }
0x1e: {  	s7 =	smul.u32 @!p0 $0xF7A, s2;
	p2 =	seq.s32 @!p0 s5, $0x0  }
0x1f: {  	s9 =	smul.u32 $0xF7A, s1;
	s8 =	simm.s32 @!p0 $0x1BF5;
	p2 =	por !p2, p0  }
0x20: {  	[sflag:s8] =	ssyncset.s32 @!p0 $0xFFFFF086;
	s6 =	sadd.s32 @!p0 s3, s7;
	s7 =	simm.s32 @!p0 $0x108  }
0x21: {  	s3 =	sadd.s32 s3, s9;
	s6 =	sadd.s32 @!p0 $0x88, s6;
	s7 =	simm.s32 @p2 $0x1082  }
0x22: {  	[simem:s7], [sflag:s8] =	dma.local @!p0 [hbm:s6], $0xF7A  }
0x23: {  	s9 =	sor.u32 $0xD0000000, s2;
	s6 =	simm.s32 $0x108;
	_ =	swait.ge @!p0 [sflag:s8], $0x0  }
0x24: {  	s3 =	sadd.s32 $0x88, s3;
	s6 =	simm.s32 @!p1 $0x1082;
	[sflag:s4] =	ssyncset.s32 $0xFFFFF086  }
0x25: {  	[simem:s6], [sflag:s4] =	dma.local [hbm:s3], $0xF7A  }
0x26: {  	[smem:$0x3F96] =	sst s1;
	(tag) =	ssettag s2;
	_ =	strace s9  }
0x27: {  	s1 =	sld [smem:$0x3FA6]  }
0x28: {  	s2 =	sld [smem:$0x3FA7]  }
0x29: {  	s4 =	sld [smem:$0x3FA9]  }
0x2a: {  	p0 =	seq.s32 s5, $0x0;
	s5 =	sld [smem:$0x3FAA]  }
0x2b: {  	s6 =	sld [smem:$0x3FAB]  }
0x2c: {  	s7 =	sld [smem:$0x3FAC]  }
0x2d: {  	s3 =	simm.s32 $0x108;
	s8 =	sld [smem:$0x3FAD]  }
0x2e: {  	s3 =	simm.s32 @!p0 $0x1082;
	s9 =	sld [smem:$0x3FAE]  }
0x2f: {  	lr =	sadd.s32 s0, s3;
	s0 =	sld [smem:$0x3FA5]  }
0x30: {  	s3 =	sld [smem:$0x3FA8]  }
0x31: {  	[smem:$0x3FB1] =	sst s10  }
0x32: {  	s10 =	sld [smem:$0x3FAF];
	_ =	sdelay $0x3  }
0x33: {  	p0 =	seq.s32 s10, $0x1;
	s10 =	sld [smem:$0x3FB1];
	_ =	sdelay $0x3  }
0x34: {  	[smem:$0x3FB1] =	sst s10  }
0x35: {  	s10 =	sld [smem:$0x3FB0];
	_ =	sdelay $0x3  }
0x36: {  	p1 =	seq.s32 s10, $0x1;
	s10 =	sld [smem:$0x3FB1];
	_ =	sdelay $0x3  }
0x37: {  	[smem:$0x3FB1] =	sst s10  }
0x38: {  	s10 =	sld [smem:$0x3FB2]  }
0x39: {  	_ = 	snop;
	(pc) =	sbr.ind lr, $3  }
0x3a: {  	_ = 	snop  }
0x3b: {  	_ = 	snop  }
0x3c: {  	p2 =	seq.s32 s10, $0x1;
	s10 =	sld [smem:$0x3FB1]  }
0x3d: {  	_ =	shalt  }
0x3e: {  	_ =	shalt  }
0x3f: {  	_ =	shalt  }
0x40: {  	_ =	shalt  }
0x41: {  	_ =	shalt  }
0x42: {  	_ =	shalt  }
0x43: {  	_ =	shalt  }
0x44: {  	_ =	shalt  }
0x45: {  	_ =	shalt  }
0x46: {  	_ =	shalt  }
0x47: {  	_ =	shalt  }
0x48: {  	_ =	shalt  }
0x49: {  	_ =	shalt  }
0x4a: {  	_ =	shalt  }
0x4b: {  	_ =	shalt  }
0x4c: {  	_ =	shalt  }
0x4d: {  	_ =	shalt  }
0x4e: {  	_ =	shalt  }
0x4f: {  	_ =	shalt  }
0x50: {  	_ =	shalt  }
0x51: {  	_ =	shalt  }
0x52: {  	_ =	shalt  }
0x53: {  	_ =	shalt  }
0x54: {  	_ =	shalt  }
0x55: {  	_ =	shalt  }
0x56: {  	_ =	shalt  }
0x57: {  	_ =	shalt  }
0x58: {  	_ =	shalt  }
0x59: {  	_ =	shalt  }
0x5a: {  	_ =	shalt  }
0x5b: {  	_ =	shalt  }
0x5c: {  	_ =	shalt  }
0x5d: {  	_ =	shalt  }
0x5e: {  	_ =	shalt  }
0x5f: {  	_ =	shalt  }
0x60: {  	_ =	shalt  }
0x61: {  	_ =	shalt  }
0x62: {  	_ =	shalt  }
0x63: {  	_ =	shalt  }
0x64: {  	_ =	shalt  }
0x65: {  	_ =	shalt  }
0x66: {  	_ =	shalt  }
0x67: {  	_ =	shalt  }
0x68: {  	_ =	shalt  }
0x69: {  	_ =	shalt  }
0x6a: {  	_ =	shalt  }
0x6b: {  	_ =	shalt  }
0x6c: {  	_ =	shalt  }
0x6d: {  	_ =	shalt  }
0x6e: {  	_ =	shalt  }
0x6f: {  	_ =	shalt  }
0x70: {  	_ =	shalt  }
0x71: {  	_ =	shalt  }
0x72: {  	_ =	shalt  }
0x73: {  	_ =	shalt  }
0x74: {  	_ =	shalt  }
0x75: {  	_ =	shalt  }
0x76: {  	_ =	shalt  }
0x77: {  	_ =	shalt  }
0x78: {  	_ =	shalt  }
0x79: {  	_ =	shalt  }
0x7a: {  	_ =	shalt  }
0x7b: {  	_ =	shalt  }
0x7c: {  	_ =	shalt  }
0x7d: {  	_ =	shalt  }
0x7e: {  	_ =	shalt  }
0x7f: {  	_ =	shalt  }
0x80: {  	_ =	shalt  }
0x81: {  	_ =	shalt  }
0x82: {  	_ =	shalt  }
0x83: {  	_ =	shalt  }
0x84: {  	_ =	shalt  }
0x85: {  	_ =	shalt  }
0x86: {  	_ =	shalt  }
0x87: {  	_ =	shalt  }
.Lfunc_end0:
.L_simem_size_0:
called_computation.7_lowered:
.L_overlay_start_0:
0x88: {  	s2 =	sld [smem:$0x3FD9]  }
0x89: {  	s3 =	sld [smem:$0x3FFE];
	_ =	sdelay $0x1  }
0x8a: {  	s1 =	srdreg.scid  }
0x8b: {  	s0 =	sand.u32 $0x1, s1  }
0x8c: {  	s16 =	sshll.u32 s0, $0xA;
	s2 =	sadd.s32 s3, s2  }
0x8d: {  	s2 =	sadd.s32 s2, s16  }
0x8e: {  	[smem:$0x3FBD] =	sst s2  }
0x8f: {  	_ = 	snop  }
0x90: {  	(tm) =	ssettm $0x1  }
0x91: {  	s17 =	sld [smem:$0x3FFB];
	_ =	sdelay $0x3  }
0x92: {  	_ =	strace s17  }
0x93: {  	s2 =	sld [smem:$0x3FFC];
	_ =	sdelay $0x3  }
0x94: {  	_ =	strace s2  }
0x95: {  	s2 =	sld [smem:$0x3FFD];
	_ =	sdelay $0x3  }
0x96: {  	_ =	strace s2  }
0x97: {  	_ =	strace $0x8FFFFFFF  }
0x98: {  	s18 =	sld [smem:$0x3FDB];
	_ =	sdelay $0x1  }
0x99: {  	s19 =	simm.s32 $_scs_section_size  }
0x9a: {  	s4 =	simm.s32 $_size__tile_overlayer_lowered;
	s5 =	simm.s32 $_tile_overlayer_lowered  }
0x9b: {  	s22 =	simm.s32 $0x1BFF;
	s21 =	sshll.u32 s5, $0x1;
	s2 =	sadd.s32 s19, s18  }
0x9c: {  	s6 =	simm.s32 $0x0;
	s20 =	sshll.u32 s4, $0x1;
	s4 =	sadd.s32 s21, s2  }
0x9d: {  	[timem:s6], [sflag:s22] =	dma.local [hbm:s4], s20  }
0x9e: {  	_ =	swait.ge [sflag:s22], s20  }
0x9f: {  	s3 =	ssub.s32 $0x0, s20;
	[sflag:s22] =	ssyncset.done $0x0  }
0xa0: {  	[sflag:s22] =	ssyncadd.s32 s3;
	_ =	sdelay $0x1  }
0xa1: {  	s23 =	simm.s32 $0x1B8B  }
0xa2: {  	_ =	swait.ge [sflag:s23], $0x1  }
0xa3: {  	[sflag:s23] =	ssyncset.done $0x0  }
0xa4: {  	s25 =	simm.s32 $0x1B8E;
	s24 =	sld [smem:$0x3FFE];
	[sflag:s23] =	ssyncadd.s32 $0xFFFFFFFF  }
0xa5: {  	s26 =	simm.s32 $execute0_lowered;
	[smem:$0x3FD2] =	sst s25  }
0xa6: {  	s4 =	sshll.u32 s26, $0x1;
	_ =	strace $0x8000005B;
	[dreg:$0x1] =	wrdreg $0xFFFFFFFF  }
0xa7: {  	s28 =	simm.s32 $_size_execute0_lowered;
	s2 =	sadd.s32 s2, s4;
	[dreg:$0x0] =	wrdreg $0x0  }
0xa8: {  	s4 =	sshll.u32 s28, $0x1;
	[dreg:$0x2] =	wrdreg s2  }
0xa9: {  	[dreg:$0x3] =	wrdreg s4  }
0xaa: {  	[dreg:$0x4] =	wrdreg $0xC0  }
0xab: {  	_ =	task [dreg:s6], $0x5FFFF  }
0xac: {  	[dreg:$0x1] =	wrdreg $0xFFFFFFFF  }
0xad: {  	[dreg:$0x0] =	wrdreg $0x60  }
0xae: {  	[dreg:$0x2] =	wrdreg s24  }
0xaf: {  	[dreg:$0x3] =	wrdreg $0x98800  }
0xb0: {  	[dreg:$0x4] =	wrdreg $0x9  }
0xb1: {  	_ =	task.clear_ibuf [dreg:s6], $0x5FFFF;
	_ =	strace $0x9000005B  }
0xb2: {  	s29 =	simm.s32 $0x9;
	_ =	strace $0x8000005D  }
0xb3: {  	_ =	swait.ge [sflag:s29], $0x1  }
0xb4: {  	[sflag:s29] =	ssyncadd.s32 $0xFFFFFFFF  }
0xb5: {  	_ =	strace $0x9000005D  }
0xb6: {  	_ =	sfence  }
0xb7: {  	s30 =	sld [smem:$0x0];
	_ =	sdelay $0x2  }
0xb8: {  	s31 =	sshll.u32 s1, $0xD;
	s1 =	sshrl.u32 s1, $0x2  }
0xb9: {  	s3 =	sand.u32 $0x4000, s31;
	s1 =	sadd.s32 s1, s30  }
0xba: {  	s0 =	sor.u32 s3, s0;
	s1 =	sshll.u32 s1, $0x11  }
0xbb: {  	s0 =	sor.u32 s1, s0  }
0xbc: {  	s0 =	sadd.s32 $0x8F2B, s0  }
0xbd: {  	[sflag:s0] =	ssyncadd.remote.s32 $0x1  }
0xbe: {  	_ =	sfence.sel $0xFFFF  }
0xbf: {  	[dreg:$0x0] =	wrdreg $0xFFFFFFFF;
	(pc) =	sbr.abs _section_cstart, $3  }
0xc0: {  	[dreg:$0x1] =	wrdreg $0xFFFFFFFF  }
0xc1: {  	_ =	task.clear_ibuf [dreg:s6], $0x2FFFF;
	_ =	strace $0x9FFFFFFF  }
0xc2: {  	(tm) =	ssettm $0x7FFFFFFF  }
0xc3: {  	_ =	shalt  }
tec
execute0_lowered:
.L_overlay_start_1:
0x0: {  	(tag) =	ssettag $0x1  }
0x1: {  	s10 =	rddreg [dreg:$0x0]  }
0x2: {  	s2 =	rddreg [dreg:$0x1]  }
0x3: {  	s0 =	rddreg [dreg:$0x2];
	s3 =	simm.s32 $0x0;
	s4 =	srdreg.scid  }
0x4: {  	s1 =	stileid.u32;
	s16 =	simm.s32 $0x2780;
	s17 =	simm.s32 $0x4F00  }
0x5: {  	s18 =	simm.s32 $0x4F80;
	s19 =	simm.s32 $0x80;
	s20 =	simm.s32 $0x5080  }
0x6: {  	s21 =	simm.s32 $0x1;
	s22 =	simm.s32 $0x5000;
	s23 =	simm.s32 $0x0  }
0x7: {  	[smem:$0x7FF] =	sst s3;
	s11 =	sand.u32 $0x1, s4;
	s12 =	smul.u32 $0x16380, s1  }
0x8: {  	s4 =	sadd.s32 $0xB4E00, s10;
	s5 =	sadd.s32 $0x29C00, s10;
	s6 =	sadd.s32 $0x29600, s10  }
0x9: {  	s7 =	sadd.s32 $0x5BC00, s10;
	s8 =	sadd.s32 $0x51A00, s10;
	s9 =	smul.u32 $0x163800, s11  }
0xa: {  	s31 =	sshll.u32 s1, $0x6;
	_ =	strace $0x8000005C;
	s14 =	ssub.s32 $0x2, s11  }
0xb: {  	s11 =	sshll.u32 s11, $0x4;
	s30 =	sshrl.u32 s14, $0x1;
	s13 =	sadd.s32 s12, s9  }
0xc: {  	s11 =	sor.u32 s1, s11;
	s15 =	sadd.s32 s12, s2;
	s13 =	sshrl.u32 s13, $0x3  }
0xd: {  	s9 =	sadd.s32 $0x2EC00, s10;
	s14 =	ssub.s32 s14, s30;
	s13 =	sadd.s32 s13, s10  }
0xe: {  	s11 =	smul.u32 $0x2880, s11;
	s10 =	sor.u32 $0x1C02, s31;
	s12 =	sadd.s32 $0xE1600, s13  }
0xf: {  	s13 =	smax.u32 s14, $0x1;
	s14 =	sshrl.u32 s15, $0x3;
	s15 =	simm.s32 $0x2  }
.LBB2_1:
0x10: {  	[spmem:s14], [sflag:s10] =	dma.local [hbm:s9], $0x2C70  }
0x11: {  	_ =	swait.ge [sflag:s15], $0x2C70  }
0x12: {  	[sflag:s15] =	ssyncset.done $0x0  }
0x13: {  	[sflag:s15] =	ssyncadd.s32 $0xFFFFD390  }
0x14: {  	[tilespmem:s3], [sflag:$0x2] =	stream.linear.gather [hbm4b:s5+s3], $0x2780, $0x38;
	[tilespmem:$0x1FC00] =	vst v63  }
0x15: {  	_ =	swait.ge [sflag:s15], $0x2780  }
0x16: {  	[sflag:s15] =	ssyncset.done $0x0  }
0x17: {  	[sflag:s15] =	ssyncadd.s32 $0xFFFFD880  }
0x18: {  	[tilespmem:s16], [sflag:$0x2] =	stream.linear.gather [hbm4b:s6+s3], $0x2780, $0x38;
	[tilespmem:$0x1FC00] =	vst v63  }
0x19: {  	_ =	swait.ge [sflag:s15], $0x2780  }
0x1a: {  	[sflag:s15] =	ssyncset.done $0x0  }
0x1b: {  	[sflag:s15] =	ssyncadd.s32 $0xFFFFD880  }
0x1c: {  	s24 =	simm.s32 $0x0;
	[bflag:$0x0] =	sbarrier.arrive $0xFFFF  }
.LBB2_2:
0x1d: {  	s25 =	sshll.u32 s24, $0x7  }
0x1e: {  	s25 =	sadd.s32 s11, s25  }
0x1f: {  	s26 =	sshrl.u32 s25, $0x3  }
0x20: {  	s31 =	simm.s32 $0x0;
	s28 =	sadd.s32 s7, s26  }
0x21: {  	[tilespmem:s17], [sflag:$0x2] =	stream.linear.gather [hbm4b:s28+s31], $0x80, $0x38;
	[tilespmem:$0x1FC00] =	vst v63  }
0x22: {  	_ =	swait.ge [sflag:s15], $0x80  }
0x23: {  	[sflag:s15] =	ssyncset.done $0x0  }
0x24: {  	s26 =	sadd.s32 s8, s26;
	[sflag:s15] =	ssyncadd.s32 $0xFFFFFF80  }
0x25: {  	[tilespmem:s18], [sflag:$0x2] =	stream.linear.gather [hbm4b:s26+s31], $0x80, $0x38;
	[tilespmem:$0x1FC00] =	vst v63  }
0x26: {  	_ =	swait.ge [sflag:s15], $0x80  }
0x27: {  	[sflag:s15] =	ssyncset.done $0x0  }
0x28: {  	[sflag:s15] =	ssyncadd.s32 $0xFFFFFF80  }
0x29: {  	[tilespmem:s20], [sflag:$0x1] =	stream.indirect.gather [hbm4b:s4+s19], $0x90, s17, s19, $0xb8;
	[tilespmem:$0x1FC00] =	vst v63  }
0x2a: {  	v0 =	vld [tilespmem:$0x4F00]  }
0x2b: {  	v1 =	vld [tilespmem:$0x4F80];
	_ =	sdelay $0x6  }
0x2c: {  	v0 =	vld.idx.msk [tilespmem:v0+s31+$0x0], $0xffff  }
0x2d: {  	v1 =	vld.idx.msk [tilespmem:v1+s16+$0x0], $0xffff;
	_ =	sdelay $0x4  }
0x2e: {  	v0 =	vadd.f32 v1, v0;
	_ =	sdelay $0x1  }
0x2f: {  	v1 =	vmul.f32 $2.000000030e-01, v0  }
0x30: {  	vm0 =	vge.f32 v0, $0.0e+00  }
0x31: {  	v0 =	vsel vm0, v0, v1  }
0x32: {  	v0 =	vmul.f32 $1.442695020e+00, v0;
	_ =	sdelay $0x1  }
0x33: {  	(erf) = vpow2.f32 v0;
	_ =	sdelay $0x2  }
0x34: {  	v0 =	vld [tilespmem:$0x4F10]  }
0x35: {  	v1 =	vld [tilespmem:$0x4F90];
	_ =	sdelay $0x4  }
0x36: {  	v2 =	vpop (erf)  }
0x37: {  	[tilespmem:$0x5000] =	vst v2  }
0x38: {  	v0 =	vld.idx.msk [tilespmem:v0+s31+$0x0], $0xffff  }
0x39: {  	v1 =	vld.idx.msk [tilespmem:v1+s16+$0x0], $0xffff;
	_ =	sdelay $0x4  }
0x3a: {  	v0 =	vadd.f32 v1, v0;
	_ =	sdelay $0x1  }
0x3b: {  	v1 =	vmul.f32 $2.000000030e-01, v0  }
0x3c: {  	vm9 =	vge.f32 v0, $0.0e+00  }
0x3d: {  	v0 =	vsel vm9, v0, v1  }
0x3e: {  	v0 =	vmul.f32 $1.442695020e+00, v0;
	_ =	sdelay $0x1  }
0x3f: {  	(erf) = vpow2.f32 v0;
	_ =	sdelay $0x2  }
0x40: {  	v0 =	vld [tilespmem:$0x4F20]  }
0x41: {  	v1 =	vld [tilespmem:$0x4FA0];
	_ =	sdelay $0x4  }
0x42: {  	v2 =	vpop (erf)  }
0x43: {  	[tilespmem:$0x5010] =	vst v2  }
0x44: {  	v0 =	vld.idx.msk [tilespmem:v0+s31+$0x0], $0xffff  }
0x45: {  	v1 =	vld.idx.msk [tilespmem:v1+s16+$0x0], $0xffff;
	_ =	sdelay $0x4  }
0x46: {  	v0 =	vadd.f32 v1, v0;
	_ =	sdelay $0x1  }
0x47: {  	v1 =	vmul.f32 $2.000000030e-01, v0  }
0x48: {  	vm10 =	vge.f32 v0, $0.0e+00  }
0x49: {  	v0 =	vsel vm10, v0, v1  }
0x4a: {  	v0 =	vmul.f32 $1.442695020e+00, v0;
	_ =	sdelay $0x1  }
0x4b: {  	(erf) = vpow2.f32 v0;
	_ =	sdelay $0x2  }
0x4c: {  	v0 =	vld [tilespmem:$0x4F30]  }
0x4d: {  	v1 =	vld [tilespmem:$0x4FB0];
	_ =	sdelay $0x4  }
0x4e: {  	v2 =	vpop (erf)  }
0x4f: {  	[tilespmem:$0x5020] =	vst v2  }
0x50: {  	v0 =	vld.idx.msk [tilespmem:v0+s31+$0x0], $0xffff  }
0x51: {  	v1 =	vld.idx.msk [tilespmem:v1+s16+$0x0], $0xffff;
	_ =	sdelay $0x4  }
0x52: {  	v0 =	vadd.f32 v1, v0;
	_ =	sdelay $0x1  }
0x53: {  	v1 =	vmul.f32 $2.000000030e-01, v0  }
0x54: {  	vm11 =	vge.f32 v0, $0.0e+00  }
0x55: {  	v0 =	vsel vm11, v0, v1  }
0x56: {  	v0 =	vmul.f32 $1.442695020e+00, v0;
	_ =	sdelay $0x1  }
0x57: {  	(erf) = vpow2.f32 v0;
	_ =	sdelay $0x2  }
0x58: {  	v0 =	vld [tilespmem:$0x4F40]  }
0x59: {  	v1 =	vld [tilespmem:$0x4FC0];
	_ =	sdelay $0x4  }
0x5a: {  	v2 =	vpop (erf)  }
0x5b: {  	[tilespmem:$0x5030] =	vst v2  }
0x5c: {  	v0 =	vld.idx.msk [tilespmem:v0+s31+$0x0], $0xffff  }
0x5d: {  	v1 =	vld.idx.msk [tilespmem:v1+s16+$0x0], $0xffff;
	_ =	sdelay $0x4  }
0x5e: {  	v0 =	vadd.f32 v1, v0;
	_ =	sdelay $0x1  }
0x5f: {  	v1 =	vmul.f32 $2.000000030e-01, v0  }
0x60: {  	vm12 =	vge.f32 v0, $0.0e+00  }
0x61: {  	v0 =	vsel vm12, v0, v1  }
0x62: {  	v0 =	vmul.f32 $1.442695020e+00, v0;
	_ =	sdelay $0x1  }
0x63: {  	(erf) = vpow2.f32 v0;
	_ =	sdelay $0x2  }
0x64: {  	v0 =	vld [tilespmem:$0x4F50]  }
0x65: {  	v1 =	vld [tilespmem:$0x4FD0];
	_ =	sdelay $0x4  }
0x66: {  	v2 =	vpop (erf)  }
0x67: {  	[tilespmem:$0x5040] =	vst v2  }
0x68: {  	v0 =	vld.idx.msk [tilespmem:v0+s31+$0x0], $0xffff  }
0x69: {  	v1 =	vld.idx.msk [tilespmem:v1+s16+$0x0], $0xffff;
	_ =	sdelay $0x4  }
0x6a: {  	v0 =	vadd.f32 v1, v0;
	_ =	sdelay $0x1  }
0x6b: {  	v1 =	vmul.f32 $2.000000030e-01, v0  }
0x6c: {  	vm13 =	vge.f32 v0, $0.0e+00  }
0x6d: {  	v0 =	vsel vm13, v0, v1  }
0x6e: {  	v0 =	vmul.f32 $1.442695020e+00, v0;
	_ =	sdelay $0x1  }
0x6f: {  	(erf) = vpow2.f32 v0;
	_ =	sdelay $0x2  }
0x70: {  	v0 =	vld [tilespmem:$0x4F60]  }
0x71: {  	v1 =	vld [tilespmem:$0x4FE0];
	_ =	sdelay $0x4  }
0x72: {  	v2 =	vpop (erf)  }
0x73: {  	[tilespmem:$0x5050] =	vst v2  }
0x74: {  	v0 =	vld.idx.msk [tilespmem:v0+s31+$0x0], $0xffff  }
0x75: {  	v1 =	vld.idx.msk [tilespmem:v1+s16+$0x0], $0xffff;
	_ =	sdelay $0x4  }
0x76: {  	v0 =	vadd.f32 v1, v0;
	_ =	sdelay $0x1  }
0x77: {  	v1 =	vmul.f32 $2.000000030e-01, v0  }
0x78: {  	vm14 =	vge.f32 v0, $0.0e+00  }
0x79: {  	v0 =	vsel vm14, v0, v1  }
0x7a: {  	v0 =	vmul.f32 $1.442695020e+00, v0;
	_ =	sdelay $0x1  }
0x7b: {  	(erf) = vpow2.f32 v0;
	_ =	sdelay $0x2  }
0x7c: {  	v0 =	vld [tilespmem:$0x4F70]  }
0x7d: {  	v1 =	vld [tilespmem:$0x4FF0];
	_ =	sdelay $0x4  }
0x7e: {  	v2 =	vpop (erf)  }
0x7f: {  	[tilespmem:$0x5060] =	vst v2  }
0x80: {  	v0 =	vld.idx.msk [tilespmem:v0+s31+$0x0], $0xffff  }
0x81: {  	v1 =	vld.idx.msk [tilespmem:v1+s16+$0x0], $0xffff;
	_ =	sdelay $0x4  }
0x82: {  	v0 =	vadd.f32 v1, v0;
	_ =	sdelay $0x1  }
0x83: {  	v1 =	vmul.f32 $2.000000030e-01, v0  }
0x84: {  	vm15 =	vge.f32 v0, $0.0e+00  }
0x85: {  	v0 =	vsel vm15, v0, v1  }
0x86: {  	v0 =	vmul.f32 $1.442695020e+00, v0;
	_ =	sdelay $0x1  }
0x87: {  	(erf) = vpow2.f32 v0;
	_ =	sdelay $0x8  }
0x88: {  	v0 =	vpop (erf)  }
0x89: {  	[tilespmem:$0x5070] =	vst v0  }
0x8a: {  	_ =	swait.ge [sflag:s21], $0x4800  }
0x8b: {  	[sflag:s21] =	ssyncset.done $0x0  }
0x8c: {  	s25 =	simm.s32 $0x50C0;
	v0 =	vmov s31;
	[sflag:s21] =	ssyncadd.s32 $0xFFFFB800  }
0x8d: {  	v5 =	vld [tilespmem:s25+$0xFFFFFFC0]  }
0x8e: {  	v8 =	vld [tilespmem:s25+$0x30]  }
0x8f: {  	v6 =	vld [tilespmem:s25+$0x40]  }
0x90: {  	v10 =	vld [tilespmem:s25+$0xFFFFFFE0]  }
0x91: {  	v1 =	vld.idx.msk [tilespmem:v0+s22+$0x0], $0xffff  }
0x92: {  	v2 =	vld [tilespmem:s25+$0x20]  }
0x93: {  	v3 =	vld [tilespmem:s25+$0xFFFFFFD0]  }
0x94: {  	v4 =	vld [tilespmem:s25+$0x10]  }
0x95: {  	v0 =	vld [tilespmem:s25+$0xFFFFFFF0]  }
0x96: {  	v9 =	vmul.f32 v5, v1;
	v7 =	vmul.f32 v6, v1;
	v5 =	vld [tilespmem:s25+$0x0]  }
0x97: {  	s28 =	simm.s32 $0x50C0;
	s26 =	simm.s32 $0x1;
	v6 =	vmul.f32 v10, v1;
	v8 =	vmul.f32 v8, v1  }
.LBB2_3:
0x98: {  	p0 =	sne.s32 s26, $0x7F  }
0x99: {  	[tilespmem:s25+$0xFFFFFFC0] =	vst v9;
	v3 =	vmul.f32 v3, v1;
	v2 =	vmul.f32 v2, v1;
	s28 =	sadd.s32 $0x90, s28;
	s29 =	smov.u32 s26;
	s26 =	sadd.s32 $0x1, s26  }
0x9a: {  	v9 =	vmul.f32 v0, v1;
	v0 =	vmul.f32 v4, v1;
	[tilespmem:s25+$0x40] =	vst v7  }
0x9b: {  	v1 =	vmul.f32 v5, v1;
	[tilespmem:s25+$0x30] =	vst v8  }
0x9c: {  	[tilespmem:s25+$0xFFFFFFE0] =	vst v6  }
0x9d: {  	v4 =	vmov s29;
	[tilespmem:s25+$0x10] =	vst v0  }
0x9e: {  	v0 =	vld [tilespmem:s28+$0xFFFFFFF0];
	[tilespmem:s25+$0x0] =	vst v1  }
0x9f: {  	v6 =	vld [tilespmem:s28+$0xFFFFFFC0];
	[tilespmem:s25+$0xFFFFFFF0] =	vst v9  }
0xa0: {  	v8 =	vld [tilespmem:s28+$0x30];
	[tilespmem:s25+$0x20] =	vst v2  }
0xa1: {  	v7 =	vld [tilespmem:s28+$0x40];
	[tilespmem:s25+$0xFFFFFFD0] =	vst v3;
	s25 =	smov.u32 s28  }
0xa2: {  	v1 =	vld.idx.msk [tilespmem:v4+s22+$0x0], $0xffff  }
0xa3: {  	v10 =	vld [tilespmem:s28+$0xFFFFFFE0]  }
0xa4: {  	v2 =	vld [tilespmem:s28+$0x20]  }
.Ltmp0:
0xa5: {  	v3 =	vld [tilespmem:s28+$0xFFFFFFD0];
	(pc) =	sbr.rel @p0 .LBB2_3-.Ltmp0, $4  }
0xa6: {  	v4 =	vld [tilespmem:s28+$0x10]  }
0xa7: {  	v5 =	vld [tilespmem:s28+$0x0]  }
0xa8: {  	v9 =	vmul.f32 v6, v1;
	v7 =	vmul.f32 v7, v1  }
0xa9: {  	v8 =	vmul.f32 v8, v1;
	v6 =	vmul.f32 v10, v1  }
0xaa: {  	[tilespmem:s25+$0xFFFFFFC0] =	vst v9  }
0xab: {  	[tilespmem:s25+$0x40] =	vst v7  }
0xac: {  	v0 =	vmul.f32 v0, v1;
	[tilespmem:s25+$0x30] =	vst v8  }
0xad: {  	v2 =	vmul.f32 v2, v1;
	[tilespmem:s25+$0xFFFFFFE0] =	vst v6  }
0xae: {  	v63 =	vmul.f32 v3, v1;
	[tilespmem:s25+$0xFFFFFFF0] =	vst v0  }
0xaf: {  	v4 =	vmul.f32 v4, v1;
	[tilespmem:s25+$0x20] =	vst v2  }
0xb0: {  	s24 =	sadd.s32 $0x1, s24;
	v5 =	vmul.f32 v5, v1;
	[tilespmem:s25+$0xFFFFFFD0] =	vst v63  }
0xb1: {  	p0 =	sne.s32 s24, $0x51;
	[tilespmem:s25+$0x10] =	vst v4  }
.Ltmp1:
0xb2: {  	[tilespmem:s25+$0x0] =	vst v5;
	(pc) =	sbr.rel @p0 .LBB2_2-.Ltmp1, $4  }
0xb3: {  	[spmem:s2] =	stream.indirect.scatter.add.f32 [tilespmem:s20], [sflag:$0x2], $0x90, s18, s19, $0xb8;
	[tilespmem:$0x1FC00] =	vst v63  }
0xb4: {  	_ =	swait.ge [sflag:s15], $0x4800  }
0xb5: {  	[sflag:s15] =	ssyncset.done $0x0  }
0xb6: {  	[sflag:s15] =	ssyncadd.s32 $0xFFFFB800  }
0xb7: {  	s23 =	sadd.s32 $0x1, s23  }
0xb8: {  	p0 =	sne.s32 s23, s13  }
.Ltmp2:
0xb9: {  	[bflag:$0x0] =	sbarrier.arrive $0xFFFF;
	(pc) =	sbr.rel @p0 .LBB2_1-.Ltmp2, $4  }
0xba: {  	[hbm:s12], [sflag:s10] =	dma.local [spmem:s14], $0x2C70  }
0xbb: {  	_ =	swait.ge [sflag:s15], $0x2C70  }
0xbc: {  	[sflag:s15] =	ssyncset.done $0x0  }
0xbd: {  	[sflag:s15] =	ssyncadd.s32 $0xFFFFD390  }
0xbe: {  	_ =	sfence.sel $0x180000  }
0xbf: {  	[bflag:$0x0] =	sbarrier.arrive $0xFFFF  }
0xc0: {  	p0 =	sne.s32 s1, $0x0;
	_ =	strace $0x9000005C  }
0xc1: {  	s0 =	sadd.s32 @!p0 $0x100000, s0;
	[bflag:$0x2] =	sbarrier.arrive $0xFFFF  }
0xc2: {  	[sflag:s0] =	ssyncadd.tile.s32 @!p0 $0x1;
	_ =	shalt  }
.Lfunc_end2:
_tile_overlayer_lowered:
.L_overlay_start_2:
0xc3: {  	(tag) =	ssettag $0x2  }
0xc4: {  	s0 =	rddreg [dreg:$0x0];
	s2 =	stileid.u32  }
0xc5: {  	s1 =	rddreg [dreg:$0x1];
	p0 =	sne.s32 s2, $0x0  }
0xc6: {  	s3 =	rddreg [dreg:$0x2];
	[bflag:$0x3] =	sbarrier.arrive $0xFFFF;
	s2 =	simm.s32 @!p0 $0x1C02  }
0xc7: {  	[timem:s3], [sflag:s2] =	dma.local @!p0 [hbm:s0], s1  }
0xc8: {  	s0 =	simm.s32 @!p0 $0x2  }
0xc9: {  	_ =	swait.ge @!p0 [sflag:s0], s1  }
0xca: {  	s1 =	ssub.s32 @!p0 $0x0, s1;
	[sflag:s0] =	ssyncset.done @!p0 $0x0  }
0xcb: {  	[sflag:s0] =	ssyncadd.s32 @!p0 s1  }
0xcc: {  	[bflag:$0x3] =	sbarrier.arrive $0xFFFF  }
0xcd: {  	_ =	shalt  }

</sc_bundles>
